<compile_context>
chip_gen: v7x
topology: tpu7x:2x2x1
jax: 0.10.2.dev20260603
libtpu: 0.0.44.dev20260713+nightly
codegen_flags: <defaults>
</compile_context>

<pallas_src>
import jax
import jax.numpy as jnp
from jax import lax
from jax.experimental import pallas as pl
from jax.experimental.pallas import tpu as pltpu
from jax.experimental.pallas import tpu_sc as plsc

VOCAB = 100000
D = 128
B = 16384
K = 20
NC = 2
NS = 16
NW = NC * NS
EPW = B // NW
C = 16
NCHUNK = EPW // C
NSUB = 4
SUBN = C * K // NSUB
L = 16


def _body(center_hbm, context_hbm, neg_hbm, win_hbm, wout_hbm,
          pos_hbm, negout_hbm,
          cidx, xidx, nidx2d0, nidx2d1, nflat0, nflat1,
          crows0, crows1, xrows0, xrows1,
          nrows0, nrows1, pos_v0, pos_v1, neg_v0, neg_v1,
          gsem0, gsem1, osem0, osem1, isem0, isem1):
    wid = lax.axis_index("s") * NC + lax.axis_index("c")
    base0 = wid * EPW
    nidx2d = (nidx2d0, nidx2d1)
    nflat = (nflat0, nflat1)
    crows = (crows0, crows1)
    xrows = (xrows0, xrows1)
    nrows = (nrows0, nrows1)
    pos_v = (pos_v0, pos_v1)
    neg_v = (neg_v0, neg_v1)
    gsems = (gsem0, gsem1)
    isems = (isem0, isem1)
    osems = (osem0, osem1)

    pltpu.sync_copy(center_hbm.at[pl.ds(base0, EPW)], cidx)
    pltpu.sync_copy(context_hbm.at[pl.ds(base0, EPW)], xidx)

    lane0 = lax.iota(jnp.int32, L)

    def fire(c, b):
        off = c * C
        base = base0 + off
        pltpu.make_async_copy(neg_hbm.at[pl.ds(0, C), :], nidx2d[b],
                              isems[b]).wait()
        for e in range(C):
            row = jnp.full((L,), e, jnp.int32)
            g1 = plsc.load_gather(nidx2d[b], [row, lane0])
            plsc.store_scatter(nflat[b], [e * K + lane0], g1)
            tail = 16 + (lane0 & 3)
            g2 = plsc.load_gather(nidx2d[b], [row, tail])
            plsc.store_scatter(nflat[b], [e * K + tail], g2,
                               mask=lane0 < K - 16)
        pltpu.async_copy(win_hbm.at[cidx.at[pl.ds(off, C)]],
                         crows[b], gsems[b])
        pltpu.async_copy(wout_hbm.at[xidx.at[pl.ds(off, C)]],
                         xrows[b], gsems[b])
        for j in range(NSUB):
            pltpu.async_copy(
                wout_hbm.at[nflat[b].at[pl.ds(j * SUBN, SUBN)]],
                nrows[b].at[pl.ds(j * SUBN, SUBN)], gsems[b])

    def wait_gathers(b):
        pltpu.make_async_copy(win_hbm.at[pl.ds(0, C)], crows[b],
                              gsems[b]).wait()
        pltpu.make_async_copy(wout_hbm.at[pl.ds(0, C)], xrows[b],
                              gsems[b]).wait()
        pltpu.make_async_copy(wout_hbm.at[pl.ds(0, C * K)], nrows[b],
                              gsems[b]).wait()

    def wait_out(b):
        pltpu.make_async_copy(pos_v[b], pos_hbm.at[pl.ds(0, C)],
                              osems[b]).wait()
        pltpu.make_async_copy(neg_v[b], negout_hbm.at[pl.ds(0, C), :],
                              osems[b]).wait()

    lane = lax.iota(jnp.int32, L)
    mask_last = lane == L - 1

    def store1(ref, idxs, acc):
        plsc.store_scatter(ref, [jnp.full((L,), i, jnp.int32) for i in idxs],
                           plsc.cumsum(acc), mask=mask_last)

    def compute(c, b):
        @pl.when(c >= 2)
        def _():
            wait_out(b)

        cr, xr, nr = crows[b], xrows[b], nrows[b]
        pv, nv = pos_v[b], neg_v[b]

        def elem_body(e, carry):
            cvs = [cr[e, pl.ds(j * L, L)] for j in range(D // L)]
            pacc = cvs[0] * xr[e, pl.ds(0, L)]
            for j in range(1, D // L):
                pacc = pacc + cvs[j] * xr[e, pl.ds(j * L, L)]
            store1(pv, [e], pacc)
            for k0 in range(0, K, K // 2):
                ks = range(k0, k0 + K // 2)
                naccs = {k: cvs[0] * nr[e * K + k, pl.ds(0, L)] for k in ks}
                for j in range(1, D // L):
                    for k in ks:
                        naccs[k] = (naccs[k]
                                    + cvs[j] * nr[e * K + k, pl.ds(j * L, L)])
                for k in ks:
                    store1(nv, [e, k], naccs[k])
            return carry

        lax.fori_loop(0, C, elem_body, 0)
        base = base0 + c * C
        pltpu.async_copy(pv, pos_hbm.at[pl.ds(base, C)], osems[b])
        pltpu.async_copy(nv, negout_hbm.at[pl.ds(base, C), :], osems[b])

    def stage_idx(c, b):
        pltpu.async_copy(neg_hbm.at[pl.ds(base0 + c * C, C), :],
                         nidx2d[b], isems[b])

    stage_idx(0, 0)
    fire(0, 0)
    stage_idx(1, 1)

    def pair_body(i, carry):
        c0 = i * 2
        wait_gathers(0)
        fire(c0 + 1, 1)

        @pl.when(c0 + 2 < NCHUNK)
        def _():
            stage_idx(c0 + 2, 0)

        compute(c0, 0)
        wait_gathers(1)

        @pl.when(c0 + 2 < NCHUNK)
        def _():
            fire(c0 + 2, 0)

        @pl.when(c0 + 3 < NCHUNK)
        def _():
            stage_idx(c0 + 3, 1)

        compute(c0 + 1, 1)
        return carry

    lax.fori_loop(0, NCHUNK // 2, pair_body, 0)
    wait_out(0)
    wait_out(1)


@jax.jit
def _run(center, context, neg2d, w_in, w_out):
    mesh = plsc.VectorSubcoreMesh(core_axis_name="c", subcore_axis_name="s",
                                  num_cores=NC, num_subcores=NS)
    kern = pl.kernel(
        _body,
        out_type=(
            jax.ShapeDtypeStruct((B,), jnp.float32),
            jax.ShapeDtypeStruct((B, K), jnp.float32),
        ),
        mesh=mesh,
        compiler_params=pltpu.CompilerParams(needs_layout_passes=False),
        scratch_types=[
            pltpu.VMEM((EPW,), jnp.int32),
            pltpu.VMEM((EPW,), jnp.int32),
            pltpu.VMEM((C, K), jnp.int32),
            pltpu.VMEM((C, K), jnp.int32),
            pltpu.VMEM((C * K,), jnp.int32),
            pltpu.VMEM((C * K,), jnp.int32),
            pltpu.VMEM((C, D), jnp.float32),
            pltpu.VMEM((C, D), jnp.float32),
            pltpu.VMEM((C, D), jnp.float32),
            pltpu.VMEM((C, D), jnp.float32),
            pltpu.VMEM((C * K, D), jnp.float32),
            pltpu.VMEM((C * K, D), jnp.float32),
            pltpu.VMEM((C,), jnp.float32),
            pltpu.VMEM((C,), jnp.float32),
            pltpu.VMEM((C, K), jnp.float32),
            pltpu.VMEM((C, K), jnp.float32),
            pltpu.SemaphoreType.DMA,
            pltpu.SemaphoreType.DMA,
            pltpu.SemaphoreType.DMA,
            pltpu.SemaphoreType.DMA,
            pltpu.SemaphoreType.DMA,
            pltpu.SemaphoreType.DMA,
        ],
    )
    return kern(center, context, neg2d, w_in, w_out)


def kernel(center, context, negatives, W_in, W_out):
    center = center.astype(jnp.int32)
    context = context.astype(jnp.int32)
    pos, neg = _run(center, context, negatives.astype(jnp.int32),
                    W_in, W_out)
    return pos, neg

# --- scband reference (transcript-rebuilt; emitter-appended) ---
"""Pipeline reference for scband-word2-vec-58222576665049 (READ-ONLY COPY).

The authoritative reference and input builder live on the scoring server;
editing this copy changes nothing except your own understanding.
"""

import jax, jax.numpy as jnp
import numpy as np

VOCAB = 100000
EMBED_DIM = 128
B = 16384
K = 20

def setup_inputs(seed: int = 0) -> dict:
    key = jax.random.key(seed)
    k1, k2, k3, k4, k5 = jax.random.split(key, 5)
    center = jax.random.randint(k1, (B,), 0, VOCAB, dtype=jnp.int64 if jax.config.jax_enable_x64 else jnp.int32)
    context = jax.random.randint(k2, (B,), 0, VOCAB, dtype=jnp.int64 if jax.config.jax_enable_x64 else jnp.int32)
    negatives = jax.random.randint(k3, (B, K), 0, VOCAB, dtype=jnp.int64 if jax.config.jax_enable_x64 else jnp.int32)
    bound = 0.5 / EMBED_DIM
    W_in = jax.random.uniform(k4, (VOCAB, EMBED_DIM), dtype=jnp.float32, minval=-bound, maxval=bound)
    W_out = jax.random.uniform(k5, (VOCAB, EMBED_DIM), dtype=jnp.float32, minval=-bound, maxval=bound)
    return {"center": center, "context": context, "negatives": negatives, "W_in": W_in, "W_out": W_out}

def reference(center, context, negatives, W_in, W_out):
    # embedding lookups (gathers)
    ecenter = jnp.take(W_in, center, axis=0)          # (B, D)
    econtext = jnp.take(W_out, context, axis=0)       # (B, D)
    enegative = jnp.take(W_out, negatives, axis=0)    # (B, K, D)
    pos_score = jnp.sum(ecenter * econtext, axis=1)   # (B,)
    # bmm: (B, K, D) x (B, D, 1) -> (B, K)
    neg_score = jnp.einsum('bkd,bd->bk', enegative, ecenter)
    return (pos_score, neg_score)

if __name__ == "__main__":
    import jax
    _d = setup_inputs()
    print(jax.jit(kernel)(*tuple(_d.values())))

</pallas_src>

<mosaic_0001>
#map = affine_map<(d0, d1) -> (0)>
#map1 = affine_map<(d0, d1) -> (0, 0)>
module attributes {stable_mosaic.version = 14 : i64} {
  func.func @_body(%arg0: i32, %arg1: i32, %arg2: memref<16384xi32, #tpu.memory_space<hbm>>, %arg3: memref<16384xi32, #tpu.memory_space<hbm>>, %arg4: memref<16384x20xi32, #tpu.memory_space<hbm>>, %arg5: memref<100000x128xf32, #tpu.memory_space<hbm>>, %arg6: memref<100000x128xf32, #tpu.memory_space<hbm>>, %arg7: memref<16384xf32, #tpu.memory_space<hbm>>, %arg8: memref<16384x20xf32, #tpu.memory_space<hbm>>, %arg9: memref<512xi32, #tpu.memory_space<vmem>>, %arg10: memref<512xi32, #tpu.memory_space<vmem>>, %arg11: memref<16x20xi32, #tpu.memory_space<vmem>>, %arg12: memref<16x20xi32, #tpu.memory_space<vmem>>, %arg13: memref<320xi32, #tpu.memory_space<vmem>>, %arg14: memref<320xi32, #tpu.memory_space<vmem>>, %arg15: memref<16x128xf32, #tpu.memory_space<vmem>>, %arg16: memref<16x128xf32, #tpu.memory_space<vmem>>, %arg17: memref<16x128xf32, #tpu.memory_space<vmem>>, %arg18: memref<16x128xf32, #tpu.memory_space<vmem>>, %arg19: memref<320x128xf32, #tpu.memory_space<vmem>>, %arg20: memref<320x128xf32, #tpu.memory_space<vmem>>, %arg21: memref<16xf32, #tpu.memory_space<vmem>>, %arg22: memref<16xf32, #tpu.memory_space<vmem>>, %arg23: memref<16x20xf32, #tpu.memory_space<vmem>>, %arg24: memref<16x20xf32, #tpu.memory_space<vmem>>, %arg25: memref<!tpu.dma_semaphore, #tpu.memory_space<semaphore_mem>>, %arg26: memref<!tpu.dma_semaphore, #tpu.memory_space<semaphore_mem>>, %arg27: memref<!tpu.dma_semaphore, #tpu.memory_space<semaphore_mem>>, %arg28: memref<!tpu.dma_semaphore, #tpu.memory_space<semaphore_mem>>, %arg29: memref<!tpu.dma_semaphore, #tpu.memory_space<semaphore_mem>>, %arg30: memref<!tpu.dma_semaphore, #tpu.memory_space<semaphore_mem>>) attributes {dimension_semantics = [#tpu.dimension_semantics<core_parallel>, #tpu.dimension_semantics<subcore_parallel>], iteration_bounds = array<i64: 2, 16>, scalar_prefetch = 0 : i64, scratch_operands = 22 : i64, tpu.core_type = #tpu.core_type<sc_vector_subcore>, window_params = [{transform_indices = #map}, {transform_indices = #map}, {transform_indices = #map1}, {transform_indices = #map1}, {transform_indices = #map1}, {transform_indices = #map}, {transform_indices = #map1}]} {
    %mul3A = arith.constant 2 : i32
    %mul3A_0 = arith.muli %arg1, %mul3A : i32
    %add3A = arith.addi %mul3A_0, %arg0 : i32
    %mul3A_1 = arith.constant 512 : i32
    %mul3A_2 = arith.muli %add3A, %mul3A_1 : i32
    "tpu.region"() ({
      %run_scoped3A = tpu.sem_alloc : memref<!tpu.dma_semaphore, #tpu.memory_space<semaphore_mem>>
      %dma_start3A_391 = tpu.memref_slice %arg2[%mul3A_2] : memref<16384xi32, #tpu.memory_space<hbm>> -> memref<512xi32, #tpu.memory_space<hbm>>
      %dma_start3A_392 = tpu.memref_slice %arg2[%mul3A_2] : memref<16384xi32, #tpu.memory_space<hbm>> -> memref<512xi32, #tpu.memory_space<hbm>>
      tpu.enqueue_dma source(%dma_start3A_392 : memref<512xi32, #tpu.memory_space<hbm>>) target(%arg9 : memref<512xi32, #tpu.memory_space<vmem>>) target_semaphore(%run_scoped3A : memref<!tpu.dma_semaphore, #tpu.memory_space<semaphore_mem>>)
      %dma_wait3A_393 = tpu.memref_slice %arg2[%mul3A_2] : memref<16384xi32, #tpu.memory_space<hbm>> -> memref<512xi32, #tpu.memory_space<hbm>>
      %dma_wait3A_394 = tpu.memref_slice %arg2[%mul3A_2] : memref<16384xi32, #tpu.memory_space<hbm>> -> memref<512xi32, #tpu.memory_space<hbm>>
      tpu.wait_dma2 semaphore(%run_scoped3A : memref<!tpu.dma_semaphore, #tpu.memory_space<semaphore_mem>>) src(%dma_wait3A_394 : memref<512xi32, #tpu.memory_space<hbm>>) dst(%arg9 : memref<512xi32, #tpu.memory_space<vmem>>)
      tpu.yield
    }) : () -> ()
    "tpu.region"() ({
      %run_scoped3A = tpu.sem_alloc : memref<!tpu.dma_semaphore, #tpu.memory_space<semaphore_mem>>
      %dma_start3A_391 = tpu.memref_slice %arg3[%mul3A_2] : memref<16384xi32, #tpu.memory_space<hbm>> -> memref<512xi32, #tpu.memory_space<hbm>>
      %dma_start3A_392 = tpu.memref_slice %arg3[%mul3A_2] : memref<16384xi32, #tpu.memory_space<hbm>> -> memref<512xi32, #tpu.memory_space<hbm>>
      tpu.enqueue_dma source(%dma_start3A_392 : memref<512xi32, #tpu.memory_space<hbm>>) target(%arg10 : memref<512xi32, #tpu.memory_space<vmem>>) target_semaphore(%run_scoped3A : memref<!tpu.dma_semaphore, #tpu.memory_space<semaphore_mem>>)
      %dma_wait3A_393 = tpu.memref_slice %arg3[%mul3A_2] : memref<16384xi32, #tpu.memory_space<hbm>> -> memref<512xi32, #tpu.memory_space<hbm>>
      %dma_wait3A_394 = tpu.memref_slice %arg3[%mul3A_2] : memref<16384xi32, #tpu.memory_space<hbm>> -> memref<512xi32, #tpu.memory_space<hbm>>
      tpu.wait_dma2 semaphore(%run_scoped3A : memref<!tpu.dma_semaphore, #tpu.memory_space<semaphore_mem>>) src(%dma_wait3A_394 : memref<512xi32, #tpu.memory_space<hbm>>) dst(%arg10 : memref<512xi32, #tpu.memory_space<vmem>>)
      tpu.yield
    }) : () -> ()
    %iota3A = tpu.iota {dimensions = array<i32: 0>} : vector<16xi32>
    %iota3A_3 = tpu.iota {dimensions = array<i32: 0>} : vector<16xi32>
    %eq3A = arith.constant 15 : i32
    %eq3A_4 = vector.broadcast %eq3A : i32 to vector<16xi32>
    %eq3A_5 = arith.cmpi eq, %iota3A_3, %eq3A_4 : vector<16xi32>
    %add3A_6 = arith.constant 0 : i32
    %add3A_7 = arith.addi %mul3A_2, %add3A_6 : i32
    %dma_start3A = arith.constant 0 : i32
    %dma_start3A_8 = tpu.memref_slice %arg4[%add3A_7, %dma_start3A] : memref<16384x20xi32, #tpu.memory_space<hbm>> -> memref<16x20xi32, #tpu.memory_space<hbm>>
    %dma_start3A_9 = arith.constant 0 : i32
    %dma_start3A_10 = tpu.memref_slice %arg4[%add3A_7, %dma_start3A_9] : memref<16384x20xi32, #tpu.memory_space<hbm>> -> memref<16x20xi32, #tpu.memory_space<hbm>>
    tpu.enqueue_dma source(%dma_start3A_10 : memref<16x20xi32, #tpu.memory_space<hbm>>) target(%arg11 : memref<16x20xi32, #tpu.memory_space<vmem>>) target_semaphore(%arg29 : memref<!tpu.dma_semaphore, #tpu.memory_space<semaphore_mem>>)
    %add3A_11 = arith.constant 0 : i32
    %add3A_12 = arith.addi %mul3A_2, %add3A_11 : i32
    %dma_wait3A = arith.constant 0 : i32
    %dma_wait3A_13 = arith.constant 0 : i32
    %dma_wait3A_14 = tpu.memref_slice %arg4[%dma_wait3A, %dma_wait3A_13] : memref<16384x20xi32, #tpu.memory_space<hbm>> -> memref<16x20xi32, #tpu.memory_space<hbm>>
    %dma_wait3A_15 = arith.constant 0 : i32
    %dma_wait3A_16 = arith.constant 0 : i32
    %dma_wait3A_17 = tpu.memref_slice %arg4[%dma_wait3A_15, %dma_wait3A_16] : memref<16384x20xi32, #tpu.memory_space<hbm>> -> memref<16x20xi32, #tpu.memory_space<hbm>>
    tpu.wait_dma2 semaphore(%arg29 : memref<!tpu.dma_semaphore, #tpu.memory_space<semaphore_mem>>) src(%dma_wait3A_17 : memref<16x20xi32, #tpu.memory_space<hbm>>) dst(%arg11 : memref<16x20xi32, #tpu.memory_space<vmem>>)
    %broadcast_in_dim3A = arith.constant 0 : i32
    %broadcast_in_dim3A_18 = vector.broadcast %broadcast_in_dim3A : i32 to vector<16xi32>
    %gather3A = tpu.vector_load_idx %arg11[%broadcast_in_dim3A_18, %iota3A] : memref<16x20xi32, #tpu.memory_space<vmem>>[vector<16xi32>, vector<16xi32>], vector<16xi32>,
    %add3A_19 = arith.constant 0 : i32
    %add3A_20 = vector.broadcast %add3A_19 : i32 to vector<16xi32>
    %add3A_21 = arith.addi %add3A_20, %iota3A : vector<16xi32>
    tpu.vector_store_idx %arg13[%add3A_21], %gather3A : memref<320xi32, #tpu.memory_space<vmem>>[vector<16xi32>], vector<16xi32>,
    %and3A = arith.constant 3 : i32
    %and3A_22 = vector.broadcast %and3A : i32 to vector<16xi32>
    %and3A_23 = arith.andi %iota3A, %and3A_22 : vector<16xi32>
    %add3A_24 = arith.constant 16 : i32
    %add3A_25 = vector.broadcast %add3A_24 : i32 to vector<16xi32>
    %add3A_26 = arith.addi %add3A_25, %and3A_23 : vector<16xi32>
    %gather3A_27 = tpu.vector_load_idx %arg11[%broadcast_in_dim3A_18, %add3A_26] : memref<16x20xi32, #tpu.memory_space<vmem>>[vector<16xi32>, vector<16xi32>], vector<16xi32>,
    %add3A_28 = arith.constant 0 : i32
    %add3A_29 = vector.broadcast %add3A_28 : i32 to vector<16xi32>
    %add3A_30 = arith.addi %add3A_29, %add3A_26 : vector<16xi32>
    %lt3A = arith.constant 4 : i32
    %lt3A_31 = vector.broadcast %lt3A : i32 to vector<16xi32>
    %lt3A_32 = arith.cmpi slt, %iota3A, %lt3A_31 : vector<16xi32>
    tpu.vector_store_idx %arg13[%add3A_30], %gather3A_27 masked %lt3A_32 : memref<320xi32, #tpu.memory_space<vmem>>[vector<16xi32>], vector<16xi32>, vector<16xi1>
    %broadcast_in_dim3A_33 = arith.constant 1 : i32
    %broadcast_in_dim3A_34 = vector.broadcast %broadcast_in_dim3A_33 : i32 to vector<16xi32>
    %gather3A_35 = tpu.vector_load_idx %arg11[%broadcast_in_dim3A_34, %iota3A] : memref<16x20xi32, #tpu.memory_space<vmem>>[vector<16xi32>, vector<16xi32>], vector<16xi32>,
    %add3A_36 = arith.constant 20 : i32
    %add3A_37 = vector.broadcast %add3A_36 : i32 to vector<16xi32>
    %add3A_38 = arith.addi %add3A_37, %iota3A : vector<16xi32>
    tpu.vector_store_idx %arg13[%add3A_38], %gather3A_35 : memref<320xi32, #tpu.memory_space<vmem>>[vector<16xi32>], vector<16xi32>,
    %and3A_39 = arith.constant 3 : i32
    %and3A_40 = vector.broadcast %and3A_39 : i32 to vector<16xi32>
    %and3A_41 = arith.andi %iota3A, %and3A_40 : vector<16xi32>
    %add3A_42 = arith.constant 16 : i32
    %add3A_43 = vector.broadcast %add3A_42 : i32 to vector<16xi32>
    %add3A_44 = arith.addi %add3A_43, %and3A_41 : vector<16xi32>
    %gather3A_45 = tpu.vector_load_idx %arg11[%broadcast_in_dim3A_34, %add3A_44] : memref<16x20xi32, #tpu.memory_space<vmem>>[vector<16xi32>, vector<16xi32>], vector<16xi32>,
    %add3A_46 = arith.constant 20 : i32
    %add3A_47 = vector.broadcast %add3A_46 : i32 to vector<16xi32>
    %add3A_48 = arith.addi %add3A_47, %add3A_44 : vector<16xi32>
    %lt3A_49 = arith.constant 4 : i32
    %lt3A_50 = vector.broadcast %lt3A_49 : i32 to vector<16xi32>
    %lt3A_51 = arith.cmpi slt, %iota3A, %lt3A_50 : vector<16xi32>
    tpu.vector_store_idx %arg13[%add3A_48], %gather3A_45 masked %lt3A_51 : memref<320xi32, #tpu.memory_space<vmem>>[vector<16xi32>], vector<16xi32>, vector<16xi1>
    %broadcast_in_dim3A_52 = arith.constant 2 : i32
    %broadcast_in_dim3A_53 = vector.broadcast %broadcast_in_dim3A_52 : i32 to vector<16xi32>
    %gather3A_54 = tpu.vector_load_idx %arg11[%broadcast_in_dim3A_53, %iota3A] : memref<16x20xi32, #tpu.memory_space<vmem>>[vector<16xi32>, vector<16xi32>], vector<16xi32>,
    %add3A_55 = arith.constant 40 : i32
    %add3A_56 = vector.broadcast %add3A_55 : i32 to vector<16xi32>
    %add3A_57 = arith.addi %add3A_56, %iota3A : vector<16xi32>
    tpu.vector_store_idx %arg13[%add3A_57], %gather3A_54 : memref<320xi32, #tpu.memory_space<vmem>>[vector<16xi32>], vector<16xi32>,
    %and3A_58 = arith.constant 3 : i32
    %and3A_59 = vector.broadcast %and3A_58 : i32 to vector<16xi32>
    %and3A_60 = arith.andi %iota3A, %and3A_59 : vector<16xi32>
    %add3A_61 = arith.constant 16 : i32
    %add3A_62 = vector.broadcast %add3A_61 : i32 to vector<16xi32>
    %add3A_63 = arith.addi %add3A_62, %and3A_60 : vector<16xi32>
    %gather3A_64 = tpu.vector_load_idx %arg11[%broadcast_in_dim3A_53, %add3A_63] : memref<16x20xi32, #tpu.memory_space<vmem>>[vector<16xi32>, vector<16xi32>], vector<16xi32>,
    %add3A_65 = arith.constant 40 : i32
    %add3A_66 = vector.broadcast %add3A_65 : i32 to vector<16xi32>
    %add3A_67 = arith.addi %add3A_66, %add3A_63 : vector<16xi32>
    %lt3A_68 = arith.constant 4 : i32
    %lt3A_69 = vector.broadcast %lt3A_68 : i32 to vector<16xi32>
    %lt3A_70 = arith.cmpi slt, %iota3A, %lt3A_69 : vector<16xi32>
    tpu.vector_store_idx %arg13[%add3A_67], %gather3A_64 masked %lt3A_70 : memref<320xi32, #tpu.memory_space<vmem>>[vector<16xi32>], vector<16xi32>, vector<16xi1>
    %broadcast_in_dim3A_71 = arith.constant 3 : i32
    %broadcast_in_dim3A_72 = vector.broadcast %broadcast_in_dim3A_71 : i32 to vector<16xi32>
    %gather3A_73 = tpu.vector_load_idx %arg11[%broadcast_in_dim3A_72, %iota3A] : memref<16x20xi32, #tpu.memory_space<vmem>>[vector<16xi32>, vector<16xi32>], vector<16xi32>,
    %add3A_74 = arith.constant 60 : i32
    %add3A_75 = vector.broadcast %add3A_74 : i32 to vector<16xi32>
    %add3A_76 = arith.addi %add3A_75, %iota3A : vector<16xi32>
    tpu.vector_store_idx %arg13[%add3A_76], %gather3A_73 : memref<320xi32, #tpu.memory_space<vmem>>[vector<16xi32>], vector<16xi32>,
    %and3A_77 = arith.constant 3 : i32
    %and3A_78 = vector.broadcast %and3A_77 : i32 to vector<16xi32>
    %and3A_79 = arith.andi %iota3A, %and3A_78 : vector<16xi32>
    %add3A_80 = arith.constant 16 : i32
    %add3A_81 = vector.broadcast %add3A_80 : i32 to vector<16xi32>
    %add3A_82 = arith.addi %add3A_81, %and3A_79 : vector<16xi32>
    %gather3A_83 = tpu.vector_load_idx %arg11[%broadcast_in_dim3A_72, %add3A_82] : memref<16x20xi32, #tpu.memory_space<vmem>>[vector<16xi32>, vector<16xi32>], vector<16xi32>,
    %add3A_84 = arith.constant 60 : i32
    %add3A_85 = vector.broadcast %add3A_84 : i32 to vector<16xi32>
    %add3A_86 = arith.addi %add3A_85, %add3A_82 : vector<16xi32>
    %lt3A_87 = arith.constant 4 : i32
    %lt3A_88 = vector.broadcast %lt3A_87 : i32 to vector<16xi32>
    %lt3A_89 = arith.cmpi slt, %iota3A, %lt3A_88 : vector<16xi32>
    tpu.vector_store_idx %arg13[%add3A_86], %gather3A_83 masked %lt3A_89 : memref<320xi32, #tpu.memory_space<vmem>>[vector<16xi32>], vector<16xi32>, vector<16xi1>
    %broadcast_in_dim3A_90 = arith.constant 4 : i32
    %broadcast_in_dim3A_91 = vector.broadcast %broadcast_in_dim3A_90 : i32 to vector<16xi32>
    %gather3A_92 = tpu.vector_load_idx %arg11[%broadcast_in_dim3A_91, %iota3A] : memref<16x20xi32, #tpu.memory_space<vmem>>[vector<16xi32>, vector<16xi32>], vector<16xi32>,
    %add3A_93 = arith.constant 80 : i32
    %add3A_94 = vector.broadcast %add3A_93 : i32 to vector<16xi32>
    %add3A_95 = arith.addi %add3A_94, %iota3A : vector<16xi32>
    tpu.vector_store_idx %arg13[%add3A_95], %gather3A_92 : memref<320xi32, #tpu.memory_space<vmem>>[vector<16xi32>], vector<16xi32>,
    %and3A_96 = arith.constant 3 : i32
    %and3A_97 = vector.broadcast %and3A_96 : i32 to vector<16xi32>
    %and3A_98 = arith.andi %iota3A, %and3A_97 : vector<16xi32>
    %add3A_99 = arith.constant 16 : i32
    %add3A_100 = vector.broadcast %add3A_99 : i32 to vector<16xi32>
    %add3A_101 = arith.addi %add3A_100, %and3A_98 : vector<16xi32>
    %gather3A_102 = tpu.vector_load_idx %arg11[%broadcast_in_dim3A_91, %add3A_101] : memref<16x20xi32, #tpu.memory_space<vmem>>[vector<16xi32>, vector<16xi32>], vector<16xi32>,
    %add3A_103 = arith.constant 80 : i32
    %add3A_104 = vector.broadcast %add3A_103 : i32 to vector<16xi32>
    %add3A_105 = arith.addi %add3A_104, %add3A_101 : vector<16xi32>
    %lt3A_106 = arith.constant 4 : i32
    %lt3A_107 = vector.broadcast %lt3A_106 : i32 to vector<16xi32>
    %lt3A_108 = arith.cmpi slt, %iota3A, %lt3A_107 : vector<16xi32>
    tpu.vector_store_idx %arg13[%add3A_105], %gather3A_102 masked %lt3A_108 : memref<320xi32, #tpu.memory_space<vmem>>[vector<16xi32>], vector<16xi32>, vector<16xi1>
    %broadcast_in_dim3A_109 = arith.constant 5 : i32
    %broadcast_in_dim3A_110 = vector.broadcast %broadcast_in_dim3A_109 : i32 to vector<16xi32>
    %gather3A_111 = tpu.vector_load_idx %arg11[%broadcast_in_dim3A_110, %iota3A] : memref<16x20xi32, #tpu.memory_space<vmem>>[vector<16xi32>, vector<16xi32>], vector<16xi32>,
    %add3A_112 = arith.constant 100 : i32
    %add3A_113 = vector.broadcast %add3A_112 : i32 to vector<16xi32>
    %add3A_114 = arith.addi %add3A_113, %iota3A : vector<16xi32>
    tpu.vector_store_idx %arg13[%add3A_114], %gather3A_111 : memref<320xi32, #tpu.memory_space<vmem>>[vector<16xi32>], vector<16xi32>,
    %and3A_115 = arith.constant 3 : i32
    %and3A_116 = vector.broadcast %and3A_115 : i32 to vector<16xi32>
    %and3A_117 = arith.andi %iota3A, %and3A_116 : vector<16xi32>
    %add3A_118 = arith.constant 16 : i32
    %add3A_119 = vector.broadcast %add3A_118 : i32 to vector<16xi32>
    %add3A_120 = arith.addi %add3A_119, %and3A_117 : vector<16xi32>
    %gather3A_121 = tpu.vector_load_idx %arg11[%broadcast_in_dim3A_110, %add3A_120] : memref<16x20xi32, #tpu.memory_space<vmem>>[vector<16xi32>, vector<16xi32>], vector<16xi32>,
    %add3A_122 = arith.constant 100 : i32
    %add3A_123 = vector.broadcast %add3A_122 : i32 to vector<16xi32>
    %add3A_124 = arith.addi %add3A_123, %add3A_120 : vector<16xi32>
    %lt3A_125 = arith.constant 4 : i32
    %lt3A_126 = vector.broadcast %lt3A_125 : i32 to vector<16xi32>
    %lt3A_127 = arith.cmpi slt, %iota3A, %lt3A_126 : vector<16xi32>
    tpu.vector_store_idx %arg13[%add3A_124], %gather3A_121 masked %lt3A_127 : memref<320xi32, #tpu.memory_space<vmem>>[vector<16xi32>], vector<16xi32>, vector<16xi1>
    %broadcast_in_dim3A_128 = arith.constant 6 : i32
    %broadcast_in_dim3A_129 = vector.broadcast %broadcast_in_dim3A_128 : i32 to vector<16xi32>
    %gather3A_130 = tpu.vector_load_idx %arg11[%broadcast_in_dim3A_129, %iota3A] : memref<16x20xi32, #tpu.memory_space<vmem>>[vector<16xi32>, vector<16xi32>], vector<16xi32>,
    %add3A_131 = arith.constant 120 : i32
    %add3A_132 = vector.broadcast %add3A_131 : i32 to vector<16xi32>
    %add3A_133 = arith.addi %add3A_132, %iota3A : vector<16xi32>
    tpu.vector_store_idx %arg13[%add3A_133], %gather3A_130 : memref<320xi32, #tpu.memory_space<vmem>>[vector<16xi32>], vector<16xi32>,
    %and3A_134 = arith.constant 3 : i32
    %and3A_135 = vector.broadcast %and3A_134 : i32 to vector<16xi32>
    %and3A_136 = arith.andi %iota3A, %and3A_135 : vector<16xi32>
    %add3A_137 = arith.constant 16 : i32
    %add3A_138 = vector.broadcast %add3A_137 : i32 to vector<16xi32>
    %add3A_139 = arith.addi %add3A_138, %and3A_136 : vector<16xi32>
    %gather3A_140 = tpu.vector_load_idx %arg11[%broadcast_in_dim3A_129, %add3A_139] : memref<16x20xi32, #tpu.memory_space<vmem>>[vector<16xi32>, vector<16xi32>], vector<16xi32>,
    %add3A_141 = arith.constant 120 : i32
    %add3A_142 = vector.broadcast %add3A_141 : i32 to vector<16xi32>
    %add3A_143 = arith.addi %add3A_142, %add3A_139 : vector<16xi32>
    %lt3A_144 = arith.constant 4 : i32
    %lt3A_145 = vector.broadcast %lt3A_144 : i32 to vector<16xi32>
    %lt3A_146 = arith.cmpi slt, %iota3A, %lt3A_145 : vector<16xi32>
    tpu.vector_store_idx %arg13[%add3A_143], %gather3A_140 masked %lt3A_146 : memref<320xi32, #tpu.memory_space<vmem>>[vector<16xi32>], vector<16xi32>, vector<16xi1>
    %broadcast_in_dim3A_147 = arith.constant 7 : i32
    %broadcast_in_dim3A_148 = vector.broadcast %broadcast_in_dim3A_147 : i32 to vector<16xi32>
    %gather3A_149 = tpu.vector_load_idx %arg11[%broadcast_in_dim3A_148, %iota3A] : memref<16x20xi32, #tpu.memory_space<vmem>>[vector<16xi32>, vector<16xi32>], vector<16xi32>,
    %add3A_150 = arith.constant 140 : i32
    %add3A_151 = vector.broadcast %add3A_150 : i32 to vector<16xi32>
    %add3A_152 = arith.addi %add3A_151, %iota3A : vector<16xi32>
    tpu.vector_store_idx %arg13[%add3A_152], %gather3A_149 : memref<320xi32, #tpu.memory_space<vmem>>[vector<16xi32>], vector<16xi32>,
    %and3A_153 = arith.constant 3 : i32
    %and3A_154 = vector.broadcast %and3A_153 : i32 to vector<16xi32>
    %and3A_155 = arith.andi %iota3A, %and3A_154 : vector<16xi32>
    %add3A_156 = arith.constant 16 : i32
    %add3A_157 = vector.broadcast %add3A_156 : i32 to vector<16xi32>
    %add3A_158 = arith.addi %add3A_157, %and3A_155 : vector<16xi32>
    %gather3A_159 = tpu.vector_load_idx %arg11[%broadcast_in_dim3A_148, %add3A_158] : memref<16x20xi32, #tpu.memory_space<vmem>>[vector<16xi32>, vector<16xi32>], vector<16xi32>,
    %add3A_160 = arith.constant 140 : i32
    %add3A_161 = vector.broadcast %add3A_160 : i32 to vector<16xi32>
    %add3A_162 = arith.addi %add3A_161, %add3A_158 : vector<16xi32>
    %lt3A_163 = arith.constant 4 : i32
    %lt3A_164 = vector.broadcast %lt3A_163 : i32 to vector<16xi32>
    %lt3A_165 = arith.cmpi slt, %iota3A, %lt3A_164 : vector<16xi32>
    tpu.vector_store_idx %arg13[%add3A_162], %gather3A_159 masked %lt3A_165 : memref<320xi32, #tpu.memory_space<vmem>>[vector<16xi32>], vector<16xi32>, vector<16xi1>
    %broadcast_in_dim3A_166 = arith.constant 8 : i32
    %broadcast_in_dim3A_167 = vector.broadcast %broadcast_in_dim3A_166 : i32 to vector<16xi32>
    %gather3A_168 = tpu.vector_load_idx %arg11[%broadcast_in_dim3A_167, %iota3A] : memref<16x20xi32, #tpu.memory_space<vmem>>[vector<16xi32>, vector<16xi32>], vector<16xi32>,
    %add3A_169 = arith.constant 160 : i32
    %add3A_170 = vector.broadcast %add3A_169 : i32 to vector<16xi32>
    %add3A_171 = arith.addi %add3A_170, %iota3A : vector<16xi32>
    tpu.vector_store_idx %arg13[%add3A_171], %gather3A_168 : memref<320xi32, #tpu.memory_space<vmem>>[vector<16xi32>], vector<16xi32>,
    %and3A_172 = arith.constant 3 : i32
    %and3A_173 = vector.broadcast %and3A_172 : i32 to vector<16xi32>
    %and3A_174 = arith.andi %iota3A, %and3A_173 : vector<16xi32>
    %add3A_175 = arith.constant 16 : i32
    %add3A_176 = vector.broadcast %add3A_175 : i32 to vector<16xi32>
    %add3A_177 = arith.addi %add3A_176, %and3A_174 : vector<16xi32>
    %gather3A_178 = tpu.vector_load_idx %arg11[%broadcast_in_dim3A_167, %add3A_177] : memref<16x20xi32, #tpu.memory_space<vmem>>[vector<16xi32>, vector<16xi32>], vector<16xi32>,
    %add3A_179 = arith.constant 160 : i32
    %add3A_180 = vector.broadcast %add3A_179 : i32 to vector<16xi32>
    %add3A_181 = arith.addi %add3A_180, %add3A_177 : vector<16xi32>
    %lt3A_182 = arith.constant 4 : i32
    %lt3A_183 = vector.broadcast %lt3A_182 : i32 to vector<16xi32>
    %lt3A_184 = arith.cmpi slt, %iota3A, %lt3A_183 : vector<16xi32>
    tpu.vector_store_idx %arg13[%add3A_181], %gather3A_178 masked %lt3A_184 : memref<320xi32, #tpu.memory_space<vmem>>[vector<16xi32>], vector<16xi32>, vector<16xi1>
    %broadcast_in_dim3A_185 = arith.constant 9 : i32
    %broadcast_in_dim3A_186 = vector.broadcast %broadcast_in_dim3A_185 : i32 to vector<16xi32>
    %gather3A_187 = tpu.vector_load_idx %arg11[%broadcast_in_dim3A_186, %iota3A] : memref<16x20xi32, #tpu.memory_space<vmem>>[vector<16xi32>, vector<16xi32>], vector<16xi32>,
    %add3A_188 = arith.constant 180 : i32
    %add3A_189 = vector.broadcast %add3A_188 : i32 to vector<16xi32>
    %add3A_190 = arith.addi %add3A_189, %iota3A : vector<16xi32>
    tpu.vector_store_idx %arg13[%add3A_190], %gather3A_187 : memref<320xi32, #tpu.memory_space<vmem>>[vector<16xi32>], vector<16xi32>,
    %and3A_191 = arith.constant 3 : i32
    %and3A_192 = vector.broadcast %and3A_191 : i32 to vector<16xi32>
    %and3A_193 = arith.andi %iota3A, %and3A_192 : vector<16xi32>
    %add3A_194 = arith.constant 16 : i32
    %add3A_195 = vector.broadcast %add3A_194 : i32 to vector<16xi32>
    %add3A_196 = arith.addi %add3A_195, %and3A_193 : vector<16xi32>
    %gather3A_197 = tpu.vector_load_idx %arg11[%broadcast_in_dim3A_186, %add3A_196] : memref<16x20xi32, #tpu.memory_space<vmem>>[vector<16xi32>, vector<16xi32>], vector<16xi32>,
    %add3A_198 = arith.constant 180 : i32
    %add3A_199 = vector.broadcast %add3A_198 : i32 to vector<16xi32>
    %add3A_200 = arith.addi %add3A_199, %add3A_196 : vector<16xi32>
    %lt3A_201 = arith.constant 4 : i32
    %lt3A_202 = vector.broadcast %lt3A_201 : i32 to vector<16xi32>
    %lt3A_203 = arith.cmpi slt, %iota3A, %lt3A_202 : vector<16xi32>
    tpu.vector_store_idx %arg13[%add3A_200], %gather3A_197 masked %lt3A_203 : memref<320xi32, #tpu.memory_space<vmem>>[vector<16xi32>], vector<16xi32>, vector<16xi1>
    %broadcast_in_dim3A_204 = arith.constant 10 : i32
    %broadcast_in_dim3A_205 = vector.broadcast %broadcast_in_dim3A_204 : i32 to vector<16xi32>
    %gather3A_206 = tpu.vector_load_idx %arg11[%broadcast_in_dim3A_205, %iota3A] : memref<16x20xi32, #tpu.memory_space<vmem>>[vector<16xi32>, vector<16xi32>], vector<16xi32>,
    %add3A_207 = arith.constant 200 : i32
    %add3A_208 = vector.broadcast %add3A_207 : i32 to vector<16xi32>
    %add3A_209 = arith.addi %add3A_208, %iota3A : vector<16xi32>
    tpu.vector_store_idx %arg13[%add3A_209], %gather3A_206 : memref<320xi32, #tpu.memory_space<vmem>>[vector<16xi32>], vector<16xi32>,
    %and3A_210 = arith.constant 3 : i32
    %and3A_211 = vector.broadcast %and3A_210 : i32 to vector<16xi32>
    %and3A_212 = arith.andi %iota3A, %and3A_211 : vector<16xi32>
    %add3A_213 = arith.constant 16 : i32
    %add3A_214 = vector.broadcast %add3A_213 : i32 to vector<16xi32>
    %add3A_215 = arith.addi %add3A_214, %and3A_212 : vector<16xi32>
    %gather3A_216 = tpu.vector_load_idx %arg11[%broadcast_in_dim3A_205, %add3A_215] : memref<16x20xi32, #tpu.memory_space<vmem>>[vector<16xi32>, vector<16xi32>], vector<16xi32>,
    %add3A_217 = arith.constant 200 : i32
    %add3A_218 = vector.broadcast %add3A_217 : i32 to vector<16xi32>
    %add3A_219 = arith.addi %add3A_218, %add3A_215 : vector<16xi32>
    %lt3A_220 = arith.constant 4 : i32
    %lt3A_221 = vector.broadcast %lt3A_220 : i32 to vector<16xi32>
    %lt3A_222 = arith.cmpi slt, %iota3A, %lt3A_221 : vector<16xi32>
    tpu.vector_store_idx %arg13[%add3A_219], %gather3A_216 masked %lt3A_222 : memref<320xi32, #tpu.memory_space<vmem>>[vector<16xi32>], vector<16xi32>, vector<16xi1>
    %broadcast_in_dim3A_223 = arith.constant 11 : i32
    %broadcast_in_dim3A_224 = vector.broadcast %broadcast_in_dim3A_223 : i32 to vector<16xi32>
    %gather3A_225 = tpu.vector_load_idx %arg11[%broadcast_in_dim3A_224, %iota3A] : memref<16x20xi32, #tpu.memory_space<vmem>>[vector<16xi32>, vector<16xi32>], vector<16xi32>,
    %add3A_226 = arith.constant 220 : i32
    %add3A_227 = vector.broadcast %add3A_226 : i32 to vector<16xi32>
    %add3A_228 = arith.addi %add3A_227, %iota3A : vector<16xi32>
    tpu.vector_store_idx %arg13[%add3A_228], %gather3A_225 : memref<320xi32, #tpu.memory_space<vmem>>[vector<16xi32>], vector<16xi32>,
    %and3A_229 = arith.constant 3 : i32
    %and3A_230 = vector.broadcast %and3A_229 : i32 to vector<16xi32>
    %and3A_231 = arith.andi %iota3A, %and3A_230 : vector<16xi32>
    %add3A_232 = arith.constant 16 : i32
    %add3A_233 = vector.broadcast %add3A_232 : i32 to vector<16xi32>
    %add3A_234 = arith.addi %add3A_233, %and3A_231 : vector<16xi32>
    %gather3A_235 = tpu.vector_load_idx %arg11[%broadcast_in_dim3A_224, %add3A_234] : memref<16x20xi32, #tpu.memory_space<vmem>>[vector<16xi32>, vector<16xi32>], vector<16xi32>,
    %add3A_236 = arith.constant 220 : i32
    %add3A_237 = vector.broadcast %add3A_236 : i32 to vector<16xi32>
    %add3A_238 = arith.addi %add3A_237, %add3A_234 : vector<16xi32>
    %lt3A_239 = arith.constant 4 : i32
    %lt3A_240 = vector.broadcast %lt3A_239 : i32 to vector<16xi32>
    %lt3A_241 = arith.cmpi slt, %iota3A, %lt3A_240 : vector<16xi32>
    tpu.vector_store_idx %arg13[%add3A_238], %gather3A_235 masked %lt3A_241 : memref<320xi32, #tpu.memory_space<vmem>>[vector<16xi32>], vector<16xi32>, vector<16xi1>
    %broadcast_in_dim3A_242 = arith.constant 12 : i32
    %broadcast_in_dim3A_243 = vector.broadcast %broadcast_in_dim3A_242 : i32 to vector<16xi32>
    %gather3A_244 = tpu.vector_load_idx %arg11[%broadcast_in_dim3A_243, %iota3A] : memref<16x20xi32, #tpu.memory_space<vmem>>[vector<16xi32>, vector<16xi32>], vector<16xi32>,
    %add3A_245 = arith.constant 240 : i32
    %add3A_246 = vector.broadcast %add3A_245 : i32 to vector<16xi32>
    %add3A_247 = arith.addi %add3A_246, %iota3A : vector<16xi32>
    tpu.vector_store_idx %arg13[%add3A_247], %gather3A_244 : memref<320xi32, #tpu.memory_space<vmem>>[vector<16xi32>], vector<16xi32>,
    %and3A_248 = arith.constant 3 : i32
    %and3A_249 = vector.broadcast %and3A_248 : i32 to vector<16xi32>
    %and3A_250 = arith.andi %iota3A, %and3A_249 : vector<16xi32>
    %add3A_251 = arith.constant 16 : i32
    %add3A_252 = vector.broadcast %add3A_251 : i32 to vector<16xi32>
    %add3A_253 = arith.addi %add3A_252, %and3A_250 : vector<16xi32>
    %gather3A_254 = tpu.vector_load_idx %arg11[%broadcast_in_dim3A_243, %add3A_253] : memref<16x20xi32, #tpu.memory_space<vmem>>[vector<16xi32>, vector<16xi32>], vector<16xi32>,
    %add3A_255 = arith.constant 240 : i32
    %add3A_256 = vector.broadcast %add3A_255 : i32 to vector<16xi32>
    %add3A_257 = arith.addi %add3A_256, %add3A_253 : vector<16xi32>
    %lt3A_258 = arith.constant 4 : i32
    %lt3A_259 = vector.broadcast %lt3A_258 : i32 to vector<16xi32>
    %lt3A_260 = arith.cmpi slt, %iota3A, %lt3A_259 : vector<16xi32>
    tpu.vector_store_idx %arg13[%add3A_257], %gather3A_254 masked %lt3A_260 : memref<320xi32, #tpu.memory_space<vmem>>[vector<16xi32>], vector<16xi32>, vector<16xi1>
    %broadcast_in_dim3A_261 = arith.constant 13 : i32
    %broadcast_in_dim3A_262 = vector.broadcast %broadcast_in_dim3A_261 : i32 to vector<16xi32>
    %gather3A_263 = tpu.vector_load_idx %arg11[%broadcast_in_dim3A_262, %iota3A] : memref<16x20xi32, #tpu.memory_space<vmem>>[vector<16xi32>, vector<16xi32>], vector<16xi32>,
    %add3A_264 = arith.constant 260 : i32
    %add3A_265 = vector.broadcast %add3A_264 : i32 to vector<16xi32>
    %add3A_266 = arith.addi %add3A_265, %iota3A : vector<16xi32>
    tpu.vector_store_idx %arg13[%add3A_266], %gather3A_263 : memref<320xi32, #tpu.memory_space<vmem>>[vector<16xi32>], vector<16xi32>,
    %and3A_267 = arith.constant 3 : i32
    %and3A_268 = vector.broadcast %and3A_267 : i32 to vector<16xi32>
    %and3A_269 = arith.andi %iota3A, %and3A_268 : vector<16xi32>
    %add3A_270 = arith.constant 16 : i32
    %add3A_271 = vector.broadcast %add3A_270 : i32 to vector<16xi32>
    %add3A_272 = arith.addi %add3A_271, %and3A_269 : vector<16xi32>
    %gather3A_273 = tpu.vector_load_idx %arg11[%broadcast_in_dim3A_262, %add3A_272] : memref<16x20xi32, #tpu.memory_space<vmem>>[vector<16xi32>, vector<16xi32>], vector<16xi32>,
    %add3A_274 = arith.constant 260 : i32
    %add3A_275 = vector.broadcast %add3A_274 : i32 to vector<16xi32>
    %add3A_276 = arith.addi %add3A_275, %add3A_272 : vector<16xi32>
    %lt3A_277 = arith.constant 4 : i32
    %lt3A_278 = vector.broadcast %lt3A_277 : i32 to vector<16xi32>
    %lt3A_279 = arith.cmpi slt, %iota3A, %lt3A_278 : vector<16xi32>
    tpu.vector_store_idx %arg13[%add3A_276], %gather3A_273 masked %lt3A_279 : memref<320xi32, #tpu.memory_space<vmem>>[vector<16xi32>], vector<16xi32>, vector<16xi1>
    %broadcast_in_dim3A_280 = arith.constant 14 : i32
    %broadcast_in_dim3A_281 = vector.broadcast %broadcast_in_dim3A_280 : i32 to vector<16xi32>
    %gather3A_282 = tpu.vector_load_idx %arg11[%broadcast_in_dim3A_281, %iota3A] : memref<16x20xi32, #tpu.memory_space<vmem>>[vector<16xi32>, vector<16xi32>], vector<16xi32>,
    %add3A_283 = arith.constant 280 : i32
    %add3A_284 = vector.broadcast %add3A_283 : i32 to vector<16xi32>
    %add3A_285 = arith.addi %add3A_284, %iota3A : vector<16xi32>
    tpu.vector_store_idx %arg13[%add3A_285], %gather3A_282 : memref<320xi32, #tpu.memory_space<vmem>>[vector<16xi32>], vector<16xi32>,
    %and3A_286 = arith.constant 3 : i32
    %and3A_287 = vector.broadcast %and3A_286 : i32 to vector<16xi32>
    %and3A_288 = arith.andi %iota3A, %and3A_287 : vector<16xi32>
    %add3A_289 = arith.constant 16 : i32
    %add3A_290 = vector.broadcast %add3A_289 : i32 to vector<16xi32>
    %add3A_291 = arith.addi %add3A_290, %and3A_288 : vector<16xi32>
    %gather3A_292 = tpu.vector_load_idx %arg11[%broadcast_in_dim3A_281, %add3A_291] : memref<16x20xi32, #tpu.memory_space<vmem>>[vector<16xi32>, vector<16xi32>], vector<16xi32>,
    %add3A_293 = arith.constant 280 : i32
    %add3A_294 = vector.broadcast %add3A_293 : i32 to vector<16xi32>
    %add3A_295 = arith.addi %add3A_294, %add3A_291 : vector<16xi32>
    %lt3A_296 = arith.constant 4 : i32
    %lt3A_297 = vector.broadcast %lt3A_296 : i32 to vector<16xi32>
    %lt3A_298 = arith.cmpi slt, %iota3A, %lt3A_297 : vector<16xi32>
    tpu.vector_store_idx %arg13[%add3A_295], %gather3A_292 masked %lt3A_298 : memref<320xi32, #tpu.memory_space<vmem>>[vector<16xi32>], vector<16xi32>, vector<16xi1>
    %broadcast_in_dim3A_299 = arith.constant 15 : i32
    %broadcast_in_dim3A_300 = vector.broadcast %broadcast_in_dim3A_299 : i32 to vector<16xi32>
    %gather3A_301 = tpu.vector_load_idx %arg11[%broadcast_in_dim3A_300, %iota3A] : memref<16x20xi32, #tpu.memory_space<vmem>>[vector<16xi32>, vector<16xi32>], vector<16xi32>,
    %add3A_302 = arith.constant 300 : i32
    %add3A_303 = vector.broadcast %add3A_302 : i32 to vector<16xi32>
    %add3A_304 = arith.addi %add3A_303, %iota3A : vector<16xi32>
    tpu.vector_store_idx %arg13[%add3A_304], %gather3A_301 : memref<320xi32, #tpu.memory_space<vmem>>[vector<16xi32>], vector<16xi32>,
    %and3A_305 = arith.constant 3 : i32
    %and3A_306 = vector.broadcast %and3A_305 : i32 to vector<16xi32>
    %and3A_307 = arith.andi %iota3A, %and3A_306 : vector<16xi32>
    %add3A_308 = arith.constant 16 : i32
    %add3A_309 = vector.broadcast %add3A_308 : i32 to vector<16xi32>
    %add3A_310 = arith.addi %add3A_309, %and3A_307 : vector<16xi32>
    %gather3A_311 = tpu.vector_load_idx %arg11[%broadcast_in_dim3A_300, %add3A_310] : memref<16x20xi32, #tpu.memory_space<vmem>>[vector<16xi32>, vector<16xi32>], vector<16xi32>,
    %add3A_312 = arith.constant 300 : i32
    %add3A_313 = vector.broadcast %add3A_312 : i32 to vector<16xi32>
    %add3A_314 = arith.addi %add3A_313, %add3A_310 : vector<16xi32>
    %lt3A_315 = arith.constant 4 : i32
    %lt3A_316 = vector.broadcast %lt3A_315 : i32 to vector<16xi32>
    %lt3A_317 = arith.cmpi slt, %iota3A, %lt3A_316 : vector<16xi32>
    tpu.vector_store_idx %arg13[%add3A_314], %gather3A_311 masked %lt3A_317 : memref<320xi32, #tpu.memory_space<vmem>>[vector<16xi32>], vector<16xi32>, vector<16xi1>
    %dma_start3A_318 = arith.constant 0 : i32
    %dma_start3A_319 = tpu.memref_slice %arg9[%dma_start3A_318] : memref<512xi32, #tpu.memory_space<vmem>> -> memref<16xi32, #tpu.memory_space<vmem>>
    %dma_start3A_320 = arith.constant 0 : i32
    %dma_start3A_321 = arith.constant 0 : i32
    %dma_start3A_322 = tpu.memref_slice %arg5[%dma_start3A_320, %dma_start3A_321] : memref<100000x128xf32, #tpu.memory_space<hbm>> -> memref<100000x128xf32, #tpu.memory_space<hbm>>
    tpu.enqueue_indirect_dma source(%dma_start3A_322 : memref<100000x128xf32, #tpu.memory_space<hbm>>) target(%arg15 : memref<16x128xf32, #tpu.memory_space<vmem>>) offsets(%dma_start3A_319 : memref<16xi32, #tpu.memory_space<vmem>>) semaphore(%arg25 : memref<!tpu.dma_semaphore, #tpu.memory_space<semaphore_mem>>)
    %dma_start3A_323 = arith.constant 0 : i32
    %dma_start3A_324 = tpu.memref_slice %arg10[%dma_start3A_323] : memref<512xi32, #tpu.memory_space<vmem>> -> memref<16xi32, #tpu.memory_space<vmem>>
    %dma_start3A_325 = arith.constant 0 : i32
    %dma_start3A_326 = arith.constant 0 : i32
    %dma_start3A_327 = tpu.memref_slice %arg6[%dma_start3A_325, %dma_start3A_326] : memref<100000x128xf32, #tpu.memory_space<hbm>> -> memref<100000x128xf32, #tpu.memory_space<hbm>>
    tpu.enqueue_indirect_dma source(%dma_start3A_327 : memref<100000x128xf32, #tpu.memory_space<hbm>>) target(%arg17 : memref<16x128xf32, #tpu.memory_space<vmem>>) offsets(%dma_start3A_324 : memref<16xi32, #tpu.memory_space<vmem>>) semaphore(%arg25 : memref<!tpu.dma_semaphore, #tpu.memory_space<semaphore_mem>>)
    %dma_start3A_328 = arith.constant 0 : i32
    %dma_start3A_329 = arith.constant 0 : i32
    %dma_start3A_330 = tpu.memref_slice %arg19[%dma_start3A_328, %dma_start3A_329] : memref<320x128xf32, #tpu.memory_space<vmem>> -> memref<80x128xf32, #tpu.memory_space<vmem>>
    %dma_start3A_331 = arith.constant 0 : i32
    %dma_start3A_332 = tpu.memref_slice %arg13[%dma_start3A_331] : memref<320xi32, #tpu.memory_space<vmem>> -> memref<80xi32, #tpu.memory_space<vmem>>
    %dma_start3A_333 = arith.constant 0 : i32
    %dma_start3A_334 = arith.constant 0 : i32
    %dma_start3A_335 = tpu.memref_slice %arg6[%dma_start3A_333, %dma_start3A_334] : memref<100000x128xf32, #tpu.memory_space<hbm>> -> memref<100000x128xf32, #tpu.memory_space<hbm>>
    tpu.enqueue_indirect_dma source(%dma_start3A_335 : memref<100000x128xf32, #tpu.memory_space<hbm>>) target(%dma_start3A_330 : memref<80x128xf32, #tpu.memory_space<vmem>>) offsets(%dma_start3A_332 : memref<80xi32, #tpu.memory_space<vmem>>) semaphore(%arg25 : memref<!tpu.dma_semaphore, #tpu.memory_space<semaphore_mem>>)
    %dma_start3A_336 = arith.constant 80 : i32
    %dma_start3A_337 = arith.constant 0 : i32
    %dma_start3A_338 = tpu.memref_slice %arg19[%dma_start3A_336, %dma_start3A_337] : memref<320x128xf32, #tpu.memory_space<vmem>> -> memref<80x128xf32, #tpu.memory_space<vmem>>
    %dma_start3A_339 = arith.constant 80 : i32
    %dma_start3A_340 = tpu.memref_slice %arg13[%dma_start3A_339] : memref<320xi32, #tpu.memory_space<vmem>> -> memref<80xi32, #tpu.memory_space<vmem>>
    %dma_start3A_341 = arith.constant 0 : i32
    %dma_start3A_342 = arith.constant 0 : i32
    %dma_start3A_343 = tpu.memref_slice %arg6[%dma_start3A_341, %dma_start3A_342] : memref<100000x128xf32, #tpu.memory_space<hbm>> -> memref<100000x128xf32, #tpu.memory_space<hbm>>
    tpu.enqueue_indirect_dma source(%dma_start3A_343 : memref<100000x128xf32, #tpu.memory_space<hbm>>) target(%dma_start3A_338 : memref<80x128xf32, #tpu.memory_space<vmem>>) offsets(%dma_start3A_340 : memref<80xi32, #tpu.memory_space<vmem>>) semaphore(%arg25 : memref<!tpu.dma_semaphore, #tpu.memory_space<semaphore_mem>>)
    %dma_start3A_344 = arith.constant 160 : i32
    %dma_start3A_345 = arith.constant 0 : i32
    %dma_start3A_346 = tpu.memref_slice %arg19[%dma_start3A_344, %dma_start3A_345] : memref<320x128xf32, #tpu.memory_space<vmem>> -> memref<80x128xf32, #tpu.memory_space<vmem>>
    %dma_start3A_347 = arith.constant 160 : i32
    %dma_start3A_348 = tpu.memref_slice %arg13[%dma_start3A_347] : memref<320xi32, #tpu.memory_space<vmem>> -> memref<80xi32, #tpu.memory_space<vmem>>
    %dma_start3A_349 = arith.constant 0 : i32
    %dma_start3A_350 = arith.constant 0 : i32
    %dma_start3A_351 = tpu.memref_slice %arg6[%dma_start3A_349, %dma_start3A_350] : memref<100000x128xf32, #tpu.memory_space<hbm>> -> memref<100000x128xf32, #tpu.memory_space<hbm>>
    tpu.enqueue_indirect_dma source(%dma_start3A_351 : memref<100000x128xf32, #tpu.memory_space<hbm>>) target(%dma_start3A_346 : memref<80x128xf32, #tpu.memory_space<vmem>>) offsets(%dma_start3A_348 : memref<80xi32, #tpu.memory_space<vmem>>) semaphore(%arg25 : memref<!tpu.dma_semaphore, #tpu.memory_space<semaphore_mem>>)
    %dma_start3A_352 = arith.constant 240 : i32
    %dma_start3A_353 = arith.constant 0 : i32
    %dma_start3A_354 = tpu.memref_slice %arg19[%dma_start3A_352, %dma_start3A_353] : memref<320x128xf32, #tpu.memory_space<vmem>> -> memref<80x128xf32, #tpu.memory_space<vmem>>
    %dma_start3A_355 = arith.constant 240 : i32
    %dma_start3A_356 = tpu.memref_slice %arg13[%dma_start3A_355] : memref<320xi32, #tpu.memory_space<vmem>> -> memref<80xi32, #tpu.memory_space<vmem>>
    %dma_start3A_357 = arith.constant 0 : i32
    %dma_start3A_358 = arith.constant 0 : i32
    %dma_start3A_359 = tpu.memref_slice %arg6[%dma_start3A_357, %dma_start3A_358] : memref<100000x128xf32, #tpu.memory_space<hbm>> -> memref<100000x128xf32, #tpu.memory_space<hbm>>
    tpu.enqueue_indirect_dma source(%dma_start3A_359 : memref<100000x128xf32, #tpu.memory_space<hbm>>) target(%dma_start3A_354 : memref<80x128xf32, #tpu.memory_space<vmem>>) offsets(%dma_start3A_356 : memref<80xi32, #tpu.memory_space<vmem>>) semaphore(%arg25 : memref<!tpu.dma_semaphore, #tpu.memory_space<semaphore_mem>>)
    %add3A_360 = arith.constant 16 : i32
    %add3A_361 = arith.addi %mul3A_2, %add3A_360 : i32
    %dma_start3A_362 = arith.constant 0 : i32
    %dma_start3A_363 = tpu.memref_slice %arg4[%add3A_361, %dma_start3A_362] : memref<16384x20xi32, #tpu.memory_space<hbm>> -> memref<16x20xi32, #tpu.memory_space<hbm>>
    %dma_start3A_364 = arith.constant 0 : i32
    %dma_start3A_365 = tpu.memref_slice %arg4[%add3A_361, %dma_start3A_364] : memref<16384x20xi32, #tpu.memory_space<hbm>> -> memref<16x20xi32, #tpu.memory_space<hbm>>
    tpu.enqueue_dma source(%dma_start3A_365 : memref<16x20xi32, #tpu.memory_space<hbm>>) target(%arg12 : memref<16x20xi32, #tpu.memory_space<vmem>>) target_semaphore(%arg30 : memref<!tpu.dma_semaphore, #tpu.memory_space<semaphore_mem>>)
    %scan3A = arith.constant 0 : i32
    %scan3A_366 = arith.constant 0 : i32
    %scan3A_367 = arith.constant 16 : i32
    %scan3A_368 = arith.addi %scan3A_366, %scan3A_367 : i32
    %scan3A_369 = arith.constant 1 : i32
    scf.for %scan3A_391 = %scan3A_366 to %scan3A_368 step %scan3A_369  : i32 {
      %mul3A_392 = arith.constant 2 : i32
      %mul3A_393 = arith.muli %scan3A_391, %mul3A_392 : i32
      %dma_wait3A_394 = arith.constant 0 : i32
      %dma_wait3A_395 = arith.constant 0 : i32
      %dma_wait3A_396 = tpu.memref_slice %arg5[%dma_wait3A_394, %dma_wait3A_395] : memref<100000x128xf32, #tpu.memory_space<hbm>> -> memref<16x128xf32, #tpu.memory_space<hbm>>
      %dma_wait3A_397 = arith.constant 0 : i32
      %dma_wait3A_398 = arith.constant 0 : i32
      %dma_wait3A_399 = tpu.memref_slice %arg5[%dma_wait3A_397, %dma_wait3A_398] : memref<100000x128xf32, #tpu.memory_space<hbm>> -> memref<16x128xf32, #tpu.memory_space<hbm>>
      tpu.wait_dma2 semaphore(%arg25 : memref<!tpu.dma_semaphore, #tpu.memory_space<semaphore_mem>>) src(%dma_wait3A_399 : memref<16x128xf32, #tpu.memory_space<hbm>>) dst(%arg15 : memref<16x128xf32, #tpu.memory_space<vmem>>)
      %dma_wait3A_400 = arith.constant 0 : i32
      %dma_wait3A_401 = arith.constant 0 : i32
      %dma_wait3A_402 = tpu.memref_slice %arg6[%dma_wait3A_400, %dma_wait3A_401] : memref<100000x128xf32, #tpu.memory_space<hbm>> -> memref<16x128xf32, #tpu.memory_space<hbm>>
      %dma_wait3A_403 = arith.constant 0 : i32
      %dma_wait3A_404 = arith.constant 0 : i32
      %dma_wait3A_405 = tpu.memref_slice %arg6[%dma_wait3A_403, %dma_wait3A_404] : memref<100000x128xf32, #tpu.memory_space<hbm>> -> memref<16x128xf32, #tpu.memory_space<hbm>>
      tpu.wait_dma2 semaphore(%arg25 : memref<!tpu.dma_semaphore, #tpu.memory_space<semaphore_mem>>) src(%dma_wait3A_405 : memref<16x128xf32, #tpu.memory_space<hbm>>) dst(%arg17 : memref<16x128xf32, #tpu.memory_space<vmem>>)
      %dma_wait3A_406 = arith.constant 0 : i32
      %dma_wait3A_407 = arith.constant 0 : i32
      %dma_wait3A_408 = tpu.memref_slice %arg6[%dma_wait3A_406, %dma_wait3A_407] : memref<100000x128xf32, #tpu.memory_space<hbm>> -> memref<320x128xf32, #tpu.memory_space<hbm>>
      %dma_wait3A_409 = arith.constant 0 : i32
      %dma_wait3A_410 = arith.constant 0 : i32
      %dma_wait3A_411 = tpu.memref_slice %arg6[%dma_wait3A_409, %dma_wait3A_410] : memref<100000x128xf32, #tpu.memory_space<hbm>> -> memref<320x128xf32, #tpu.memory_space<hbm>>
      tpu.wait_dma2 semaphore(%arg25 : memref<!tpu.dma_semaphore, #tpu.memory_space<semaphore_mem>>) src(%dma_wait3A_411 : memref<320x128xf32, #tpu.memory_space<hbm>>) dst(%arg19 : memref<320x128xf32, #tpu.memory_space<vmem>>)
      %add3A_412 = arith.constant 1 : i32
      %add3A_413 = arith.addi %mul3A_393, %add3A_412 : i32
      %mul3A_414 = arith.constant 16 : i32
      %mul3A_415 = arith.muli %add3A_413, %mul3A_414 : i32
      %add3A_416 = arith.addi %mul3A_2, %mul3A_415 : i32
      %dma_wait3A_417 = arith.constant 0 : i32
      %dma_wait3A_418 = arith.constant 0 : i32
      %dma_wait3A_419 = tpu.memref_slice %arg4[%dma_wait3A_417, %dma_wait3A_418] : memref<16384x20xi32, #tpu.memory_space<hbm>> -> memref<16x20xi32, #tpu.memory_space<hbm>>
      %dma_wait3A_420 = arith.constant 0 : i32
      %dma_wait3A_421 = arith.constant 0 : i32
      %dma_wait3A_422 = tpu.memref_slice %arg4[%dma_wait3A_420, %dma_wait3A_421] : memref<16384x20xi32, #tpu.memory_space<hbm>> -> memref<16x20xi32, #tpu.memory_space<hbm>>
      tpu.wait_dma2 semaphore(%arg30 : memref<!tpu.dma_semaphore, #tpu.memory_space<semaphore_mem>>) src(%dma_wait3A_422 : memref<16x20xi32, #tpu.memory_space<hbm>>) dst(%arg12 : memref<16x20xi32, #tpu.memory_space<vmem>>)
      %broadcast_in_dim3A_423 = arith.constant 0 : i32
      %broadcast_in_dim3A_424 = vector.broadcast %broadcast_in_dim3A_423 : i32 to vector<16xi32>
      %gather3A_425 = tpu.vector_load_idx %arg12[%broadcast_in_dim3A_424, %iota3A] : memref<16x20xi32, #tpu.memory_space<vmem>>[vector<16xi32>, vector<16xi32>], vector<16xi32>,
      %add3A_426 = arith.constant 0 : i32
      %add3A_427 = vector.broadcast %add3A_426 : i32 to vector<16xi32>
      %add3A_428 = arith.addi %add3A_427, %iota3A : vector<16xi32>
      tpu.vector_store_idx %arg14[%add3A_428], %gather3A_425 : memref<320xi32, #tpu.memory_space<vmem>>[vector<16xi32>], vector<16xi32>,
      %and3A_429 = arith.constant 3 : i32
      %and3A_430 = vector.broadcast %and3A_429 : i32 to vector<16xi32>
      %and3A_431 = arith.andi %iota3A, %and3A_430 : vector<16xi32>
      %add3A_432 = arith.constant 16 : i32
      %add3A_433 = vector.broadcast %add3A_432 : i32 to vector<16xi32>
      %add3A_434 = arith.addi %add3A_433, %and3A_431 : vector<16xi32>
      %gather3A_435 = tpu.vector_load_idx %arg12[%broadcast_in_dim3A_424, %add3A_434] : memref<16x20xi32, #tpu.memory_space<vmem>>[vector<16xi32>, vector<16xi32>], vector<16xi32>,
      %add3A_436 = arith.constant 0 : i32
      %add3A_437 = vector.broadcast %add3A_436 : i32 to vector<16xi32>
      %add3A_438 = arith.addi %add3A_437, %add3A_434 : vector<16xi32>
      %lt3A_439 = arith.constant 4 : i32
      %lt3A_440 = vector.broadcast %lt3A_439 : i32 to vector<16xi32>
      %lt3A_441 = arith.cmpi slt, %iota3A, %lt3A_440 : vector<16xi32>
      tpu.vector_store_idx %arg14[%add3A_438], %gather3A_435 masked %lt3A_441 : memref<320xi32, #tpu.memory_space<vmem>>[vector<16xi32>], vector<16xi32>, vector<16xi1>
      %broadcast_in_dim3A_442 = arith.constant 1 : i32
      %broadcast_in_dim3A_443 = vector.broadcast %broadcast_in_dim3A_442 : i32 to vector<16xi32>
      %gather3A_444 = tpu.vector_load_idx %arg12[%broadcast_in_dim3A_443, %iota3A] : memref<16x20xi32, #tpu.memory_space<vmem>>[vector<16xi32>, vector<16xi32>], vector<16xi32>,
      %add3A_445 = arith.constant 20 : i32
      %add3A_446 = vector.broadcast %add3A_445 : i32 to vector<16xi32>
      %add3A_447 = arith.addi %add3A_446, %iota3A : vector<16xi32>
      tpu.vector_store_idx %arg14[%add3A_447], %gather3A_444 : memref<320xi32, #tpu.memory_space<vmem>>[vector<16xi32>], vector<16xi32>,
      %and3A_448 = arith.constant 3 : i32
      %and3A_449 = vector.broadcast %and3A_448 : i32 to vector<16xi32>
      %and3A_450 = arith.andi %iota3A, %and3A_449 : vector<16xi32>
      %add3A_451 = arith.constant 16 : i32
      %add3A_452 = vector.broadcast %add3A_451 : i32 to vector<16xi32>
      %add3A_453 = arith.addi %add3A_452, %and3A_450 : vector<16xi32>
      %gather3A_454 = tpu.vector_load_idx %arg12[%broadcast_in_dim3A_443, %add3A_453] : memref<16x20xi32, #tpu.memory_space<vmem>>[vector<16xi32>, vector<16xi32>], vector<16xi32>,
      %add3A_455 = arith.constant 20 : i32
      %add3A_456 = vector.broadcast %add3A_455 : i32 to vector<16xi32>
      %add3A_457 = arith.addi %add3A_456, %add3A_453 : vector<16xi32>
      %lt3A_458 = arith.constant 4 : i32
      %lt3A_459 = vector.broadcast %lt3A_458 : i32 to vector<16xi32>
      %lt3A_460 = arith.cmpi slt, %iota3A, %lt3A_459 : vector<16xi32>
      tpu.vector_store_idx %arg14[%add3A_457], %gather3A_454 masked %lt3A_460 : memref<320xi32, #tpu.memory_space<vmem>>[vector<16xi32>], vector<16xi32>, vector<16xi1>
      %broadcast_in_dim3A_461 = arith.constant 2 : i32
      %broadcast_in_dim3A_462 = vector.broadcast %broadcast_in_dim3A_461 : i32 to vector<16xi32>
      %gather3A_463 = tpu.vector_load_idx %arg12[%broadcast_in_dim3A_462, %iota3A] : memref<16x20xi32, #tpu.memory_space<vmem>>[vector<16xi32>, vector<16xi32>], vector<16xi32>,
      %add3A_464 = arith.constant 40 : i32
      %add3A_465 = vector.broadcast %add3A_464 : i32 to vector<16xi32>
      %add3A_466 = arith.addi %add3A_465, %iota3A : vector<16xi32>
      tpu.vector_store_idx %arg14[%add3A_466], %gather3A_463 : memref<320xi32, #tpu.memory_space<vmem>>[vector<16xi32>], vector<16xi32>,
      %and3A_467 = arith.constant 3 : i32
      %and3A_468 = vector.broadcast %and3A_467 : i32 to vector<16xi32>
      %and3A_469 = arith.andi %iota3A, %and3A_468 : vector<16xi32>
      %add3A_470 = arith.constant 16 : i32
      %add3A_471 = vector.broadcast %add3A_470 : i32 to vector<16xi32>
      %add3A_472 = arith.addi %add3A_471, %and3A_469 : vector<16xi32>
      %gather3A_473 = tpu.vector_load_idx %arg12[%broadcast_in_dim3A_462, %add3A_472] : memref<16x20xi32, #tpu.memory_space<vmem>>[vector<16xi32>, vector<16xi32>], vector<16xi32>,
      %add3A_474 = arith.constant 40 : i32
      %add3A_475 = vector.broadcast %add3A_474 : i32 to vector<16xi32>
      %add3A_476 = arith.addi %add3A_475, %add3A_472 : vector<16xi32>
      %lt3A_477 = arith.constant 4 : i32
      %lt3A_478 = vector.broadcast %lt3A_477 : i32 to vector<16xi32>
      %lt3A_479 = arith.cmpi slt, %iota3A, %lt3A_478 : vector<16xi32>
      tpu.vector_store_idx %arg14[%add3A_476], %gather3A_473 masked %lt3A_479 : memref<320xi32, #tpu.memory_space<vmem>>[vector<16xi32>], vector<16xi32>, vector<16xi1>
      %broadcast_in_dim3A_480 = arith.constant 3 : i32
      %broadcast_in_dim3A_481 = vector.broadcast %broadcast_in_dim3A_480 : i32 to vector<16xi32>
      %gather3A_482 = tpu.vector_load_idx %arg12[%broadcast_in_dim3A_481, %iota3A] : memref<16x20xi32, #tpu.memory_space<vmem>>[vector<16xi32>, vector<16xi32>], vector<16xi32>,
      %add3A_483 = arith.constant 60 : i32
      %add3A_484 = vector.broadcast %add3A_483 : i32 to vector<16xi32>
      %add3A_485 = arith.addi %add3A_484, %iota3A : vector<16xi32>
      tpu.vector_store_idx %arg14[%add3A_485], %gather3A_482 : memref<320xi32, #tpu.memory_space<vmem>>[vector<16xi32>], vector<16xi32>,
      %and3A_486 = arith.constant 3 : i32
      %and3A_487 = vector.broadcast %and3A_486 : i32 to vector<16xi32>
      %and3A_488 = arith.andi %iota3A, %and3A_487 : vector<16xi32>
      %add3A_489 = arith.constant 16 : i32
      %add3A_490 = vector.broadcast %add3A_489 : i32 to vector<16xi32>
      %add3A_491 = arith.addi %add3A_490, %and3A_488 : vector<16xi32>
      %gather3A_492 = tpu.vector_load_idx %arg12[%broadcast_in_dim3A_481, %add3A_491] : memref<16x20xi32, #tpu.memory_space<vmem>>[vector<16xi32>, vector<16xi32>], vector<16xi32>,
      %add3A_493 = arith.constant 60 : i32
      %add3A_494 = vector.broadcast %add3A_493 : i32 to vector<16xi32>
      %add3A_495 = arith.addi %add3A_494, %add3A_491 : vector<16xi32>
      %lt3A_496 = arith.constant 4 : i32
      %lt3A_497 = vector.broadcast %lt3A_496 : i32 to vector<16xi32>
      %lt3A_498 = arith.cmpi slt, %iota3A, %lt3A_497 : vector<16xi32>
      tpu.vector_store_idx %arg14[%add3A_495], %gather3A_492 masked %lt3A_498 : memref<320xi32, #tpu.memory_space<vmem>>[vector<16xi32>], vector<16xi32>, vector<16xi1>
      %broadcast_in_dim3A_499 = arith.constant 4 : i32
      %broadcast_in_dim3A_500 = vector.broadcast %broadcast_in_dim3A_499 : i32 to vector<16xi32>
      %gather3A_501 = tpu.vector_load_idx %arg12[%broadcast_in_dim3A_500, %iota3A] : memref<16x20xi32, #tpu.memory_space<vmem>>[vector<16xi32>, vector<16xi32>], vector<16xi32>,
      %add3A_502 = arith.constant 80 : i32
      %add3A_503 = vector.broadcast %add3A_502 : i32 to vector<16xi32>
      %add3A_504 = arith.addi %add3A_503, %iota3A : vector<16xi32>
      tpu.vector_store_idx %arg14[%add3A_504], %gather3A_501 : memref<320xi32, #tpu.memory_space<vmem>>[vector<16xi32>], vector<16xi32>,
      %and3A_505 = arith.constant 3 : i32
      %and3A_506 = vector.broadcast %and3A_505 : i32 to vector<16xi32>
      %and3A_507 = arith.andi %iota3A, %and3A_506 : vector<16xi32>
      %add3A_508 = arith.constant 16 : i32
      %add3A_509 = vector.broadcast %add3A_508 : i32 to vector<16xi32>
      %add3A_510 = arith.addi %add3A_509, %and3A_507 : vector<16xi32>
      %gather3A_511 = tpu.vector_load_idx %arg12[%broadcast_in_dim3A_500, %add3A_510] : memref<16x20xi32, #tpu.memory_space<vmem>>[vector<16xi32>, vector<16xi32>], vector<16xi32>,
      %add3A_512 = arith.constant 80 : i32
      %add3A_513 = vector.broadcast %add3A_512 : i32 to vector<16xi32>
      %add3A_514 = arith.addi %add3A_513, %add3A_510 : vector<16xi32>
      %lt3A_515 = arith.constant 4 : i32
      %lt3A_516 = vector.broadcast %lt3A_515 : i32 to vector<16xi32>
      %lt3A_517 = arith.cmpi slt, %iota3A, %lt3A_516 : vector<16xi32>
      tpu.vector_store_idx %arg14[%add3A_514], %gather3A_511 masked %lt3A_517 : memref<320xi32, #tpu.memory_space<vmem>>[vector<16xi32>], vector<16xi32>, vector<16xi1>
      %broadcast_in_dim3A_518 = arith.constant 5 : i32
      %broadcast_in_dim3A_519 = vector.broadcast %broadcast_in_dim3A_518 : i32 to vector<16xi32>
      %gather3A_520 = tpu.vector_load_idx %arg12[%broadcast_in_dim3A_519, %iota3A] : memref<16x20xi32, #tpu.memory_space<vmem>>[vector<16xi32>, vector<16xi32>], vector<16xi32>,
      %add3A_521 = arith.constant 100 : i32
      %add3A_522 = vector.broadcast %add3A_521 : i32 to vector<16xi32>
      %add3A_523 = arith.addi %add3A_522, %iota3A : vector<16xi32>
      tpu.vector_store_idx %arg14[%add3A_523], %gather3A_520 : memref<320xi32, #tpu.memory_space<vmem>>[vector<16xi32>], vector<16xi32>,
      %and3A_524 = arith.constant 3 : i32
      %and3A_525 = vector.broadcast %and3A_524 : i32 to vector<16xi32>
      %and3A_526 = arith.andi %iota3A, %and3A_525 : vector<16xi32>
      %add3A_527 = arith.constant 16 : i32
      %add3A_528 = vector.broadcast %add3A_527 : i32 to vector<16xi32>
      %add3A_529 = arith.addi %add3A_528, %and3A_526 : vector<16xi32>
      %gather3A_530 = tpu.vector_load_idx %arg12[%broadcast_in_dim3A_519, %add3A_529] : memref<16x20xi32, #tpu.memory_space<vmem>>[vector<16xi32>, vector<16xi32>], vector<16xi32>,
      %add3A_531 = arith.constant 100 : i32
      %add3A_532 = vector.broadcast %add3A_531 : i32 to vector<16xi32>
      %add3A_533 = arith.addi %add3A_532, %add3A_529 : vector<16xi32>
      %lt3A_534 = arith.constant 4 : i32
      %lt3A_535 = vector.broadcast %lt3A_534 : i32 to vector<16xi32>
      %lt3A_536 = arith.cmpi slt, %iota3A, %lt3A_535 : vector<16xi32>
      tpu.vector_store_idx %arg14[%add3A_533], %gather3A_530 masked %lt3A_536 : memref<320xi32, #tpu.memory_space<vmem>>[vector<16xi32>], vector<16xi32>, vector<16xi1>
      %broadcast_in_dim3A_537 = arith.constant 6 : i32
      %broadcast_in_dim3A_538 = vector.broadcast %broadcast_in_dim3A_537 : i32 to vector<16xi32>
      %gather3A_539 = tpu.vector_load_idx %arg12[%broadcast_in_dim3A_538, %iota3A] : memref<16x20xi32, #tpu.memory_space<vmem>>[vector<16xi32>, vector<16xi32>], vector<16xi32>,
      %add3A_540 = arith.constant 120 : i32
      %add3A_541 = vector.broadcast %add3A_540 : i32 to vector<16xi32>
      %add3A_542 = arith.addi %add3A_541, %iota3A : vector<16xi32>
      tpu.vector_store_idx %arg14[%add3A_542], %gather3A_539 : memref<320xi32, #tpu.memory_space<vmem>>[vector<16xi32>], vector<16xi32>,
      %and3A_543 = arith.constant 3 : i32
      %and3A_544 = vector.broadcast %and3A_543 : i32 to vector<16xi32>
      %and3A_545 = arith.andi %iota3A, %and3A_544 : vector<16xi32>
      %add3A_546 = arith.constant 16 : i32
      %add3A_547 = vector.broadcast %add3A_546 : i32 to vector<16xi32>
      %add3A_548 = arith.addi %add3A_547, %and3A_545 : vector<16xi32>
      %gather3A_549 = tpu.vector_load_idx %arg12[%broadcast_in_dim3A_538, %add3A_548] : memref<16x20xi32, #tpu.memory_space<vmem>>[vector<16xi32>, vector<16xi32>], vector<16xi32>,
      %add3A_550 = arith.constant 120 : i32
      %add3A_551 = vector.broadcast %add3A_550 : i32 to vector<16xi32>
      %add3A_552 = arith.addi %add3A_551, %add3A_548 : vector<16xi32>
      %lt3A_553 = arith.constant 4 : i32
      %lt3A_554 = vector.broadcast %lt3A_553 : i32 to vector<16xi32>
      %lt3A_555 = arith.cmpi slt, %iota3A, %lt3A_554 : vector<16xi32>
      tpu.vector_store_idx %arg14[%add3A_552], %gather3A_549 masked %lt3A_555 : memref<320xi32, #tpu.memory_space<vmem>>[vector<16xi32>], vector<16xi32>, vector<16xi1>
      %broadcast_in_dim3A_556 = arith.constant 7 : i32
      %broadcast_in_dim3A_557 = vector.broadcast %broadcast_in_dim3A_556 : i32 to vector<16xi32>
      %gather3A_558 = tpu.vector_load_idx %arg12[%broadcast_in_dim3A_557, %iota3A] : memref<16x20xi32, #tpu.memory_space<vmem>>[vector<16xi32>, vector<16xi32>], vector<16xi32>,
      %add3A_559 = arith.constant 140 : i32
      %add3A_560 = vector.broadcast %add3A_559 : i32 to vector<16xi32>
      %add3A_561 = arith.addi %add3A_560, %iota3A : vector<16xi32>
      tpu.vector_store_idx %arg14[%add3A_561], %gather3A_558 : memref<320xi32, #tpu.memory_space<vmem>>[vector<16xi32>], vector<16xi32>,
      %and3A_562 = arith.constant 3 : i32
      %and3A_563 = vector.broadcast %and3A_562 : i32 to vector<16xi32>
      %and3A_564 = arith.andi %iota3A, %and3A_563 : vector<16xi32>
      %add3A_565 = arith.constant 16 : i32
      %add3A_566 = vector.broadcast %add3A_565 : i32 to vector<16xi32>
      %add3A_567 = arith.addi %add3A_566, %and3A_564 : vector<16xi32>
      %gather3A_568 = tpu.vector_load_idx %arg12[%broadcast_in_dim3A_557, %add3A_567] : memref<16x20xi32, #tpu.memory_space<vmem>>[vector<16xi32>, vector<16xi32>], vector<16xi32>,
      %add3A_569 = arith.constant 140 : i32
      %add3A_570 = vector.broadcast %add3A_569 : i32 to vector<16xi32>
      %add3A_571 = arith.addi %add3A_570, %add3A_567 : vector<16xi32>
      %lt3A_572 = arith.constant 4 : i32
      %lt3A_573 = vector.broadcast %lt3A_572 : i32 to vector<16xi32>
      %lt3A_574 = arith.cmpi slt, %iota3A, %lt3A_573 : vector<16xi32>
      tpu.vector_store_idx %arg14[%add3A_571], %gather3A_568 masked %lt3A_574 : memref<320xi32, #tpu.memory_space<vmem>>[vector<16xi32>], vector<16xi32>, vector<16xi1>
      %broadcast_in_dim3A_575 = arith.constant 8 : i32
      %broadcast_in_dim3A_576 = vector.broadcast %broadcast_in_dim3A_575 : i32 to vector<16xi32>
      %gather3A_577 = tpu.vector_load_idx %arg12[%broadcast_in_dim3A_576, %iota3A] : memref<16x20xi32, #tpu.memory_space<vmem>>[vector<16xi32>, vector<16xi32>], vector<16xi32>,
      %add3A_578 = arith.constant 160 : i32
      %add3A_579 = vector.broadcast %add3A_578 : i32 to vector<16xi32>
      %add3A_580 = arith.addi %add3A_579, %iota3A : vector<16xi32>
      tpu.vector_store_idx %arg14[%add3A_580], %gather3A_577 : memref<320xi32, #tpu.memory_space<vmem>>[vector<16xi32>], vector<16xi32>,
      %and3A_581 = arith.constant 3 : i32
      %and3A_582 = vector.broadcast %and3A_581 : i32 to vector<16xi32>
      %and3A_583 = arith.andi %iota3A, %and3A_582 : vector<16xi32>
      %add3A_584 = arith.constant 16 : i32
      %add3A_585 = vector.broadcast %add3A_584 : i32 to vector<16xi32>
      %add3A_586 = arith.addi %add3A_585, %and3A_583 : vector<16xi32>
      %gather3A_587 = tpu.vector_load_idx %arg12[%broadcast_in_dim3A_576, %add3A_586] : memref<16x20xi32, #tpu.memory_space<vmem>>[vector<16xi32>, vector<16xi32>], vector<16xi32>,
      %add3A_588 = arith.constant 160 : i32
      %add3A_589 = vector.broadcast %add3A_588 : i32 to vector<16xi32>
      %add3A_590 = arith.addi %add3A_589, %add3A_586 : vector<16xi32>
      %lt3A_591 = arith.constant 4 : i32
      %lt3A_592 = vector.broadcast %lt3A_591 : i32 to vector<16xi32>
      %lt3A_593 = arith.cmpi slt, %iota3A, %lt3A_592 : vector<16xi32>
      tpu.vector_store_idx %arg14[%add3A_590], %gather3A_587 masked %lt3A_593 : memref<320xi32, #tpu.memory_space<vmem>>[vector<16xi32>], vector<16xi32>, vector<16xi1>
      %broadcast_in_dim3A_594 = arith.constant 9 : i32
      %broadcast_in_dim3A_595 = vector.broadcast %broadcast_in_dim3A_594 : i32 to vector<16xi32>
      %gather3A_596 = tpu.vector_load_idx %arg12[%broadcast_in_dim3A_595, %iota3A] : memref<16x20xi32, #tpu.memory_space<vmem>>[vector<16xi32>, vector<16xi32>], vector<16xi32>,
      %add3A_597 = arith.constant 180 : i32
      %add3A_598 = vector.broadcast %add3A_597 : i32 to vector<16xi32>
      %add3A_599 = arith.addi %add3A_598, %iota3A : vector<16xi32>
      tpu.vector_store_idx %arg14[%add3A_599], %gather3A_596 : memref<320xi32, #tpu.memory_space<vmem>>[vector<16xi32>], vector<16xi32>,
      %and3A_600 = arith.constant 3 : i32
      %and3A_601 = vector.broadcast %and3A_600 : i32 to vector<16xi32>
      %and3A_602 = arith.andi %iota3A, %and3A_601 : vector<16xi32>
      %add3A_603 = arith.constant 16 : i32
      %add3A_604 = vector.broadcast %add3A_603 : i32 to vector<16xi32>
      %add3A_605 = arith.addi %add3A_604, %and3A_602 : vector<16xi32>
      %gather3A_606 = tpu.vector_load_idx %arg12[%broadcast_in_dim3A_595, %add3A_605] : memref<16x20xi32, #tpu.memory_space<vmem>>[vector<16xi32>, vector<16xi32>], vector<16xi32>,
      %add3A_607 = arith.constant 180 : i32
      %add3A_608 = vector.broadcast %add3A_607 : i32 to vector<16xi32>
      %add3A_609 = arith.addi %add3A_608, %add3A_605 : vector<16xi32>
      %lt3A_610 = arith.constant 4 : i32
      %lt3A_611 = vector.broadcast %lt3A_610 : i32 to vector<16xi32>
      %lt3A_612 = arith.cmpi slt, %iota3A, %lt3A_611 : vector<16xi32>
      tpu.vector_store_idx %arg14[%add3A_609], %gather3A_606 masked %lt3A_612 : memref<320xi32, #tpu.memory_space<vmem>>[vector<16xi32>], vector<16xi32>, vector<16xi1>
      %broadcast_in_dim3A_613 = arith.constant 10 : i32
      %broadcast_in_dim3A_614 = vector.broadcast %broadcast_in_dim3A_613 : i32 to vector<16xi32>
      %gather3A_615 = tpu.vector_load_idx %arg12[%broadcast_in_dim3A_614, %iota3A] : memref<16x20xi32, #tpu.memory_space<vmem>>[vector<16xi32>, vector<16xi32>], vector<16xi32>,
      %add3A_616 = arith.constant 200 : i32
      %add3A_617 = vector.broadcast %add3A_616 : i32 to vector<16xi32>
      %add3A_618 = arith.addi %add3A_617, %iota3A : vector<16xi32>
      tpu.vector_store_idx %arg14[%add3A_618], %gather3A_615 : memref<320xi32, #tpu.memory_space<vmem>>[vector<16xi32>], vector<16xi32>,
      %and3A_619 = arith.constant 3 : i32
      %and3A_620 = vector.broadcast %and3A_619 : i32 to vector<16xi32>
      %and3A_621 = arith.andi %iota3A, %and3A_620 : vector<16xi32>
      %add3A_622 = arith.constant 16 : i32
      %add3A_623 = vector.broadcast %add3A_622 : i32 to vector<16xi32>
      %add3A_624 = arith.addi %add3A_623, %and3A_621 : vector<16xi32>
      %gather3A_625 = tpu.vector_load_idx %arg12[%broadcast_in_dim3A_614, %add3A_624] : memref<16x20xi32, #tpu.memory_space<vmem>>[vector<16xi32>, vector<16xi32>], vector<16xi32>,
      %add3A_626 = arith.constant 200 : i32
      %add3A_627 = vector.broadcast %add3A_626 : i32 to vector<16xi32>
      %add3A_628 = arith.addi %add3A_627, %add3A_624 : vector<16xi32>
      %lt3A_629 = arith.constant 4 : i32
      %lt3A_630 = vector.broadcast %lt3A_629 : i32 to vector<16xi32>
      %lt3A_631 = arith.cmpi slt, %iota3A, %lt3A_630 : vector<16xi32>
      tpu.vector_store_idx %arg14[%add3A_628], %gather3A_625 masked %lt3A_631 : memref<320xi32, #tpu.memory_space<vmem>>[vector<16xi32>], vector<16xi32>, vector<16xi1>
      %broadcast_in_dim3A_632 = arith.constant 11 : i32
      %broadcast_in_dim3A_633 = vector.broadcast %broadcast_in_dim3A_632 : i32 to vector<16xi32>
      %gather3A_634 = tpu.vector_load_idx %arg12[%broadcast_in_dim3A_633, %iota3A] : memref<16x20xi32, #tpu.memory_space<vmem>>[vector<16xi32>, vector<16xi32>], vector<16xi32>,
      %add3A_635 = arith.constant 220 : i32
      %add3A_636 = vector.broadcast %add3A_635 : i32 to vector<16xi32>
      %add3A_637 = arith.addi %add3A_636, %iota3A : vector<16xi32>
      tpu.vector_store_idx %arg14[%add3A_637], %gather3A_634 : memref<320xi32, #tpu.memory_space<vmem>>[vector<16xi32>], vector<16xi32>,
      %and3A_638 = arith.constant 3 : i32
      %and3A_639 = vector.broadcast %and3A_638 : i32 to vector<16xi32>
      %and3A_640 = arith.andi %iota3A, %and3A_639 : vector<16xi32>
      %add3A_641 = arith.constant 16 : i32
      %add3A_642 = vector.broadcast %add3A_641 : i32 to vector<16xi32>
      %add3A_643 = arith.addi %add3A_642, %and3A_640 : vector<16xi32>
      %gather3A_644 = tpu.vector_load_idx %arg12[%broadcast_in_dim3A_633, %add3A_643] : memref<16x20xi32, #tpu.memory_space<vmem>>[vector<16xi32>, vector<16xi32>], vector<16xi32>,
      %add3A_645 = arith.constant 220 : i32
      %add3A_646 = vector.broadcast %add3A_645 : i32 to vector<16xi32>
      %add3A_647 = arith.addi %add3A_646, %add3A_643 : vector<16xi32>
      %lt3A_648 = arith.constant 4 : i32
      %lt3A_649 = vector.broadcast %lt3A_648 : i32 to vector<16xi32>
      %lt3A_650 = arith.cmpi slt, %iota3A, %lt3A_649 : vector<16xi32>
      tpu.vector_store_idx %arg14[%add3A_647], %gather3A_644 masked %lt3A_650 : memref<320xi32, #tpu.memory_space<vmem>>[vector<16xi32>], vector<16xi32>, vector<16xi1>
      %broadcast_in_dim3A_651 = arith.constant 12 : i32
      %broadcast_in_dim3A_652 = vector.broadcast %broadcast_in_dim3A_651 : i32 to vector<16xi32>
      %gather3A_653 = tpu.vector_load_idx %arg12[%broadcast_in_dim3A_652, %iota3A] : memref<16x20xi32, #tpu.memory_space<vmem>>[vector<16xi32>, vector<16xi32>], vector<16xi32>,
      %add3A_654 = arith.constant 240 : i32
      %add3A_655 = vector.broadcast %add3A_654 : i32 to vector<16xi32>
      %add3A_656 = arith.addi %add3A_655, %iota3A : vector<16xi32>
      tpu.vector_store_idx %arg14[%add3A_656], %gather3A_653 : memref<320xi32, #tpu.memory_space<vmem>>[vector<16xi32>], vector<16xi32>,
      %and3A_657 = arith.constant 3 : i32
      %and3A_658 = vector.broadcast %and3A_657 : i32 to vector<16xi32>
      %and3A_659 = arith.andi %iota3A, %and3A_658 : vector<16xi32>
      %add3A_660 = arith.constant 16 : i32
      %add3A_661 = vector.broadcast %add3A_660 : i32 to vector<16xi32>
      %add3A_662 = arith.addi %add3A_661, %and3A_659 : vector<16xi32>
      %gather3A_663 = tpu.vector_load_idx %arg12[%broadcast_in_dim3A_652, %add3A_662] : memref<16x20xi32, #tpu.memory_space<vmem>>[vector<16xi32>, vector<16xi32>], vector<16xi32>,
      %add3A_664 = arith.constant 240 : i32
      %add3A_665 = vector.broadcast %add3A_664 : i32 to vector<16xi32>
      %add3A_666 = arith.addi %add3A_665, %add3A_662 : vector<16xi32>
      %lt3A_667 = arith.constant 4 : i32
      %lt3A_668 = vector.broadcast %lt3A_667 : i32 to vector<16xi32>
      %lt3A_669 = arith.cmpi slt, %iota3A, %lt3A_668 : vector<16xi32>
      tpu.vector_store_idx %arg14[%add3A_666], %gather3A_663 masked %lt3A_669 : memref<320xi32, #tpu.memory_space<vmem>>[vector<16xi32>], vector<16xi32>, vector<16xi1>
      %broadcast_in_dim3A_670 = arith.constant 13 : i32
      %broadcast_in_dim3A_671 = vector.broadcast %broadcast_in_dim3A_670 : i32 to vector<16xi32>
      %gather3A_672 = tpu.vector_load_idx %arg12[%broadcast_in_dim3A_671, %iota3A] : memref<16x20xi32, #tpu.memory_space<vmem>>[vector<16xi32>, vector<16xi32>], vector<16xi32>,
      %add3A_673 = arith.constant 260 : i32
      %add3A_674 = vector.broadcast %add3A_673 : i32 to vector<16xi32>
      %add3A_675 = arith.addi %add3A_674, %iota3A : vector<16xi32>
      tpu.vector_store_idx %arg14[%add3A_675], %gather3A_672 : memref<320xi32, #tpu.memory_space<vmem>>[vector<16xi32>], vector<16xi32>,
      %and3A_676 = arith.constant 3 : i32
      %and3A_677 = vector.broadcast %and3A_676 : i32 to vector<16xi32>
      %and3A_678 = arith.andi %iota3A, %and3A_677 : vector<16xi32>
      %add3A_679 = arith.constant 16 : i32
      %add3A_680 = vector.broadcast %add3A_679 : i32 to vector<16xi32>
      %add3A_681 = arith.addi %add3A_680, %and3A_678 : vector<16xi32>
      %gather3A_682 = tpu.vector_load_idx %arg12[%broadcast_in_dim3A_671, %add3A_681] : memref<16x20xi32, #tpu.memory_space<vmem>>[vector<16xi32>, vector<16xi32>], vector<16xi32>,
      %add3A_683 = arith.constant 260 : i32
      %add3A_684 = vector.broadcast %add3A_683 : i32 to vector<16xi32>
      %add3A_685 = arith.addi %add3A_684, %add3A_681 : vector<16xi32>
      %lt3A_686 = arith.constant 4 : i32
      %lt3A_687 = vector.broadcast %lt3A_686 : i32 to vector<16xi32>
      %lt3A_688 = arith.cmpi slt, %iota3A, %lt3A_687 : vector<16xi32>
      tpu.vector_store_idx %arg14[%add3A_685], %gather3A_682 masked %lt3A_688 : memref<320xi32, #tpu.memory_space<vmem>>[vector<16xi32>], vector<16xi32>, vector<16xi1>
      %broadcast_in_dim3A_689 = arith.constant 14 : i32
      %broadcast_in_dim3A_690 = vector.broadcast %broadcast_in_dim3A_689 : i32 to vector<16xi32>
      %gather3A_691 = tpu.vector_load_idx %arg12[%broadcast_in_dim3A_690, %iota3A] : memref<16x20xi32, #tpu.memory_space<vmem>>[vector<16xi32>, vector<16xi32>], vector<16xi32>,
      %add3A_692 = arith.constant 280 : i32
      %add3A_693 = vector.broadcast %add3A_692 : i32 to vector<16xi32>
      %add3A_694 = arith.addi %add3A_693, %iota3A : vector<16xi32>
      tpu.vector_store_idx %arg14[%add3A_694], %gather3A_691 : memref<320xi32, #tpu.memory_space<vmem>>[vector<16xi32>], vector<16xi32>,
      %and3A_695 = arith.constant 3 : i32
      %and3A_696 = vector.broadcast %and3A_695 : i32 to vector<16xi32>
      %and3A_697 = arith.andi %iota3A, %and3A_696 : vector<16xi32>
      %add3A_698 = arith.constant 16 : i32
      %add3A_699 = vector.broadcast %add3A_698 : i32 to vector<16xi32>
      %add3A_700 = arith.addi %add3A_699, %and3A_697 : vector<16xi32>
      %gather3A_701 = tpu.vector_load_idx %arg12[%broadcast_in_dim3A_690, %add3A_700] : memref<16x20xi32, #tpu.memory_space<vmem>>[vector<16xi32>, vector<16xi32>], vector<16xi32>,
      %add3A_702 = arith.constant 280 : i32
      %add3A_703 = vector.broadcast %add3A_702 : i32 to vector<16xi32>
      %add3A_704 = arith.addi %add3A_703, %add3A_700 : vector<16xi32>
      %lt3A_705 = arith.constant 4 : i32
      %lt3A_706 = vector.broadcast %lt3A_705 : i32 to vector<16xi32>
      %lt3A_707 = arith.cmpi slt, %iota3A, %lt3A_706 : vector<16xi32>
      tpu.vector_store_idx %arg14[%add3A_704], %gather3A_701 masked %lt3A_707 : memref<320xi32, #tpu.memory_space<vmem>>[vector<16xi32>], vector<16xi32>, vector<16xi1>
      %broadcast_in_dim3A_708 = arith.constant 15 : i32
      %broadcast_in_dim3A_709 = vector.broadcast %broadcast_in_dim3A_708 : i32 to vector<16xi32>
      %gather3A_710 = tpu.vector_load_idx %arg12[%broadcast_in_dim3A_709, %iota3A] : memref<16x20xi32, #tpu.memory_space<vmem>>[vector<16xi32>, vector<16xi32>], vector<16xi32>,
      %add3A_711 = arith.constant 300 : i32
      %add3A_712 = vector.broadcast %add3A_711 : i32 to vector<16xi32>
      %add3A_713 = arith.addi %add3A_712, %iota3A : vector<16xi32>
      tpu.vector_store_idx %arg14[%add3A_713], %gather3A_710 : memref<320xi32, #tpu.memory_space<vmem>>[vector<16xi32>], vector<16xi32>,
      %and3A_714 = arith.constant 3 : i32
      %and3A_715 = vector.broadcast %and3A_714 : i32 to vector<16xi32>
      %and3A_716 = arith.andi %iota3A, %and3A_715 : vector<16xi32>
      %add3A_717 = arith.constant 16 : i32
      %add3A_718 = vector.broadcast %add3A_717 : i32 to vector<16xi32>
      %add3A_719 = arith.addi %add3A_718, %and3A_716 : vector<16xi32>
      %gather3A_720 = tpu.vector_load_idx %arg12[%broadcast_in_dim3A_709, %add3A_719] : memref<16x20xi32, #tpu.memory_space<vmem>>[vector<16xi32>, vector<16xi32>], vector<16xi32>,
      %add3A_721 = arith.constant 300 : i32
      %add3A_722 = vector.broadcast %add3A_721 : i32 to vector<16xi32>
      %add3A_723 = arith.addi %add3A_722, %add3A_719 : vector<16xi32>
      %lt3A_724 = arith.constant 4 : i32
      %lt3A_725 = vector.broadcast %lt3A_724 : i32 to vector<16xi32>
      %lt3A_726 = arith.cmpi slt, %iota3A, %lt3A_725 : vector<16xi32>
      tpu.vector_store_idx %arg14[%add3A_723], %gather3A_720 masked %lt3A_726 : memref<320xi32, #tpu.memory_space<vmem>>[vector<16xi32>], vector<16xi32>, vector<16xi1>
      %dma_start3A_727 = tpu.memref_slice %arg9[%mul3A_415] : memref<512xi32, #tpu.memory_space<vmem>> -> memref<16xi32, #tpu.memory_space<vmem>>
      %dma_start3A_728 = arith.constant 0 : i32
      %dma_start3A_729 = arith.constant 0 : i32
      %dma_start3A_730 = tpu.memref_slice %arg5[%dma_start3A_728, %dma_start3A_729] : memref<100000x128xf32, #tpu.memory_space<hbm>> -> memref<100000x128xf32, #tpu.memory_space<hbm>>
      tpu.enqueue_indirect_dma source(%dma_start3A_730 : memref<100000x128xf32, #tpu.memory_space<hbm>>) target(%arg16 : memref<16x128xf32, #tpu.memory_space<vmem>>) offsets(%dma_start3A_727 : memref<16xi32, #tpu.memory_space<vmem>>) semaphore(%arg26 : memref<!tpu.dma_semaphore, #tpu.memory_space<semaphore_mem>>)
      %dma_start3A_731 = tpu.memref_slice %arg10[%mul3A_415] : memref<512xi32, #tpu.memory_space<vmem>> -> memref<16xi32, #tpu.memory_space<vmem>>
      %dma_start3A_732 = arith.constant 0 : i32
      %dma_start3A_733 = arith.constant 0 : i32
      %dma_start3A_734 = tpu.memref_slice %arg6[%dma_start3A_732, %dma_start3A_733] : memref<100000x128xf32, #tpu.memory_space<hbm>> -> memref<100000x128xf32, #tpu.memory_space<hbm>>
      tpu.enqueue_indirect_dma source(%dma_start3A_734 : memref<100000x128xf32, #tpu.memory_space<hbm>>) target(%arg18 : memref<16x128xf32, #tpu.memory_space<vmem>>) offsets(%dma_start3A_731 : memref<16xi32, #tpu.memory_space<vmem>>) semaphore(%arg26 : memref<!tpu.dma_semaphore, #tpu.memory_space<semaphore_mem>>)
      %dma_start3A_735 = arith.constant 0 : i32
      %dma_start3A_736 = arith.constant 0 : i32
      %dma_start3A_737 = tpu.memref_slice %arg20[%dma_start3A_735, %dma_start3A_736] : memref<320x128xf32, #tpu.memory_space<vmem>> -> memref<80x128xf32, #tpu.memory_space<vmem>>
      %dma_start3A_738 = arith.constant 0 : i32
      %dma_start3A_739 = tpu.memref_slice %arg14[%dma_start3A_738] : memref<320xi32, #tpu.memory_space<vmem>> -> memref<80xi32, #tpu.memory_space<vmem>>
      %dma_start3A_740 = arith.constant 0 : i32
      %dma_start3A_741 = arith.constant 0 : i32
      %dma_start3A_742 = tpu.memref_slice %arg6[%dma_start3A_740, %dma_start3A_741] : memref<100000x128xf32, #tpu.memory_space<hbm>> -> memref<100000x128xf32, #tpu.memory_space<hbm>>
      tpu.enqueue_indirect_dma source(%dma_start3A_742 : memref<100000x128xf32, #tpu.memory_space<hbm>>) target(%dma_start3A_737 : memref<80x128xf32, #tpu.memory_space<vmem>>) offsets(%dma_start3A_739 : memref<80xi32, #tpu.memory_space<vmem>>) semaphore(%arg26 : memref<!tpu.dma_semaphore, #tpu.memory_space<semaphore_mem>>)
      %dma_start3A_743 = arith.constant 80 : i32
      %dma_start3A_744 = arith.constant 0 : i32
      %dma_start3A_745 = tpu.memref_slice %arg20[%dma_start3A_743, %dma_start3A_744] : memref<320x128xf32, #tpu.memory_space<vmem>> -> memref<80x128xf32, #tpu.memory_space<vmem>>
      %dma_start3A_746 = arith.constant 80 : i32
      %dma_start3A_747 = tpu.memref_slice %arg14[%dma_start3A_746] : memref<320xi32, #tpu.memory_space<vmem>> -> memref<80xi32, #tpu.memory_space<vmem>>
      %dma_start3A_748 = arith.constant 0 : i32
      %dma_start3A_749 = arith.constant 0 : i32
      %dma_start3A_750 = tpu.memref_slice %arg6[%dma_start3A_748, %dma_start3A_749] : memref<100000x128xf32, #tpu.memory_space<hbm>> -> memref<100000x128xf32, #tpu.memory_space<hbm>>
      tpu.enqueue_indirect_dma source(%dma_start3A_750 : memref<100000x128xf32, #tpu.memory_space<hbm>>) target(%dma_start3A_745 : memref<80x128xf32, #tpu.memory_space<vmem>>) offsets(%dma_start3A_747 : memref<80xi32, #tpu.memory_space<vmem>>) semaphore(%arg26 : memref<!tpu.dma_semaphore, #tpu.memory_space<semaphore_mem>>)
      %dma_start3A_751 = arith.constant 160 : i32
      %dma_start3A_752 = arith.constant 0 : i32
      %dma_start3A_753 = tpu.memref_slice %arg20[%dma_start3A_751, %dma_start3A_752] : memref<320x128xf32, #tpu.memory_space<vmem>> -> memref<80x128xf32, #tpu.memory_space<vmem>>
      %dma_start3A_754 = arith.constant 160 : i32
      %dma_start3A_755 = tpu.memref_slice %arg14[%dma_start3A_754] : memref<320xi32, #tpu.memory_space<vmem>> -> memref<80xi32, #tpu.memory_space<vmem>>
      %dma_start3A_756 = arith.constant 0 : i32
      %dma_start3A_757 = arith.constant 0 : i32
      %dma_start3A_758 = tpu.memref_slice %arg6[%dma_start3A_756, %dma_start3A_757] : memref<100000x128xf32, #tpu.memory_space<hbm>> -> memref<100000x128xf32, #tpu.memory_space<hbm>>
      tpu.enqueue_indirect_dma source(%dma_start3A_758 : memref<100000x128xf32, #tpu.memory_space<hbm>>) target(%dma_start3A_753 : memref<80x128xf32, #tpu.memory_space<vmem>>) offsets(%dma_start3A_755 : memref<80xi32, #tpu.memory_space<vmem>>) semaphore(%arg26 : memref<!tpu.dma_semaphore, #tpu.memory_space<semaphore_mem>>)
      %dma_start3A_759 = arith.constant 240 : i32
      %dma_start3A_760 = arith.constant 0 : i32
      %dma_start3A_761 = tpu.memref_slice %arg20[%dma_start3A_759, %dma_start3A_760] : memref<320x128xf32, #tpu.memory_space<vmem>> -> memref<80x128xf32, #tpu.memory_space<vmem>>
      %dma_start3A_762 = arith.constant 240 : i32
      %dma_start3A_763 = tpu.memref_slice %arg14[%dma_start3A_762] : memref<320xi32, #tpu.memory_space<vmem>> -> memref<80xi32, #tpu.memory_space<vmem>>
      %dma_start3A_764 = arith.constant 0 : i32
      %dma_start3A_765 = arith.constant 0 : i32
      %dma_start3A_766 = tpu.memref_slice %arg6[%dma_start3A_764, %dma_start3A_765] : memref<100000x128xf32, #tpu.memory_space<hbm>> -> memref<100000x128xf32, #tpu.memory_space<hbm>>
      tpu.enqueue_indirect_dma source(%dma_start3A_766 : memref<100000x128xf32, #tpu.memory_space<hbm>>) target(%dma_start3A_761 : memref<80x128xf32, #tpu.memory_space<vmem>>) offsets(%dma_start3A_763 : memref<80xi32, #tpu.memory_space<vmem>>) semaphore(%arg26 : memref<!tpu.dma_semaphore, #tpu.memory_space<semaphore_mem>>)
      %add3A_767 = arith.constant 2 : i32
      %add3A_768 = arith.addi %mul3A_393, %add3A_767 : i32
      %lt3A_769 = arith.constant 32 : i32
      %lt3A_770 = arith.cmpi slt, %add3A_768, %lt3A_769 : i32
      %convert_element_type3A = arith.extui %lt3A_770 : i1 to i32
      %cond3A = arith.constant 0 : i32
      %cond3A_771 = arith.cmpi ne, %convert_element_type3A, %cond3A : i32
      scf.if %cond3A_771 {
        %add3A_845 = arith.constant 2 : i32
        %add3A_846 = arith.addi %mul3A_393, %add3A_845 : i32
        %mul3A_847 = arith.constant 16 : i32
        %mul3A_848 = arith.muli %add3A_846, %mul3A_847 : i32
        %add3A_849 = arith.addi %mul3A_2, %mul3A_848 : i32
        %dma_start3A_850 = arith.constant 0 : i32
        %dma_start3A_851 = tpu.memref_slice %arg4[%add3A_849, %dma_start3A_850] : memref<16384x20xi32, #tpu.memory_space<hbm>> -> memref<16x20xi32, #tpu.memory_space<hbm>>
        %dma_start3A_852 = arith.constant 0 : i32
        %dma_start3A_853 = tpu.memref_slice %arg4[%add3A_849, %dma_start3A_852] : memref<16384x20xi32, #tpu.memory_space<hbm>> -> memref<16x20xi32, #tpu.memory_space<hbm>>
        tpu.enqueue_dma source(%dma_start3A_853 : memref<16x20xi32, #tpu.memory_space<hbm>>) target(%arg11 : memref<16x20xi32, #tpu.memory_space<vmem>>) target_semaphore(%arg29 : memref<!tpu.dma_semaphore, #tpu.memory_space<semaphore_mem>>)
      } else {
      }
      %ge3A = arith.constant 2 : i32
      %ge3A_772 = arith.cmpi sge, %mul3A_393, %ge3A : i32
      %convert_element_type3A_773 = arith.extui %ge3A_772 : i1 to i32
      %cond3A_774 = arith.constant 0 : i32
      %cond3A_775 = arith.cmpi ne, %convert_element_type3A_773, %cond3A_774 : i32
      scf.if %cond3A_775 {
        %dma_wait3A_845 = arith.constant 0 : i32
        %dma_wait3A_846 = tpu.memref_slice %arg7[%dma_wait3A_845] : memref<16384xf32, #tpu.memory_space<hbm>> -> memref<16xf32, #tpu.memory_space<hbm>>
        %dma_wait3A_847 = arith.constant 0 : i32
        %dma_wait3A_848 = tpu.memref_slice %arg7[%dma_wait3A_847] : memref<16384xf32, #tpu.memory_space<hbm>> -> memref<16xf32, #tpu.memory_space<hbm>>
        tpu.wait_dma2 semaphore(%arg27 : memref<!tpu.dma_semaphore, #tpu.memory_space<semaphore_mem>>) src(%arg21 : memref<16xf32, #tpu.memory_space<vmem>>) dst(%dma_wait3A_848 : memref<16xf32, #tpu.memory_space<hbm>>)
        %dma_wait3A_849 = arith.constant 0 : i32
        %dma_wait3A_850 = arith.constant 0 : i32
        %dma_wait3A_851 = tpu.memref_slice %arg8[%dma_wait3A_849, %dma_wait3A_850] : memref<16384x20xf32, #tpu.memory_space<hbm>> -> memref<16x20xf32, #tpu.memory_space<hbm>>
        %dma_wait3A_852 = arith.constant 0 : i32
        %dma_wait3A_853 = arith.constant 0 : i32
        %dma_wait3A_854 = tpu.memref_slice %arg8[%dma_wait3A_852, %dma_wait3A_853] : memref<16384x20xf32, #tpu.memory_space<hbm>> -> memref<16x20xf32, #tpu.memory_space<hbm>>
        tpu.wait_dma2 semaphore(%arg27 : memref<!tpu.dma_semaphore, #tpu.memory_space<semaphore_mem>>) src(%arg23 : memref<16x20xf32, #tpu.memory_space<vmem>>) dst(%dma_wait3A_854 : memref<16x20xf32, #tpu.memory_space<hbm>>)
      } else {
      }
      %scan3A_776 = arith.constant 0 : i32
      %scan3A_777 = arith.constant 0 : i32
      %scan3A_778 = arith.constant 16 : i32
      %scan3A_779 = arith.addi %scan3A_777, %scan3A_778 : i32
      %scan3A_780 = arith.constant 1 : i32
      scf.for %scan3A_845 = %scan3A_777 to %scan3A_779 step %scan3A_780  : i32 {
        %get3A = arith.index_cast %scan3A_845 : i32 to index
        %get3A_846 = arith.constant 0 : index
        %get3A_847 = tpu.vector_load %arg15[%get3A, %get3A_846] {strides = array<i32>} : memref<16x128xf32, #tpu.memory_space<vmem>>, vector<16xf32>,
        %get3A_848 = arith.index_cast %scan3A_845 : i32 to index
        %get3A_849 = arith.constant 16 : index
        %get3A_850 = tpu.vector_load %arg15[%get3A_848, %get3A_849] {strides = array<i32>} : memref<16x128xf32, #tpu.memory_space<vmem>>, vector<16xf32>,
        %get3A_851 = arith.index_cast %scan3A_845 : i32 to index
        %get3A_852 = arith.constant 32 : index
        %get3A_853 = tpu.vector_load %arg15[%get3A_851, %get3A_852] {strides = array<i32>} : memref<16x128xf32, #tpu.memory_space<vmem>>, vector<16xf32>,
        %get3A_854 = arith.index_cast %scan3A_845 : i32 to index
        %get3A_855 = arith.constant 48 : index
        %get3A_856 = tpu.vector_load %arg15[%get3A_854, %get3A_855] {strides = array<i32>} : memref<16x128xf32, #tpu.memory_space<vmem>>, vector<16xf32>,
        %get3A_857 = arith.index_cast %scan3A_845 : i32 to index
        %get3A_858 = arith.constant 64 : index
        %get3A_859 = tpu.vector_load %arg15[%get3A_857, %get3A_858] {strides = array<i32>} : memref<16x128xf32, #tpu.memory_space<vmem>>, vector<16xf32>,
        %get3A_860 = arith.index_cast %scan3A_845 : i32 to index
        %get3A_861 = arith.constant 80 : index
        %get3A_862 = tpu.vector_load %arg15[%get3A_860, %get3A_861] {strides = array<i32>} : memref<16x128xf32, #tpu.memory_space<vmem>>, vector<16xf32>,
        %get3A_863 = arith.index_cast %scan3A_845 : i32 to index
        %get3A_864 = arith.constant 96 : index
        %get3A_865 = tpu.vector_load %arg15[%get3A_863, %get3A_864] {strides = array<i32>} : memref<16x128xf32, #tpu.memory_space<vmem>>, vector<16xf32>,
        %get3A_866 = arith.index_cast %scan3A_845 : i32 to index
        %get3A_867 = arith.constant 112 : index
        %get3A_868 = tpu.vector_load %arg15[%get3A_866, %get3A_867] {strides = array<i32>} : memref<16x128xf32, #tpu.memory_space<vmem>>, vector<16xf32>,
        %get3A_869 = arith.index_cast %scan3A_845 : i32 to index
        %get3A_870 = arith.constant 0 : index
        %get3A_871 = tpu.vector_load %arg17[%get3A_869, %get3A_870] {strides = array<i32>} : memref<16x128xf32, #tpu.memory_space<vmem>>, vector<16xf32>,
        %mul3A_872 = arith.mulf %get3A_847, %get3A_871 : vector<16xf32>
        %get3A_873 = arith.index_cast %scan3A_845 : i32 to index
        %get3A_874 = arith.constant 16 : index
        %get3A_875 = tpu.vector_load %arg17[%get3A_873, %get3A_874] {strides = array<i32>} : memref<16x128xf32, #tpu.memory_space<vmem>>, vector<16xf32>,
        %mul3A_876 = arith.mulf %get3A_850, %get3A_875 : vector<16xf32>
        %add3A_877 = arith.addf %mul3A_872, %mul3A_876 : vector<16xf32>
        %get3A_878 = arith.index_cast %scan3A_845 : i32 to index
        %get3A_879 = arith.constant 32 : index
        %get3A_880 = tpu.vector_load %arg17[%get3A_878, %get3A_879] {strides = array<i32>} : memref<16x128xf32, #tpu.memory_space<vmem>>, vector<16xf32>,
        %mul3A_881 = arith.mulf %get3A_853, %get3A_880 : vector<16xf32>
        %add3A_882 = arith.addf %add3A_877, %mul3A_881 : vector<16xf32>
        %get3A_883 = arith.index_cast %scan3A_845 : i32 to index
        %get3A_884 = arith.constant 48 : index
        %get3A_885 = tpu.vector_load %arg17[%get3A_883, %get3A_884] {strides = array<i32>} : memref<16x128xf32, #tpu.memory_space<vmem>>, vector<16xf32>,
        %mul3A_886 = arith.mulf %get3A_856, %get3A_885 : vector<16xf32>
        %add3A_887 = arith.addf %add3A_882, %mul3A_886 : vector<16xf32>
        %get3A_888 = arith.index_cast %scan3A_845 : i32 to index
        %get3A_889 = arith.constant 64 : index
        %get3A_890 = tpu.vector_load %arg17[%get3A_888, %get3A_889] {strides = array<i32>} : memref<16x128xf32, #tpu.memory_space<vmem>>, vector<16xf32>,
        %mul3A_891 = arith.mulf %get3A_859, %get3A_890 : vector<16xf32>
        %add3A_892 = arith.addf %add3A_887, %mul3A_891 : vector<16xf32>
        %get3A_893 = arith.index_cast %scan3A_845 : i32 to index
        %get3A_894 = arith.constant 80 : index
        %get3A_895 = tpu.vector_load %arg17[%get3A_893, %get3A_894] {strides = array<i32>} : memref<16x128xf32, #tpu.memory_space<vmem>>, vector<16xf32>,
        %mul3A_896 = arith.mulf %get3A_862, %get3A_895 : vector<16xf32>
        %add3A_897 = arith.addf %add3A_892, %mul3A_896 : vector<16xf32>
        %get3A_898 = arith.index_cast %scan3A_845 : i32 to index
        %get3A_899 = arith.constant 96 : index
        %get3A_900 = tpu.vector_load %arg17[%get3A_898, %get3A_899] {strides = array<i32>} : memref<16x128xf32, #tpu.memory_space<vmem>>, vector<16xf32>,
        %mul3A_901 = arith.mulf %get3A_865, %get3A_900 : vector<16xf32>
        %add3A_902 = arith.addf %add3A_897, %mul3A_901 : vector<16xf32>
        %get3A_903 = arith.index_cast %scan3A_845 : i32 to index
        %get3A_904 = arith.constant 112 : index
        %get3A_905 = tpu.vector_load %arg17[%get3A_903, %get3A_904] {strides = array<i32>} : memref<16x128xf32, #tpu.memory_space<vmem>>, vector<16xf32>,
        %mul3A_906 = arith.mulf %get3A_868, %get3A_905 : vector<16xf32>
        %add3A_907 = arith.addf %add3A_902, %mul3A_906 : vector<16xf32>
        %broadcast_in_dim3A_908 = vector.broadcast %scan3A_845 : i32 to vector<16xi32>
        %broadcast_in_dim3A_909 = arith.constant true
        %broadcast_in_dim3A_910 = vector.broadcast %broadcast_in_dim3A_909 : i1 to vector<16xi1>
        %masked_cumsum3A = tpu.scan <sum>, %add3A_907 masked %broadcast_in_dim3A_910 : vector<16xf32>, vector<16xi1> -> vector<16xf32>
        tpu.vector_store_idx %arg21[%broadcast_in_dim3A_908], %masked_cumsum3A masked %eq3A_5 : memref<16xf32, #tpu.memory_space<vmem>>[vector<16xi32>], vector<16xf32>, vector<16xi1>
        %mul3A_911 = arith.constant 20 : i32
        %mul3A_912 = arith.muli %scan3A_845, %mul3A_911 : i32
        %add3A_913 = arith.constant 0 : i32
        %add3A_914 = arith.addi %mul3A_912, %add3A_913 : i32
        %get3A_915 = arith.index_cast %add3A_914 : i32 to index
        %get3A_916 = arith.constant 0 : index
        %get3A_917 = tpu.vector_load %arg19[%get3A_915, %get3A_916] {strides = array<i32>} : memref<320x128xf32, #tpu.memory_space<vmem>>, vector<16xf32>,
        %mul3A_918 = arith.mulf %get3A_847, %get3A_917 : vector<16xf32>
        %mul3A_919 = arith.constant 20 : i32
        %mul3A_920 = arith.muli %scan3A_845, %mul3A_919 : i32
        %add3A_921 = arith.constant 1 : i32
        %add3A_922 = arith.addi %mul3A_920, %add3A_921 : i32
        %get3A_923 = arith.index_cast %add3A_922 : i32 to index
        %get3A_924 = arith.constant 0 : index
        %get3A_925 = tpu.vector_load %arg19[%get3A_923, %get3A_924] {strides = array<i32>} : memref<320x128xf32, #tpu.memory_space<vmem>>, vector<16xf32>,
        %mul3A_926 = arith.mulf %get3A_847, %get3A_925 : vector<16xf32>
        %mul3A_927 = arith.constant 20 : i32
        %mul3A_928 = arith.muli %scan3A_845, %mul3A_927 : i32
        %add3A_929 = arith.constant 2 : i32
        %add3A_930 = arith.addi %mul3A_928, %add3A_929 : i32
        %get3A_931 = arith.index_cast %add3A_930 : i32 to index
        %get3A_932 = arith.constant 0 : index
        %get3A_933 = tpu.vector_load %arg19[%get3A_931, %get3A_932] {strides = array<i32>} : memref<320x128xf32, #tpu.memory_space<vmem>>, vector<16xf32>,
        %mul3A_934 = arith.mulf %get3A_847, %get3A_933 : vector<16xf32>
        %mul3A_935 = arith.constant 20 : i32
        %mul3A_936 = arith.muli %scan3A_845, %mul3A_935 : i32
        %add3A_937 = arith.constant 3 : i32
        %add3A_938 = arith.addi %mul3A_936, %add3A_937 : i32
        %get3A_939 = arith.index_cast %add3A_938 : i32 to index
        %get3A_940 = arith.constant 0 : index
        %get3A_941 = tpu.vector_load %arg19[%get3A_939, %get3A_940] {strides = array<i32>} : memref<320x128xf32, #tpu.memory_space<vmem>>, vector<16xf32>,
        %mul3A_942 = arith.mulf %get3A_847, %get3A_941 : vector<16xf32>
        %mul3A_943 = arith.constant 20 : i32
        %mul3A_944 = arith.muli %scan3A_845, %mul3A_943 : i32
        %add3A_945 = arith.constant 4 : i32
        %add3A_946 = arith.addi %mul3A_944, %add3A_945 : i32
        %get3A_947 = arith.index_cast %add3A_946 : i32 to index
        %get3A_948 = arith.constant 0 : index
        %get3A_949 = tpu.vector_load %arg19[%get3A_947, %get3A_948] {strides = array<i32>} : memref<320x128xf32, #tpu.memory_space<vmem>>, vector<16xf32>,
        %mul3A_950 = arith.mulf %get3A_847, %get3A_949 : vector<16xf32>
        %mul3A_951 = arith.constant 20 : i32
        %mul3A_952 = arith.muli %scan3A_845, %mul3A_951 : i32
        %add3A_953 = arith.constant 5 : i32
        %add3A_954 = arith.addi %mul3A_952, %add3A_953 : i32
        %get3A_955 = arith.index_cast %add3A_954 : i32 to index
        %get3A_956 = arith.constant 0 : index
        %get3A_957 = tpu.vector_load %arg19[%get3A_955, %get3A_956] {strides = array<i32>} : memref<320x128xf32, #tpu.memory_space<vmem>>, vector<16xf32>,
        %mul3A_958 = arith.mulf %get3A_847, %get3A_957 : vector<16xf32>
        %mul3A_959 = arith.constant 20 : i32
        %mul3A_960 = arith.muli %scan3A_845, %mul3A_959 : i32
        %add3A_961 = arith.constant 6 : i32
        %add3A_962 = arith.addi %mul3A_960, %add3A_961 : i32
        %get3A_963 = arith.index_cast %add3A_962 : i32 to index
        %get3A_964 = arith.constant 0 : index
        %get3A_965 = tpu.vector_load %arg19[%get3A_963, %get3A_964] {strides = array<i32>} : memref<320x128xf32, #tpu.memory_space<vmem>>, vector<16xf32>,
        %mul3A_966 = arith.mulf %get3A_847, %get3A_965 : vector<16xf32>
        %mul3A_967 = arith.constant 20 : i32
        %mul3A_968 = arith.muli %scan3A_845, %mul3A_967 : i32
        %add3A_969 = arith.constant 7 : i32
        %add3A_970 = arith.addi %mul3A_968, %add3A_969 : i32
        %get3A_971 = arith.index_cast %add3A_970 : i32 to index
        %get3A_972 = arith.constant 0 : index
        %get3A_973 = tpu.vector_load %arg19[%get3A_971, %get3A_972] {strides = array<i32>} : memref<320x128xf32, #tpu.memory_space<vmem>>, vector<16xf32>,
        %mul3A_974 = arith.mulf %get3A_847, %get3A_973 : vector<16xf32>
        %mul3A_975 = arith.constant 20 : i32
        %mul3A_976 = arith.muli %scan3A_845, %mul3A_975 : i32
        %add3A_977 = arith.constant 8 : i32
        %add3A_978 = arith.addi %mul3A_976, %add3A_977 : i32
        %get3A_979 = arith.index_cast %add3A_978 : i32 to index
        %get3A_980 = arith.constant 0 : index
        %get3A_981 = tpu.vector_load %arg19[%get3A_979, %get3A_980] {strides = array<i32>} : memref<320x128xf32, #tpu.memory_space<vmem>>, vector<16xf32>,
        %mul3A_982 = arith.mulf %get3A_847, %get3A_981 : vector<16xf32>
        %mul3A_983 = arith.constant 20 : i32
        %mul3A_984 = arith.muli %scan3A_845, %mul3A_983 : i32
        %add3A_985 = arith.constant 9 : i32
        %add3A_986 = arith.addi %mul3A_984, %add3A_985 : i32
        %get3A_987 = arith.index_cast %add3A_986 : i32 to index
        %get3A_988 = arith.constant 0 : index
        %get3A_989 = tpu.vector_load %arg19[%get3A_987, %get3A_988] {strides = array<i32>} : memref<320x128xf32, #tpu.memory_space<vmem>>, vector<16xf32>,
        %mul3A_990 = arith.mulf %get3A_847, %get3A_989 : vector<16xf32>
        %mul3A_991 = arith.constant 20 : i32
        %mul3A_992 = arith.muli %scan3A_845, %mul3A_991 : i32
        %add3A_993 = arith.constant 0 : i32
        %add3A_994 = arith.addi %mul3A_992, %add3A_993 : i32
        %get3A_995 = arith.index_cast %add3A_994 : i32 to index
        %get3A_996 = arith.constant 16 : index
        %get3A_997 = tpu.vector_load %arg19[%get3A_995, %get3A_996] {strides = array<i32>} : memref<320x128xf32, #tpu.memory_space<vmem>>, vector<16xf32>,
        %mul3A_998 = arith.mulf %get3A_850, %get3A_997 : vector<16xf32>
        %add3A_999 = arith.addf %mul3A_918, %mul3A_998 : vector<16xf32>
        %mul3A_1000 = arith.constant 20 : i32
        %mul3A_1001 = arith.muli %scan3A_845, %mul3A_1000 : i32
        %add3A_1002 = arith.constant 1 : i32
        %add3A_1003 = arith.addi %mul3A_1001, %add3A_1002 : i32
        %get3A_1004 = arith.index_cast %add3A_1003 : i32 to index
        %get3A_1005 = arith.constant 16 : index
        %get3A_1006 = tpu.vector_load %arg19[%get3A_1004, %get3A_1005] {strides = array<i32>} : memref<320x128xf32, #tpu.memory_space<vmem>>, vector<16xf32>,
        %mul3A_1007 = arith.mulf %get3A_850, %get3A_1006 : vector<16xf32>
        %add3A_1008 = arith.addf %mul3A_926, %mul3A_1007 : vector<16xf32>
        %mul3A_1009 = arith.constant 20 : i32
        %mul3A_1010 = arith.muli %scan3A_845, %mul3A_1009 : i32
        %add3A_1011 = arith.constant 2 : i32
        %add3A_1012 = arith.addi %mul3A_1010, %add3A_1011 : i32
        %get3A_1013 = arith.index_cast %add3A_1012 : i32 to index
        %get3A_1014 = arith.constant 16 : index
        %get3A_1015 = tpu.vector_load %arg19[%get3A_1013, %get3A_1014] {strides = array<i32>} : memref<320x128xf32, #tpu.memory_space<vmem>>, vector<16xf32>,
        %mul3A_1016 = arith.mulf %get3A_850, %get3A_1015 : vector<16xf32>
        %add3A_1017 = arith.addf %mul3A_934, %mul3A_1016 : vector<16xf32>
        %mul3A_1018 = arith.constant 20 : i32
        %mul3A_1019 = arith.muli %scan3A_845, %mul3A_1018 : i32
        %add3A_1020 = arith.constant 3 : i32
        %add3A_1021 = arith.addi %mul3A_1019, %add3A_1020 : i32
        %get3A_1022 = arith.index_cast %add3A_1021 : i32 to index
        %get3A_1023 = arith.constant 16 : index
        %get3A_1024 = tpu.vector_load %arg19[%get3A_1022, %get3A_1023] {strides = array<i32>} : memref<320x128xf32, #tpu.memory_space<vmem>>, vector<16xf32>,
        %mul3A_1025 = arith.mulf %get3A_850, %get3A_1024 : vector<16xf32>
        %add3A_1026 = arith.addf %mul3A_942, %mul3A_1025 : vector<16xf32>
        %mul3A_1027 = arith.constant 20 : i32
        %mul3A_1028 = arith.muli %scan3A_845, %mul3A_1027 : i32
        %add3A_1029 = arith.constant 4 : i32
        %add3A_1030 = arith.addi %mul3A_1028, %add3A_1029 : i32
        %get3A_1031 = arith.index_cast %add3A_1030 : i32 to index
        %get3A_1032 = arith.constant 16 : index
        %get3A_1033 = tpu.vector_load %arg19[%get3A_1031, %get3A_1032] {strides = array<i32>} : memref<320x128xf32, #tpu.memory_space<vmem>>, vector<16xf32>,
        %mul3A_1034 = arith.mulf %get3A_850, %get3A_1033 : vector<16xf32>
        %add3A_1035 = arith.addf %mul3A_950, %mul3A_1034 : vector<16xf32>
        %mul3A_1036 = arith.constant 20 : i32
        %mul3A_1037 = arith.muli %scan3A_845, %mul3A_1036 : i32
        %add3A_1038 = arith.constant 5 : i32
        %add3A_1039 = arith.addi %mul3A_1037, %add3A_1038 : i32
        %get3A_1040 = arith.index_cast %add3A_1039 : i32 to index
        %get3A_1041 = arith.constant 16 : index
        %get3A_1042 = tpu.vector_load %arg19[%get3A_1040, %get3A_1041] {strides = array<i32>} : memref<320x128xf32, #tpu.memory_space<vmem>>, vector<16xf32>,
        %mul3A_1043 = arith.mulf %get3A_850, %get3A_1042 : vector<16xf32>
        %add3A_1044 = arith.addf %mul3A_958, %mul3A_1043 : vector<16xf32>
        %mul3A_1045 = arith.constant 20 : i32
        %mul3A_1046 = arith.muli %scan3A_845, %mul3A_1045 : i32
        %add3A_1047 = arith.constant 6 : i32
        %add3A_1048 = arith.addi %mul3A_1046, %add3A_1047 : i32
        %get3A_1049 = arith.index_cast %add3A_1048 : i32 to index
        %get3A_1050 = arith.constant 16 : index
        %get3A_1051 = tpu.vector_load %arg19[%get3A_1049, %get3A_1050] {strides = array<i32>} : memref<320x128xf32, #tpu.memory_space<vmem>>, vector<16xf32>,
        %mul3A_1052 = arith.mulf %get3A_850, %get3A_1051 : vector<16xf32>
        %add3A_1053 = arith.addf %mul3A_966, %mul3A_1052 : vector<16xf32>
        %mul3A_1054 = arith.constant 20 : i32
        %mul3A_1055 = arith.muli %scan3A_845, %mul3A_1054 : i32
        %add3A_1056 = arith.constant 7 : i32
        %add3A_1057 = arith.addi %mul3A_1055, %add3A_1056 : i32
        %get3A_1058 = arith.index_cast %add3A_1057 : i32 to index
        %get3A_1059 = arith.constant 16 : index
        %get3A_1060 = tpu.vector_load %arg19[%get3A_1058, %get3A_1059] {strides = array<i32>} : memref<320x128xf32, #tpu.memory_space<vmem>>, vector<16xf32>,
        %mul3A_1061 = arith.mulf %get3A_850, %get3A_1060 : vector<16xf32>
        %add3A_1062 = arith.addf %mul3A_974, %mul3A_1061 : vector<16xf32>
        %mul3A_1063 = arith.constant 20 : i32
        %mul3A_1064 = arith.muli %scan3A_845, %mul3A_1063 : i32
        %add3A_1065 = arith.constant 8 : i32
        %add3A_1066 = arith.addi %mul3A_1064, %add3A_1065 : i32
        %get3A_1067 = arith.index_cast %add3A_1066 : i32 to index
        %get3A_1068 = arith.constant 16 : index
        %get3A_1069 = tpu.vector_load %arg19[%get3A_1067, %get3A_1068] {strides = array<i32>} : memref<320x128xf32, #tpu.memory_space<vmem>>, vector<16xf32>,
        %mul3A_1070 = arith.mulf %get3A_850, %get3A_1069 : vector<16xf32>
        %add3A_1071 = arith.addf %mul3A_982, %mul3A_1070 : vector<16xf32>
        %mul3A_1072 = arith.constant 20 : i32
        %mul3A_1073 = arith.muli %scan3A_845, %mul3A_1072 : i32
        %add3A_1074 = arith.constant 9 : i32
        %add3A_1075 = arith.addi %mul3A_1073, %add3A_1074 : i32
        %get3A_1076 = arith.index_cast %add3A_1075 : i32 to index
        %get3A_1077 = arith.constant 16 : index
        %get3A_1078 = tpu.vector_load %arg19[%get3A_1076, %get3A_1077] {strides = array<i32>} : memref<320x128xf32, #tpu.memory_space<vmem>>, vector<16xf32>,
        %mul3A_1079 = arith.mulf %get3A_850, %get3A_1078 : vector<16xf32>
        %add3A_1080 = arith.addf %mul3A_990, %mul3A_1079 : vector<16xf32>
        %mul3A_1081 = arith.constant 20 : i32
        %mul3A_1082 = arith.muli %scan3A_845, %mul3A_1081 : i32
        %add3A_1083 = arith.constant 0 : i32
        %add3A_1084 = arith.addi %mul3A_1082, %add3A_1083 : i32
        %get3A_1085 = arith.index_cast %add3A_1084 : i32 to index
        %get3A_1086 = arith.constant 32 : index
        %get3A_1087 = tpu.vector_load %arg19[%get3A_1085, %get3A_1086] {strides = array<i32>} : memref<320x128xf32, #tpu.memory_space<vmem>>, vector<16xf32>,
        %mul3A_1088 = arith.mulf %get3A_853, %get3A_1087 : vector<16xf32>
        %add3A_1089 = arith.addf %add3A_999, %mul3A_1088 : vector<16xf32>
        %mul3A_1090 = arith.constant 20 : i32
        %mul3A_1091 = arith.muli %scan3A_845, %mul3A_1090 : i32
        %add3A_1092 = arith.constant 1 : i32
        %add3A_1093 = arith.addi %mul3A_1091, %add3A_1092 : i32
        %get3A_1094 = arith.index_cast %add3A_1093 : i32 to index
        %get3A_1095 = arith.constant 32 : index
        %get3A_1096 = tpu.vector_load %arg19[%get3A_1094, %get3A_1095] {strides = array<i32>} : memref<320x128xf32, #tpu.memory_space<vmem>>, vector<16xf32>,
        %mul3A_1097 = arith.mulf %get3A_853, %get3A_1096 : vector<16xf32>
        %add3A_1098 = arith.addf %add3A_1008, %mul3A_1097 : vector<16xf32>
        %mul3A_1099 = arith.constant 20 : i32
        %mul3A_1100 = arith.muli %scan3A_845, %mul3A_1099 : i32
        %add3A_1101 = arith.constant 2 : i32
        %add3A_1102 = arith.addi %mul3A_1100, %add3A_1101 : i32
        %get3A_1103 = arith.index_cast %add3A_1102 : i32 to index
        %get3A_1104 = arith.constant 32 : index
        %get3A_1105 = tpu.vector_load %arg19[%get3A_1103, %get3A_1104] {strides = array<i32>} : memref<320x128xf32, #tpu.memory_space<vmem>>, vector<16xf32>,
        %mul3A_1106 = arith.mulf %get3A_853, %get3A_1105 : vector<16xf32>
        %add3A_1107 = arith.addf %add3A_1017, %mul3A_1106 : vector<16xf32>
        %mul3A_1108 = arith.constant 20 : i32
        %mul3A_1109 = arith.muli %scan3A_845, %mul3A_1108 : i32
        %add3A_1110 = arith.constant 3 : i32
        %add3A_1111 = arith.addi %mul3A_1109, %add3A_1110 : i32
        %get3A_1112 = arith.index_cast %add3A_1111 : i32 to index
        %get3A_1113 = arith.constant 32 : index
        %get3A_1114 = tpu.vector_load %arg19[%get3A_1112, %get3A_1113] {strides = array<i32>} : memref<320x128xf32, #tpu.memory_space<vmem>>, vector<16xf32>,
        %mul3A_1115 = arith.mulf %get3A_853, %get3A_1114 : vector<16xf32>
        %add3A_1116 = arith.addf %add3A_1026, %mul3A_1115 : vector<16xf32>
        %mul3A_1117 = arith.constant 20 : i32
        %mul3A_1118 = arith.muli %scan3A_845, %mul3A_1117 : i32
        %add3A_1119 = arith.constant 4 : i32
        %add3A_1120 = arith.addi %mul3A_1118, %add3A_1119 : i32
        %get3A_1121 = arith.index_cast %add3A_1120 : i32 to index
        %get3A_1122 = arith.constant 32 : index
        %get3A_1123 = tpu.vector_load %arg19[%get3A_1121, %get3A_1122] {strides = array<i32>} : memref<320x128xf32, #tpu.memory_space<vmem>>, vector<16xf32>,
        %mul3A_1124 = arith.mulf %get3A_853, %get3A_1123 : vector<16xf32>
        %add3A_1125 = arith.addf %add3A_1035, %mul3A_1124 : vector<16xf32>
        %mul3A_1126 = arith.constant 20 : i32
        %mul3A_1127 = arith.muli %scan3A_845, %mul3A_1126 : i32
        %add3A_1128 = arith.constant 5 : i32
        %add3A_1129 = arith.addi %mul3A_1127, %add3A_1128 : i32
        %get3A_1130 = arith.index_cast %add3A_1129 : i32 to index
        %get3A_1131 = arith.constant 32 : index
        %get3A_1132 = tpu.vector_load %arg19[%get3A_1130, %get3A_1131] {strides = array<i32>} : memref<320x128xf32, #tpu.memory_space<vmem>>, vector<16xf32>,
        %mul3A_1133 = arith.mulf %get3A_853, %get3A_1132 : vector<16xf32>
        %add3A_1134 = arith.addf %add3A_1044, %mul3A_1133 : vector<16xf32>
        %mul3A_1135 = arith.constant 20 : i32
        %mul3A_1136 = arith.muli %scan3A_845, %mul3A_1135 : i32
        %add3A_1137 = arith.constant 6 : i32
        %add3A_1138 = arith.addi %mul3A_1136, %add3A_1137 : i32
        %get3A_1139 = arith.index_cast %add3A_1138 : i32 to index
        %get3A_1140 = arith.constant 32 : index
        %get3A_1141 = tpu.vector_load %arg19[%get3A_1139, %get3A_1140] {strides = array<i32>} : memref<320x128xf32, #tpu.memory_space<vmem>>, vector<16xf32>,
        %mul3A_1142 = arith.mulf %get3A_853, %get3A_1141 : vector<16xf32>
        %add3A_1143 = arith.addf %add3A_1053, %mul3A_1142 : vector<16xf32>
        %mul3A_1144 = arith.constant 20 : i32
        %mul3A_1145 = arith.muli %scan3A_845, %mul3A_1144 : i32
        %add3A_1146 = arith.constant 7 : i32
        %add3A_1147 = arith.addi %mul3A_1145, %add3A_1146 : i32
        %get3A_1148 = arith.index_cast %add3A_1147 : i32 to index
        %get3A_1149 = arith.constant 32 : index
        %get3A_1150 = tpu.vector_load %arg19[%get3A_1148, %get3A_1149] {strides = array<i32>} : memref<320x128xf32, #tpu.memory_space<vmem>>, vector<16xf32>,
        %mul3A_1151 = arith.mulf %get3A_853, %get3A_1150 : vector<16xf32>
        %add3A_1152 = arith.addf %add3A_1062, %mul3A_1151 : vector<16xf32>
        %mul3A_1153 = arith.constant 20 : i32
        %mul3A_1154 = arith.muli %scan3A_845, %mul3A_1153 : i32
        %add3A_1155 = arith.constant 8 : i32
        %add3A_1156 = arith.addi %mul3A_1154, %add3A_1155 : i32
        %get3A_1157 = arith.index_cast %add3A_1156 : i32 to index
        %get3A_1158 = arith.constant 32 : index
        %get3A_1159 = tpu.vector_load %arg19[%get3A_1157, %get3A_1158] {strides = array<i32>} : memref<320x128xf32, #tpu.memory_space<vmem>>, vector<16xf32>,
        %mul3A_1160 = arith.mulf %get3A_853, %get3A_1159 : vector<16xf32>
        %add3A_1161 = arith.addf %add3A_1071, %mul3A_1160 : vector<16xf32>
        %mul3A_1162 = arith.constant 20 : i32
        %mul3A_1163 = arith.muli %scan3A_845, %mul3A_1162 : i32
        %add3A_1164 = arith.constant 9 : i32
        %add3A_1165 = arith.addi %mul3A_1163, %add3A_1164 : i32
        %get3A_1166 = arith.index_cast %add3A_1165 : i32 to index
        %get3A_1167 = arith.constant 32 : index
        %get3A_1168 = tpu.vector_load %arg19[%get3A_1166, %get3A_1167] {strides = array<i32>} : memref<320x128xf32, #tpu.memory_space<vmem>>, vector<16xf32>,
        %mul3A_1169 = arith.mulf %get3A_853, %get3A_1168 : vector<16xf32>
        %add3A_1170 = arith.addf %add3A_1080, %mul3A_1169 : vector<16xf32>
        %mul3A_1171 = arith.constant 20 : i32
        %mul3A_1172 = arith.muli %scan3A_845, %mul3A_1171 : i32
        %add3A_1173 = arith.constant 0 : i32
        %add3A_1174 = arith.addi %mul3A_1172, %add3A_1173 : i32
        %get3A_1175 = arith.index_cast %add3A_1174 : i32 to index
        %get3A_1176 = arith.constant 48 : index
        %get3A_1177 = tpu.vector_load %arg19[%get3A_1175, %get3A_1176] {strides = array<i32>} : memref<320x128xf32, #tpu.memory_space<vmem>>, vector<16xf32>,
        %mul3A_1178 = arith.mulf %get3A_856, %get3A_1177 : vector<16xf32>
        %add3A_1179 = arith.addf %add3A_1089, %mul3A_1178 : vector<16xf32>
        %mul3A_1180 = arith.constant 20 : i32
        %mul3A_1181 = arith.muli %scan3A_845, %mul3A_1180 : i32
        %add3A_1182 = arith.constant 1 : i32
        %add3A_1183 = arith.addi %mul3A_1181, %add3A_1182 : i32
        %get3A_1184 = arith.index_cast %add3A_1183 : i32 to index
        %get3A_1185 = arith.constant 48 : index
        %get3A_1186 = tpu.vector_load %arg19[%get3A_1184, %get3A_1185] {strides = array<i32>} : memref<320x128xf32, #tpu.memory_space<vmem>>, vector<16xf32>,
        %mul3A_1187 = arith.mulf %get3A_856, %get3A_1186 : vector<16xf32>
        %add3A_1188 = arith.addf %add3A_1098, %mul3A_1187 : vector<16xf32>
        %mul3A_1189 = arith.constant 20 : i32
        %mul3A_1190 = arith.muli %scan3A_845, %mul3A_1189 : i32
        %add3A_1191 = arith.constant 2 : i32
        %add3A_1192 = arith.addi %mul3A_1190, %add3A_1191 : i32
        %get3A_1193 = arith.index_cast %add3A_1192 : i32 to index
        %get3A_1194 = arith.constant 48 : index
        %get3A_1195 = tpu.vector_load %arg19[%get3A_1193, %get3A_1194] {strides = array<i32>} : memref<320x128xf32, #tpu.memory_space<vmem>>, vector<16xf32>,
        %mul3A_1196 = arith.mulf %get3A_856, %get3A_1195 : vector<16xf32>
        %add3A_1197 = arith.addf %add3A_1107, %mul3A_1196 : vector<16xf32>
        %mul3A_1198 = arith.constant 20 : i32
        %mul3A_1199 = arith.muli %scan3A_845, %mul3A_1198 : i32
        %add3A_1200 = arith.constant 3 : i32
        %add3A_1201 = arith.addi %mul3A_1199, %add3A_1200 : i32
        %get3A_1202 = arith.index_cast %add3A_1201 : i32 to index
        %get3A_1203 = arith.constant 48 : index
        %get3A_1204 = tpu.vector_load %arg19[%get3A_1202, %get3A_1203] {strides = array<i32>} : memref<320x128xf32, #tpu.memory_space<vmem>>, vector<16xf32>,
        %mul3A_1205 = arith.mulf %get3A_856, %get3A_1204 : vector<16xf32>
        %add3A_1206 = arith.addf %add3A_1116, %mul3A_1205 : vector<16xf32>
        %mul3A_1207 = arith.constant 20 : i32
        %mul3A_1208 = arith.muli %scan3A_845, %mul3A_1207 : i32
        %add3A_1209 = arith.constant 4 : i32
        %add3A_1210 = arith.addi %mul3A_1208, %add3A_1209 : i32
        %get3A_1211 = arith.index_cast %add3A_1210 : i32 to index
        %get3A_1212 = arith.constant 48 : index
        %get3A_1213 = tpu.vector_load %arg19[%get3A_1211, %get3A_1212] {strides = array<i32>} : memref<320x128xf32, #tpu.memory_space<vmem>>, vector<16xf32>,
        %mul3A_1214 = arith.mulf %get3A_856, %get3A_1213 : vector<16xf32>
        %add3A_1215 = arith.addf %add3A_1125, %mul3A_1214 : vector<16xf32>
        %mul3A_1216 = arith.constant 20 : i32
        %mul3A_1217 = arith.muli %scan3A_845, %mul3A_1216 : i32
        %add3A_1218 = arith.constant 5 : i32
        %add3A_1219 = arith.addi %mul3A_1217, %add3A_1218 : i32
        %get3A_1220 = arith.index_cast %add3A_1219 : i32 to index
        %get3A_1221 = arith.constant 48 : index
        %get3A_1222 = tpu.vector_load %arg19[%get3A_1220, %get3A_1221] {strides = array<i32>} : memref<320x128xf32, #tpu.memory_space<vmem>>, vector<16xf32>,
        %mul3A_1223 = arith.mulf %get3A_856, %get3A_1222 : vector<16xf32>
        %add3A_1224 = arith.addf %add3A_1134, %mul3A_1223 : vector<16xf32>
        %mul3A_1225 = arith.constant 20 : i32
        %mul3A_1226 = arith.muli %scan3A_845, %mul3A_1225 : i32
        %add3A_1227 = arith.constant 6 : i32
        %add3A_1228 = arith.addi %mul3A_1226, %add3A_1227 : i32
        %get3A_1229 = arith.index_cast %add3A_1228 : i32 to index
        %get3A_1230 = arith.constant 48 : index
        %get3A_1231 = tpu.vector_load %arg19[%get3A_1229, %get3A_1230] {strides = array<i32>} : memref<320x128xf32, #tpu.memory_space<vmem>>, vector<16xf32>,
        %mul3A_1232 = arith.mulf %get3A_856, %get3A_1231 : vector<16xf32>
        %add3A_1233 = arith.addf %add3A_1143, %mul3A_1232 : vector<16xf32>
        %mul3A_1234 = arith.constant 20 : i32
        %mul3A_1235 = arith.muli %scan3A_845, %mul3A_1234 : i32
        %add3A_1236 = arith.constant 7 : i32
        %add3A_1237 = arith.addi %mul3A_1235, %add3A_1236 : i32
        %get3A_1238 = arith.index_cast %add3A_1237 : i32 to index
        %get3A_1239 = arith.constant 48 : index
        %get3A_1240 = tpu.vector_load %arg19[%get3A_1238, %get3A_1239] {strides = array<i32>} : memref<320x128xf32, #tpu.memory_space<vmem>>, vector<16xf32>,
        %mul3A_1241 = arith.mulf %get3A_856, %get3A_1240 : vector<16xf32>
        %add3A_1242 = arith.addf %add3A_1152, %mul3A_1241 : vector<16xf32>
        %mul3A_1243 = arith.constant 20 : i32
        %mul3A_1244 = arith.muli %scan3A_845, %mul3A_1243 : i32
        %add3A_1245 = arith.constant 8 : i32
        %add3A_1246 = arith.addi %mul3A_1244, %add3A_1245 : i32
        %get3A_1247 = arith.index_cast %add3A_1246 : i32 to index
        %get3A_1248 = arith.constant 48 : index
        %get3A_1249 = tpu.vector_load %arg19[%get3A_1247, %get3A_1248] {strides = array<i32>} : memref<320x128xf32, #tpu.memory_space<vmem>>, vector<16xf32>,
        %mul3A_1250 = arith.mulf %get3A_856, %get3A_1249 : vector<16xf32>
        %add3A_1251 = arith.addf %add3A_1161, %mul3A_1250 : vector<16xf32>
        %mul3A_1252 = arith.constant 20 : i32
        %mul3A_1253 = arith.muli %scan3A_845, %mul3A_1252 : i32
        %add3A_1254 = arith.constant 9 : i32
        %add3A_1255 = arith.addi %mul3A_1253, %add3A_1254 : i32
        %get3A_1256 = arith.index_cast %add3A_1255 : i32 to index
        %get3A_1257 = arith.constant 48 : index
        %get3A_1258 = tpu.vector_load %arg19[%get3A_1256, %get3A_1257] {strides = array<i32>} : memref<320x128xf32, #tpu.memory_space<vmem>>, vector<16xf32>,
        %mul3A_1259 = arith.mulf %get3A_856, %get3A_1258 : vector<16xf32>
        %add3A_1260 = arith.addf %add3A_1170, %mul3A_1259 : vector<16xf32>
        %mul3A_1261 = arith.constant 20 : i32
        %mul3A_1262 = arith.muli %scan3A_845, %mul3A_1261 : i32
        %add3A_1263 = arith.constant 0 : i32
        %add3A_1264 = arith.addi %mul3A_1262, %add3A_1263 : i32
        %get3A_1265 = arith.index_cast %add3A_1264 : i32 to index
        %get3A_1266 = arith.constant 64 : index
        %get3A_1267 = tpu.vector_load %arg19[%get3A_1265, %get3A_1266] {strides = array<i32>} : memref<320x128xf32, #tpu.memory_space<vmem>>, vector<16xf32>,
        %mul3A_1268 = arith.mulf %get3A_859, %get3A_1267 : vector<16xf32>
        %add3A_1269 = arith.addf %add3A_1179, %mul3A_1268 : vector<16xf32>
        %mul3A_1270 = arith.constant 20 : i32
        %mul3A_1271 = arith.muli %scan3A_845, %mul3A_1270 : i32
        %add3A_1272 = arith.constant 1 : i32
        %add3A_1273 = arith.addi %mul3A_1271, %add3A_1272 : i32
        %get3A_1274 = arith.index_cast %add3A_1273 : i32 to index
        %get3A_1275 = arith.constant 64 : index
        %get3A_1276 = tpu.vector_load %arg19[%get3A_1274, %get3A_1275] {strides = array<i32>} : memref<320x128xf32, #tpu.memory_space<vmem>>, vector<16xf32>,
        %mul3A_1277 = arith.mulf %get3A_859, %get3A_1276 : vector<16xf32>
        %add3A_1278 = arith.addf %add3A_1188, %mul3A_1277 : vector<16xf32>
        %mul3A_1279 = arith.constant 20 : i32
        %mul3A_1280 = arith.muli %scan3A_845, %mul3A_1279 : i32
        %add3A_1281 = arith.constant 2 : i32
        %add3A_1282 = arith.addi %mul3A_1280, %add3A_1281 : i32
        %get3A_1283 = arith.index_cast %add3A_1282 : i32 to index
        %get3A_1284 = arith.constant 64 : index
        %get3A_1285 = tpu.vector_load %arg19[%get3A_1283, %get3A_1284] {strides = array<i32>} : memref<320x128xf32, #tpu.memory_space<vmem>>, vector<16xf32>,
        %mul3A_1286 = arith.mulf %get3A_859, %get3A_1285 : vector<16xf32>
        %add3A_1287 = arith.addf %add3A_1197, %mul3A_1286 : vector<16xf32>
        %mul3A_1288 = arith.constant 20 : i32
        %mul3A_1289 = arith.muli %scan3A_845, %mul3A_1288 : i32
        %add3A_1290 = arith.constant 3 : i32
        %add3A_1291 = arith.addi %mul3A_1289, %add3A_1290 : i32
        %get3A_1292 = arith.index_cast %add3A_1291 : i32 to index
        %get3A_1293 = arith.constant 64 : index
        %get3A_1294 = tpu.vector_load %arg19[%get3A_1292, %get3A_1293] {strides = array<i32>} : memref<320x128xf32, #tpu.memory_space<vmem>>, vector<16xf32>,
        %mul3A_1295 = arith.mulf %get3A_859, %get3A_1294 : vector<16xf32>
        %add3A_1296 = arith.addf %add3A_1206, %mul3A_1295 : vector<16xf32>
        %mul3A_1297 = arith.constant 20 : i32
        %mul3A_1298 = arith.muli %scan3A_845, %mul3A_1297 : i32
        %add3A_1299 = arith.constant 4 : i32
        %add3A_1300 = arith.addi %mul3A_1298, %add3A_1299 : i32
        %get3A_1301 = arith.index_cast %add3A_1300 : i32 to index
        %get3A_1302 = arith.constant 64 : index
        %get3A_1303 = tpu.vector_load %arg19[%get3A_1301, %get3A_1302] {strides = array<i32>} : memref<320x128xf32, #tpu.memory_space<vmem>>, vector<16xf32>,
        %mul3A_1304 = arith.mulf %get3A_859, %get3A_1303 : vector<16xf32>
        %add3A_1305 = arith.addf %add3A_1215, %mul3A_1304 : vector<16xf32>
        %mul3A_1306 = arith.constant 20 : i32
        %mul3A_1307 = arith.muli %scan3A_845, %mul3A_1306 : i32
        %add3A_1308 = arith.constant 5 : i32
        %add3A_1309 = arith.addi %mul3A_1307, %add3A_1308 : i32
        %get3A_1310 = arith.index_cast %add3A_1309 : i32 to index
        %get3A_1311 = arith.constant 64 : index
        %get3A_1312 = tpu.vector_load %arg19[%get3A_1310, %get3A_1311] {strides = array<i32>} : memref<320x128xf32, #tpu.memory_space<vmem>>, vector<16xf32>,
        %mul3A_1313 = arith.mulf %get3A_859, %get3A_1312 : vector<16xf32>
        %add3A_1314 = arith.addf %add3A_1224, %mul3A_1313 : vector<16xf32>
        %mul3A_1315 = arith.constant 20 : i32
        %mul3A_1316 = arith.muli %scan3A_845, %mul3A_1315 : i32
        %add3A_1317 = arith.constant 6 : i32
        %add3A_1318 = arith.addi %mul3A_1316, %add3A_1317 : i32
        %get3A_1319 = arith.index_cast %add3A_1318 : i32 to index
        %get3A_1320 = arith.constant 64 : index
        %get3A_1321 = tpu.vector_load %arg19[%get3A_1319, %get3A_1320] {strides = array<i32>} : memref<320x128xf32, #tpu.memory_space<vmem>>, vector<16xf32>,
        %mul3A_1322 = arith.mulf %get3A_859, %get3A_1321 : vector<16xf32>
        %add3A_1323 = arith.addf %add3A_1233, %mul3A_1322 : vector<16xf32>
        %mul3A_1324 = arith.constant 20 : i32
        %mul3A_1325 = arith.muli %scan3A_845, %mul3A_1324 : i32
        %add3A_1326 = arith.constant 7 : i32
        %add3A_1327 = arith.addi %mul3A_1325, %add3A_1326 : i32
        %get3A_1328 = arith.index_cast %add3A_1327 : i32 to index
        %get3A_1329 = arith.constant 64 : index
        %get3A_1330 = tpu.vector_load %arg19[%get3A_1328, %get3A_1329] {strides = array<i32>} : memref<320x128xf32, #tpu.memory_space<vmem>>, vector<16xf32>,
        %mul3A_1331 = arith.mulf %get3A_859, %get3A_1330 : vector<16xf32>
        %add3A_1332 = arith.addf %add3A_1242, %mul3A_1331 : vector<16xf32>
        %mul3A_1333 = arith.constant 20 : i32
        %mul3A_1334 = arith.muli %scan3A_845, %mul3A_1333 : i32
        %add3A_1335 = arith.constant 8 : i32
        %add3A_1336 = arith.addi %mul3A_1334, %add3A_1335 : i32
        %get3A_1337 = arith.index_cast %add3A_1336 : i32 to index
        %get3A_1338 = arith.constant 64 : index
        %get3A_1339 = tpu.vector_load %arg19[%get3A_1337, %get3A_1338] {strides = array<i32>} : memref<320x128xf32, #tpu.memory_space<vmem>>, vector<16xf32>,
        %mul3A_1340 = arith.mulf %get3A_859, %get3A_1339 : vector<16xf32>
        %add3A_1341 = arith.addf %add3A_1251, %mul3A_1340 : vector<16xf32>
        %mul3A_1342 = arith.constant 20 : i32
        %mul3A_1343 = arith.muli %scan3A_845, %mul3A_1342 : i32
        %add3A_1344 = arith.constant 9 : i32
        %add3A_1345 = arith.addi %mul3A_1343, %add3A_1344 : i32
        %get3A_1346 = arith.index_cast %add3A_1345 : i32 to index
        %get3A_1347 = arith.constant 64 : index
        %get3A_1348 = tpu.vector_load %arg19[%get3A_1346, %get3A_1347] {strides = array<i32>} : memref<320x128xf32, #tpu.memory_space<vmem>>, vector<16xf32>,
        %mul3A_1349 = arith.mulf %get3A_859, %get3A_1348 : vector<16xf32>
        %add3A_1350 = arith.addf %add3A_1260, %mul3A_1349 : vector<16xf32>
        %mul3A_1351 = arith.constant 20 : i32
        %mul3A_1352 = arith.muli %scan3A_845, %mul3A_1351 : i32
        %add3A_1353 = arith.constant 0 : i32
        %add3A_1354 = arith.addi %mul3A_1352, %add3A_1353 : i32
        %get3A_1355 = arith.index_cast %add3A_1354 : i32 to index
        %get3A_1356 = arith.constant 80 : index
        %get3A_1357 = tpu.vector_load %arg19[%get3A_1355, %get3A_1356] {strides = array<i32>} : memref<320x128xf32, #tpu.memory_space<vmem>>, vector<16xf32>,
        %mul3A_1358 = arith.mulf %get3A_862, %get3A_1357 : vector<16xf32>
        %add3A_1359 = arith.addf %add3A_1269, %mul3A_1358 : vector<16xf32>
        %mul3A_1360 = arith.constant 20 : i32
        %mul3A_1361 = arith.muli %scan3A_845, %mul3A_1360 : i32
        %add3A_1362 = arith.constant 1 : i32
        %add3A_1363 = arith.addi %mul3A_1361, %add3A_1362 : i32
        %get3A_1364 = arith.index_cast %add3A_1363 : i32 to index
        %get3A_1365 = arith.constant 80 : index
        %get3A_1366 = tpu.vector_load %arg19[%get3A_1364, %get3A_1365] {strides = array<i32>} : memref<320x128xf32, #tpu.memory_space<vmem>>, vector<16xf32>,
        %mul3A_1367 = arith.mulf %get3A_862, %get3A_1366 : vector<16xf32>
        %add3A_1368 = arith.addf %add3A_1278, %mul3A_1367 : vector<16xf32>
        %mul3A_1369 = arith.constant 20 : i32
        %mul3A_1370 = arith.muli %scan3A_845, %mul3A_1369 : i32
        %add3A_1371 = arith.constant 2 : i32
        %add3A_1372 = arith.addi %mul3A_1370, %add3A_1371 : i32
        %get3A_1373 = arith.index_cast %add3A_1372 : i32 to index
        %get3A_1374 = arith.constant 80 : index
        %get3A_1375 = tpu.vector_load %arg19[%get3A_1373, %get3A_1374] {strides = array<i32>} : memref<320x128xf32, #tpu.memory_space<vmem>>, vector<16xf32>,
        %mul3A_1376 = arith.mulf %get3A_862, %get3A_1375 : vector<16xf32>
        %add3A_1377 = arith.addf %add3A_1287, %mul3A_1376 : vector<16xf32>
        %mul3A_1378 = arith.constant 20 : i32
        %mul3A_1379 = arith.muli %scan3A_845, %mul3A_1378 : i32
        %add3A_1380 = arith.constant 3 : i32
        %add3A_1381 = arith.addi %mul3A_1379, %add3A_1380 : i32
        %get3A_1382 = arith.index_cast %add3A_1381 : i32 to index
        %get3A_1383 = arith.constant 80 : index
        %get3A_1384 = tpu.vector_load %arg19[%get3A_1382, %get3A_1383] {strides = array<i32>} : memref<320x128xf32, #tpu.memory_space<vmem>>, vector<16xf32>,
        %mul3A_1385 = arith.mulf %get3A_862, %get3A_1384 : vector<16xf32>
        %add3A_1386 = arith.addf %add3A_1296, %mul3A_1385 : vector<16xf32>
        %mul3A_1387 = arith.constant 20 : i32
        %mul3A_1388 = arith.muli %scan3A_845, %mul3A_1387 : i32
        %add3A_1389 = arith.constant 4 : i32
        %add3A_1390 = arith.addi %mul3A_1388, %add3A_1389 : i32
        %get3A_1391 = arith.index_cast %add3A_1390 : i32 to index
        %get3A_1392 = arith.constant 80 : index
        %get3A_1393 = tpu.vector_load %arg19[%get3A_1391, %get3A_1392] {strides = array<i32>} : memref<320x128xf32, #tpu.memory_space<vmem>>, vector<16xf32>,
        %mul3A_1394 = arith.mulf %get3A_862, %get3A_1393 : vector<16xf32>
        %add3A_1395 = arith.addf %add3A_1305, %mul3A_1394 : vector<16xf32>
        %mul3A_1396 = arith.constant 20 : i32
        %mul3A_1397 = arith.muli %scan3A_845, %mul3A_1396 : i32
        %add3A_1398 = arith.constant 5 : i32
        %add3A_1399 = arith.addi %mul3A_1397, %add3A_1398 : i32
        %get3A_1400 = arith.index_cast %add3A_1399 : i32 to index
        %get3A_1401 = arith.constant 80 : index
        %get3A_1402 = tpu.vector_load %arg19[%get3A_1400, %get3A_1401] {strides = array<i32>} : memref<320x128xf32, #tpu.memory_space<vmem>>, vector<16xf32>,
        %mul3A_1403 = arith.mulf %get3A_862, %get3A_1402 : vector<16xf32>
        %add3A_1404 = arith.addf %add3A_1314, %mul3A_1403 : vector<16xf32>
        %mul3A_1405 = arith.constant 20 : i32
        %mul3A_1406 = arith.muli %scan3A_845, %mul3A_1405 : i32
        %add3A_1407 = arith.constant 6 : i32
        %add3A_1408 = arith.addi %mul3A_1406, %add3A_1407 : i32
        %get3A_1409 = arith.index_cast %add3A_1408 : i32 to index
        %get3A_1410 = arith.constant 80 : index
        %get3A_1411 = tpu.vector_load %arg19[%get3A_1409, %get3A_1410] {strides = array<i32>} : memref<320x128xf32, #tpu.memory_space<vmem>>, vector<16xf32>,
        %mul3A_1412 = arith.mulf %get3A_862, %get3A_1411 : vector<16xf32>
        %add3A_1413 = arith.addf %add3A_1323, %mul3A_1412 : vector<16xf32>
        %mul3A_1414 = arith.constant 20 : i32
        %mul3A_1415 = arith.muli %scan3A_845, %mul3A_1414 : i32
        %add3A_1416 = arith.constant 7 : i32
        %add3A_1417 = arith.addi %mul3A_1415, %add3A_1416 : i32
        %get3A_1418 = arith.index_cast %add3A_1417 : i32 to index
        %get3A_1419 = arith.constant 80 : index
        %get3A_1420 = tpu.vector_load %arg19[%get3A_1418, %get3A_1419] {strides = array<i32>} : memref<320x128xf32, #tpu.memory_space<vmem>>, vector<16xf32>,
        %mul3A_1421 = arith.mulf %get3A_862, %get3A_1420 : vector<16xf32>
        %add3A_1422 = arith.addf %add3A_1332, %mul3A_1421 : vector<16xf32>
        %mul3A_1423 = arith.constant 20 : i32
        %mul3A_1424 = arith.muli %scan3A_845, %mul3A_1423 : i32
        %add3A_1425 = arith.constant 8 : i32
        %add3A_1426 = arith.addi %mul3A_1424, %add3A_1425 : i32
        %get3A_1427 = arith.index_cast %add3A_1426 : i32 to index
        %get3A_1428 = arith.constant 80 : index
        %get3A_1429 = tpu.vector_load %arg19[%get3A_1427, %get3A_1428] {strides = array<i32>} : memref<320x128xf32, #tpu.memory_space<vmem>>, vector<16xf32>,
        %mul3A_1430 = arith.mulf %get3A_862, %get3A_1429 : vector<16xf32>
        %add3A_1431 = arith.addf %add3A_1341, %mul3A_1430 : vector<16xf32>
        %mul3A_1432 = arith.constant 20 : i32
        %mul3A_1433 = arith.muli %scan3A_845, %mul3A_1432 : i32
        %add3A_1434 = arith.constant 9 : i32
        %add3A_1435 = arith.addi %mul3A_1433, %add3A_1434 : i32
        %get3A_1436 = arith.index_cast %add3A_1435 : i32 to index
        %get3A_1437 = arith.constant 80 : index
        %get3A_1438 = tpu.vector_load %arg19[%get3A_1436, %get3A_1437] {strides = array<i32>} : memref<320x128xf32, #tpu.memory_space<vmem>>, vector<16xf32>,
        %mul3A_1439 = arith.mulf %get3A_862, %get3A_1438 : vector<16xf32>
        %add3A_1440 = arith.addf %add3A_1350, %mul3A_1439 : vector<16xf32>
        %mul3A_1441 = arith.constant 20 : i32
        %mul3A_1442 = arith.muli %scan3A_845, %mul3A_1441 : i32
        %add3A_1443 = arith.constant 0 : i32
        %add3A_1444 = arith.addi %mul3A_1442, %add3A_1443 : i32
        %get3A_1445 = arith.index_cast %add3A_1444 : i32 to index
        %get3A_1446 = arith.constant 96 : index
        %get3A_1447 = tpu.vector_load %arg19[%get3A_1445, %get3A_1446] {strides = array<i32>} : memref<320x128xf32, #tpu.memory_space<vmem>>, vector<16xf32>,
        %mul3A_1448 = arith.mulf %get3A_865, %get3A_1447 : vector<16xf32>
        %add3A_1449 = arith.addf %add3A_1359, %mul3A_1448 : vector<16xf32>
        %mul3A_1450 = arith.constant 20 : i32
        %mul3A_1451 = arith.muli %scan3A_845, %mul3A_1450 : i32
        %add3A_1452 = arith.constant 1 : i32
        %add3A_1453 = arith.addi %mul3A_1451, %add3A_1452 : i32
        %get3A_1454 = arith.index_cast %add3A_1453 : i32 to index
        %get3A_1455 = arith.constant 96 : index
        %get3A_1456 = tpu.vector_load %arg19[%get3A_1454, %get3A_1455] {strides = array<i32>} : memref<320x128xf32, #tpu.memory_space<vmem>>, vector<16xf32>,
        %mul3A_1457 = arith.mulf %get3A_865, %get3A_1456 : vector<16xf32>
        %add3A_1458 = arith.addf %add3A_1368, %mul3A_1457 : vector<16xf32>
        %mul3A_1459 = arith.constant 20 : i32
        %mul3A_1460 = arith.muli %scan3A_845, %mul3A_1459 : i32
        %add3A_1461 = arith.constant 2 : i32
        %add3A_1462 = arith.addi %mul3A_1460, %add3A_1461 : i32
        %get3A_1463 = arith.index_cast %add3A_1462 : i32 to index
        %get3A_1464 = arith.constant 96 : index
        %get3A_1465 = tpu.vector_load %arg19[%get3A_1463, %get3A_1464] {strides = array<i32>} : memref<320x128xf32, #tpu.memory_space<vmem>>, vector<16xf32>,
        %mul3A_1466 = arith.mulf %get3A_865, %get3A_1465 : vector<16xf32>
        %add3A_1467 = arith.addf %add3A_1377, %mul3A_1466 : vector<16xf32>
        %mul3A_1468 = arith.constant 20 : i32
        %mul3A_1469 = arith.muli %scan3A_845, %mul3A_1468 : i32
        %add3A_1470 = arith.constant 3 : i32
        %add3A_1471 = arith.addi %mul3A_1469, %add3A_1470 : i32
        %get3A_1472 = arith.index_cast %add3A_1471 : i32 to index
        %get3A_1473 = arith.constant 96 : index
        %get3A_1474 = tpu.vector_load %arg19[%get3A_1472, %get3A_1473] {strides = array<i32>} : memref<320x128xf32, #tpu.memory_space<vmem>>, vector<16xf32>,
        %mul3A_1475 = arith.mulf %get3A_865, %get3A_1474 : vector<16xf32>
        %add3A_1476 = arith.addf %add3A_1386, %mul3A_1475 : vector<16xf32>
        %mul3A_1477 = arith.constant 20 : i32
        %mul3A_1478 = arith.muli %scan3A_845, %mul3A_1477 : i32
        %add3A_1479 = arith.constant 4 : i32
        %add3A_1480 = arith.addi %mul3A_1478, %add3A_1479 : i32
        %get3A_1481 = arith.index_cast %add3A_1480 : i32 to index
        %get3A_1482 = arith.constant 96 : index
        %get3A_1483 = tpu.vector_load %arg19[%get3A_1481, %get3A_1482] {strides = array<i32>} : memref<320x128xf32, #tpu.memory_space<vmem>>, vector<16xf32>,
        %mul3A_1484 = arith.mulf %get3A_865, %get3A_1483 : vector<16xf32>
        %add3A_1485 = arith.addf %add3A_1395, %mul3A_1484 : vector<16xf32>
        %mul3A_1486 = arith.constant 20 : i32
        %mul3A_1487 = arith.muli %scan3A_845, %mul3A_1486 : i32
        %add3A_1488 = arith.constant 5 : i32
        %add3A_1489 = arith.addi %mul3A_1487, %add3A_1488 : i32
        %get3A_1490 = arith.index_cast %add3A_1489 : i32 to index
        %get3A_1491 = arith.constant 96 : index
        %get3A_1492 = tpu.vector_load %arg19[%get3A_1490, %get3A_1491] {strides = array<i32>} : memref<320x128xf32, #tpu.memory_space<vmem>>, vector<16xf32>,
        %mul3A_1493 = arith.mulf %get3A_865, %get3A_1492 : vector<16xf32>
        %add3A_1494 = arith.addf %add3A_1404, %mul3A_1493 : vector<16xf32>
        %mul3A_1495 = arith.constant 20 : i32
        %mul3A_1496 = arith.muli %scan3A_845, %mul3A_1495 : i32
        %add3A_1497 = arith.constant 6 : i32
        %add3A_1498 = arith.addi %mul3A_1496, %add3A_1497 : i32
        %get3A_1499 = arith.index_cast %add3A_1498 : i32 to index
        %get3A_1500 = arith.constant 96 : index
        %get3A_1501 = tpu.vector_load %arg19[%get3A_1499, %get3A_1500] {strides = array<i32>} : memref<320x128xf32, #tpu.memory_space<vmem>>, vector<16xf32>,
        %mul3A_1502 = arith.mulf %get3A_865, %get3A_1501 : vector<16xf32>
        %add3A_1503 = arith.addf %add3A_1413, %mul3A_1502 : vector<16xf32>
        %mul3A_1504 = arith.constant 20 : i32
        %mul3A_1505 = arith.muli %scan3A_845, %mul3A_1504 : i32
        %add3A_1506 = arith.constant 7 : i32
        %add3A_1507 = arith.addi %mul3A_1505, %add3A_1506 : i32
        %get3A_1508 = arith.index_cast %add3A_1507 : i32 to index
        %get3A_1509 = arith.constant 96 : index
        %get3A_1510 = tpu.vector_load %arg19[%get3A_1508, %get3A_1509] {strides = array<i32>} : memref<320x128xf32, #tpu.memory_space<vmem>>, vector<16xf32>,
        %mul3A_1511 = arith.mulf %get3A_865, %get3A_1510 : vector<16xf32>
        %add3A_1512 = arith.addf %add3A_1422, %mul3A_1511 : vector<16xf32>
        %mul3A_1513 = arith.constant 20 : i32
        %mul3A_1514 = arith.muli %scan3A_845, %mul3A_1513 : i32
        %add3A_1515 = arith.constant 8 : i32
        %add3A_1516 = arith.addi %mul3A_1514, %add3A_1515 : i32
        %get3A_1517 = arith.index_cast %add3A_1516 : i32 to index
        %get3A_1518 = arith.constant 96 : index
        %get3A_1519 = tpu.vector_load %arg19[%get3A_1517, %get3A_1518] {strides = array<i32>} : memref<320x128xf32, #tpu.memory_space<vmem>>, vector<16xf32>,
        %mul3A_1520 = arith.mulf %get3A_865, %get3A_1519 : vector<16xf32>
        %add3A_1521 = arith.addf %add3A_1431, %mul3A_1520 : vector<16xf32>
        %mul3A_1522 = arith.constant 20 : i32
        %mul3A_1523 = arith.muli %scan3A_845, %mul3A_1522 : i32
        %add3A_1524 = arith.constant 9 : i32
        %add3A_1525 = arith.addi %mul3A_1523, %add3A_1524 : i32
        %get3A_1526 = arith.index_cast %add3A_1525 : i32 to index
        %get3A_1527 = arith.constant 96 : index
        %get3A_1528 = tpu.vector_load %arg19[%get3A_1526, %get3A_1527] {strides = array<i32>} : memref<320x128xf32, #tpu.memory_space<vmem>>, vector<16xf32>,
        %mul3A_1529 = arith.mulf %get3A_865, %get3A_1528 : vector<16xf32>
        %add3A_1530 = arith.addf %add3A_1440, %mul3A_1529 : vector<16xf32>
        %mul3A_1531 = arith.constant 20 : i32
        %mul3A_1532 = arith.muli %scan3A_845, %mul3A_1531 : i32
        %add3A_1533 = arith.constant 0 : i32
        %add3A_1534 = arith.addi %mul3A_1532, %add3A_1533 : i32
        %get3A_1535 = arith.index_cast %add3A_1534 : i32 to index
        %get3A_1536 = arith.constant 112 : index
        %get3A_1537 = tpu.vector_load %arg19[%get3A_1535, %get3A_1536] {strides = array<i32>} : memref<320x128xf32, #tpu.memory_space<vmem>>, vector<16xf32>,
        %mul3A_1538 = arith.mulf %get3A_868, %get3A_1537 : vector<16xf32>
        %add3A_1539 = arith.addf %add3A_1449, %mul3A_1538 : vector<16xf32>
        %mul3A_1540 = arith.constant 20 : i32
        %mul3A_1541 = arith.muli %scan3A_845, %mul3A_1540 : i32
        %add3A_1542 = arith.constant 1 : i32
        %add3A_1543 = arith.addi %mul3A_1541, %add3A_1542 : i32
        %get3A_1544 = arith.index_cast %add3A_1543 : i32 to index
        %get3A_1545 = arith.constant 112 : index
        %get3A_1546 = tpu.vector_load %arg19[%get3A_1544, %get3A_1545] {strides = array<i32>} : memref<320x128xf32, #tpu.memory_space<vmem>>, vector<16xf32>,
        %mul3A_1547 = arith.mulf %get3A_868, %get3A_1546 : vector<16xf32>
        %add3A_1548 = arith.addf %add3A_1458, %mul3A_1547 : vector<16xf32>
        %mul3A_1549 = arith.constant 20 : i32
        %mul3A_1550 = arith.muli %scan3A_845, %mul3A_1549 : i32
        %add3A_1551 = arith.constant 2 : i32
        %add3A_1552 = arith.addi %mul3A_1550, %add3A_1551 : i32
        %get3A_1553 = arith.index_cast %add3A_1552 : i32 to index
        %get3A_1554 = arith.constant 112 : index
        %get3A_1555 = tpu.vector_load %arg19[%get3A_1553, %get3A_1554] {strides = array<i32>} : memref<320x128xf32, #tpu.memory_space<vmem>>, vector<16xf32>,
        %mul3A_1556 = arith.mulf %get3A_868, %get3A_1555 : vector<16xf32>
        %add3A_1557 = arith.addf %add3A_1467, %mul3A_1556 : vector<16xf32>
        %mul3A_1558 = arith.constant 20 : i32
        %mul3A_1559 = arith.muli %scan3A_845, %mul3A_1558 : i32
        %add3A_1560 = arith.constant 3 : i32
        %add3A_1561 = arith.addi %mul3A_1559, %add3A_1560 : i32
        %get3A_1562 = arith.index_cast %add3A_1561 : i32 to index
        %get3A_1563 = arith.constant 112 : index
        %get3A_1564 = tpu.vector_load %arg19[%get3A_1562, %get3A_1563] {strides = array<i32>} : memref<320x128xf32, #tpu.memory_space<vmem>>, vector<16xf32>,
        %mul3A_1565 = arith.mulf %get3A_868, %get3A_1564 : vector<16xf32>
        %add3A_1566 = arith.addf %add3A_1476, %mul3A_1565 : vector<16xf32>
        %mul3A_1567 = arith.constant 20 : i32
        %mul3A_1568 = arith.muli %scan3A_845, %mul3A_1567 : i32
        %add3A_1569 = arith.constant 4 : i32
        %add3A_1570 = arith.addi %mul3A_1568, %add3A_1569 : i32
        %get3A_1571 = arith.index_cast %add3A_1570 : i32 to index
        %get3A_1572 = arith.constant 112 : index
        %get3A_1573 = tpu.vector_load %arg19[%get3A_1571, %get3A_1572] {strides = array<i32>} : memref<320x128xf32, #tpu.memory_space<vmem>>, vector<16xf32>,
        %mul3A_1574 = arith.mulf %get3A_868, %get3A_1573 : vector<16xf32>
        %add3A_1575 = arith.addf %add3A_1485, %mul3A_1574 : vector<16xf32>
        %mul3A_1576 = arith.constant 20 : i32
        %mul3A_1577 = arith.muli %scan3A_845, %mul3A_1576 : i32
        %add3A_1578 = arith.constant 5 : i32
        %add3A_1579 = arith.addi %mul3A_1577, %add3A_1578 : i32
        %get3A_1580 = arith.index_cast %add3A_1579 : i32 to index
        %get3A_1581 = arith.constant 112 : index
        %get3A_1582 = tpu.vector_load %arg19[%get3A_1580, %get3A_1581] {strides = array<i32>} : memref<320x128xf32, #tpu.memory_space<vmem>>, vector<16xf32>,
        %mul3A_1583 = arith.mulf %get3A_868, %get3A_1582 : vector<16xf32>
        %add3A_1584 = arith.addf %add3A_1494, %mul3A_1583 : vector<16xf32>
        %mul3A_1585 = arith.constant 20 : i32
        %mul3A_1586 = arith.muli %scan3A_845, %mul3A_1585 : i32
        %add3A_1587 = arith.constant 6 : i32
        %add3A_1588 = arith.addi %mul3A_1586, %add3A_1587 : i32
        %get3A_1589 = arith.index_cast %add3A_1588 : i32 to index
        %get3A_1590 = arith.constant 112 : index
        %get3A_1591 = tpu.vector_load %arg19[%get3A_1589, %get3A_1590] {strides = array<i32>} : memref<320x128xf32, #tpu.memory_space<vmem>>, vector<16xf32>,
        %mul3A_1592 = arith.mulf %get3A_868, %get3A_1591 : vector<16xf32>
        %add3A_1593 = arith.addf %add3A_1503, %mul3A_1592 : vector<16xf32>
        %mul3A_1594 = arith.constant 20 : i32
        %mul3A_1595 = arith.muli %scan3A_845, %mul3A_1594 : i32
        %add3A_1596 = arith.constant 7 : i32
        %add3A_1597 = arith.addi %mul3A_1595, %add3A_1596 : i32
        %get3A_1598 = arith.index_cast %add3A_1597 : i32 to index
        %get3A_1599 = arith.constant 112 : index
        %get3A_1600 = tpu.vector_load %arg19[%get3A_1598, %get3A_1599] {strides = array<i32>} : memref<320x128xf32, #tpu.memory_space<vmem>>, vector<16xf32>,
        %mul3A_1601 = arith.mulf %get3A_868, %get3A_1600 : vector<16xf32>
        %add3A_1602 = arith.addf %add3A_1512, %mul3A_1601 : vector<16xf32>
        %mul3A_1603 = arith.constant 20 : i32
        %mul3A_1604 = arith.muli %scan3A_845, %mul3A_1603 : i32
        %add3A_1605 = arith.constant 8 : i32
        %add3A_1606 = arith.addi %mul3A_1604, %add3A_1605 : i32
        %get3A_1607 = arith.index_cast %add3A_1606 : i32 to index
        %get3A_1608 = arith.constant 112 : index
        %get3A_1609 = tpu.vector_load %arg19[%get3A_1607, %get3A_1608] {strides = array<i32>} : memref<320x128xf32, #tpu.memory_space<vmem>>, vector<16xf32>,
        %mul3A_1610 = arith.mulf %get3A_868, %get3A_1609 : vector<16xf32>
        %add3A_1611 = arith.addf %add3A_1521, %mul3A_1610 : vector<16xf32>
        %mul3A_1612 = arith.constant 20 : i32
        %mul3A_1613 = arith.muli %scan3A_845, %mul3A_1612 : i32
        %add3A_1614 = arith.constant 9 : i32
        %add3A_1615 = arith.addi %mul3A_1613, %add3A_1614 : i32
        %get3A_1616 = arith.index_cast %add3A_1615 : i32 to index
        %get3A_1617 = arith.constant 112 : index
        %get3A_1618 = tpu.vector_load %arg19[%get3A_1616, %get3A_1617] {strides = array<i32>} : memref<320x128xf32, #tpu.memory_space<vmem>>, vector<16xf32>,
        %mul3A_1619 = arith.mulf %get3A_868, %get3A_1618 : vector<16xf32>
        %add3A_1620 = arith.addf %add3A_1530, %mul3A_1619 : vector<16xf32>
        %broadcast_in_dim3A_1621 = vector.broadcast %scan3A_845 : i32 to vector<16xi32>
        %broadcast_in_dim3A_1622 = arith.constant 0 : i32
        %broadcast_in_dim3A_1623 = vector.broadcast %broadcast_in_dim3A_1622 : i32 to vector<16xi32>
        %broadcast_in_dim3A_1624 = arith.constant true
        %broadcast_in_dim3A_1625 = vector.broadcast %broadcast_in_dim3A_1624 : i1 to vector<16xi1>
        %masked_cumsum3A_1626 = tpu.scan <sum>, %add3A_1539 masked %broadcast_in_dim3A_1625 : vector<16xf32>, vector<16xi1> -> vector<16xf32>
        tpu.vector_store_idx %arg23[%broadcast_in_dim3A_1621, %broadcast_in_dim3A_1623], %masked_cumsum3A_1626 masked %eq3A_5 : memref<16x20xf32, #tpu.memory_space<vmem>>[vector<16xi32>, vector<16xi32>], vector<16xf32>, vector<16xi1>
        %broadcast_in_dim3A_1627 = vector.broadcast %scan3A_845 : i32 to vector<16xi32>
        %broadcast_in_dim3A_1628 = arith.constant 1 : i32
        %broadcast_in_dim3A_1629 = vector.broadcast %broadcast_in_dim3A_1628 : i32 to vector<16xi32>
        %broadcast_in_dim3A_1630 = arith.constant true
        %broadcast_in_dim3A_1631 = vector.broadcast %broadcast_in_dim3A_1630 : i1 to vector<16xi1>
        %masked_cumsum3A_1632 = tpu.scan <sum>, %add3A_1548 masked %broadcast_in_dim3A_1631 : vector<16xf32>, vector<16xi1> -> vector<16xf32>
        tpu.vector_store_idx %arg23[%broadcast_in_dim3A_1627, %broadcast_in_dim3A_1629], %masked_cumsum3A_1632 masked %eq3A_5 : memref<16x20xf32, #tpu.memory_space<vmem>>[vector<16xi32>, vector<16xi32>], vector<16xf32>, vector<16xi1>
        %broadcast_in_dim3A_1633 = vector.broadcast %scan3A_845 : i32 to vector<16xi32>
        %broadcast_in_dim3A_1634 = arith.constant 2 : i32
        %broadcast_in_dim3A_1635 = vector.broadcast %broadcast_in_dim3A_1634 : i32 to vector<16xi32>
        %broadcast_in_dim3A_1636 = arith.constant true
        %broadcast_in_dim3A_1637 = vector.broadcast %broadcast_in_dim3A_1636 : i1 to vector<16xi1>
        %masked_cumsum3A_1638 = tpu.scan <sum>, %add3A_1557 masked %broadcast_in_dim3A_1637 : vector<16xf32>, vector<16xi1> -> vector<16xf32>
        tpu.vector_store_idx %arg23[%broadcast_in_dim3A_1633, %broadcast_in_dim3A_1635], %masked_cumsum3A_1638 masked %eq3A_5 : memref<16x20xf32, #tpu.memory_space<vmem>>[vector<16xi32>, vector<16xi32>], vector<16xf32>, vector<16xi1>
        %broadcast_in_dim3A_1639 = vector.broadcast %scan3A_845 : i32 to vector<16xi32>
        %broadcast_in_dim3A_1640 = arith.constant 3 : i32
        %broadcast_in_dim3A_1641 = vector.broadcast %broadcast_in_dim3A_1640 : i32 to vector<16xi32>
        %broadcast_in_dim3A_1642 = arith.constant true
        %broadcast_in_dim3A_1643 = vector.broadcast %broadcast_in_dim3A_1642 : i1 to vector<16xi1>
        %masked_cumsum3A_1644 = tpu.scan <sum>, %add3A_1566 masked %broadcast_in_dim3A_1643 : vector<16xf32>, vector<16xi1> -> vector<16xf32>
        tpu.vector_store_idx %arg23[%broadcast_in_dim3A_1639, %broadcast_in_dim3A_1641], %masked_cumsum3A_1644 masked %eq3A_5 : memref<16x20xf32, #tpu.memory_space<vmem>>[vector<16xi32>, vector<16xi32>], vector<16xf32>, vector<16xi1>
        %broadcast_in_dim3A_1645 = vector.broadcast %scan3A_845 : i32 to vector<16xi32>
        %broadcast_in_dim3A_1646 = arith.constant 4 : i32
        %broadcast_in_dim3A_1647 = vector.broadcast %broadcast_in_dim3A_1646 : i32 to vector<16xi32>
        %broadcast_in_dim3A_1648 = arith.constant true
        %broadcast_in_dim3A_1649 = vector.broadcast %broadcast_in_dim3A_1648 : i1 to vector<16xi1>
        %masked_cumsum3A_1650 = tpu.scan <sum>, %add3A_1575 masked %broadcast_in_dim3A_1649 : vector<16xf32>, vector<16xi1> -> vector<16xf32>
        tpu.vector_store_idx %arg23[%broadcast_in_dim3A_1645, %broadcast_in_dim3A_1647], %masked_cumsum3A_1650 masked %eq3A_5 : memref<16x20xf32, #tpu.memory_space<vmem>>[vector<16xi32>, vector<16xi32>], vector<16xf32>, vector<16xi1>
        %broadcast_in_dim3A_1651 = vector.broadcast %scan3A_845 : i32 to vector<16xi32>
        %broadcast_in_dim3A_1652 = arith.constant 5 : i32
        %broadcast_in_dim3A_1653 = vector.broadcast %broadcast_in_dim3A_1652 : i32 to vector<16xi32>
        %broadcast_in_dim3A_1654 = arith.constant true
        %broadcast_in_dim3A_1655 = vector.broadcast %broadcast_in_dim3A_1654 : i1 to vector<16xi1>
        %masked_cumsum3A_1656 = tpu.scan <sum>, %add3A_1584 masked %broadcast_in_dim3A_1655 : vector<16xf32>, vector<16xi1> -> vector<16xf32>
        tpu.vector_store_idx %arg23[%broadcast_in_dim3A_1651, %broadcast_in_dim3A_1653], %masked_cumsum3A_1656 masked %eq3A_5 : memref<16x20xf32, #tpu.memory_space<vmem>>[vector<16xi32>, vector<16xi32>], vector<16xf32>, vector<16xi1>
        %broadcast_in_dim3A_1657 = vector.broadcast %scan3A_845 : i32 to vector<16xi32>
        %broadcast_in_dim3A_1658 = arith.constant 6 : i32
        %broadcast_in_dim3A_1659 = vector.broadcast %broadcast_in_dim3A_1658 : i32 to vector<16xi32>
        %broadcast_in_dim3A_1660 = arith.constant true
        %broadcast_in_dim3A_1661 = vector.broadcast %broadcast_in_dim3A_1660 : i1 to vector<16xi1>
        %masked_cumsum3A_1662 = tpu.scan <sum>, %add3A_1593 masked %broadcast_in_dim3A_1661 : vector<16xf32>, vector<16xi1> -> vector<16xf32>
        tpu.vector_store_idx %arg23[%broadcast_in_dim3A_1657, %broadcast_in_dim3A_1659], %masked_cumsum3A_1662 masked %eq3A_5 : memref<16x20xf32, #tpu.memory_space<vmem>>[vector<16xi32>, vector<16xi32>], vector<16xf32>, vector<16xi1>
        %broadcast_in_dim3A_1663 = vector.broadcast %scan3A_845 : i32 to vector<16xi32>
        %broadcast_in_dim3A_1664 = arith.constant 7 : i32
        %broadcast_in_dim3A_1665 = vector.broadcast %broadcast_in_dim3A_1664 : i32 to vector<16xi32>
        %broadcast_in_dim3A_1666 = arith.constant true
        %broadcast_in_dim3A_1667 = vector.broadcast %broadcast_in_dim3A_1666 : i1 to vector<16xi1>
        %masked_cumsum3A_1668 = tpu.scan <sum>, %add3A_1602 masked %broadcast_in_dim3A_1667 : vector<16xf32>, vector<16xi1> -> vector<16xf32>
        tpu.vector_store_idx %arg23[%broadcast_in_dim3A_1663, %broadcast_in_dim3A_1665], %masked_cumsum3A_1668 masked %eq3A_5 : memref<16x20xf32, #tpu.memory_space<vmem>>[vector<16xi32>, vector<16xi32>], vector<16xf32>, vector<16xi1>
        %broadcast_in_dim3A_1669 = vector.broadcast %scan3A_845 : i32 to vector<16xi32>
        %broadcast_in_dim3A_1670 = arith.constant 8 : i32
        %broadcast_in_dim3A_1671 = vector.broadcast %broadcast_in_dim3A_1670 : i32 to vector<16xi32>
        %broadcast_in_dim3A_1672 = arith.constant true
        %broadcast_in_dim3A_1673 = vector.broadcast %broadcast_in_dim3A_1672 : i1 to vector<16xi1>
        %masked_cumsum3A_1674 = tpu.scan <sum>, %add3A_1611 masked %broadcast_in_dim3A_1673 : vector<16xf32>, vector<16xi1> -> vector<16xf32>
        tpu.vector_store_idx %arg23[%broadcast_in_dim3A_1669, %broadcast_in_dim3A_1671], %masked_cumsum3A_1674 masked %eq3A_5 : memref<16x20xf32, #tpu.memory_space<vmem>>[vector<16xi32>, vector<16xi32>], vector<16xf32>, vector<16xi1>
        %broadcast_in_dim3A_1675 = vector.broadcast %scan3A_845 : i32 to vector<16xi32>
        %broadcast_in_dim3A_1676 = arith.constant 9 : i32
        %broadcast_in_dim3A_1677 = vector.broadcast %broadcast_in_dim3A_1676 : i32 to vector<16xi32>
        %broadcast_in_dim3A_1678 = arith.constant true
        %broadcast_in_dim3A_1679 = vector.broadcast %broadcast_in_dim3A_1678 : i1 to vector<16xi1>
        %masked_cumsum3A_1680 = tpu.scan <sum>, %add3A_1620 masked %broadcast_in_dim3A_1679 : vector<16xf32>, vector<16xi1> -> vector<16xf32>
        tpu.vector_store_idx %arg23[%broadcast_in_dim3A_1675, %broadcast_in_dim3A_1677], %masked_cumsum3A_1680 masked %eq3A_5 : memref<16x20xf32, #tpu.memory_space<vmem>>[vector<16xi32>, vector<16xi32>], vector<16xf32>, vector<16xi1>
        %mul3A_1681 = arith.constant 20 : i32
        %mul3A_1682 = arith.muli %scan3A_845, %mul3A_1681 : i32
        %add3A_1683 = arith.constant 10 : i32
        %add3A_1684 = arith.addi %mul3A_1682, %add3A_1683 : i32
        %get3A_1685 = arith.index_cast %add3A_1684 : i32 to index
        %get3A_1686 = arith.constant 0 : index
        %get3A_1687 = tpu.vector_load %arg19[%get3A_1685, %get3A_1686] {strides = array<i32>} : memref<320x128xf32, #tpu.memory_space<vmem>>, vector<16xf32>,
        %mul3A_1688 = arith.mulf %get3A_847, %get3A_1687 : vector<16xf32>
        %mul3A_1689 = arith.constant 20 : i32
        %mul3A_1690 = arith.muli %scan3A_845, %mul3A_1689 : i32
        %add3A_1691 = arith.constant 11 : i32
        %add3A_1692 = arith.addi %mul3A_1690, %add3A_1691 : i32
        %get3A_1693 = arith.index_cast %add3A_1692 : i32 to index
        %get3A_1694 = arith.constant 0 : index
        %get3A_1695 = tpu.vector_load %arg19[%get3A_1693, %get3A_1694] {strides = array<i32>} : memref<320x128xf32, #tpu.memory_space<vmem>>, vector<16xf32>,
        %mul3A_1696 = arith.mulf %get3A_847, %get3A_1695 : vector<16xf32>
        %mul3A_1697 = arith.constant 20 : i32
        %mul3A_1698 = arith.muli %scan3A_845, %mul3A_1697 : i32
        %add3A_1699 = arith.constant 12 : i32
        %add3A_1700 = arith.addi %mul3A_1698, %add3A_1699 : i32
        %get3A_1701 = arith.index_cast %add3A_1700 : i32 to index
        %get3A_1702 = arith.constant 0 : index
        %get3A_1703 = tpu.vector_load %arg19[%get3A_1701, %get3A_1702] {strides = array<i32>} : memref<320x128xf32, #tpu.memory_space<vmem>>, vector<16xf32>,
        %mul3A_1704 = arith.mulf %get3A_847, %get3A_1703 : vector<16xf32>
        %mul3A_1705 = arith.constant 20 : i32
        %mul3A_1706 = arith.muli %scan3A_845, %mul3A_1705 : i32
        %add3A_1707 = arith.constant 13 : i32
        %add3A_1708 = arith.addi %mul3A_1706, %add3A_1707 : i32
        %get3A_1709 = arith.index_cast %add3A_1708 : i32 to index
        %get3A_1710 = arith.constant 0 : index
        %get3A_1711 = tpu.vector_load %arg19[%get3A_1709, %get3A_1710] {strides = array<i32>} : memref<320x128xf32, #tpu.memory_space<vmem>>, vector<16xf32>,
        %mul3A_1712 = arith.mulf %get3A_847, %get3A_1711 : vector<16xf32>
        %mul3A_1713 = arith.constant 20 : i32
        %mul3A_1714 = arith.muli %scan3A_845, %mul3A_1713 : i32
        %add3A_1715 = arith.constant 14 : i32
        %add3A_1716 = arith.addi %mul3A_1714, %add3A_1715 : i32
        %get3A_1717 = arith.index_cast %add3A_1716 : i32 to index
        %get3A_1718 = arith.constant 0 : index
        %get3A_1719 = tpu.vector_load %arg19[%get3A_1717, %get3A_1718] {strides = array<i32>} : memref<320x128xf32, #tpu.memory_space<vmem>>, vector<16xf32>,
        %mul3A_1720 = arith.mulf %get3A_847, %get3A_1719 : vector<16xf32>
        %mul3A_1721 = arith.constant 20 : i32
        %mul3A_1722 = arith.muli %scan3A_845, %mul3A_1721 : i32
        %add3A_1723 = arith.constant 15 : i32
        %add3A_1724 = arith.addi %mul3A_1722, %add3A_1723 : i32
        %get3A_1725 = arith.index_cast %add3A_1724 : i32 to index
        %get3A_1726 = arith.constant 0 : index
        %get3A_1727 = tpu.vector_load %arg19[%get3A_1725, %get3A_1726] {strides = array<i32>} : memref<320x128xf32, #tpu.memory_space<vmem>>, vector<16xf32>,
        %mul3A_1728 = arith.mulf %get3A_847, %get3A_1727 : vector<16xf32>
        %mul3A_1729 = arith.constant 20 : i32
        %mul3A_1730 = arith.muli %scan3A_845, %mul3A_1729 : i32
        %add3A_1731 = arith.constant 16 : i32
        %add3A_1732 = arith.addi %mul3A_1730, %add3A_1731 : i32
        %get3A_1733 = arith.index_cast %add3A_1732 : i32 to index
        %get3A_1734 = arith.constant 0 : index
        %get3A_1735 = tpu.vector_load %arg19[%get3A_1733, %get3A_1734] {strides = array<i32>} : memref<320x128xf32, #tpu.memory_space<vmem>>, vector<16xf32>,
        %mul3A_1736 = arith.mulf %get3A_847, %get3A_1735 : vector<16xf32>
        %mul3A_1737 = arith.constant 20 : i32
        %mul3A_1738 = arith.muli %scan3A_845, %mul3A_1737 : i32
        %add3A_1739 = arith.constant 17 : i32
        %add3A_1740 = arith.addi %mul3A_1738, %add3A_1739 : i32
        %get3A_1741 = arith.index_cast %add3A_1740 : i32 to index
        %get3A_1742 = arith.constant 0 : index
        %get3A_1743 = tpu.vector_load %arg19[%get3A_1741, %get3A_1742] {strides = array<i32>} : memref<320x128xf32, #tpu.memory_space<vmem>>, vector<16xf32>,
        %mul3A_1744 = arith.mulf %get3A_847, %get3A_1743 : vector<16xf32>
        %mul3A_1745 = arith.constant 20 : i32
        %mul3A_1746 = arith.muli %scan3A_845, %mul3A_1745 : i32
        %add3A_1747 = arith.constant 18 : i32
        %add3A_1748 = arith.addi %mul3A_1746, %add3A_1747 : i32
        %get3A_1749 = arith.index_cast %add3A_1748 : i32 to index
        %get3A_1750 = arith.constant 0 : index
        %get3A_1751 = tpu.vector_load %arg19[%get3A_1749, %get3A_1750] {strides = array<i32>} : memref<320x128xf32, #tpu.memory_space<vmem>>, vector<16xf32>,
        %mul3A_1752 = arith.mulf %get3A_847, %get3A_1751 : vector<16xf32>
        %mul3A_1753 = arith.constant 20 : i32
        %mul3A_1754 = arith.muli %scan3A_845, %mul3A_1753 : i32
        %add3A_1755 = arith.constant 19 : i32
        %add3A_1756 = arith.addi %mul3A_1754, %add3A_1755 : i32
        %get3A_1757 = arith.index_cast %add3A_1756 : i32 to index
        %get3A_1758 = arith.constant 0 : index
        %get3A_1759 = tpu.vector_load %arg19[%get3A_1757, %get3A_1758] {strides = array<i32>} : memref<320x128xf32, #tpu.memory_space<vmem>>, vector<16xf32>,
        %mul3A_1760 = arith.mulf %get3A_847, %get3A_1759 : vector<16xf32>
        %mul3A_1761 = arith.constant 20 : i32
        %mul3A_1762 = arith.muli %scan3A_845, %mul3A_1761 : i32
        %add3A_1763 = arith.constant 10 : i32
        %add3A_1764 = arith.addi %mul3A_1762, %add3A_1763 : i32
        %get3A_1765 = arith.index_cast %add3A_1764 : i32 to index
        %get3A_1766 = arith.constant 16 : index
        %get3A_1767 = tpu.vector_load %arg19[%get3A_1765, %get3A_1766] {strides = array<i32>} : memref<320x128xf32, #tpu.memory_space<vmem>>, vector<16xf32>,
        %mul3A_1768 = arith.mulf %get3A_850, %get3A_1767 : vector<16xf32>
        %add3A_1769 = arith.addf %mul3A_1688, %mul3A_1768 : vector<16xf32>
        %mul3A_1770 = arith.constant 20 : i32
        %mul3A_1771 = arith.muli %scan3A_845, %mul3A_1770 : i32
        %add3A_1772 = arith.constant 11 : i32
        %add3A_1773 = arith.addi %mul3A_1771, %add3A_1772 : i32
        %get3A_1774 = arith.index_cast %add3A_1773 : i32 to index
        %get3A_1775 = arith.constant 16 : index
        %get3A_1776 = tpu.vector_load %arg19[%get3A_1774, %get3A_1775] {strides = array<i32>} : memref<320x128xf32, #tpu.memory_space<vmem>>, vector<16xf32>,
        %mul3A_1777 = arith.mulf %get3A_850, %get3A_1776 : vector<16xf32>
        %add3A_1778 = arith.addf %mul3A_1696, %mul3A_1777 : vector<16xf32>
        %mul3A_1779 = arith.constant 20 : i32
        %mul3A_1780 = arith.muli %scan3A_845, %mul3A_1779 : i32
        %add3A_1781 = arith.constant 12 : i32
        %add3A_1782 = arith.addi %mul3A_1780, %add3A_1781 : i32
        %get3A_1783 = arith.index_cast %add3A_1782 : i32 to index
        %get3A_1784 = arith.constant 16 : index
        %get3A_1785 = tpu.vector_load %arg19[%get3A_1783, %get3A_1784] {strides = array<i32>} : memref<320x128xf32, #tpu.memory_space<vmem>>, vector<16xf32>,
        %mul3A_1786 = arith.mulf %get3A_850, %get3A_1785 : vector<16xf32>
        %add3A_1787 = arith.addf %mul3A_1704, %mul3A_1786 : vector<16xf32>
        %mul3A_1788 = arith.constant 20 : i32
        %mul3A_1789 = arith.muli %scan3A_845, %mul3A_1788 : i32
        %add3A_1790 = arith.constant 13 : i32
        %add3A_1791 = arith.addi %mul3A_1789, %add3A_1790 : i32
        %get3A_1792 = arith.index_cast %add3A_1791 : i32 to index
        %get3A_1793 = arith.constant 16 : index
        %get3A_1794 = tpu.vector_load %arg19[%get3A_1792, %get3A_1793] {strides = array<i32>} : memref<320x128xf32, #tpu.memory_space<vmem>>, vector<16xf32>,
        %mul3A_1795 = arith.mulf %get3A_850, %get3A_1794 : vector<16xf32>
        %add3A_1796 = arith.addf %mul3A_1712, %mul3A_1795 : vector<16xf32>
        %mul3A_1797 = arith.constant 20 : i32
        %mul3A_1798 = arith.muli %scan3A_845, %mul3A_1797 : i32
        %add3A_1799 = arith.constant 14 : i32
        %add3A_1800 = arith.addi %mul3A_1798, %add3A_1799 : i32
        %get3A_1801 = arith.index_cast %add3A_1800 : i32 to index
        %get3A_1802 = arith.constant 16 : index
        %get3A_1803 = tpu.vector_load %arg19[%get3A_1801, %get3A_1802] {strides = array<i32>} : memref<320x128xf32, #tpu.memory_space<vmem>>, vector<16xf32>,
        %mul3A_1804 = arith.mulf %get3A_850, %get3A_1803 : vector<16xf32>
        %add3A_1805 = arith.addf %mul3A_1720, %mul3A_1804 : vector<16xf32>
        %mul3A_1806 = arith.constant 20 : i32
        %mul3A_1807 = arith.muli %scan3A_845, %mul3A_1806 : i32
        %add3A_1808 = arith.constant 15 : i32
        %add3A_1809 = arith.addi %mul3A_1807, %add3A_1808 : i32
        %get3A_1810 = arith.index_cast %add3A_1809 : i32 to index
        %get3A_1811 = arith.constant 16 : index
        %get3A_1812 = tpu.vector_load %arg19[%get3A_1810, %get3A_1811] {strides = array<i32>} : memref<320x128xf32, #tpu.memory_space<vmem>>, vector<16xf32>,
        %mul3A_1813 = arith.mulf %get3A_850, %get3A_1812 : vector<16xf32>
        %add3A_1814 = arith.addf %mul3A_1728, %mul3A_1813 : vector<16xf32>
        %mul3A_1815 = arith.constant 20 : i32
        %mul3A_1816 = arith.muli %scan3A_845, %mul3A_1815 : i32
        %add3A_1817 = arith.constant 16 : i32
        %add3A_1818 = arith.addi %mul3A_1816, %add3A_1817 : i32
        %get3A_1819 = arith.index_cast %add3A_1818 : i32 to index
        %get3A_1820 = arith.constant 16 : index
        %get3A_1821 = tpu.vector_load %arg19[%get3A_1819, %get3A_1820] {strides = array<i32>} : memref<320x128xf32, #tpu.memory_space<vmem>>, vector<16xf32>,
        %mul3A_1822 = arith.mulf %get3A_850, %get3A_1821 : vector<16xf32>
        %add3A_1823 = arith.addf %mul3A_1736, %mul3A_1822 : vector<16xf32>
        %mul3A_1824 = arith.constant 20 : i32
        %mul3A_1825 = arith.muli %scan3A_845, %mul3A_1824 : i32
        %add3A_1826 = arith.constant 17 : i32
        %add3A_1827 = arith.addi %mul3A_1825, %add3A_1826 : i32
        %get3A_1828 = arith.index_cast %add3A_1827 : i32 to index
        %get3A_1829 = arith.constant 16 : index
        %get3A_1830 = tpu.vector_load %arg19[%get3A_1828, %get3A_1829] {strides = array<i32>} : memref<320x128xf32, #tpu.memory_space<vmem>>, vector<16xf32>,
        %mul3A_1831 = arith.mulf %get3A_850, %get3A_1830 : vector<16xf32>
        %add3A_1832 = arith.addf %mul3A_1744, %mul3A_1831 : vector<16xf32>
        %mul3A_1833 = arith.constant 20 : i32
        %mul3A_1834 = arith.muli %scan3A_845, %mul3A_1833 : i32
        %add3A_1835 = arith.constant 18 : i32
        %add3A_1836 = arith.addi %mul3A_1834, %add3A_1835 : i32
        %get3A_1837 = arith.index_cast %add3A_1836 : i32 to index
        %get3A_1838 = arith.constant 16 : index
        %get3A_1839 = tpu.vector_load %arg19[%get3A_1837, %get3A_1838] {strides = array<i32>} : memref<320x128xf32, #tpu.memory_space<vmem>>, vector<16xf32>,
        %mul3A_1840 = arith.mulf %get3A_850, %get3A_1839 : vector<16xf32>
        %add3A_1841 = arith.addf %mul3A_1752, %mul3A_1840 : vector<16xf32>
        %mul3A_1842 = arith.constant 20 : i32
        %mul3A_1843 = arith.muli %scan3A_845, %mul3A_1842 : i32
        %add3A_1844 = arith.constant 19 : i32
        %add3A_1845 = arith.addi %mul3A_1843, %add3A_1844 : i32
        %get3A_1846 = arith.index_cast %add3A_1845 : i32 to index
        %get3A_1847 = arith.constant 16 : index
        %get3A_1848 = tpu.vector_load %arg19[%get3A_1846, %get3A_1847] {strides = array<i32>} : memref<320x128xf32, #tpu.memory_space<vmem>>, vector<16xf32>,
        %mul3A_1849 = arith.mulf %get3A_850, %get3A_1848 : vector<16xf32>
        %add3A_1850 = arith.addf %mul3A_1760, %mul3A_1849 : vector<16xf32>
        %mul3A_1851 = arith.constant 20 : i32
        %mul3A_1852 = arith.muli %scan3A_845, %mul3A_1851 : i32
        %add3A_1853 = arith.constant 10 : i32
        %add3A_1854 = arith.addi %mul3A_1852, %add3A_1853 : i32
        %get3A_1855 = arith.index_cast %add3A_1854 : i32 to index
        %get3A_1856 = arith.constant 32 : index
        %get3A_1857 = tpu.vector_load %arg19[%get3A_1855, %get3A_1856] {strides = array<i32>} : memref<320x128xf32, #tpu.memory_space<vmem>>, vector<16xf32>,
        %mul3A_1858 = arith.mulf %get3A_853, %get3A_1857 : vector<16xf32>
        %add3A_1859 = arith.addf %add3A_1769, %mul3A_1858 : vector<16xf32>
        %mul3A_1860 = arith.constant 20 : i32
        %mul3A_1861 = arith.muli %scan3A_845, %mul3A_1860 : i32
        %add3A_1862 = arith.constant 11 : i32
        %add3A_1863 = arith.addi %mul3A_1861, %add3A_1862 : i32
        %get3A_1864 = arith.index_cast %add3A_1863 : i32 to index
        %get3A_1865 = arith.constant 32 : index
        %get3A_1866 = tpu.vector_load %arg19[%get3A_1864, %get3A_1865] {strides = array<i32>} : memref<320x128xf32, #tpu.memory_space<vmem>>, vector<16xf32>,
        %mul3A_1867 = arith.mulf %get3A_853, %get3A_1866 : vector<16xf32>
        %add3A_1868 = arith.addf %add3A_1778, %mul3A_1867 : vector<16xf32>
        %mul3A_1869 = arith.constant 20 : i32
        %mul3A_1870 = arith.muli %scan3A_845, %mul3A_1869 : i32
        %add3A_1871 = arith.constant 12 : i32
        %add3A_1872 = arith.addi %mul3A_1870, %add3A_1871 : i32
        %get3A_1873 = arith.index_cast %add3A_1872 : i32 to index
        %get3A_1874 = arith.constant 32 : index
        %get3A_1875 = tpu.vector_load %arg19[%get3A_1873, %get3A_1874] {strides = array<i32>} : memref<320x128xf32, #tpu.memory_space<vmem>>, vector<16xf32>,
        %mul3A_1876 = arith.mulf %get3A_853, %get3A_1875 : vector<16xf32>
        %add3A_1877 = arith.addf %add3A_1787, %mul3A_1876 : vector<16xf32>
        %mul3A_1878 = arith.constant 20 : i32
        %mul3A_1879 = arith.muli %scan3A_845, %mul3A_1878 : i32
        %add3A_1880 = arith.constant 13 : i32
        %add3A_1881 = arith.addi %mul3A_1879, %add3A_1880 : i32
        %get3A_1882 = arith.index_cast %add3A_1881 : i32 to index
        %get3A_1883 = arith.constant 32 : index
        %get3A_1884 = tpu.vector_load %arg19[%get3A_1882, %get3A_1883] {strides = array<i32>} : memref<320x128xf32, #tpu.memory_space<vmem>>, vector<16xf32>,
        %mul3A_1885 = arith.mulf %get3A_853, %get3A_1884 : vector<16xf32>
        %add3A_1886 = arith.addf %add3A_1796, %mul3A_1885 : vector<16xf32>
        %mul3A_1887 = arith.constant 20 : i32
        %mul3A_1888 = arith.muli %scan3A_845, %mul3A_1887 : i32
        %add3A_1889 = arith.constant 14 : i32
        %add3A_1890 = arith.addi %mul3A_1888, %add3A_1889 : i32
        %get3A_1891 = arith.index_cast %add3A_1890 : i32 to index
        %get3A_1892 = arith.constant 32 : index
        %get3A_1893 = tpu.vector_load %arg19[%get3A_1891, %get3A_1892] {strides = array<i32>} : memref<320x128xf32, #tpu.memory_space<vmem>>, vector<16xf32>,
        %mul3A_1894 = arith.mulf %get3A_853, %get3A_1893 : vector<16xf32>
        %add3A_1895 = arith.addf %add3A_1805, %mul3A_1894 : vector<16xf32>
        %mul3A_1896 = arith.constant 20 : i32
        %mul3A_1897 = arith.muli %scan3A_845, %mul3A_1896 : i32
        %add3A_1898 = arith.constant 15 : i32
        %add3A_1899 = arith.addi %mul3A_1897, %add3A_1898 : i32
        %get3A_1900 = arith.index_cast %add3A_1899 : i32 to index
        %get3A_1901 = arith.constant 32 : index
        %get3A_1902 = tpu.vector_load %arg19[%get3A_1900, %get3A_1901] {strides = array<i32>} : memref<320x128xf32, #tpu.memory_space<vmem>>, vector<16xf32>,
        %mul3A_1903 = arith.mulf %get3A_853, %get3A_1902 : vector<16xf32>
        %add3A_1904 = arith.addf %add3A_1814, %mul3A_1903 : vector<16xf32>
        %mul3A_1905 = arith.constant 20 : i32
        %mul3A_1906 = arith.muli %scan3A_845, %mul3A_1905 : i32
        %add3A_1907 = arith.constant 16 : i32
        %add3A_1908 = arith.addi %mul3A_1906, %add3A_1907 : i32
        %get3A_1909 = arith.index_cast %add3A_1908 : i32 to index
        %get3A_1910 = arith.constant 32 : index
        %get3A_1911 = tpu.vector_load %arg19[%get3A_1909, %get3A_1910] {strides = array<i32>} : memref<320x128xf32, #tpu.memory_space<vmem>>, vector<16xf32>,
        %mul3A_1912 = arith.mulf %get3A_853, %get3A_1911 : vector<16xf32>
        %add3A_1913 = arith.addf %add3A_1823, %mul3A_1912 : vector<16xf32>
        %mul3A_1914 = arith.constant 20 : i32
        %mul3A_1915 = arith.muli %scan3A_845, %mul3A_1914 : i32
        %add3A_1916 = arith.constant 17 : i32
        %add3A_1917 = arith.addi %mul3A_1915, %add3A_1916 : i32
        %get3A_1918 = arith.index_cast %add3A_1917 : i32 to index
        %get3A_1919 = arith.constant 32 : index
        %get3A_1920 = tpu.vector_load %arg19[%get3A_1918, %get3A_1919] {strides = array<i32>} : memref<320x128xf32, #tpu.memory_space<vmem>>, vector<16xf32>,
        %mul3A_1921 = arith.mulf %get3A_853, %get3A_1920 : vector<16xf32>
        %add3A_1922 = arith.addf %add3A_1832, %mul3A_1921 : vector<16xf32>
        %mul3A_1923 = arith.constant 20 : i32
        %mul3A_1924 = arith.muli %scan3A_845, %mul3A_1923 : i32
        %add3A_1925 = arith.constant 18 : i32
        %add3A_1926 = arith.addi %mul3A_1924, %add3A_1925 : i32
        %get3A_1927 = arith.index_cast %add3A_1926 : i32 to index
        %get3A_1928 = arith.constant 32 : index
        %get3A_1929 = tpu.vector_load %arg19[%get3A_1927, %get3A_1928] {strides = array<i32>} : memref<320x128xf32, #tpu.memory_space<vmem>>, vector<16xf32>,
        %mul3A_1930 = arith.mulf %get3A_853, %get3A_1929 : vector<16xf32>
        %add3A_1931 = arith.addf %add3A_1841, %mul3A_1930 : vector<16xf32>
        %mul3A_1932 = arith.constant 20 : i32
        %mul3A_1933 = arith.muli %scan3A_845, %mul3A_1932 : i32
        %add3A_1934 = arith.constant 19 : i32
        %add3A_1935 = arith.addi %mul3A_1933, %add3A_1934 : i32
        %get3A_1936 = arith.index_cast %add3A_1935 : i32 to index
        %get3A_1937 = arith.constant 32 : index
        %get3A_1938 = tpu.vector_load %arg19[%get3A_1936, %get3A_1937] {strides = array<i32>} : memref<320x128xf32, #tpu.memory_space<vmem>>, vector<16xf32>,
        %mul3A_1939 = arith.mulf %get3A_853, %get3A_1938 : vector<16xf32>
        %add3A_1940 = arith.addf %add3A_1850, %mul3A_1939 : vector<16xf32>
        %mul3A_1941 = arith.constant 20 : i32
        %mul3A_1942 = arith.muli %scan3A_845, %mul3A_1941 : i32
        %add3A_1943 = arith.constant 10 : i32
        %add3A_1944 = arith.addi %mul3A_1942, %add3A_1943 : i32
        %get3A_1945 = arith.index_cast %add3A_1944 : i32 to index
        %get3A_1946 = arith.constant 48 : index
        %get3A_1947 = tpu.vector_load %arg19[%get3A_1945, %get3A_1946] {strides = array<i32>} : memref<320x128xf32, #tpu.memory_space<vmem>>, vector<16xf32>,
        %mul3A_1948 = arith.mulf %get3A_856, %get3A_1947 : vector<16xf32>
        %add3A_1949 = arith.addf %add3A_1859, %mul3A_1948 : vector<16xf32>
        %mul3A_1950 = arith.constant 20 : i32
        %mul3A_1951 = arith.muli %scan3A_845, %mul3A_1950 : i32
        %add3A_1952 = arith.constant 11 : i32
        %add3A_1953 = arith.addi %mul3A_1951, %add3A_1952 : i32
        %get3A_1954 = arith.index_cast %add3A_1953 : i32 to index
        %get3A_1955 = arith.constant 48 : index
        %get3A_1956 = tpu.vector_load %arg19[%get3A_1954, %get3A_1955] {strides = array<i32>} : memref<320x128xf32, #tpu.memory_space<vmem>>, vector<16xf32>,
        %mul3A_1957 = arith.mulf %get3A_856, %get3A_1956 : vector<16xf32>
        %add3A_1958 = arith.addf %add3A_1868, %mul3A_1957 : vector<16xf32>
        %mul3A_1959 = arith.constant 20 : i32
        %mul3A_1960 = arith.muli %scan3A_845, %mul3A_1959 : i32
        %add3A_1961 = arith.constant 12 : i32
        %add3A_1962 = arith.addi %mul3A_1960, %add3A_1961 : i32
        %get3A_1963 = arith.index_cast %add3A_1962 : i32 to index
        %get3A_1964 = arith.constant 48 : index
        %get3A_1965 = tpu.vector_load %arg19[%get3A_1963, %get3A_1964] {strides = array<i32>} : memref<320x128xf32, #tpu.memory_space<vmem>>, vector<16xf32>,
        %mul3A_1966 = arith.mulf %get3A_856, %get3A_1965 : vector<16xf32>
        %add3A_1967 = arith.addf %add3A_1877, %mul3A_1966 : vector<16xf32>
        %mul3A_1968 = arith.constant 20 : i32
        %mul3A_1969 = arith.muli %scan3A_845, %mul3A_1968 : i32
        %add3A_1970 = arith.constant 13 : i32
        %add3A_1971 = arith.addi %mul3A_1969, %add3A_1970 : i32
        %get3A_1972 = arith.index_cast %add3A_1971 : i32 to index
        %get3A_1973 = arith.constant 48 : index
        %get3A_1974 = tpu.vector_load %arg19[%get3A_1972, %get3A_1973] {strides = array<i32>} : memref<320x128xf32, #tpu.memory_space<vmem>>, vector<16xf32>,
        %mul3A_1975 = arith.mulf %get3A_856, %get3A_1974 : vector<16xf32>
        %add3A_1976 = arith.addf %add3A_1886, %mul3A_1975 : vector<16xf32>
        %mul3A_1977 = arith.constant 20 : i32
        %mul3A_1978 = arith.muli %scan3A_845, %mul3A_1977 : i32
        %add3A_1979 = arith.constant 14 : i32
        %add3A_1980 = arith.addi %mul3A_1978, %add3A_1979 : i32
        %get3A_1981 = arith.index_cast %add3A_1980 : i32 to index
        %get3A_1982 = arith.constant 48 : index
        %get3A_1983 = tpu.vector_load %arg19[%get3A_1981, %get3A_1982] {strides = array<i32>} : memref<320x128xf32, #tpu.memory_space<vmem>>, vector<16xf32>,
        %mul3A_1984 = arith.mulf %get3A_856, %get3A_1983 : vector<16xf32>
        %add3A_1985 = arith.addf %add3A_1895, %mul3A_1984 : vector<16xf32>
        %mul3A_1986 = arith.constant 20 : i32
        %mul3A_1987 = arith.muli %scan3A_845, %mul3A_1986 : i32
        %add3A_1988 = arith.constant 15 : i32
        %add3A_1989 = arith.addi %mul3A_1987, %add3A_1988 : i32
        %get3A_1990 = arith.index_cast %add3A_1989 : i32 to index
        %get3A_1991 = arith.constant 48 : index
        %get3A_1992 = tpu.vector_load %arg19[%get3A_1990, %get3A_1991] {strides = array<i32>} : memref<320x128xf32, #tpu.memory_space<vmem>>, vector<16xf32>,
        %mul3A_1993 = arith.mulf %get3A_856, %get3A_1992 : vector<16xf32>
        %add3A_1994 = arith.addf %add3A_1904, %mul3A_1993 : vector<16xf32>
        %mul3A_1995 = arith.constant 20 : i32
        %mul3A_1996 = arith.muli %scan3A_845, %mul3A_1995 : i32
        %add3A_1997 = arith.constant 16 : i32
        %add3A_1998 = arith.addi %mul3A_1996, %add3A_1997 : i32
        %get3A_1999 = arith.index_cast %add3A_1998 : i32 to index
        %get3A_2000 = arith.constant 48 : index
        %get3A_2001 = tpu.vector_load %arg19[%get3A_1999, %get3A_2000] {strides = array<i32>} : memref<320x128xf32, #tpu.memory_space<vmem>>, vector<16xf32>,
        %mul3A_2002 = arith.mulf %get3A_856, %get3A_2001 : vector<16xf32>
        %add3A_2003 = arith.addf %add3A_1913, %mul3A_2002 : vector<16xf32>
        %mul3A_2004 = arith.constant 20 : i32
        %mul3A_2005 = arith.muli %scan3A_845, %mul3A_2004 : i32
        %add3A_2006 = arith.constant 17 : i32
        %add3A_2007 = arith.addi %mul3A_2005, %add3A_2006 : i32
        %get3A_2008 = arith.index_cast %add3A_2007 : i32 to index
        %get3A_2009 = arith.constant 48 : index
        %get3A_2010 = tpu.vector_load %arg19[%get3A_2008, %get3A_2009] {strides = array<i32>} : memref<320x128xf32, #tpu.memory_space<vmem>>, vector<16xf32>,
        %mul3A_2011 = arith.mulf %get3A_856, %get3A_2010 : vector<16xf32>
        %add3A_2012 = arith.addf %add3A_1922, %mul3A_2011 : vector<16xf32>
        %mul3A_2013 = arith.constant 20 : i32
        %mul3A_2014 = arith.muli %scan3A_845, %mul3A_2013 : i32
        %add3A_2015 = arith.constant 18 : i32
        %add3A_2016 = arith.addi %mul3A_2014, %add3A_2015 : i32
        %get3A_2017 = arith.index_cast %add3A_2016 : i32 to index
        %get3A_2018 = arith.constant 48 : index
        %get3A_2019 = tpu.vector_load %arg19[%get3A_2017, %get3A_2018] {strides = array<i32>} : memref<320x128xf32, #tpu.memory_space<vmem>>, vector<16xf32>,
        %mul3A_2020 = arith.mulf %get3A_856, %get3A_2019 : vector<16xf32>
        %add3A_2021 = arith.addf %add3A_1931, %mul3A_2020 : vector<16xf32>
        %mul3A_2022 = arith.constant 20 : i32
        %mul3A_2023 = arith.muli %scan3A_845, %mul3A_2022 : i32
        %add3A_2024 = arith.constant 19 : i32
        %add3A_2025 = arith.addi %mul3A_2023, %add3A_2024 : i32
        %get3A_2026 = arith.index_cast %add3A_2025 : i32 to index
        %get3A_2027 = arith.constant 48 : index
        %get3A_2028 = tpu.vector_load %arg19[%get3A_2026, %get3A_2027] {strides = array<i32>} : memref<320x128xf32, #tpu.memory_space<vmem>>, vector<16xf32>,
        %mul3A_2029 = arith.mulf %get3A_856, %get3A_2028 : vector<16xf32>
        %add3A_2030 = arith.addf %add3A_1940, %mul3A_2029 : vector<16xf32>
        %mul3A_2031 = arith.constant 20 : i32
        %mul3A_2032 = arith.muli %scan3A_845, %mul3A_2031 : i32
        %add3A_2033 = arith.constant 10 : i32
        %add3A_2034 = arith.addi %mul3A_2032, %add3A_2033 : i32
        %get3A_2035 = arith.index_cast %add3A_2034 : i32 to index
        %get3A_2036 = arith.constant 64 : index
        %get3A_2037 = tpu.vector_load %arg19[%get3A_2035, %get3A_2036] {strides = array<i32>} : memref<320x128xf32, #tpu.memory_space<vmem>>, vector<16xf32>,
        %mul3A_2038 = arith.mulf %get3A_859, %get3A_2037 : vector<16xf32>
        %add3A_2039 = arith.addf %add3A_1949, %mul3A_2038 : vector<16xf32>
        %mul3A_2040 = arith.constant 20 : i32
        %mul3A_2041 = arith.muli %scan3A_845, %mul3A_2040 : i32
        %add3A_2042 = arith.constant 11 : i32
        %add3A_2043 = arith.addi %mul3A_2041, %add3A_2042 : i32
        %get3A_2044 = arith.index_cast %add3A_2043 : i32 to index
        %get3A_2045 = arith.constant 64 : index
        %get3A_2046 = tpu.vector_load %arg19[%get3A_2044, %get3A_2045] {strides = array<i32>} : memref<320x128xf32, #tpu.memory_space<vmem>>, vector<16xf32>,
        %mul3A_2047 = arith.mulf %get3A_859, %get3A_2046 : vector<16xf32>
        %add3A_2048 = arith.addf %add3A_1958, %mul3A_2047 : vector<16xf32>
        %mul3A_2049 = arith.constant 20 : i32
        %mul3A_2050 = arith.muli %scan3A_845, %mul3A_2049 : i32
        %add3A_2051 = arith.constant 12 : i32
        %add3A_2052 = arith.addi %mul3A_2050, %add3A_2051 : i32
        %get3A_2053 = arith.index_cast %add3A_2052 : i32 to index
        %get3A_2054 = arith.constant 64 : index
        %get3A_2055 = tpu.vector_load %arg19[%get3A_2053, %get3A_2054] {strides = array<i32>} : memref<320x128xf32, #tpu.memory_space<vmem>>, vector<16xf32>,
        %mul3A_2056 = arith.mulf %get3A_859, %get3A_2055 : vector<16xf32>
        %add3A_2057 = arith.addf %add3A_1967, %mul3A_2056 : vector<16xf32>
        %mul3A_2058 = arith.constant 20 : i32
        %mul3A_2059 = arith.muli %scan3A_845, %mul3A_2058 : i32
        %add3A_2060 = arith.constant 13 : i32
        %add3A_2061 = arith.addi %mul3A_2059, %add3A_2060 : i32
        %get3A_2062 = arith.index_cast %add3A_2061 : i32 to index
        %get3A_2063 = arith.constant 64 : index
        %get3A_2064 = tpu.vector_load %arg19[%get3A_2062, %get3A_2063] {strides = array<i32>} : memref<320x128xf32, #tpu.memory_space<vmem>>, vector<16xf32>,
        %mul3A_2065 = arith.mulf %get3A_859, %get3A_2064 : vector<16xf32>
        %add3A_2066 = arith.addf %add3A_1976, %mul3A_2065 : vector<16xf32>
        %mul3A_2067 = arith.constant 20 : i32
        %mul3A_2068 = arith.muli %scan3A_845, %mul3A_2067 : i32
        %add3A_2069 = arith.constant 14 : i32
        %add3A_2070 = arith.addi %mul3A_2068, %add3A_2069 : i32
        %get3A_2071 = arith.index_cast %add3A_2070 : i32 to index
        %get3A_2072 = arith.constant 64 : index
        %get3A_2073 = tpu.vector_load %arg19[%get3A_2071, %get3A_2072] {strides = array<i32>} : memref<320x128xf32, #tpu.memory_space<vmem>>, vector<16xf32>,
        %mul3A_2074 = arith.mulf %get3A_859, %get3A_2073 : vector<16xf32>
        %add3A_2075 = arith.addf %add3A_1985, %mul3A_2074 : vector<16xf32>
        %mul3A_2076 = arith.constant 20 : i32
        %mul3A_2077 = arith.muli %scan3A_845, %mul3A_2076 : i32
        %add3A_2078 = arith.constant 15 : i32
        %add3A_2079 = arith.addi %mul3A_2077, %add3A_2078 : i32
        %get3A_2080 = arith.index_cast %add3A_2079 : i32 to index
        %get3A_2081 = arith.constant 64 : index
        %get3A_2082 = tpu.vector_load %arg19[%get3A_2080, %get3A_2081] {strides = array<i32>} : memref<320x128xf32, #tpu.memory_space<vmem>>, vector<16xf32>,
        %mul3A_2083 = arith.mulf %get3A_859, %get3A_2082 : vector<16xf32>
        %add3A_2084 = arith.addf %add3A_1994, %mul3A_2083 : vector<16xf32>
        %mul3A_2085 = arith.constant 20 : i32
        %mul3A_2086 = arith.muli %scan3A_845, %mul3A_2085 : i32
        %add3A_2087 = arith.constant 16 : i32
        %add3A_2088 = arith.addi %mul3A_2086, %add3A_2087 : i32
        %get3A_2089 = arith.index_cast %add3A_2088 : i32 to index
        %get3A_2090 = arith.constant 64 : index
        %get3A_2091 = tpu.vector_load %arg19[%get3A_2089, %get3A_2090] {strides = array<i32>} : memref<320x128xf32, #tpu.memory_space<vmem>>, vector<16xf32>,
        %mul3A_2092 = arith.mulf %get3A_859, %get3A_2091 : vector<16xf32>
        %add3A_2093 = arith.addf %add3A_2003, %mul3A_2092 : vector<16xf32>
        %mul3A_2094 = arith.constant 20 : i32
        %mul3A_2095 = arith.muli %scan3A_845, %mul3A_2094 : i32
        %add3A_2096 = arith.constant 17 : i32
        %add3A_2097 = arith.addi %mul3A_2095, %add3A_2096 : i32
        %get3A_2098 = arith.index_cast %add3A_2097 : i32 to index
        %get3A_2099 = arith.constant 64 : index
        %get3A_2100 = tpu.vector_load %arg19[%get3A_2098, %get3A_2099] {strides = array<i32>} : memref<320x128xf32, #tpu.memory_space<vmem>>, vector<16xf32>,
        %mul3A_2101 = arith.mulf %get3A_859, %get3A_2100 : vector<16xf32>
        %add3A_2102 = arith.addf %add3A_2012, %mul3A_2101 : vector<16xf32>
        %mul3A_2103 = arith.constant 20 : i32
        %mul3A_2104 = arith.muli %scan3A_845, %mul3A_2103 : i32
        %add3A_2105 = arith.constant 18 : i32
        %add3A_2106 = arith.addi %mul3A_2104, %add3A_2105 : i32
        %get3A_2107 = arith.index_cast %add3A_2106 : i32 to index
        %get3A_2108 = arith.constant 64 : index
        %get3A_2109 = tpu.vector_load %arg19[%get3A_2107, %get3A_2108] {strides = array<i32>} : memref<320x128xf32, #tpu.memory_space<vmem>>, vector<16xf32>,
        %mul3A_2110 = arith.mulf %get3A_859, %get3A_2109 : vector<16xf32>
        %add3A_2111 = arith.addf %add3A_2021, %mul3A_2110 : vector<16xf32>
        %mul3A_2112 = arith.constant 20 : i32
        %mul3A_2113 = arith.muli %scan3A_845, %mul3A_2112 : i32
        %add3A_2114 = arith.constant 19 : i32
        %add3A_2115 = arith.addi %mul3A_2113, %add3A_2114 : i32
        %get3A_2116 = arith.index_cast %add3A_2115 : i32 to index
        %get3A_2117 = arith.constant 64 : index
        %get3A_2118 = tpu.vector_load %arg19[%get3A_2116, %get3A_2117] {strides = array<i32>} : memref<320x128xf32, #tpu.memory_space<vmem>>, vector<16xf32>,
        %mul3A_2119 = arith.mulf %get3A_859, %get3A_2118 : vector<16xf32>
        %add3A_2120 = arith.addf %add3A_2030, %mul3A_2119 : vector<16xf32>
        %mul3A_2121 = arith.constant 20 : i32
        %mul3A_2122 = arith.muli %scan3A_845, %mul3A_2121 : i32
        %add3A_2123 = arith.constant 10 : i32
        %add3A_2124 = arith.addi %mul3A_2122, %add3A_2123 : i32
        %get3A_2125 = arith.index_cast %add3A_2124 : i32 to index
        %get3A_2126 = arith.constant 80 : index
        %get3A_2127 = tpu.vector_load %arg19[%get3A_2125, %get3A_2126] {strides = array<i32>} : memref<320x128xf32, #tpu.memory_space<vmem>>, vector<16xf32>,
        %mul3A_2128 = arith.mulf %get3A_862, %get3A_2127 : vector<16xf32>
        %add3A_2129 = arith.addf %add3A_2039, %mul3A_2128 : vector<16xf32>
        %mul3A_2130 = arith.constant 20 : i32
        %mul3A_2131 = arith.muli %scan3A_845, %mul3A_2130 : i32
        %add3A_2132 = arith.constant 11 : i32
        %add3A_2133 = arith.addi %mul3A_2131, %add3A_2132 : i32
        %get3A_2134 = arith.index_cast %add3A_2133 : i32 to index
        %get3A_2135 = arith.constant 80 : index
        %get3A_2136 = tpu.vector_load %arg19[%get3A_2134, %get3A_2135] {strides = array<i32>} : memref<320x128xf32, #tpu.memory_space<vmem>>, vector<16xf32>,
        %mul3A_2137 = arith.mulf %get3A_862, %get3A_2136 : vector<16xf32>
        %add3A_2138 = arith.addf %add3A_2048, %mul3A_2137 : vector<16xf32>
        %mul3A_2139 = arith.constant 20 : i32
        %mul3A_2140 = arith.muli %scan3A_845, %mul3A_2139 : i32
        %add3A_2141 = arith.constant 12 : i32
        %add3A_2142 = arith.addi %mul3A_2140, %add3A_2141 : i32
        %get3A_2143 = arith.index_cast %add3A_2142 : i32 to index
        %get3A_2144 = arith.constant 80 : index
        %get3A_2145 = tpu.vector_load %arg19[%get3A_2143, %get3A_2144] {strides = array<i32>} : memref<320x128xf32, #tpu.memory_space<vmem>>, vector<16xf32>,
        %mul3A_2146 = arith.mulf %get3A_862, %get3A_2145 : vector<16xf32>
        %add3A_2147 = arith.addf %add3A_2057, %mul3A_2146 : vector<16xf32>
        %mul3A_2148 = arith.constant 20 : i32
        %mul3A_2149 = arith.muli %scan3A_845, %mul3A_2148 : i32
        %add3A_2150 = arith.constant 13 : i32
        %add3A_2151 = arith.addi %mul3A_2149, %add3A_2150 : i32
        %get3A_2152 = arith.index_cast %add3A_2151 : i32 to index
        %get3A_2153 = arith.constant 80 : index
        %get3A_2154 = tpu.vector_load %arg19[%get3A_2152, %get3A_2153] {strides = array<i32>} : memref<320x128xf32, #tpu.memory_space<vmem>>, vector<16xf32>,
        %mul3A_2155 = arith.mulf %get3A_862, %get3A_2154 : vector<16xf32>
        %add3A_2156 = arith.addf %add3A_2066, %mul3A_2155 : vector<16xf32>
        %mul3A_2157 = arith.constant 20 : i32
        %mul3A_2158 = arith.muli %scan3A_845, %mul3A_2157 : i32
        %add3A_2159 = arith.constant 14 : i32
        %add3A_2160 = arith.addi %mul3A_2158, %add3A_2159 : i32
        %get3A_2161 = arith.index_cast %add3A_2160 : i32 to index
        %get3A_2162 = arith.constant 80 : index
        %get3A_2163 = tpu.vector_load %arg19[%get3A_2161, %get3A_2162] {strides = array<i32>} : memref<320x128xf32, #tpu.memory_space<vmem>>, vector<16xf32>,
        %mul3A_2164 = arith.mulf %get3A_862, %get3A_2163 : vector<16xf32>
        %add3A_2165 = arith.addf %add3A_2075, %mul3A_2164 : vector<16xf32>
        %mul3A_2166 = arith.constant 20 : i32
        %mul3A_2167 = arith.muli %scan3A_845, %mul3A_2166 : i32
        %add3A_2168 = arith.constant 15 : i32
        %add3A_2169 = arith.addi %mul3A_2167, %add3A_2168 : i32
        %get3A_2170 = arith.index_cast %add3A_2169 : i32 to index
        %get3A_2171 = arith.constant 80 : index
        %get3A_2172 = tpu.vector_load %arg19[%get3A_2170, %get3A_2171] {strides = array<i32>} : memref<320x128xf32, #tpu.memory_space<vmem>>, vector<16xf32>,
        %mul3A_2173 = arith.mulf %get3A_862, %get3A_2172 : vector<16xf32>
        %add3A_2174 = arith.addf %add3A_2084, %mul3A_2173 : vector<16xf32>
        %mul3A_2175 = arith.constant 20 : i32
        %mul3A_2176 = arith.muli %scan3A_845, %mul3A_2175 : i32
        %add3A_2177 = arith.constant 16 : i32
        %add3A_2178 = arith.addi %mul3A_2176, %add3A_2177 : i32
        %get3A_2179 = arith.index_cast %add3A_2178 : i32 to index
        %get3A_2180 = arith.constant 80 : index
        %get3A_2181 = tpu.vector_load %arg19[%get3A_2179, %get3A_2180] {strides = array<i32>} : memref<320x128xf32, #tpu.memory_space<vmem>>, vector<16xf32>,
        %mul3A_2182 = arith.mulf %get3A_862, %get3A_2181 : vector<16xf32>
        %add3A_2183 = arith.addf %add3A_2093, %mul3A_2182 : vector<16xf32>
        %mul3A_2184 = arith.constant 20 : i32
        %mul3A_2185 = arith.muli %scan3A_845, %mul3A_2184 : i32
        %add3A_2186 = arith.constant 17 : i32
        %add3A_2187 = arith.addi %mul3A_2185, %add3A_2186 : i32
        %get3A_2188 = arith.index_cast %add3A_2187 : i32 to index
        %get3A_2189 = arith.constant 80 : index
        %get3A_2190 = tpu.vector_load %arg19[%get3A_2188, %get3A_2189] {strides = array<i32>} : memref<320x128xf32, #tpu.memory_space<vmem>>, vector<16xf32>,
        %mul3A_2191 = arith.mulf %get3A_862, %get3A_2190 : vector<16xf32>
        %add3A_2192 = arith.addf %add3A_2102, %mul3A_2191 : vector<16xf32>
        %mul3A_2193 = arith.constant 20 : i32
        %mul3A_2194 = arith.muli %scan3A_845, %mul3A_2193 : i32
        %add3A_2195 = arith.constant 18 : i32
        %add3A_2196 = arith.addi %mul3A_2194, %add3A_2195 : i32
        %get3A_2197 = arith.index_cast %add3A_2196 : i32 to index
        %get3A_2198 = arith.constant 80 : index
        %get3A_2199 = tpu.vector_load %arg19[%get3A_2197, %get3A_2198] {strides = array<i32>} : memref<320x128xf32, #tpu.memory_space<vmem>>, vector<16xf32>,
        %mul3A_2200 = arith.mulf %get3A_862, %get3A_2199 : vector<16xf32>
        %add3A_2201 = arith.addf %add3A_2111, %mul3A_2200 : vector<16xf32>
        %mul3A_2202 = arith.constant 20 : i32
        %mul3A_2203 = arith.muli %scan3A_845, %mul3A_2202 : i32
        %add3A_2204 = arith.constant 19 : i32
        %add3A_2205 = arith.addi %mul3A_2203, %add3A_2204 : i32
        %get3A_2206 = arith.index_cast %add3A_2205 : i32 to index
        %get3A_2207 = arith.constant 80 : index
        %get3A_2208 = tpu.vector_load %arg19[%get3A_2206, %get3A_2207] {strides = array<i32>} : memref<320x128xf32, #tpu.memory_space<vmem>>, vector<16xf32>,
        %mul3A_2209 = arith.mulf %get3A_862, %get3A_2208 : vector<16xf32>
        %add3A_2210 = arith.addf %add3A_2120, %mul3A_2209 : vector<16xf32>
        %mul3A_2211 = arith.constant 20 : i32
        %mul3A_2212 = arith.muli %scan3A_845, %mul3A_2211 : i32
        %add3A_2213 = arith.constant 10 : i32
        %add3A_2214 = arith.addi %mul3A_2212, %add3A_2213 : i32
        %get3A_2215 = arith.index_cast %add3A_2214 : i32 to index
        %get3A_2216 = arith.constant 96 : index
        %get3A_2217 = tpu.vector_load %arg19[%get3A_2215, %get3A_2216] {strides = array<i32>} : memref<320x128xf32, #tpu.memory_space<vmem>>, vector<16xf32>,
        %mul3A_2218 = arith.mulf %get3A_865, %get3A_2217 : vector<16xf32>
        %add3A_2219 = arith.addf %add3A_2129, %mul3A_2218 : vector<16xf32>
        %mul3A_2220 = arith.constant 20 : i32
        %mul3A_2221 = arith.muli %scan3A_845, %mul3A_2220 : i32
        %add3A_2222 = arith.constant 11 : i32
        %add3A_2223 = arith.addi %mul3A_2221, %add3A_2222 : i32
        %get3A_2224 = arith.index_cast %add3A_2223 : i32 to index
        %get3A_2225 = arith.constant 96 : index
        %get3A_2226 = tpu.vector_load %arg19[%get3A_2224, %get3A_2225] {strides = array<i32>} : memref<320x128xf32, #tpu.memory_space<vmem>>, vector<16xf32>,
        %mul3A_2227 = arith.mulf %get3A_865, %get3A_2226 : vector<16xf32>
        %add3A_2228 = arith.addf %add3A_2138, %mul3A_2227 : vector<16xf32>
        %mul3A_2229 = arith.constant 20 : i32
        %mul3A_2230 = arith.muli %scan3A_845, %mul3A_2229 : i32
        %add3A_2231 = arith.constant 12 : i32
        %add3A_2232 = arith.addi %mul3A_2230, %add3A_2231 : i32
        %get3A_2233 = arith.index_cast %add3A_2232 : i32 to index
        %get3A_2234 = arith.constant 96 : index
        %get3A_2235 = tpu.vector_load %arg19[%get3A_2233, %get3A_2234] {strides = array<i32>} : memref<320x128xf32, #tpu.memory_space<vmem>>, vector<16xf32>,
        %mul3A_2236 = arith.mulf %get3A_865, %get3A_2235 : vector<16xf32>
        %add3A_2237 = arith.addf %add3A_2147, %mul3A_2236 : vector<16xf32>
        %mul3A_2238 = arith.constant 20 : i32
        %mul3A_2239 = arith.muli %scan3A_845, %mul3A_2238 : i32
        %add3A_2240 = arith.constant 13 : i32
        %add3A_2241 = arith.addi %mul3A_2239, %add3A_2240 : i32
        %get3A_2242 = arith.index_cast %add3A_2241 : i32 to index
        %get3A_2243 = arith.constant 96 : index
        %get3A_2244 = tpu.vector_load %arg19[%get3A_2242, %get3A_2243] {strides = array<i32>} : memref<320x128xf32, #tpu.memory_space<vmem>>, vector<16xf32>,
        %mul3A_2245 = arith.mulf %get3A_865, %get3A_2244 : vector<16xf32>
        %add3A_2246 = arith.addf %add3A_2156, %mul3A_2245 : vector<16xf32>
        %mul3A_2247 = arith.constant 20 : i32
        %mul3A_2248 = arith.muli %scan3A_845, %mul3A_2247 : i32
        %add3A_2249 = arith.constant 14 : i32
        %add3A_2250 = arith.addi %mul3A_2248, %add3A_2249 : i32
        %get3A_2251 = arith.index_cast %add3A_2250 : i32 to index
        %get3A_2252 = arith.constant 96 : index
        %get3A_2253 = tpu.vector_load %arg19[%get3A_2251, %get3A_2252] {strides = array<i32>} : memref<320x128xf32, #tpu.memory_space<vmem>>, vector<16xf32>,
        %mul3A_2254 = arith.mulf %get3A_865, %get3A_2253 : vector<16xf32>
        %add3A_2255 = arith.addf %add3A_2165, %mul3A_2254 : vector<16xf32>
        %mul3A_2256 = arith.constant 20 : i32
        %mul3A_2257 = arith.muli %scan3A_845, %mul3A_2256 : i32
        %add3A_2258 = arith.constant 15 : i32
        %add3A_2259 = arith.addi %mul3A_2257, %add3A_2258 : i32
        %get3A_2260 = arith.index_cast %add3A_2259 : i32 to index
        %get3A_2261 = arith.constant 96 : index
        %get3A_2262 = tpu.vector_load %arg19[%get3A_2260, %get3A_2261] {strides = array<i32>} : memref<320x128xf32, #tpu.memory_space<vmem>>, vector<16xf32>,
        %mul3A_2263 = arith.mulf %get3A_865, %get3A_2262 : vector<16xf32>
        %add3A_2264 = arith.addf %add3A_2174, %mul3A_2263 : vector<16xf32>
        %mul3A_2265 = arith.constant 20 : i32
        %mul3A_2266 = arith.muli %scan3A_845, %mul3A_2265 : i32
        %add3A_2267 = arith.constant 16 : i32
        %add3A_2268 = arith.addi %mul3A_2266, %add3A_2267 : i32
        %get3A_2269 = arith.index_cast %add3A_2268 : i32 to index
        %get3A_2270 = arith.constant 96 : index
        %get3A_2271 = tpu.vector_load %arg19[%get3A_2269, %get3A_2270] {strides = array<i32>} : memref<320x128xf32, #tpu.memory_space<vmem>>, vector<16xf32>,
        %mul3A_2272 = arith.mulf %get3A_865, %get3A_2271 : vector<16xf32>
        %add3A_2273 = arith.addf %add3A_2183, %mul3A_2272 : vector<16xf32>
        %mul3A_2274 = arith.constant 20 : i32
        %mul3A_2275 = arith.muli %scan3A_845, %mul3A_2274 : i32
        %add3A_2276 = arith.constant 17 : i32
        %add3A_2277 = arith.addi %mul3A_2275, %add3A_2276 : i32
        %get3A_2278 = arith.index_cast %add3A_2277 : i32 to index
        %get3A_2279 = arith.constant 96 : index
        %get3A_2280 = tpu.vector_load %arg19[%get3A_2278, %get3A_2279] {strides = array<i32>} : memref<320x128xf32, #tpu.memory_space<vmem>>, vector<16xf32>,
        %mul3A_2281 = arith.mulf %get3A_865, %get3A_2280 : vector<16xf32>
        %add3A_2282 = arith.addf %add3A_2192, %mul3A_2281 : vector<16xf32>
        %mul3A_2283 = arith.constant 20 : i32
        %mul3A_2284 = arith.muli %scan3A_845, %mul3A_2283 : i32
        %add3A_2285 = arith.constant 18 : i32
        %add3A_2286 = arith.addi %mul3A_2284, %add3A_2285 : i32
        %get3A_2287 = arith.index_cast %add3A_2286 : i32 to index
        %get3A_2288 = arith.constant 96 : index
        %get3A_2289 = tpu.vector_load %arg19[%get3A_2287, %get3A_2288] {strides = array<i32>} : memref<320x128xf32, #tpu.memory_space<vmem>>, vector<16xf32>,
        %mul3A_2290 = arith.mulf %get3A_865, %get3A_2289 : vector<16xf32>
        %add3A_2291 = arith.addf %add3A_2201, %mul3A_2290 : vector<16xf32>
        %mul3A_2292 = arith.constant 20 : i32
        %mul3A_2293 = arith.muli %scan3A_845, %mul3A_2292 : i32
        %add3A_2294 = arith.constant 19 : i32
        %add3A_2295 = arith.addi %mul3A_2293, %add3A_2294 : i32
        %get3A_2296 = arith.index_cast %add3A_2295 : i32 to index
        %get3A_2297 = arith.constant 96 : index
        %get3A_2298 = tpu.vector_load %arg19[%get3A_2296, %get3A_2297] {strides = array<i32>} : memref<320x128xf32, #tpu.memory_space<vmem>>, vector<16xf32>,
        %mul3A_2299 = arith.mulf %get3A_865, %get3A_2298 : vector<16xf32>
        %add3A_2300 = arith.addf %add3A_2210, %mul3A_2299 : vector<16xf32>
        %mul3A_2301 = arith.constant 20 : i32
        %mul3A_2302 = arith.muli %scan3A_845, %mul3A_2301 : i32
        %add3A_2303 = arith.constant 10 : i32
        %add3A_2304 = arith.addi %mul3A_2302, %add3A_2303 : i32
        %get3A_2305 = arith.index_cast %add3A_2304 : i32 to index
        %get3A_2306 = arith.constant 112 : index
        %get3A_2307 = tpu.vector_load %arg19[%get3A_2305, %get3A_2306] {strides = array<i32>} : memref<320x128xf32, #tpu.memory_space<vmem>>, vector<16xf32>,
        %mul3A_2308 = arith.mulf %get3A_868, %get3A_2307 : vector<16xf32>
        %add3A_2309 = arith.addf %add3A_2219, %mul3A_2308 : vector<16xf32>
        %mul3A_2310 = arith.constant 20 : i32
        %mul3A_2311 = arith.muli %scan3A_845, %mul3A_2310 : i32
        %add3A_2312 = arith.constant 11 : i32
        %add3A_2313 = arith.addi %mul3A_2311, %add3A_2312 : i32
        %get3A_2314 = arith.index_cast %add3A_2313 : i32 to index
        %get3A_2315 = arith.constant 112 : index
        %get3A_2316 = tpu.vector_load %arg19[%get3A_2314, %get3A_2315] {strides = array<i32>} : memref<320x128xf32, #tpu.memory_space<vmem>>, vector<16xf32>,
        %mul3A_2317 = arith.mulf %get3A_868, %get3A_2316 : vector<16xf32>
        %add3A_2318 = arith.addf %add3A_2228, %mul3A_2317 : vector<16xf32>
        %mul3A_2319 = arith.constant 20 : i32
        %mul3A_2320 = arith.muli %scan3A_845, %mul3A_2319 : i32
        %add3A_2321 = arith.constant 12 : i32
        %add3A_2322 = arith.addi %mul3A_2320, %add3A_2321 : i32
        %get3A_2323 = arith.index_cast %add3A_2322 : i32 to index
        %get3A_2324 = arith.constant 112 : index
        %get3A_2325 = tpu.vector_load %arg19[%get3A_2323, %get3A_2324] {strides = array<i32>} : memref<320x128xf32, #tpu.memory_space<vmem>>, vector<16xf32>,
        %mul3A_2326 = arith.mulf %get3A_868, %get3A_2325 : vector<16xf32>
        %add3A_2327 = arith.addf %add3A_2237, %mul3A_2326 : vector<16xf32>
        %mul3A_2328 = arith.constant 20 : i32
        %mul3A_2329 = arith.muli %scan3A_845, %mul3A_2328 : i32
        %add3A_2330 = arith.constant 13 : i32
        %add3A_2331 = arith.addi %mul3A_2329, %add3A_2330 : i32
        %get3A_2332 = arith.index_cast %add3A_2331 : i32 to index
        %get3A_2333 = arith.constant 112 : index
        %get3A_2334 = tpu.vector_load %arg19[%get3A_2332, %get3A_2333] {strides = array<i32>} : memref<320x128xf32, #tpu.memory_space<vmem>>, vector<16xf32>,
        %mul3A_2335 = arith.mulf %get3A_868, %get3A_2334 : vector<16xf32>
        %add3A_2336 = arith.addf %add3A_2246, %mul3A_2335 : vector<16xf32>
        %mul3A_2337 = arith.constant 20 : i32
        %mul3A_2338 = arith.muli %scan3A_845, %mul3A_2337 : i32
        %add3A_2339 = arith.constant 14 : i32
        %add3A_2340 = arith.addi %mul3A_2338, %add3A_2339 : i32
        %get3A_2341 = arith.index_cast %add3A_2340 : i32 to index
        %get3A_2342 = arith.constant 112 : index
        %get3A_2343 = tpu.vector_load %arg19[%get3A_2341, %get3A_2342] {strides = array<i32>} : memref<320x128xf32, #tpu.memory_space<vmem>>, vector<16xf32>,
        %mul3A_2344 = arith.mulf %get3A_868, %get3A_2343 : vector<16xf32>
        %add3A_2345 = arith.addf %add3A_2255, %mul3A_2344 : vector<16xf32>
        %mul3A_2346 = arith.constant 20 : i32
        %mul3A_2347 = arith.muli %scan3A_845, %mul3A_2346 : i32
        %add3A_2348 = arith.constant 15 : i32
        %add3A_2349 = arith.addi %mul3A_2347, %add3A_2348 : i32
        %get3A_2350 = arith.index_cast %add3A_2349 : i32 to index
        %get3A_2351 = arith.constant 112 : index
        %get3A_2352 = tpu.vector_load %arg19[%get3A_2350, %get3A_2351] {strides = array<i32>} : memref<320x128xf32, #tpu.memory_space<vmem>>, vector<16xf32>,
        %mul3A_2353 = arith.mulf %get3A_868, %get3A_2352 : vector<16xf32>
        %add3A_2354 = arith.addf %add3A_2264, %mul3A_2353 : vector<16xf32>
        %mul3A_2355 = arith.constant 20 : i32
        %mul3A_2356 = arith.muli %scan3A_845, %mul3A_2355 : i32
        %add3A_2357 = arith.constant 16 : i32
        %add3A_2358 = arith.addi %mul3A_2356, %add3A_2357 : i32
        %get3A_2359 = arith.index_cast %add3A_2358 : i32 to index
        %get3A_2360 = arith.constant 112 : index
        %get3A_2361 = tpu.vector_load %arg19[%get3A_2359, %get3A_2360] {strides = array<i32>} : memref<320x128xf32, #tpu.memory_space<vmem>>, vector<16xf32>,
        %mul3A_2362 = arith.mulf %get3A_868, %get3A_2361 : vector<16xf32>
        %add3A_2363 = arith.addf %add3A_2273, %mul3A_2362 : vector<16xf32>
        %mul3A_2364 = arith.constant 20 : i32
        %mul3A_2365 = arith.muli %scan3A_845, %mul3A_2364 : i32
        %add3A_2366 = arith.constant 17 : i32
        %add3A_2367 = arith.addi %mul3A_2365, %add3A_2366 : i32
        %get3A_2368 = arith.index_cast %add3A_2367 : i32 to index
        %get3A_2369 = arith.constant 112 : index
        %get3A_2370 = tpu.vector_load %arg19[%get3A_2368, %get3A_2369] {strides = array<i32>} : memref<320x128xf32, #tpu.memory_space<vmem>>, vector<16xf32>,
        %mul3A_2371 = arith.mulf %get3A_868, %get3A_2370 : vector<16xf32>
        %add3A_2372 = arith.addf %add3A_2282, %mul3A_2371 : vector<16xf32>
        %mul3A_2373 = arith.constant 20 : i32
        %mul3A_2374 = arith.muli %scan3A_845, %mul3A_2373 : i32
        %add3A_2375 = arith.constant 18 : i32
        %add3A_2376 = arith.addi %mul3A_2374, %add3A_2375 : i32
        %get3A_2377 = arith.index_cast %add3A_2376 : i32 to index
        %get3A_2378 = arith.constant 112 : index
        %get3A_2379 = tpu.vector_load %arg19[%get3A_2377, %get3A_2378] {strides = array<i32>} : memref<320x128xf32, #tpu.memory_space<vmem>>, vector<16xf32>,
        %mul3A_2380 = arith.mulf %get3A_868, %get3A_2379 : vector<16xf32>
        %add3A_2381 = arith.addf %add3A_2291, %mul3A_2380 : vector<16xf32>
        %mul3A_2382 = arith.constant 20 : i32
        %mul3A_2383 = arith.muli %scan3A_845, %mul3A_2382 : i32
        %add3A_2384 = arith.constant 19 : i32
        %add3A_2385 = arith.addi %mul3A_2383, %add3A_2384 : i32
        %get3A_2386 = arith.index_cast %add3A_2385 : i32 to index
        %get3A_2387 = arith.constant 112 : index
        %get3A_2388 = tpu.vector_load %arg19[%get3A_2386, %get3A_2387] {strides = array<i32>} : memref<320x128xf32, #tpu.memory_space<vmem>>, vector<16xf32>,
        %mul3A_2389 = arith.mulf %get3A_868, %get3A_2388 : vector<16xf32>
        %add3A_2390 = arith.addf %add3A_2300, %mul3A_2389 : vector<16xf32>
        %broadcast_in_dim3A_2391 = vector.broadcast %scan3A_845 : i32 to vector<16xi32>
        %broadcast_in_dim3A_2392 = arith.constant 10 : i32
        %broadcast_in_dim3A_2393 = vector.broadcast %broadcast_in_dim3A_2392 : i32 to vector<16xi32>
        %broadcast_in_dim3A_2394 = arith.constant true
        %broadcast_in_dim3A_2395 = vector.broadcast %broadcast_in_dim3A_2394 : i1 to vector<16xi1>
        %masked_cumsum3A_2396 = tpu.scan <sum>, %add3A_2309 masked %broadcast_in_dim3A_2395 : vector<16xf32>, vector<16xi1> -> vector<16xf32>
        tpu.vector_store_idx %arg23[%broadcast_in_dim3A_2391, %broadcast_in_dim3A_2393], %masked_cumsum3A_2396 masked %eq3A_5 : memref<16x20xf32, #tpu.memory_space<vmem>>[vector<16xi32>, vector<16xi32>], vector<16xf32>, vector<16xi1>
        %broadcast_in_dim3A_2397 = vector.broadcast %scan3A_845 : i32 to vector<16xi32>
        %broadcast_in_dim3A_2398 = arith.constant 11 : i32
        %broadcast_in_dim3A_2399 = vector.broadcast %broadcast_in_dim3A_2398 : i32 to vector<16xi32>
        %broadcast_in_dim3A_2400 = arith.constant true
        %broadcast_in_dim3A_2401 = vector.broadcast %broadcast_in_dim3A_2400 : i1 to vector<16xi1>
        %masked_cumsum3A_2402 = tpu.scan <sum>, %add3A_2318 masked %broadcast_in_dim3A_2401 : vector<16xf32>, vector<16xi1> -> vector<16xf32>
        tpu.vector_store_idx %arg23[%broadcast_in_dim3A_2397, %broadcast_in_dim3A_2399], %masked_cumsum3A_2402 masked %eq3A_5 : memref<16x20xf32, #tpu.memory_space<vmem>>[vector<16xi32>, vector<16xi32>], vector<16xf32>, vector<16xi1>
        %broadcast_in_dim3A_2403 = vector.broadcast %scan3A_845 : i32 to vector<16xi32>
        %broadcast_in_dim3A_2404 = arith.constant 12 : i32
        %broadcast_in_dim3A_2405 = vector.broadcast %broadcast_in_dim3A_2404 : i32 to vector<16xi32>
        %broadcast_in_dim3A_2406 = arith.constant true
        %broadcast_in_dim3A_2407 = vector.broadcast %broadcast_in_dim3A_2406 : i1 to vector<16xi1>
        %masked_cumsum3A_2408 = tpu.scan <sum>, %add3A_2327 masked %broadcast_in_dim3A_2407 : vector<16xf32>, vector<16xi1> -> vector<16xf32>
        tpu.vector_store_idx %arg23[%broadcast_in_dim3A_2403, %broadcast_in_dim3A_2405], %masked_cumsum3A_2408 masked %eq3A_5 : memref<16x20xf32, #tpu.memory_space<vmem>>[vector<16xi32>, vector<16xi32>], vector<16xf32>, vector<16xi1>
        %broadcast_in_dim3A_2409 = vector.broadcast %scan3A_845 : i32 to vector<16xi32>
        %broadcast_in_dim3A_2410 = arith.constant 13 : i32
        %broadcast_in_dim3A_2411 = vector.broadcast %broadcast_in_dim3A_2410 : i32 to vector<16xi32>
        %broadcast_in_dim3A_2412 = arith.constant true
        %broadcast_in_dim3A_2413 = vector.broadcast %broadcast_in_dim3A_2412 : i1 to vector<16xi1>
        %masked_cumsum3A_2414 = tpu.scan <sum>, %add3A_2336 masked %broadcast_in_dim3A_2413 : vector<16xf32>, vector<16xi1> -> vector<16xf32>
        tpu.vector_store_idx %arg23[%broadcast_in_dim3A_2409, %broadcast_in_dim3A_2411], %masked_cumsum3A_2414 masked %eq3A_5 : memref<16x20xf32, #tpu.memory_space<vmem>>[vector<16xi32>, vector<16xi32>], vector<16xf32>, vector<16xi1>
        %broadcast_in_dim3A_2415 = vector.broadcast %scan3A_845 : i32 to vector<16xi32>
        %broadcast_in_dim3A_2416 = arith.constant 14 : i32
        %broadcast_in_dim3A_2417 = vector.broadcast %broadcast_in_dim3A_2416 : i32 to vector<16xi32>
        %broadcast_in_dim3A_2418 = arith.constant true
        %broadcast_in_dim3A_2419 = vector.broadcast %broadcast_in_dim3A_2418 : i1 to vector<16xi1>
        %masked_cumsum3A_2420 = tpu.scan <sum>, %add3A_2345 masked %broadcast_in_dim3A_2419 : vector<16xf32>, vector<16xi1> -> vector<16xf32>
        tpu.vector_store_idx %arg23[%broadcast_in_dim3A_2415, %broadcast_in_dim3A_2417], %masked_cumsum3A_2420 masked %eq3A_5 : memref<16x20xf32, #tpu.memory_space<vmem>>[vector<16xi32>, vector<16xi32>], vector<16xf32>, vector<16xi1>
        %broadcast_in_dim3A_2421 = vector.broadcast %scan3A_845 : i32 to vector<16xi32>
        %broadcast_in_dim3A_2422 = arith.constant 15 : i32
        %broadcast_in_dim3A_2423 = vector.broadcast %broadcast_in_dim3A_2422 : i32 to vector<16xi32>
        %broadcast_in_dim3A_2424 = arith.constant true
        %broadcast_in_dim3A_2425 = vector.broadcast %broadcast_in_dim3A_2424 : i1 to vector<16xi1>
        %masked_cumsum3A_2426 = tpu.scan <sum>, %add3A_2354 masked %broadcast_in_dim3A_2425 : vector<16xf32>, vector<16xi1> -> vector<16xf32>
        tpu.vector_store_idx %arg23[%broadcast_in_dim3A_2421, %broadcast_in_dim3A_2423], %masked_cumsum3A_2426 masked %eq3A_5 : memref<16x20xf32, #tpu.memory_space<vmem>>[vector<16xi32>, vector<16xi32>], vector<16xf32>, vector<16xi1>
        %broadcast_in_dim3A_2427 = vector.broadcast %scan3A_845 : i32 to vector<16xi32>
        %broadcast_in_dim3A_2428 = arith.constant 16 : i32
        %broadcast_in_dim3A_2429 = vector.broadcast %broadcast_in_dim3A_2428 : i32 to vector<16xi32>
        %broadcast_in_dim3A_2430 = arith.constant true
        %broadcast_in_dim3A_2431 = vector.broadcast %broadcast_in_dim3A_2430 : i1 to vector<16xi1>
        %masked_cumsum3A_2432 = tpu.scan <sum>, %add3A_2363 masked %broadcast_in_dim3A_2431 : vector<16xf32>, vector<16xi1> -> vector<16xf32>
        tpu.vector_store_idx %arg23[%broadcast_in_dim3A_2427, %broadcast_in_dim3A_2429], %masked_cumsum3A_2432 masked %eq3A_5 : memref<16x20xf32, #tpu.memory_space<vmem>>[vector<16xi32>, vector<16xi32>], vector<16xf32>, vector<16xi1>
        %broadcast_in_dim3A_2433 = vector.broadcast %scan3A_845 : i32 to vector<16xi32>
        %broadcast_in_dim3A_2434 = arith.constant 17 : i32
        %broadcast_in_dim3A_2435 = vector.broadcast %broadcast_in_dim3A_2434 : i32 to vector<16xi32>
        %broadcast_in_dim3A_2436 = arith.constant true
        %broadcast_in_dim3A_2437 = vector.broadcast %broadcast_in_dim3A_2436 : i1 to vector<16xi1>
        %masked_cumsum3A_2438 = tpu.scan <sum>, %add3A_2372 masked %broadcast_in_dim3A_2437 : vector<16xf32>, vector<16xi1> -> vector<16xf32>
        tpu.vector_store_idx %arg23[%broadcast_in_dim3A_2433, %broadcast_in_dim3A_2435], %masked_cumsum3A_2438 masked %eq3A_5 : memref<16x20xf32, #tpu.memory_space<vmem>>[vector<16xi32>, vector<16xi32>], vector<16xf32>, vector<16xi1>
        %broadcast_in_dim3A_2439 = vector.broadcast %scan3A_845 : i32 to vector<16xi32>
        %broadcast_in_dim3A_2440 = arith.constant 18 : i32
        %broadcast_in_dim3A_2441 = vector.broadcast %broadcast_in_dim3A_2440 : i32 to vector<16xi32>
        %broadcast_in_dim3A_2442 = arith.constant true
        %broadcast_in_dim3A_2443 = vector.broadcast %broadcast_in_dim3A_2442 : i1 to vector<16xi1>
        %masked_cumsum3A_2444 = tpu.scan <sum>, %add3A_2381 masked %broadcast_in_dim3A_2443 : vector<16xf32>, vector<16xi1> -> vector<16xf32>
        tpu.vector_store_idx %arg23[%broadcast_in_dim3A_2439, %broadcast_in_dim3A_2441], %masked_cumsum3A_2444 masked %eq3A_5 : memref<16x20xf32, #tpu.memory_space<vmem>>[vector<16xi32>, vector<16xi32>], vector<16xf32>, vector<16xi1>
        %broadcast_in_dim3A_2445 = vector.broadcast %scan3A_845 : i32 to vector<16xi32>
        %broadcast_in_dim3A_2446 = arith.constant 19 : i32
        %broadcast_in_dim3A_2447 = vector.broadcast %broadcast_in_dim3A_2446 : i32 to vector<16xi32>
        %broadcast_in_dim3A_2448 = arith.constant true
        %broadcast_in_dim3A_2449 = vector.broadcast %broadcast_in_dim3A_2448 : i1 to vector<16xi1>
        %masked_cumsum3A_2450 = tpu.scan <sum>, %add3A_2390 masked %broadcast_in_dim3A_2449 : vector<16xf32>, vector<16xi1> -> vector<16xf32>
        tpu.vector_store_idx %arg23[%broadcast_in_dim3A_2445, %broadcast_in_dim3A_2447], %masked_cumsum3A_2450 masked %eq3A_5 : memref<16x20xf32, #tpu.memory_space<vmem>>[vector<16xi32>, vector<16xi32>], vector<16xf32>, vector<16xi1>
      }
      %scan3A_781 = arith.constant 16 : i32
      %mul3A_782 = arith.constant 16 : i32
      %mul3A_783 = arith.muli %mul3A_393, %mul3A_782 : i32
      %add3A_784 = arith.addi %mul3A_2, %mul3A_783 : i32
      %dma_start3A_785 = tpu.memref_slice %arg7[%add3A_784] : memref<16384xf32, #tpu.memory_space<hbm>> -> memref<16xf32, #tpu.memory_space<hbm>>
      %dma_start3A_786 = tpu.memref_slice %arg7[%add3A_784] : memref<16384xf32, #tpu.memory_space<hbm>> -> memref<16xf32, #tpu.memory_space<hbm>>
      tpu.enqueue_dma source(%arg21 : memref<16xf32, #tpu.memory_space<vmem>>) target(%dma_start3A_786 : memref<16xf32, #tpu.memory_space<hbm>>) target_semaphore(%arg27 : memref<!tpu.dma_semaphore, #tpu.memory_space<semaphore_mem>>)
      %dma_start3A_787 = arith.constant 0 : i32
      %dma_start3A_788 = tpu.memref_slice %arg8[%add3A_784, %dma_start3A_787] : memref<16384x20xf32, #tpu.memory_space<hbm>> -> memref<16x20xf32, #tpu.memory_space<hbm>>
      %dma_start3A_789 = arith.constant 0 : i32
      %dma_start3A_790 = tpu.memref_slice %arg8[%add3A_784, %dma_start3A_789] : memref<16384x20xf32, #tpu.memory_space<hbm>> -> memref<16x20xf32, #tpu.memory_space<hbm>>
      tpu.enqueue_dma source(%arg23 : memref<16x20xf32, #tpu.memory_space<vmem>>) target(%dma_start3A_790 : memref<16x20xf32, #tpu.memory_space<hbm>>) target_semaphore(%arg27 : memref<!tpu.dma_semaphore, #tpu.memory_space<semaphore_mem>>)
      %dma_wait3A_791 = arith.constant 0 : i32
      %dma_wait3A_792 = arith.constant 0 : i32
      %dma_wait3A_793 = tpu.memref_slice %arg5[%dma_wait3A_791, %dma_wait3A_792] : memref<100000x128xf32, #tpu.memory_space<hbm>> -> memref<16x128xf32, #tpu.memory_space<hbm>>
      %dma_wait3A_794 = arith.constant 0 : i32
      %dma_wait3A_795 = arith.constant 0 : i32
      %dma_wait3A_796 = tpu.memref_slice %arg5[%dma_wait3A_794, %dma_wait3A_795] : memref<100000x128xf32, #tpu.memory_space<hbm>> -> memref<16x128xf32, #tpu.memory_space<hbm>>
      tpu.wait_dma2 semaphore(%arg26 : memref<!tpu.dma_semaphore, #tpu.memory_space<semaphore_mem>>) src(%dma_wait3A_796 : memref<16x128xf32, #tpu.memory_space<hbm>>) dst(%arg16 : memref<16x128xf32, #tpu.memory_space<vmem>>)
      %dma_wait3A_797 = arith.constant 0 : i32
      %dma_wait3A_798 = arith.constant 0 : i32
      %dma_wait3A_799 = tpu.memref_slice %arg6[%dma_wait3A_797, %dma_wait3A_798] : memref<100000x128xf32, #tpu.memory_space<hbm>> -> memref<16x128xf32, #tpu.memory_space<hbm>>
      %dma_wait3A_800 = arith.constant 0 : i32
      %dma_wait3A_801 = arith.constant 0 : i32
      %dma_wait3A_802 = tpu.memref_slice %arg6[%dma_wait3A_800, %dma_wait3A_801] : memref<100000x128xf32, #tpu.memory_space<hbm>> -> memref<16x128xf32, #tpu.memory_space<hbm>>
      tpu.wait_dma2 semaphore(%arg26 : memref<!tpu.dma_semaphore, #tpu.memory_space<semaphore_mem>>) src(%dma_wait3A_802 : memref<16x128xf32, #tpu.memory_space<hbm>>) dst(%arg18 : memref<16x128xf32, #tpu.memory_space<vmem>>)
      %dma_wait3A_803 = arith.constant 0 : i32
      %dma_wait3A_804 = arith.constant 0 : i32
      %dma_wait3A_805 = tpu.memref_slice %arg6[%dma_wait3A_803, %dma_wait3A_804] : memref<100000x128xf32, #tpu.memory_space<hbm>> -> memref<320x128xf32, #tpu.memory_space<hbm>>
      %dma_wait3A_806 = arith.constant 0 : i32
      %dma_wait3A_807 = arith.constant 0 : i32
      %dma_wait3A_808 = tpu.memref_slice %arg6[%dma_wait3A_806, %dma_wait3A_807] : memref<100000x128xf32, #tpu.memory_space<hbm>> -> memref<320x128xf32, #tpu.memory_space<hbm>>
      tpu.wait_dma2 semaphore(%arg26 : memref<!tpu.dma_semaphore, #tpu.memory_space<semaphore_mem>>) src(%dma_wait3A_808 : memref<320x128xf32, #tpu.memory_space<hbm>>) dst(%arg20 : memref<320x128xf32, #tpu.memory_space<vmem>>)
      %add3A_809 = arith.constant 2 : i32
      %add3A_810 = arith.addi %mul3A_393, %add3A_809 : i32
      %lt3A_811 = arith.constant 32 : i32
      %lt3A_812 = arith.cmpi slt, %add3A_810, %lt3A_811 : i32
      %convert_element_type3A_813 = arith.extui %lt3A_812 : i1 to i32
      %cond3A_814 = arith.constant 0 : i32
      %cond3A_815 = arith.cmpi ne, %convert_element_type3A_813, %cond3A_814 : i32
      scf.if %cond3A_815 {
        %add3A_845 = arith.constant 2 : i32
        %add3A_846 = arith.addi %mul3A_393, %add3A_845 : i32
        %mul3A_847 = arith.constant 16 : i32
        %mul3A_848 = arith.muli %add3A_846, %mul3A_847 : i32
        %add3A_849 = arith.addi %mul3A_2, %mul3A_848 : i32
        %dma_wait3A_850 = arith.constant 0 : i32
        %dma_wait3A_851 = arith.constant 0 : i32
        %dma_wait3A_852 = tpu.memref_slice %arg4[%dma_wait3A_850, %dma_wait3A_851] : memref<16384x20xi32, #tpu.memory_space<hbm>> -> memref<16x20xi32, #tpu.memory_space<hbm>>
        %dma_wait3A_853 = arith.constant 0 : i32
        %dma_wait3A_854 = arith.constant 0 : i32
        %dma_wait3A_855 = tpu.memref_slice %arg4[%dma_wait3A_853, %dma_wait3A_854] : memref<16384x20xi32, #tpu.memory_space<hbm>> -> memref<16x20xi32, #tpu.memory_space<hbm>>
        tpu.wait_dma2 semaphore(%arg29 : memref<!tpu.dma_semaphore, #tpu.memory_space<semaphore_mem>>) src(%dma_wait3A_855 : memref<16x20xi32, #tpu.memory_space<hbm>>) dst(%arg11 : memref<16x20xi32, #tpu.memory_space<vmem>>)
        %broadcast_in_dim3A_856 = arith.constant 0 : i32
        %broadcast_in_dim3A_857 = vector.broadcast %broadcast_in_dim3A_856 : i32 to vector<16xi32>
        %gather3A_858 = tpu.vector_load_idx %arg11[%broadcast_in_dim3A_857, %iota3A] : memref<16x20xi32, #tpu.memory_space<vmem>>[vector<16xi32>, vector<16xi32>], vector<16xi32>,
        %add3A_859 = arith.constant 0 : i32
        %add3A_860 = vector.broadcast %add3A_859 : i32 to vector<16xi32>
        %add3A_861 = arith.addi %add3A_860, %iota3A : vector<16xi32>
        tpu.vector_store_idx %arg13[%add3A_861], %gather3A_858 : memref<320xi32, #tpu.memory_space<vmem>>[vector<16xi32>], vector<16xi32>,
        %and3A_862 = arith.constant 3 : i32
        %and3A_863 = vector.broadcast %and3A_862 : i32 to vector<16xi32>
        %and3A_864 = arith.andi %iota3A, %and3A_863 : vector<16xi32>
        %add3A_865 = arith.constant 16 : i32
        %add3A_866 = vector.broadcast %add3A_865 : i32 to vector<16xi32>
        %add3A_867 = arith.addi %add3A_866, %and3A_864 : vector<16xi32>
        %gather3A_868 = tpu.vector_load_idx %arg11[%broadcast_in_dim3A_857, %add3A_867] : memref<16x20xi32, #tpu.memory_space<vmem>>[vector<16xi32>, vector<16xi32>], vector<16xi32>,
        %add3A_869 = arith.constant 0 : i32
        %add3A_870 = vector.broadcast %add3A_869 : i32 to vector<16xi32>
        %add3A_871 = arith.addi %add3A_870, %add3A_867 : vector<16xi32>
        %lt3A_872 = arith.constant 4 : i32
        %lt3A_873 = vector.broadcast %lt3A_872 : i32 to vector<16xi32>
        %lt3A_874 = arith.cmpi slt, %iota3A, %lt3A_873 : vector<16xi32>
        tpu.vector_store_idx %arg13[%add3A_871], %gather3A_868 masked %lt3A_874 : memref<320xi32, #tpu.memory_space<vmem>>[vector<16xi32>], vector<16xi32>, vector<16xi1>
        %broadcast_in_dim3A_875 = arith.constant 1 : i32
        %broadcast_in_dim3A_876 = vector.broadcast %broadcast_in_dim3A_875 : i32 to vector<16xi32>
        %gather3A_877 = tpu.vector_load_idx %arg11[%broadcast_in_dim3A_876, %iota3A] : memref<16x20xi32, #tpu.memory_space<vmem>>[vector<16xi32>, vector<16xi32>], vector<16xi32>,
        %add3A_878 = arith.constant 20 : i32
        %add3A_879 = vector.broadcast %add3A_878 : i32 to vector<16xi32>
        %add3A_880 = arith.addi %add3A_879, %iota3A : vector<16xi32>
        tpu.vector_store_idx %arg13[%add3A_880], %gather3A_877 : memref<320xi32, #tpu.memory_space<vmem>>[vector<16xi32>], vector<16xi32>,
        %and3A_881 = arith.constant 3 : i32
        %and3A_882 = vector.broadcast %and3A_881 : i32 to vector<16xi32>
        %and3A_883 = arith.andi %iota3A, %and3A_882 : vector<16xi32>
        %add3A_884 = arith.constant 16 : i32
        %add3A_885 = vector.broadcast %add3A_884 : i32 to vector<16xi32>
        %add3A_886 = arith.addi %add3A_885, %and3A_883 : vector<16xi32>
        %gather3A_887 = tpu.vector_load_idx %arg11[%broadcast_in_dim3A_876, %add3A_886] : memref<16x20xi32, #tpu.memory_space<vmem>>[vector<16xi32>, vector<16xi32>], vector<16xi32>,
        %add3A_888 = arith.constant 20 : i32
        %add3A_889 = vector.broadcast %add3A_888 : i32 to vector<16xi32>
        %add3A_890 = arith.addi %add3A_889, %add3A_886 : vector<16xi32>
        %lt3A_891 = arith.constant 4 : i32
        %lt3A_892 = vector.broadcast %lt3A_891 : i32 to vector<16xi32>
        %lt3A_893 = arith.cmpi slt, %iota3A, %lt3A_892 : vector<16xi32>
        tpu.vector_store_idx %arg13[%add3A_890], %gather3A_887 masked %lt3A_893 : memref<320xi32, #tpu.memory_space<vmem>>[vector<16xi32>], vector<16xi32>, vector<16xi1>
        %broadcast_in_dim3A_894 = arith.constant 2 : i32
        %broadcast_in_dim3A_895 = vector.broadcast %broadcast_in_dim3A_894 : i32 to vector<16xi32>
        %gather3A_896 = tpu.vector_load_idx %arg11[%broadcast_in_dim3A_895, %iota3A] : memref<16x20xi32, #tpu.memory_space<vmem>>[vector<16xi32>, vector<16xi32>], vector<16xi32>,
        %add3A_897 = arith.constant 40 : i32
        %add3A_898 = vector.broadcast %add3A_897 : i32 to vector<16xi32>
        %add3A_899 = arith.addi %add3A_898, %iota3A : vector<16xi32>
        tpu.vector_store_idx %arg13[%add3A_899], %gather3A_896 : memref<320xi32, #tpu.memory_space<vmem>>[vector<16xi32>], vector<16xi32>,
        %and3A_900 = arith.constant 3 : i32
        %and3A_901 = vector.broadcast %and3A_900 : i32 to vector<16xi32>
        %and3A_902 = arith.andi %iota3A, %and3A_901 : vector<16xi32>
        %add3A_903 = arith.constant 16 : i32
        %add3A_904 = vector.broadcast %add3A_903 : i32 to vector<16xi32>
        %add3A_905 = arith.addi %add3A_904, %and3A_902 : vector<16xi32>
        %gather3A_906 = tpu.vector_load_idx %arg11[%broadcast_in_dim3A_895, %add3A_905] : memref<16x20xi32, #tpu.memory_space<vmem>>[vector<16xi32>, vector<16xi32>], vector<16xi32>,
        %add3A_907 = arith.constant 40 : i32
        %add3A_908 = vector.broadcast %add3A_907 : i32 to vector<16xi32>
        %add3A_909 = arith.addi %add3A_908, %add3A_905 : vector<16xi32>
        %lt3A_910 = arith.constant 4 : i32
        %lt3A_911 = vector.broadcast %lt3A_910 : i32 to vector<16xi32>
        %lt3A_912 = arith.cmpi slt, %iota3A, %lt3A_911 : vector<16xi32>
        tpu.vector_store_idx %arg13[%add3A_909], %gather3A_906 masked %lt3A_912 : memref<320xi32, #tpu.memory_space<vmem>>[vector<16xi32>], vector<16xi32>, vector<16xi1>
        %broadcast_in_dim3A_913 = arith.constant 3 : i32
        %broadcast_in_dim3A_914 = vector.broadcast %broadcast_in_dim3A_913 : i32 to vector<16xi32>
        %gather3A_915 = tpu.vector_load_idx %arg11[%broadcast_in_dim3A_914, %iota3A] : memref<16x20xi32, #tpu.memory_space<vmem>>[vector<16xi32>, vector<16xi32>], vector<16xi32>,
        %add3A_916 = arith.constant 60 : i32
        %add3A_917 = vector.broadcast %add3A_916 : i32 to vector<16xi32>
        %add3A_918 = arith.addi %add3A_917, %iota3A : vector<16xi32>
        tpu.vector_store_idx %arg13[%add3A_918], %gather3A_915 : memref<320xi32, #tpu.memory_space<vmem>>[vector<16xi32>], vector<16xi32>,
        %and3A_919 = arith.constant 3 : i32
        %and3A_920 = vector.broadcast %and3A_919 : i32 to vector<16xi32>
        %and3A_921 = arith.andi %iota3A, %and3A_920 : vector<16xi32>
        %add3A_922 = arith.constant 16 : i32
        %add3A_923 = vector.broadcast %add3A_922 : i32 to vector<16xi32>
        %add3A_924 = arith.addi %add3A_923, %and3A_921 : vector<16xi32>
        %gather3A_925 = tpu.vector_load_idx %arg11[%broadcast_in_dim3A_914, %add3A_924] : memref<16x20xi32, #tpu.memory_space<vmem>>[vector<16xi32>, vector<16xi32>], vector<16xi32>,
        %add3A_926 = arith.constant 60 : i32
        %add3A_927 = vector.broadcast %add3A_926 : i32 to vector<16xi32>
        %add3A_928 = arith.addi %add3A_927, %add3A_924 : vector<16xi32>
        %lt3A_929 = arith.constant 4 : i32
        %lt3A_930 = vector.broadcast %lt3A_929 : i32 to vector<16xi32>
        %lt3A_931 = arith.cmpi slt, %iota3A, %lt3A_930 : vector<16xi32>
        tpu.vector_store_idx %arg13[%add3A_928], %gather3A_925 masked %lt3A_931 : memref<320xi32, #tpu.memory_space<vmem>>[vector<16xi32>], vector<16xi32>, vector<16xi1>
        %broadcast_in_dim3A_932 = arith.constant 4 : i32
        %broadcast_in_dim3A_933 = vector.broadcast %broadcast_in_dim3A_932 : i32 to vector<16xi32>
        %gather3A_934 = tpu.vector_load_idx %arg11[%broadcast_in_dim3A_933, %iota3A] : memref<16x20xi32, #tpu.memory_space<vmem>>[vector<16xi32>, vector<16xi32>], vector<16xi32>,
        %add3A_935 = arith.constant 80 : i32
        %add3A_936 = vector.broadcast %add3A_935 : i32 to vector<16xi32>
        %add3A_937 = arith.addi %add3A_936, %iota3A : vector<16xi32>
        tpu.vector_store_idx %arg13[%add3A_937], %gather3A_934 : memref<320xi32, #tpu.memory_space<vmem>>[vector<16xi32>], vector<16xi32>,
        %and3A_938 = arith.constant 3 : i32
        %and3A_939 = vector.broadcast %and3A_938 : i32 to vector<16xi32>
        %and3A_940 = arith.andi %iota3A, %and3A_939 : vector<16xi32>
        %add3A_941 = arith.constant 16 : i32
        %add3A_942 = vector.broadcast %add3A_941 : i32 to vector<16xi32>
        %add3A_943 = arith.addi %add3A_942, %and3A_940 : vector<16xi32>
        %gather3A_944 = tpu.vector_load_idx %arg11[%broadcast_in_dim3A_933, %add3A_943] : memref<16x20xi32, #tpu.memory_space<vmem>>[vector<16xi32>, vector<16xi32>], vector<16xi32>,
        %add3A_945 = arith.constant 80 : i32
        %add3A_946 = vector.broadcast %add3A_945 : i32 to vector<16xi32>
        %add3A_947 = arith.addi %add3A_946, %add3A_943 : vector<16xi32>
        %lt3A_948 = arith.constant 4 : i32
        %lt3A_949 = vector.broadcast %lt3A_948 : i32 to vector<16xi32>
        %lt3A_950 = arith.cmpi slt, %iota3A, %lt3A_949 : vector<16xi32>
        tpu.vector_store_idx %arg13[%add3A_947], %gather3A_944 masked %lt3A_950 : memref<320xi32, #tpu.memory_space<vmem>>[vector<16xi32>], vector<16xi32>, vector<16xi1>
        %broadcast_in_dim3A_951 = arith.constant 5 : i32
        %broadcast_in_dim3A_952 = vector.broadcast %broadcast_in_dim3A_951 : i32 to vector<16xi32>
        %gather3A_953 = tpu.vector_load_idx %arg11[%broadcast_in_dim3A_952, %iota3A] : memref<16x20xi32, #tpu.memory_space<vmem>>[vector<16xi32>, vector<16xi32>], vector<16xi32>,
        %add3A_954 = arith.constant 100 : i32
        %add3A_955 = vector.broadcast %add3A_954 : i32 to vector<16xi32>
        %add3A_956 = arith.addi %add3A_955, %iota3A : vector<16xi32>
        tpu.vector_store_idx %arg13[%add3A_956], %gather3A_953 : memref<320xi32, #tpu.memory_space<vmem>>[vector<16xi32>], vector<16xi32>,
        %and3A_957 = arith.constant 3 : i32
        %and3A_958 = vector.broadcast %and3A_957 : i32 to vector<16xi32>
        %and3A_959 = arith.andi %iota3A, %and3A_958 : vector<16xi32>
        %add3A_960 = arith.constant 16 : i32
        %add3A_961 = vector.broadcast %add3A_960 : i32 to vector<16xi32>
        %add3A_962 = arith.addi %add3A_961, %and3A_959 : vector<16xi32>
        %gather3A_963 = tpu.vector_load_idx %arg11[%broadcast_in_dim3A_952, %add3A_962] : memref<16x20xi32, #tpu.memory_space<vmem>>[vector<16xi32>, vector<16xi32>], vector<16xi32>,
        %add3A_964 = arith.constant 100 : i32
        %add3A_965 = vector.broadcast %add3A_964 : i32 to vector<16xi32>
        %add3A_966 = arith.addi %add3A_965, %add3A_962 : vector<16xi32>
        %lt3A_967 = arith.constant 4 : i32
        %lt3A_968 = vector.broadcast %lt3A_967 : i32 to vector<16xi32>
        %lt3A_969 = arith.cmpi slt, %iota3A, %lt3A_968 : vector<16xi32>
        tpu.vector_store_idx %arg13[%add3A_966], %gather3A_963 masked %lt3A_969 : memref<320xi32, #tpu.memory_space<vmem>>[vector<16xi32>], vector<16xi32>, vector<16xi1>
        %broadcast_in_dim3A_970 = arith.constant 6 : i32
        %broadcast_in_dim3A_971 = vector.broadcast %broadcast_in_dim3A_970 : i32 to vector<16xi32>
        %gather3A_972 = tpu.vector_load_idx %arg11[%broadcast_in_dim3A_971, %iota3A] : memref<16x20xi32, #tpu.memory_space<vmem>>[vector<16xi32>, vector<16xi32>], vector<16xi32>,
        %add3A_973 = arith.constant 120 : i32
        %add3A_974 = vector.broadcast %add3A_973 : i32 to vector<16xi32>
        %add3A_975 = arith.addi %add3A_974, %iota3A : vector<16xi32>
        tpu.vector_store_idx %arg13[%add3A_975], %gather3A_972 : memref<320xi32, #tpu.memory_space<vmem>>[vector<16xi32>], vector<16xi32>,
        %and3A_976 = arith.constant 3 : i32
        %and3A_977 = vector.broadcast %and3A_976 : i32 to vector<16xi32>
        %and3A_978 = arith.andi %iota3A, %and3A_977 : vector<16xi32>
        %add3A_979 = arith.constant 16 : i32
        %add3A_980 = vector.broadcast %add3A_979 : i32 to vector<16xi32>
        %add3A_981 = arith.addi %add3A_980, %and3A_978 : vector<16xi32>
        %gather3A_982 = tpu.vector_load_idx %arg11[%broadcast_in_dim3A_971, %add3A_981] : memref<16x20xi32, #tpu.memory_space<vmem>>[vector<16xi32>, vector<16xi32>], vector<16xi32>,
        %add3A_983 = arith.constant 120 : i32
        %add3A_984 = vector.broadcast %add3A_983 : i32 to vector<16xi32>
        %add3A_985 = arith.addi %add3A_984, %add3A_981 : vector<16xi32>
        %lt3A_986 = arith.constant 4 : i32
        %lt3A_987 = vector.broadcast %lt3A_986 : i32 to vector<16xi32>
        %lt3A_988 = arith.cmpi slt, %iota3A, %lt3A_987 : vector<16xi32>
        tpu.vector_store_idx %arg13[%add3A_985], %gather3A_982 masked %lt3A_988 : memref<320xi32, #tpu.memory_space<vmem>>[vector<16xi32>], vector<16xi32>, vector<16xi1>
        %broadcast_in_dim3A_989 = arith.constant 7 : i32
        %broadcast_in_dim3A_990 = vector.broadcast %broadcast_in_dim3A_989 : i32 to vector<16xi32>
        %gather3A_991 = tpu.vector_load_idx %arg11[%broadcast_in_dim3A_990, %iota3A] : memref<16x20xi32, #tpu.memory_space<vmem>>[vector<16xi32>, vector<16xi32>], vector<16xi32>,
        %add3A_992 = arith.constant 140 : i32
        %add3A_993 = vector.broadcast %add3A_992 : i32 to vector<16xi32>
        %add3A_994 = arith.addi %add3A_993, %iota3A : vector<16xi32>
        tpu.vector_store_idx %arg13[%add3A_994], %gather3A_991 : memref<320xi32, #tpu.memory_space<vmem>>[vector<16xi32>], vector<16xi32>,
        %and3A_995 = arith.constant 3 : i32
        %and3A_996 = vector.broadcast %and3A_995 : i32 to vector<16xi32>
        %and3A_997 = arith.andi %iota3A, %and3A_996 : vector<16xi32>
        %add3A_998 = arith.constant 16 : i32
        %add3A_999 = vector.broadcast %add3A_998 : i32 to vector<16xi32>
        %add3A_1000 = arith.addi %add3A_999, %and3A_997 : vector<16xi32>
        %gather3A_1001 = tpu.vector_load_idx %arg11[%broadcast_in_dim3A_990, %add3A_1000] : memref<16x20xi32, #tpu.memory_space<vmem>>[vector<16xi32>, vector<16xi32>], vector<16xi32>,
        %add3A_1002 = arith.constant 140 : i32
        %add3A_1003 = vector.broadcast %add3A_1002 : i32 to vector<16xi32>
        %add3A_1004 = arith.addi %add3A_1003, %add3A_1000 : vector<16xi32>
        %lt3A_1005 = arith.constant 4 : i32
        %lt3A_1006 = vector.broadcast %lt3A_1005 : i32 to vector<16xi32>
        %lt3A_1007 = arith.cmpi slt, %iota3A, %lt3A_1006 : vector<16xi32>
        tpu.vector_store_idx %arg13[%add3A_1004], %gather3A_1001 masked %lt3A_1007 : memref<320xi32, #tpu.memory_space<vmem>>[vector<16xi32>], vector<16xi32>, vector<16xi1>
        %broadcast_in_dim3A_1008 = arith.constant 8 : i32
        %broadcast_in_dim3A_1009 = vector.broadcast %broadcast_in_dim3A_1008 : i32 to vector<16xi32>
        %gather3A_1010 = tpu.vector_load_idx %arg11[%broadcast_in_dim3A_1009, %iota3A] : memref<16x20xi32, #tpu.memory_space<vmem>>[vector<16xi32>, vector<16xi32>], vector<16xi32>,
        %add3A_1011 = arith.constant 160 : i32
        %add3A_1012 = vector.broadcast %add3A_1011 : i32 to vector<16xi32>
        %add3A_1013 = arith.addi %add3A_1012, %iota3A : vector<16xi32>
        tpu.vector_store_idx %arg13[%add3A_1013], %gather3A_1010 : memref<320xi32, #tpu.memory_space<vmem>>[vector<16xi32>], vector<16xi32>,
        %and3A_1014 = arith.constant 3 : i32
        %and3A_1015 = vector.broadcast %and3A_1014 : i32 to vector<16xi32>
        %and3A_1016 = arith.andi %iota3A, %and3A_1015 : vector<16xi32>
        %add3A_1017 = arith.constant 16 : i32
        %add3A_1018 = vector.broadcast %add3A_1017 : i32 to vector<16xi32>
        %add3A_1019 = arith.addi %add3A_1018, %and3A_1016 : vector<16xi32>
        %gather3A_1020 = tpu.vector_load_idx %arg11[%broadcast_in_dim3A_1009, %add3A_1019] : memref<16x20xi32, #tpu.memory_space<vmem>>[vector<16xi32>, vector<16xi32>], vector<16xi32>,
        %add3A_1021 = arith.constant 160 : i32
        %add3A_1022 = vector.broadcast %add3A_1021 : i32 to vector<16xi32>
        %add3A_1023 = arith.addi %add3A_1022, %add3A_1019 : vector<16xi32>
        %lt3A_1024 = arith.constant 4 : i32
        %lt3A_1025 = vector.broadcast %lt3A_1024 : i32 to vector<16xi32>
        %lt3A_1026 = arith.cmpi slt, %iota3A, %lt3A_1025 : vector<16xi32>
        tpu.vector_store_idx %arg13[%add3A_1023], %gather3A_1020 masked %lt3A_1026 : memref<320xi32, #tpu.memory_space<vmem>>[vector<16xi32>], vector<16xi32>, vector<16xi1>
        %broadcast_in_dim3A_1027 = arith.constant 9 : i32
        %broadcast_in_dim3A_1028 = vector.broadcast %broadcast_in_dim3A_1027 : i32 to vector<16xi32>
        %gather3A_1029 = tpu.vector_load_idx %arg11[%broadcast_in_dim3A_1028, %iota3A] : memref<16x20xi32, #tpu.memory_space<vmem>>[vector<16xi32>, vector<16xi32>], vector<16xi32>,
        %add3A_1030 = arith.constant 180 : i32
        %add3A_1031 = vector.broadcast %add3A_1030 : i32 to vector<16xi32>
        %add3A_1032 = arith.addi %add3A_1031, %iota3A : vector<16xi32>
        tpu.vector_store_idx %arg13[%add3A_1032], %gather3A_1029 : memref<320xi32, #tpu.memory_space<vmem>>[vector<16xi32>], vector<16xi32>,
        %and3A_1033 = arith.constant 3 : i32
        %and3A_1034 = vector.broadcast %and3A_1033 : i32 to vector<16xi32>
        %and3A_1035 = arith.andi %iota3A, %and3A_1034 : vector<16xi32>
        %add3A_1036 = arith.constant 16 : i32
        %add3A_1037 = vector.broadcast %add3A_1036 : i32 to vector<16xi32>
        %add3A_1038 = arith.addi %add3A_1037, %and3A_1035 : vector<16xi32>
        %gather3A_1039 = tpu.vector_load_idx %arg11[%broadcast_in_dim3A_1028, %add3A_1038] : memref<16x20xi32, #tpu.memory_space<vmem>>[vector<16xi32>, vector<16xi32>], vector<16xi32>,
        %add3A_1040 = arith.constant 180 : i32
        %add3A_1041 = vector.broadcast %add3A_1040 : i32 to vector<16xi32>
        %add3A_1042 = arith.addi %add3A_1041, %add3A_1038 : vector<16xi32>
        %lt3A_1043 = arith.constant 4 : i32
        %lt3A_1044 = vector.broadcast %lt3A_1043 : i32 to vector<16xi32>
        %lt3A_1045 = arith.cmpi slt, %iota3A, %lt3A_1044 : vector<16xi32>
        tpu.vector_store_idx %arg13[%add3A_1042], %gather3A_1039 masked %lt3A_1045 : memref<320xi32, #tpu.memory_space<vmem>>[vector<16xi32>], vector<16xi32>, vector<16xi1>
        %broadcast_in_dim3A_1046 = arith.constant 10 : i32
        %broadcast_in_dim3A_1047 = vector.broadcast %broadcast_in_dim3A_1046 : i32 to vector<16xi32>
        %gather3A_1048 = tpu.vector_load_idx %arg11[%broadcast_in_dim3A_1047, %iota3A] : memref<16x20xi32, #tpu.memory_space<vmem>>[vector<16xi32>, vector<16xi32>], vector<16xi32>,
        %add3A_1049 = arith.constant 200 : i32
        %add3A_1050 = vector.broadcast %add3A_1049 : i32 to vector<16xi32>
        %add3A_1051 = arith.addi %add3A_1050, %iota3A : vector<16xi32>
        tpu.vector_store_idx %arg13[%add3A_1051], %gather3A_1048 : memref<320xi32, #tpu.memory_space<vmem>>[vector<16xi32>], vector<16xi32>,
        %and3A_1052 = arith.constant 3 : i32
        %and3A_1053 = vector.broadcast %and3A_1052 : i32 to vector<16xi32>
        %and3A_1054 = arith.andi %iota3A, %and3A_1053 : vector<16xi32>
        %add3A_1055 = arith.constant 16 : i32
        %add3A_1056 = vector.broadcast %add3A_1055 : i32 to vector<16xi32>
        %add3A_1057 = arith.addi %add3A_1056, %and3A_1054 : vector<16xi32>
        %gather3A_1058 = tpu.vector_load_idx %arg11[%broadcast_in_dim3A_1047, %add3A_1057] : memref<16x20xi32, #tpu.memory_space<vmem>>[vector<16xi32>, vector<16xi32>], vector<16xi32>,
        %add3A_1059 = arith.constant 200 : i32
        %add3A_1060 = vector.broadcast %add3A_1059 : i32 to vector<16xi32>
        %add3A_1061 = arith.addi %add3A_1060, %add3A_1057 : vector<16xi32>
        %lt3A_1062 = arith.constant 4 : i32
        %lt3A_1063 = vector.broadcast %lt3A_1062 : i32 to vector<16xi32>
        %lt3A_1064 = arith.cmpi slt, %iota3A, %lt3A_1063 : vector<16xi32>
        tpu.vector_store_idx %arg13[%add3A_1061], %gather3A_1058 masked %lt3A_1064 : memref<320xi32, #tpu.memory_space<vmem>>[vector<16xi32>], vector<16xi32>, vector<16xi1>
        %broadcast_in_dim3A_1065 = arith.constant 11 : i32
        %broadcast_in_dim3A_1066 = vector.broadcast %broadcast_in_dim3A_1065 : i32 to vector<16xi32>
        %gather3A_1067 = tpu.vector_load_idx %arg11[%broadcast_in_dim3A_1066, %iota3A] : memref<16x20xi32, #tpu.memory_space<vmem>>[vector<16xi32>, vector<16xi32>], vector<16xi32>,
        %add3A_1068 = arith.constant 220 : i32
        %add3A_1069 = vector.broadcast %add3A_1068 : i32 to vector<16xi32>
        %add3A_1070 = arith.addi %add3A_1069, %iota3A : vector<16xi32>
        tpu.vector_store_idx %arg13[%add3A_1070], %gather3A_1067 : memref<320xi32, #tpu.memory_space<vmem>>[vector<16xi32>], vector<16xi32>,
        %and3A_1071 = arith.constant 3 : i32
        %and3A_1072 = vector.broadcast %and3A_1071 : i32 to vector<16xi32>
        %and3A_1073 = arith.andi %iota3A, %and3A_1072 : vector<16xi32>
        %add3A_1074 = arith.constant 16 : i32
        %add3A_1075 = vector.broadcast %add3A_1074 : i32 to vector<16xi32>
        %add3A_1076 = arith.addi %add3A_1075, %and3A_1073 : vector<16xi32>
        %gather3A_1077 = tpu.vector_load_idx %arg11[%broadcast_in_dim3A_1066, %add3A_1076] : memref<16x20xi32, #tpu.memory_space<vmem>>[vector<16xi32>, vector<16xi32>], vector<16xi32>,
        %add3A_1078 = arith.constant 220 : i32
        %add3A_1079 = vector.broadcast %add3A_1078 : i32 to vector<16xi32>
        %add3A_1080 = arith.addi %add3A_1079, %add3A_1076 : vector<16xi32>
        %lt3A_1081 = arith.constant 4 : i32
        %lt3A_1082 = vector.broadcast %lt3A_1081 : i32 to vector<16xi32>
        %lt3A_1083 = arith.cmpi slt, %iota3A, %lt3A_1082 : vector<16xi32>
        tpu.vector_store_idx %arg13[%add3A_1080], %gather3A_1077 masked %lt3A_1083 : memref<320xi32, #tpu.memory_space<vmem>>[vector<16xi32>], vector<16xi32>, vector<16xi1>
        %broadcast_in_dim3A_1084 = arith.constant 12 : i32
        %broadcast_in_dim3A_1085 = vector.broadcast %broadcast_in_dim3A_1084 : i32 to vector<16xi32>
        %gather3A_1086 = tpu.vector_load_idx %arg11[%broadcast_in_dim3A_1085, %iota3A] : memref<16x20xi32, #tpu.memory_space<vmem>>[vector<16xi32>, vector<16xi32>], vector<16xi32>,
        %add3A_1087 = arith.constant 240 : i32
        %add3A_1088 = vector.broadcast %add3A_1087 : i32 to vector<16xi32>
        %add3A_1089 = arith.addi %add3A_1088, %iota3A : vector<16xi32>
        tpu.vector_store_idx %arg13[%add3A_1089], %gather3A_1086 : memref<320xi32, #tpu.memory_space<vmem>>[vector<16xi32>], vector<16xi32>,
        %and3A_1090 = arith.constant 3 : i32
        %and3A_1091 = vector.broadcast %and3A_1090 : i32 to vector<16xi32>
        %and3A_1092 = arith.andi %iota3A, %and3A_1091 : vector<16xi32>
        %add3A_1093 = arith.constant 16 : i32
        %add3A_1094 = vector.broadcast %add3A_1093 : i32 to vector<16xi32>
        %add3A_1095 = arith.addi %add3A_1094, %and3A_1092 : vector<16xi32>
        %gather3A_1096 = tpu.vector_load_idx %arg11[%broadcast_in_dim3A_1085, %add3A_1095] : memref<16x20xi32, #tpu.memory_space<vmem>>[vector<16xi32>, vector<16xi32>], vector<16xi32>,
        %add3A_1097 = arith.constant 240 : i32
        %add3A_1098 = vector.broadcast %add3A_1097 : i32 to vector<16xi32>
        %add3A_1099 = arith.addi %add3A_1098, %add3A_1095 : vector<16xi32>
        %lt3A_1100 = arith.constant 4 : i32
        %lt3A_1101 = vector.broadcast %lt3A_1100 : i32 to vector<16xi32>
        %lt3A_1102 = arith.cmpi slt, %iota3A, %lt3A_1101 : vector<16xi32>
        tpu.vector_store_idx %arg13[%add3A_1099], %gather3A_1096 masked %lt3A_1102 : memref<320xi32, #tpu.memory_space<vmem>>[vector<16xi32>], vector<16xi32>, vector<16xi1>
        %broadcast_in_dim3A_1103 = arith.constant 13 : i32
        %broadcast_in_dim3A_1104 = vector.broadcast %broadcast_in_dim3A_1103 : i32 to vector<16xi32>
        %gather3A_1105 = tpu.vector_load_idx %arg11[%broadcast_in_dim3A_1104, %iota3A] : memref<16x20xi32, #tpu.memory_space<vmem>>[vector<16xi32>, vector<16xi32>], vector<16xi32>,
        %add3A_1106 = arith.constant 260 : i32
        %add3A_1107 = vector.broadcast %add3A_1106 : i32 to vector<16xi32>
        %add3A_1108 = arith.addi %add3A_1107, %iota3A : vector<16xi32>
        tpu.vector_store_idx %arg13[%add3A_1108], %gather3A_1105 : memref<320xi32, #tpu.memory_space<vmem>>[vector<16xi32>], vector<16xi32>,
        %and3A_1109 = arith.constant 3 : i32
        %and3A_1110 = vector.broadcast %and3A_1109 : i32 to vector<16xi32>
        %and3A_1111 = arith.andi %iota3A, %and3A_1110 : vector<16xi32>
        %add3A_1112 = arith.constant 16 : i32
        %add3A_1113 = vector.broadcast %add3A_1112 : i32 to vector<16xi32>
        %add3A_1114 = arith.addi %add3A_1113, %and3A_1111 : vector<16xi32>
        %gather3A_1115 = tpu.vector_load_idx %arg11[%broadcast_in_dim3A_1104, %add3A_1114] : memref<16x20xi32, #tpu.memory_space<vmem>>[vector<16xi32>, vector<16xi32>], vector<16xi32>,
        %add3A_1116 = arith.constant 260 : i32
        %add3A_1117 = vector.broadcast %add3A_1116 : i32 to vector<16xi32>
        %add3A_1118 = arith.addi %add3A_1117, %add3A_1114 : vector<16xi32>
        %lt3A_1119 = arith.constant 4 : i32
        %lt3A_1120 = vector.broadcast %lt3A_1119 : i32 to vector<16xi32>
        %lt3A_1121 = arith.cmpi slt, %iota3A, %lt3A_1120 : vector<16xi32>
        tpu.vector_store_idx %arg13[%add3A_1118], %gather3A_1115 masked %lt3A_1121 : memref<320xi32, #tpu.memory_space<vmem>>[vector<16xi32>], vector<16xi32>, vector<16xi1>
        %broadcast_in_dim3A_1122 = arith.constant 14 : i32
        %broadcast_in_dim3A_1123 = vector.broadcast %broadcast_in_dim3A_1122 : i32 to vector<16xi32>
        %gather3A_1124 = tpu.vector_load_idx %arg11[%broadcast_in_dim3A_1123, %iota3A] : memref<16x20xi32, #tpu.memory_space<vmem>>[vector<16xi32>, vector<16xi32>], vector<16xi32>,
        %add3A_1125 = arith.constant 280 : i32
        %add3A_1126 = vector.broadcast %add3A_1125 : i32 to vector<16xi32>
        %add3A_1127 = arith.addi %add3A_1126, %iota3A : vector<16xi32>
        tpu.vector_store_idx %arg13[%add3A_1127], %gather3A_1124 : memref<320xi32, #tpu.memory_space<vmem>>[vector<16xi32>], vector<16xi32>,
        %and3A_1128 = arith.constant 3 : i32
        %and3A_1129 = vector.broadcast %and3A_1128 : i32 to vector<16xi32>
        %and3A_1130 = arith.andi %iota3A, %and3A_1129 : vector<16xi32>
        %add3A_1131 = arith.constant 16 : i32
        %add3A_1132 = vector.broadcast %add3A_1131 : i32 to vector<16xi32>
        %add3A_1133 = arith.addi %add3A_1132, %and3A_1130 : vector<16xi32>
        %gather3A_1134 = tpu.vector_load_idx %arg11[%broadcast_in_dim3A_1123, %add3A_1133] : memref<16x20xi32, #tpu.memory_space<vmem>>[vector<16xi32>, vector<16xi32>], vector<16xi32>,
        %add3A_1135 = arith.constant 280 : i32
        %add3A_1136 = vector.broadcast %add3A_1135 : i32 to vector<16xi32>
        %add3A_1137 = arith.addi %add3A_1136, %add3A_1133 : vector<16xi32>
        %lt3A_1138 = arith.constant 4 : i32
        %lt3A_1139 = vector.broadcast %lt3A_1138 : i32 to vector<16xi32>
        %lt3A_1140 = arith.cmpi slt, %iota3A, %lt3A_1139 : vector<16xi32>
        tpu.vector_store_idx %arg13[%add3A_1137], %gather3A_1134 masked %lt3A_1140 : memref<320xi32, #tpu.memory_space<vmem>>[vector<16xi32>], vector<16xi32>, vector<16xi1>
        %broadcast_in_dim3A_1141 = arith.constant 15 : i32
        %broadcast_in_dim3A_1142 = vector.broadcast %broadcast_in_dim3A_1141 : i32 to vector<16xi32>
        %gather3A_1143 = tpu.vector_load_idx %arg11[%broadcast_in_dim3A_1142, %iota3A] : memref<16x20xi32, #tpu.memory_space<vmem>>[vector<16xi32>, vector<16xi32>], vector<16xi32>,
        %add3A_1144 = arith.constant 300 : i32
        %add3A_1145 = vector.broadcast %add3A_1144 : i32 to vector<16xi32>
        %add3A_1146 = arith.addi %add3A_1145, %iota3A : vector<16xi32>
        tpu.vector_store_idx %arg13[%add3A_1146], %gather3A_1143 : memref<320xi32, #tpu.memory_space<vmem>>[vector<16xi32>], vector<16xi32>,
        %and3A_1147 = arith.constant 3 : i32
        %and3A_1148 = vector.broadcast %and3A_1147 : i32 to vector<16xi32>
        %and3A_1149 = arith.andi %iota3A, %and3A_1148 : vector<16xi32>
        %add3A_1150 = arith.constant 16 : i32
        %add3A_1151 = vector.broadcast %add3A_1150 : i32 to vector<16xi32>
        %add3A_1152 = arith.addi %add3A_1151, %and3A_1149 : vector<16xi32>
        %gather3A_1153 = tpu.vector_load_idx %arg11[%broadcast_in_dim3A_1142, %add3A_1152] : memref<16x20xi32, #tpu.memory_space<vmem>>[vector<16xi32>, vector<16xi32>], vector<16xi32>,
        %add3A_1154 = arith.constant 300 : i32
        %add3A_1155 = vector.broadcast %add3A_1154 : i32 to vector<16xi32>
        %add3A_1156 = arith.addi %add3A_1155, %add3A_1152 : vector<16xi32>
        %lt3A_1157 = arith.constant 4 : i32
        %lt3A_1158 = vector.broadcast %lt3A_1157 : i32 to vector<16xi32>
        %lt3A_1159 = arith.cmpi slt, %iota3A, %lt3A_1158 : vector<16xi32>
        tpu.vector_store_idx %arg13[%add3A_1156], %gather3A_1153 masked %lt3A_1159 : memref<320xi32, #tpu.memory_space<vmem>>[vector<16xi32>], vector<16xi32>, vector<16xi1>
        %dma_start3A_1160 = tpu.memref_slice %arg9[%mul3A_848] : memref<512xi32, #tpu.memory_space<vmem>> -> memref<16xi32, #tpu.memory_space<vmem>>
        %dma_start3A_1161 = arith.constant 0 : i32
        %dma_start3A_1162 = arith.constant 0 : i32
        %dma_start3A_1163 = tpu.memref_slice %arg5[%dma_start3A_1161, %dma_start3A_1162] : memref<100000x128xf32, #tpu.memory_space<hbm>> -> memref<100000x128xf32, #tpu.memory_space<hbm>>
        tpu.enqueue_indirect_dma source(%dma_start3A_1163 : memref<100000x128xf32, #tpu.memory_space<hbm>>) target(%arg15 : memref<16x128xf32, #tpu.memory_space<vmem>>) offsets(%dma_start3A_1160 : memref<16xi32, #tpu.memory_space<vmem>>) semaphore(%arg25 : memref<!tpu.dma_semaphore, #tpu.memory_space<semaphore_mem>>)
        %dma_start3A_1164 = tpu.memref_slice %arg10[%mul3A_848] : memref<512xi32, #tpu.memory_space<vmem>> -> memref<16xi32, #tpu.memory_space<vmem>>
        %dma_start3A_1165 = arith.constant 0 : i32
        %dma_start3A_1166 = arith.constant 0 : i32
        %dma_start3A_1167 = tpu.memref_slice %arg6[%dma_start3A_1165, %dma_start3A_1166] : memref<100000x128xf32, #tpu.memory_space<hbm>> -> memref<100000x128xf32, #tpu.memory_space<hbm>>
        tpu.enqueue_indirect_dma source(%dma_start3A_1167 : memref<100000x128xf32, #tpu.memory_space<hbm>>) target(%arg17 : memref<16x128xf32, #tpu.memory_space<vmem>>) offsets(%dma_start3A_1164 : memref<16xi32, #tpu.memory_space<vmem>>) semaphore(%arg25 : memref<!tpu.dma_semaphore, #tpu.memory_space<semaphore_mem>>)
        %dma_start3A_1168 = arith.constant 0 : i32
        %dma_start3A_1169 = arith.constant 0 : i32
        %dma_start3A_1170 = tpu.memref_slice %arg19[%dma_start3A_1168, %dma_start3A_1169] : memref<320x128xf32, #tpu.memory_space<vmem>> -> memref<80x128xf32, #tpu.memory_space<vmem>>
        %dma_start3A_1171 = arith.constant 0 : i32
        %dma_start3A_1172 = tpu.memref_slice %arg13[%dma_start3A_1171] : memref<320xi32, #tpu.memory_space<vmem>> -> memref<80xi32, #tpu.memory_space<vmem>>
        %dma_start3A_1173 = arith.constant 0 : i32
        %dma_start3A_1174 = arith.constant 0 : i32
        %dma_start3A_1175 = tpu.memref_slice %arg6[%dma_start3A_1173, %dma_start3A_1174] : memref<100000x128xf32, #tpu.memory_space<hbm>> -> memref<100000x128xf32, #tpu.memory_space<hbm>>
        tpu.enqueue_indirect_dma source(%dma_start3A_1175 : memref<100000x128xf32, #tpu.memory_space<hbm>>) target(%dma_start3A_1170 : memref<80x128xf32, #tpu.memory_space<vmem>>) offsets(%dma_start3A_1172 : memref<80xi32, #tpu.memory_space<vmem>>) semaphore(%arg25 : memref<!tpu.dma_semaphore, #tpu.memory_space<semaphore_mem>>)
        %dma_start3A_1176 = arith.constant 80 : i32
        %dma_start3A_1177 = arith.constant 0 : i32
        %dma_start3A_1178 = tpu.memref_slice %arg19[%dma_start3A_1176, %dma_start3A_1177] : memref<320x128xf32, #tpu.memory_space<vmem>> -> memref<80x128xf32, #tpu.memory_space<vmem>>
        %dma_start3A_1179 = arith.constant 80 : i32
        %dma_start3A_1180 = tpu.memref_slice %arg13[%dma_start3A_1179] : memref<320xi32, #tpu.memory_space<vmem>> -> memref<80xi32, #tpu.memory_space<vmem>>
        %dma_start3A_1181 = arith.constant 0 : i32
        %dma_start3A_1182 = arith.constant 0 : i32
        %dma_start3A_1183 = tpu.memref_slice %arg6[%dma_start3A_1181, %dma_start3A_1182] : memref<100000x128xf32, #tpu.memory_space<hbm>> -> memref<100000x128xf32, #tpu.memory_space<hbm>>
        tpu.enqueue_indirect_dma source(%dma_start3A_1183 : memref<100000x128xf32, #tpu.memory_space<hbm>>) target(%dma_start3A_1178 : memref<80x128xf32, #tpu.memory_space<vmem>>) offsets(%dma_start3A_1180 : memref<80xi32, #tpu.memory_space<vmem>>) semaphore(%arg25 : memref<!tpu.dma_semaphore, #tpu.memory_space<semaphore_mem>>)
        %dma_start3A_1184 = arith.constant 160 : i32
        %dma_start3A_1185 = arith.constant 0 : i32
        %dma_start3A_1186 = tpu.memref_slice %arg19[%dma_start3A_1184, %dma_start3A_1185] : memref<320x128xf32, #tpu.memory_space<vmem>> -> memref<80x128xf32, #tpu.memory_space<vmem>>
        %dma_start3A_1187 = arith.constant 160 : i32
        %dma_start3A_1188 = tpu.memref_slice %arg13[%dma_start3A_1187] : memref<320xi32, #tpu.memory_space<vmem>> -> memref<80xi32, #tpu.memory_space<vmem>>
        %dma_start3A_1189 = arith.constant 0 : i32
        %dma_start3A_1190 = arith.constant 0 : i32
        %dma_start3A_1191 = tpu.memref_slice %arg6[%dma_start3A_1189, %dma_start3A_1190] : memref<100000x128xf32, #tpu.memory_space<hbm>> -> memref<100000x128xf32, #tpu.memory_space<hbm>>
        tpu.enqueue_indirect_dma source(%dma_start3A_1191 : memref<100000x128xf32, #tpu.memory_space<hbm>>) target(%dma_start3A_1186 : memref<80x128xf32, #tpu.memory_space<vmem>>) offsets(%dma_start3A_1188 : memref<80xi32, #tpu.memory_space<vmem>>) semaphore(%arg25 : memref<!tpu.dma_semaphore, #tpu.memory_space<semaphore_mem>>)
        %dma_start3A_1192 = arith.constant 240 : i32
        %dma_start3A_1193 = arith.constant 0 : i32
        %dma_start3A_1194 = tpu.memref_slice %arg19[%dma_start3A_1192, %dma_start3A_1193] : memref<320x128xf32, #tpu.memory_space<vmem>> -> memref<80x128xf32, #tpu.memory_space<vmem>>
        %dma_start3A_1195 = arith.constant 240 : i32
        %dma_start3A_1196 = tpu.memref_slice %arg13[%dma_start3A_1195] : memref<320xi32, #tpu.memory_space<vmem>> -> memref<80xi32, #tpu.memory_space<vmem>>
        %dma_start3A_1197 = arith.constant 0 : i32
        %dma_start3A_1198 = arith.constant 0 : i32
        %dma_start3A_1199 = tpu.memref_slice %arg6[%dma_start3A_1197, %dma_start3A_1198] : memref<100000x128xf32, #tpu.memory_space<hbm>> -> memref<100000x128xf32, #tpu.memory_space<hbm>>
        tpu.enqueue_indirect_dma source(%dma_start3A_1199 : memref<100000x128xf32, #tpu.memory_space<hbm>>) target(%dma_start3A_1194 : memref<80x128xf32, #tpu.memory_space<vmem>>) offsets(%dma_start3A_1196 : memref<80xi32, #tpu.memory_space<vmem>>) semaphore(%arg25 : memref<!tpu.dma_semaphore, #tpu.memory_space<semaphore_mem>>)
      } else {
      }
      %add3A_816 = arith.constant 3 : i32
      %add3A_817 = arith.addi %mul3A_393, %add3A_816 : i32
      %lt3A_818 = arith.constant 32 : i32
      %lt3A_819 = arith.cmpi slt, %add3A_817, %lt3A_818 : i32
      %convert_element_type3A_820 = arith.extui %lt3A_819 : i1 to i32
      %cond3A_821 = arith.constant 0 : i32
      %cond3A_822 = arith.cmpi ne, %convert_element_type3A_820, %cond3A_821 : i32
      scf.if %cond3A_822 {
        %add3A_845 = arith.constant 3 : i32
        %add3A_846 = arith.addi %mul3A_393, %add3A_845 : i32
        %mul3A_847 = arith.constant 16 : i32
        %mul3A_848 = arith.muli %add3A_846, %mul3A_847 : i32
        %add3A_849 = arith.addi %mul3A_2, %mul3A_848 : i32
        %dma_start3A_850 = arith.constant 0 : i32
        %dma_start3A_851 = tpu.memref_slice %arg4[%add3A_849, %dma_start3A_850] : memref<16384x20xi32, #tpu.memory_space<hbm>> -> memref<16x20xi32, #tpu.memory_space<hbm>>
        %dma_start3A_852 = arith.constant 0 : i32
        %dma_start3A_853 = tpu.memref_slice %arg4[%add3A_849, %dma_start3A_852] : memref<16384x20xi32, #tpu.memory_space<hbm>> -> memref<16x20xi32, #tpu.memory_space<hbm>>
        tpu.enqueue_dma source(%dma_start3A_853 : memref<16x20xi32, #tpu.memory_space<hbm>>) target(%arg12 : memref<16x20xi32, #tpu.memory_space<vmem>>) target_semaphore(%arg30 : memref<!tpu.dma_semaphore, #tpu.memory_space<semaphore_mem>>)
      } else {
      }
      %add3A_823 = arith.constant 1 : i32
      %add3A_824 = arith.addi %mul3A_393, %add3A_823 : i32
      %ge3A_825 = arith.constant 2 : i32
      %ge3A_826 = arith.cmpi sge, %add3A_824, %ge3A_825 : i32
      %convert_element_type3A_827 = arith.extui %ge3A_826 : i1 to i32
      %cond3A_828 = arith.constant 0 : i32
      %cond3A_829 = arith.cmpi ne, %convert_element_type3A_827, %cond3A_828 : i32
      scf.if %cond3A_829 {
        %dma_wait3A_845 = arith.constant 0 : i32
        %dma_wait3A_846 = tpu.memref_slice %arg7[%dma_wait3A_845] : memref<16384xf32, #tpu.memory_space<hbm>> -> memref<16xf32, #tpu.memory_space<hbm>>
        %dma_wait3A_847 = arith.constant 0 : i32
        %dma_wait3A_848 = tpu.memref_slice %arg7[%dma_wait3A_847] : memref<16384xf32, #tpu.memory_space<hbm>> -> memref<16xf32, #tpu.memory_space<hbm>>
        tpu.wait_dma2 semaphore(%arg28 : memref<!tpu.dma_semaphore, #tpu.memory_space<semaphore_mem>>) src(%arg22 : memref<16xf32, #tpu.memory_space<vmem>>) dst(%dma_wait3A_848 : memref<16xf32, #tpu.memory_space<hbm>>)
        %dma_wait3A_849 = arith.constant 0 : i32
        %dma_wait3A_850 = arith.constant 0 : i32
        %dma_wait3A_851 = tpu.memref_slice %arg8[%dma_wait3A_849, %dma_wait3A_850] : memref<16384x20xf32, #tpu.memory_space<hbm>> -> memref<16x20xf32, #tpu.memory_space<hbm>>
        %dma_wait3A_852 = arith.constant 0 : i32
        %dma_wait3A_853 = arith.constant 0 : i32
        %dma_wait3A_854 = tpu.memref_slice %arg8[%dma_wait3A_852, %dma_wait3A_853] : memref<16384x20xf32, #tpu.memory_space<hbm>> -> memref<16x20xf32, #tpu.memory_space<hbm>>
        tpu.wait_dma2 semaphore(%arg28 : memref<!tpu.dma_semaphore, #tpu.memory_space<semaphore_mem>>) src(%arg24 : memref<16x20xf32, #tpu.memory_space<vmem>>) dst(%dma_wait3A_854 : memref<16x20xf32, #tpu.memory_space<hbm>>)
      } else {
      }
      %scan3A_830 = arith.constant 0 : i32
      %scan3A_831 = arith.constant 0 : i32
      %scan3A_832 = arith.constant 16 : i32
      %scan3A_833 = arith.addi %scan3A_831, %scan3A_832 : i32
      %scan3A_834 = arith.constant 1 : i32
      scf.for %scan3A_845 = %scan3A_831 to %scan3A_833 step %scan3A_834  : i32 {
        %get3A = arith.index_cast %scan3A_845 : i32 to index
        %get3A_846 = arith.constant 0 : index
        %get3A_847 = tpu.vector_load %arg16[%get3A, %get3A_846] {strides = array<i32>} : memref<16x128xf32, #tpu.memory_space<vmem>>, vector<16xf32>,
        %get3A_848 = arith.index_cast %scan3A_845 : i32 to index
        %get3A_849 = arith.constant 16 : index
        %get3A_850 = tpu.vector_load %arg16[%get3A_848, %get3A_849] {strides = array<i32>} : memref<16x128xf32, #tpu.memory_space<vmem>>, vector<16xf32>,
        %get3A_851 = arith.index_cast %scan3A_845 : i32 to index
        %get3A_852 = arith.constant 32 : index
        %get3A_853 = tpu.vector_load %arg16[%get3A_851, %get3A_852] {strides = array<i32>} : memref<16x128xf32, #tpu.memory_space<vmem>>, vector<16xf32>,
        %get3A_854 = arith.index_cast %scan3A_845 : i32 to index
        %get3A_855 = arith.constant 48 : index
        %get3A_856 = tpu.vector_load %arg16[%get3A_854, %get3A_855] {strides = array<i32>} : memref<16x128xf32, #tpu.memory_space<vmem>>, vector<16xf32>,
        %get3A_857 = arith.index_cast %scan3A_845 : i32 to index
        %get3A_858 = arith.constant 64 : index
        %get3A_859 = tpu.vector_load %arg16[%get3A_857, %get3A_858] {strides = array<i32>} : memref<16x128xf32, #tpu.memory_space<vmem>>, vector<16xf32>,
        %get3A_860 = arith.index_cast %scan3A_845 : i32 to index
        %get3A_861 = arith.constant 80 : index
        %get3A_862 = tpu.vector_load %arg16[%get3A_860, %get3A_861] {strides = array<i32>} : memref<16x128xf32, #tpu.memory_space<vmem>>, vector<16xf32>,
        %get3A_863 = arith.index_cast %scan3A_845 : i32 to index
        %get3A_864 = arith.constant 96 : index
        %get3A_865 = tpu.vector_load %arg16[%get3A_863, %get3A_864] {strides = array<i32>} : memref<16x128xf32, #tpu.memory_space<vmem>>, vector<16xf32>,
        %get3A_866 = arith.index_cast %scan3A_845 : i32 to index
        %get3A_867 = arith.constant 112 : index
        %get3A_868 = tpu.vector_load %arg16[%get3A_866, %get3A_867] {strides = array<i32>} : memref<16x128xf32, #tpu.memory_space<vmem>>, vector<16xf32>,
        %get3A_869 = arith.index_cast %scan3A_845 : i32 to index
        %get3A_870 = arith.constant 0 : index
        %get3A_871 = tpu.vector_load %arg18[%get3A_869, %get3A_870] {strides = array<i32>} : memref<16x128xf32, #tpu.memory_space<vmem>>, vector<16xf32>,
        %mul3A_872 = arith.mulf %get3A_847, %get3A_871 : vector<16xf32>
        %get3A_873 = arith.index_cast %scan3A_845 : i32 to index
        %get3A_874 = arith.constant 16 : index
        %get3A_875 = tpu.vector_load %arg18[%get3A_873, %get3A_874] {strides = array<i32>} : memref<16x128xf32, #tpu.memory_space<vmem>>, vector<16xf32>,
        %mul3A_876 = arith.mulf %get3A_850, %get3A_875 : vector<16xf32>
        %add3A_877 = arith.addf %mul3A_872, %mul3A_876 : vector<16xf32>
        %get3A_878 = arith.index_cast %scan3A_845 : i32 to index
        %get3A_879 = arith.constant 32 : index
        %get3A_880 = tpu.vector_load %arg18[%get3A_878, %get3A_879] {strides = array<i32>} : memref<16x128xf32, #tpu.memory_space<vmem>>, vector<16xf32>,
        %mul3A_881 = arith.mulf %get3A_853, %get3A_880 : vector<16xf32>
        %add3A_882 = arith.addf %add3A_877, %mul3A_881 : vector<16xf32>
        %get3A_883 = arith.index_cast %scan3A_845 : i32 to index
        %get3A_884 = arith.constant 48 : index
        %get3A_885 = tpu.vector_load %arg18[%get3A_883, %get3A_884] {strides = array<i32>} : memref<16x128xf32, #tpu.memory_space<vmem>>, vector<16xf32>,
        %mul3A_886 = arith.mulf %get3A_856, %get3A_885 : vector<16xf32>
        %add3A_887 = arith.addf %add3A_882, %mul3A_886 : vector<16xf32>
        %get3A_888 = arith.index_cast %scan3A_845 : i32 to index
        %get3A_889 = arith.constant 64 : index
        %get3A_890 = tpu.vector_load %arg18[%get3A_888, %get3A_889] {strides = array<i32>} : memref<16x128xf32, #tpu.memory_space<vmem>>, vector<16xf32>,
        %mul3A_891 = arith.mulf %get3A_859, %get3A_890 : vector<16xf32>
        %add3A_892 = arith.addf %add3A_887, %mul3A_891 : vector<16xf32>
        %get3A_893 = arith.index_cast %scan3A_845 : i32 to index
        %get3A_894 = arith.constant 80 : index
        %get3A_895 = tpu.vector_load %arg18[%get3A_893, %get3A_894] {strides = array<i32>} : memref<16x128xf32, #tpu.memory_space<vmem>>, vector<16xf32>,
        %mul3A_896 = arith.mulf %get3A_862, %get3A_895 : vector<16xf32>
        %add3A_897 = arith.addf %add3A_892, %mul3A_896 : vector<16xf32>
        %get3A_898 = arith.index_cast %scan3A_845 : i32 to index
        %get3A_899 = arith.constant 96 : index
        %get3A_900 = tpu.vector_load %arg18[%get3A_898, %get3A_899] {strides = array<i32>} : memref<16x128xf32, #tpu.memory_space<vmem>>, vector<16xf32>,
        %mul3A_901 = arith.mulf %get3A_865, %get3A_900 : vector<16xf32>
        %add3A_902 = arith.addf %add3A_897, %mul3A_901 : vector<16xf32>
        %get3A_903 = arith.index_cast %scan3A_845 : i32 to index
        %get3A_904 = arith.constant 112 : index
        %get3A_905 = tpu.vector_load %arg18[%get3A_903, %get3A_904] {strides = array<i32>} : memref<16x128xf32, #tpu.memory_space<vmem>>, vector<16xf32>,
        %mul3A_906 = arith.mulf %get3A_868, %get3A_905 : vector<16xf32>
        %add3A_907 = arith.addf %add3A_902, %mul3A_906 : vector<16xf32>
        %broadcast_in_dim3A_908 = vector.broadcast %scan3A_845 : i32 to vector<16xi32>
        %broadcast_in_dim3A_909 = arith.constant true
        %broadcast_in_dim3A_910 = vector.broadcast %broadcast_in_dim3A_909 : i1 to vector<16xi1>
        %masked_cumsum3A = tpu.scan <sum>, %add3A_907 masked %broadcast_in_dim3A_910 : vector<16xf32>, vector<16xi1> -> vector<16xf32>
        tpu.vector_store_idx %arg22[%broadcast_in_dim3A_908], %masked_cumsum3A masked %eq3A_5 : memref<16xf32, #tpu.memory_space<vmem>>[vector<16xi32>], vector<16xf32>, vector<16xi1>
        %mul3A_911 = arith.constant 20 : i32
        %mul3A_912 = arith.muli %scan3A_845, %mul3A_911 : i32
        %add3A_913 = arith.constant 0 : i32
        %add3A_914 = arith.addi %mul3A_912, %add3A_913 : i32
        %get3A_915 = arith.index_cast %add3A_914 : i32 to index
        %get3A_916 = arith.constant 0 : index
        %get3A_917 = tpu.vector_load %arg20[%get3A_915, %get3A_916] {strides = array<i32>} : memref<320x128xf32, #tpu.memory_space<vmem>>, vector<16xf32>,
        %mul3A_918 = arith.mulf %get3A_847, %get3A_917 : vector<16xf32>
        %mul3A_919 = arith.constant 20 : i32
        %mul3A_920 = arith.muli %scan3A_845, %mul3A_919 : i32
        %add3A_921 = arith.constant 1 : i32
        %add3A_922 = arith.addi %mul3A_920, %add3A_921 : i32
        %get3A_923 = arith.index_cast %add3A_922 : i32 to index
        %get3A_924 = arith.constant 0 : index
        %get3A_925 = tpu.vector_load %arg20[%get3A_923, %get3A_924] {strides = array<i32>} : memref<320x128xf32, #tpu.memory_space<vmem>>, vector<16xf32>,
        %mul3A_926 = arith.mulf %get3A_847, %get3A_925 : vector<16xf32>
        %mul3A_927 = arith.constant 20 : i32
        %mul3A_928 = arith.muli %scan3A_845, %mul3A_927 : i32
        %add3A_929 = arith.constant 2 : i32
        %add3A_930 = arith.addi %mul3A_928, %add3A_929 : i32
        %get3A_931 = arith.index_cast %add3A_930 : i32 to index
        %get3A_932 = arith.constant 0 : index
        %get3A_933 = tpu.vector_load %arg20[%get3A_931, %get3A_932] {strides = array<i32>} : memref<320x128xf32, #tpu.memory_space<vmem>>, vector<16xf32>,
        %mul3A_934 = arith.mulf %get3A_847, %get3A_933 : vector<16xf32>
        %mul3A_935 = arith.constant 20 : i32
        %mul3A_936 = arith.muli %scan3A_845, %mul3A_935 : i32
        %add3A_937 = arith.constant 3 : i32
        %add3A_938 = arith.addi %mul3A_936, %add3A_937 : i32
        %get3A_939 = arith.index_cast %add3A_938 : i32 to index
        %get3A_940 = arith.constant 0 : index
        %get3A_941 = tpu.vector_load %arg20[%get3A_939, %get3A_940] {strides = array<i32>} : memref<320x128xf32, #tpu.memory_space<vmem>>, vector<16xf32>,
        %mul3A_942 = arith.mulf %get3A_847, %get3A_941 : vector<16xf32>
        %mul3A_943 = arith.constant 20 : i32
        %mul3A_944 = arith.muli %scan3A_845, %mul3A_943 : i32
        %add3A_945 = arith.constant 4 : i32
        %add3A_946 = arith.addi %mul3A_944, %add3A_945 : i32
        %get3A_947 = arith.index_cast %add3A_946 : i32 to index
        %get3A_948 = arith.constant 0 : index
        %get3A_949 = tpu.vector_load %arg20[%get3A_947, %get3A_948] {strides = array<i32>} : memref<320x128xf32, #tpu.memory_space<vmem>>, vector<16xf32>,
        %mul3A_950 = arith.mulf %get3A_847, %get3A_949 : vector<16xf32>
        %mul3A_951 = arith.constant 20 : i32
        %mul3A_952 = arith.muli %scan3A_845, %mul3A_951 : i32
        %add3A_953 = arith.constant 5 : i32
        %add3A_954 = arith.addi %mul3A_952, %add3A_953 : i32
        %get3A_955 = arith.index_cast %add3A_954 : i32 to index
        %get3A_956 = arith.constant 0 : index
        %get3A_957 = tpu.vector_load %arg20[%get3A_955, %get3A_956] {strides = array<i32>} : memref<320x128xf32, #tpu.memory_space<vmem>>, vector<16xf32>,
        %mul3A_958 = arith.mulf %get3A_847, %get3A_957 : vector<16xf32>
        %mul3A_959 = arith.constant 20 : i32
        %mul3A_960 = arith.muli %scan3A_845, %mul3A_959 : i32
        %add3A_961 = arith.constant 6 : i32
        %add3A_962 = arith.addi %mul3A_960, %add3A_961 : i32
        %get3A_963 = arith.index_cast %add3A_962 : i32 to index
        %get3A_964 = arith.constant 0 : index
        %get3A_965 = tpu.vector_load %arg20[%get3A_963, %get3A_964] {strides = array<i32>} : memref<320x128xf32, #tpu.memory_space<vmem>>, vector<16xf32>,
        %mul3A_966 = arith.mulf %get3A_847, %get3A_965 : vector<16xf32>
        %mul3A_967 = arith.constant 20 : i32
        %mul3A_968 = arith.muli %scan3A_845, %mul3A_967 : i32
        %add3A_969 = arith.constant 7 : i32
        %add3A_970 = arith.addi %mul3A_968, %add3A_969 : i32
        %get3A_971 = arith.index_cast %add3A_970 : i32 to index
        %get3A_972 = arith.constant 0 : index
        %get3A_973 = tpu.vector_load %arg20[%get3A_971, %get3A_972] {strides = array<i32>} : memref<320x128xf32, #tpu.memory_space<vmem>>, vector<16xf32>,
        %mul3A_974 = arith.mulf %get3A_847, %get3A_973 : vector<16xf32>
        %mul3A_975 = arith.constant 20 : i32
        %mul3A_976 = arith.muli %scan3A_845, %mul3A_975 : i32
        %add3A_977 = arith.constant 8 : i32
        %add3A_978 = arith.addi %mul3A_976, %add3A_977 : i32
        %get3A_979 = arith.index_cast %add3A_978 : i32 to index
        %get3A_980 = arith.constant 0 : index
        %get3A_981 = tpu.vector_load %arg20[%get3A_979, %get3A_980] {strides = array<i32>} : memref<320x128xf32, #tpu.memory_space<vmem>>, vector<16xf32>,
        %mul3A_982 = arith.mulf %get3A_847, %get3A_981 : vector<16xf32>
        %mul3A_983 = arith.constant 20 : i32
        %mul3A_984 = arith.muli %scan3A_845, %mul3A_983 : i32
        %add3A_985 = arith.constant 9 : i32
        %add3A_986 = arith.addi %mul3A_984, %add3A_985 : i32
        %get3A_987 = arith.index_cast %add3A_986 : i32 to index
        %get3A_988 = arith.constant 0 : index
        %get3A_989 = tpu.vector_load %arg20[%get3A_987, %get3A_988] {strides = array<i32>} : memref<320x128xf32, #tpu.memory_space<vmem>>, vector<16xf32>,
        %mul3A_990 = arith.mulf %get3A_847, %get3A_989 : vector<16xf32>
        %mul3A_991 = arith.constant 20 : i32
        %mul3A_992 = arith.muli %scan3A_845, %mul3A_991 : i32
        %add3A_993 = arith.constant 0 : i32
        %add3A_994 = arith.addi %mul3A_992, %add3A_993 : i32
        %get3A_995 = arith.index_cast %add3A_994 : i32 to index
        %get3A_996 = arith.constant 16 : index
        %get3A_997 = tpu.vector_load %arg20[%get3A_995, %get3A_996] {strides = array<i32>} : memref<320x128xf32, #tpu.memory_space<vmem>>, vector<16xf32>,
        %mul3A_998 = arith.mulf %get3A_850, %get3A_997 : vector<16xf32>
        %add3A_999 = arith.addf %mul3A_918, %mul3A_998 : vector<16xf32>
        %mul3A_1000 = arith.constant 20 : i32
        %mul3A_1001 = arith.muli %scan3A_845, %mul3A_1000 : i32
        %add3A_1002 = arith.constant 1 : i32
        %add3A_1003 = arith.addi %mul3A_1001, %add3A_1002 : i32
        %get3A_1004 = arith.index_cast %add3A_1003 : i32 to index
        %get3A_1005 = arith.constant 16 : index
        %get3A_1006 = tpu.vector_load %arg20[%get3A_1004, %get3A_1005] {strides = array<i32>} : memref<320x128xf32, #tpu.memory_space<vmem>>, vector<16xf32>,
        %mul3A_1007 = arith.mulf %get3A_850, %get3A_1006 : vector<16xf32>
        %add3A_1008 = arith.addf %mul3A_926, %mul3A_1007 : vector<16xf32>
        %mul3A_1009 = arith.constant 20 : i32
        %mul3A_1010 = arith.muli %scan3A_845, %mul3A_1009 : i32
        %add3A_1011 = arith.constant 2 : i32
        %add3A_1012 = arith.addi %mul3A_1010, %add3A_1011 : i32
        %get3A_1013 = arith.index_cast %add3A_1012 : i32 to index
        %get3A_1014 = arith.constant 16 : index
        %get3A_1015 = tpu.vector_load %arg20[%get3A_1013, %get3A_1014] {strides = array<i32>} : memref<320x128xf32, #tpu.memory_space<vmem>>, vector<16xf32>,
        %mul3A_1016 = arith.mulf %get3A_850, %get3A_1015 : vector<16xf32>
        %add3A_1017 = arith.addf %mul3A_934, %mul3A_1016 : vector<16xf32>
        %mul3A_1018 = arith.constant 20 : i32
        %mul3A_1019 = arith.muli %scan3A_845, %mul3A_1018 : i32
        %add3A_1020 = arith.constant 3 : i32
        %add3A_1021 = arith.addi %mul3A_1019, %add3A_1020 : i32
        %get3A_1022 = arith.index_cast %add3A_1021 : i32 to index
        %get3A_1023 = arith.constant 16 : index
        %get3A_1024 = tpu.vector_load %arg20[%get3A_1022, %get3A_1023] {strides = array<i32>} : memref<320x128xf32, #tpu.memory_space<vmem>>, vector<16xf32>,
        %mul3A_1025 = arith.mulf %get3A_850, %get3A_1024 : vector<16xf32>
        %add3A_1026 = arith.addf %mul3A_942, %mul3A_1025 : vector<16xf32>
        %mul3A_1027 = arith.constant 20 : i32
        %mul3A_1028 = arith.muli %scan3A_845, %mul3A_1027 : i32
        %add3A_1029 = arith.constant 4 : i32
        %add3A_1030 = arith.addi %mul3A_1028, %add3A_1029 : i32
        %get3A_1031 = arith.index_cast %add3A_1030 : i32 to index
        %get3A_1032 = arith.constant 16 : index
        %get3A_1033 = tpu.vector_load %arg20[%get3A_1031, %get3A_1032] {strides = array<i32>} : memref<320x128xf32, #tpu.memory_space<vmem>>, vector<16xf32>,
        %mul3A_1034 = arith.mulf %get3A_850, %get3A_1033 : vector<16xf32>
        %add3A_1035 = arith.addf %mul3A_950, %mul3A_1034 : vector<16xf32>
        %mul3A_1036 = arith.constant 20 : i32
        %mul3A_1037 = arith.muli %scan3A_845, %mul3A_1036 : i32
        %add3A_1038 = arith.constant 5 : i32
        %add3A_1039 = arith.addi %mul3A_1037, %add3A_1038 : i32
        %get3A_1040 = arith.index_cast %add3A_1039 : i32 to index
        %get3A_1041 = arith.constant 16 : index
        %get3A_1042 = tpu.vector_load %arg20[%get3A_1040, %get3A_1041] {strides = array<i32>} : memref<320x128xf32, #tpu.memory_space<vmem>>, vector<16xf32>,
        %mul3A_1043 = arith.mulf %get3A_850, %get3A_1042 : vector<16xf32>
        %add3A_1044 = arith.addf %mul3A_958, %mul3A_1043 : vector<16xf32>
        %mul3A_1045 = arith.constant 20 : i32
        %mul3A_1046 = arith.muli %scan3A_845, %mul3A_1045 : i32
        %add3A_1047 = arith.constant 6 : i32
        %add3A_1048 = arith.addi %mul3A_1046, %add3A_1047 : i32
        %get3A_1049 = arith.index_cast %add3A_1048 : i32 to index
        %get3A_1050 = arith.constant 16 : index
        %get3A_1051 = tpu.vector_load %arg20[%get3A_1049, %get3A_1050] {strides = array<i32>} : memref<320x128xf32, #tpu.memory_space<vmem>>, vector<16xf32>,
        %mul3A_1052 = arith.mulf %get3A_850, %get3A_1051 : vector<16xf32>
        %add3A_1053 = arith.addf %mul3A_966, %mul3A_1052 : vector<16xf32>
        %mul3A_1054 = arith.constant 20 : i32
        %mul3A_1055 = arith.muli %scan3A_845, %mul3A_1054 : i32
        %add3A_1056 = arith.constant 7 : i32
        %add3A_1057 = arith.addi %mul3A_1055, %add3A_1056 : i32
        %get3A_1058 = arith.index_cast %add3A_1057 : i32 to index
        %get3A_1059 = arith.constant 16 : index
        %get3A_1060 = tpu.vector_load %arg20[%get3A_1058, %get3A_1059] {strides = array<i32>} : memref<320x128xf32, #tpu.memory_space<vmem>>, vector<16xf32>,
        %mul3A_1061 = arith.mulf %get3A_850, %get3A_1060 : vector<16xf32>
        %add3A_1062 = arith.addf %mul3A_974, %mul3A_1061 : vector<16xf32>
        %mul3A_1063 = arith.constant 20 : i32
        %mul3A_1064 = arith.muli %scan3A_845, %mul3A_1063 : i32
        %add3A_1065 = arith.constant 8 : i32
        %add3A_1066 = arith.addi %mul3A_1064, %add3A_1065 : i32
        %get3A_1067 = arith.index_cast %add3A_1066 : i32 to index
        %get3A_1068 = arith.constant 16 : index
        %get3A_1069 = tpu.vector_load %arg20[%get3A_1067, %get3A_1068] {strides = array<i32>} : memref<320x128xf32, #tpu.memory_space<vmem>>, vector<16xf32>,
        %mul3A_1070 = arith.mulf %get3A_850, %get3A_1069 : vector<16xf32>
        %add3A_1071 = arith.addf %mul3A_982, %mul3A_1070 : vector<16xf32>
        %mul3A_1072 = arith.constant 20 : i32
        %mul3A_1073 = arith.muli %scan3A_845, %mul3A_1072 : i32
        %add3A_1074 = arith.constant 9 : i32
        %add3A_1075 = arith.addi %mul3A_1073, %add3A_1074 : i32
        %get3A_1076 = arith.index_cast %add3A_1075 : i32 to index
        %get3A_1077 = arith.constant 16 : index
        %get3A_1078 = tpu.vector_load %arg20[%get3A_1076, %get3A_1077] {strides = array<i32>} : memref<320x128xf32, #tpu.memory_space<vmem>>, vector<16xf32>,
        %mul3A_1079 = arith.mulf %get3A_850, %get3A_1078 : vector<16xf32>
        %add3A_1080 = arith.addf %mul3A_990, %mul3A_1079 : vector<16xf32>
        %mul3A_1081 = arith.constant 20 : i32
        %mul3A_1082 = arith.muli %scan3A_845, %mul3A_1081 : i32
        %add3A_1083 = arith.constant 0 : i32
        %add3A_1084 = arith.addi %mul3A_1082, %add3A_1083 : i32
        %get3A_1085 = arith.index_cast %add3A_1084 : i32 to index
        %get3A_1086 = arith.constant 32 : index
        %get3A_1087 = tpu.vector_load %arg20[%get3A_1085, %get3A_1086] {strides = array<i32>} : memref<320x128xf32, #tpu.memory_space<vmem>>, vector<16xf32>,
        %mul3A_1088 = arith.mulf %get3A_853, %get3A_1087 : vector<16xf32>
        %add3A_1089 = arith.addf %add3A_999, %mul3A_1088 : vector<16xf32>
        %mul3A_1090 = arith.constant 20 : i32
        %mul3A_1091 = arith.muli %scan3A_845, %mul3A_1090 : i32
        %add3A_1092 = arith.constant 1 : i32
        %add3A_1093 = arith.addi %mul3A_1091, %add3A_1092 : i32
        %get3A_1094 = arith.index_cast %add3A_1093 : i32 to index
        %get3A_1095 = arith.constant 32 : index
        %get3A_1096 = tpu.vector_load %arg20[%get3A_1094, %get3A_1095] {strides = array<i32>} : memref<320x128xf32, #tpu.memory_space<vmem>>, vector<16xf32>,
        %mul3A_1097 = arith.mulf %get3A_853, %get3A_1096 : vector<16xf32>
        %add3A_1098 = arith.addf %add3A_1008, %mul3A_1097 : vector<16xf32>
        %mul3A_1099 = arith.constant 20 : i32
        %mul3A_1100 = arith.muli %scan3A_845, %mul3A_1099 : i32
        %add3A_1101 = arith.constant 2 : i32
        %add3A_1102 = arith.addi %mul3A_1100, %add3A_1101 : i32
        %get3A_1103 = arith.index_cast %add3A_1102 : i32 to index
        %get3A_1104 = arith.constant 32 : index
        %get3A_1105 = tpu.vector_load %arg20[%get3A_1103, %get3A_1104] {strides = array<i32>} : memref<320x128xf32, #tpu.memory_space<vmem>>, vector<16xf32>,
        %mul3A_1106 = arith.mulf %get3A_853, %get3A_1105 : vector<16xf32>
        %add3A_1107 = arith.addf %add3A_1017, %mul3A_1106 : vector<16xf32>
        %mul3A_1108 = arith.constant 20 : i32
        %mul3A_1109 = arith.muli %scan3A_845, %mul3A_1108 : i32
        %add3A_1110 = arith.constant 3 : i32
        %add3A_1111 = arith.addi %mul3A_1109, %add3A_1110 : i32
        %get3A_1112 = arith.index_cast %add3A_1111 : i32 to index
        %get3A_1113 = arith.constant 32 : index
        %get3A_1114 = tpu.vector_load %arg20[%get3A_1112, %get3A_1113] {strides = array<i32>} : memref<320x128xf32, #tpu.memory_space<vmem>>, vector<16xf32>,
        %mul3A_1115 = arith.mulf %get3A_853, %get3A_1114 : vector<16xf32>
        %add3A_1116 = arith.addf %add3A_1026, %mul3A_1115 : vector<16xf32>
        %mul3A_1117 = arith.constant 20 : i32
        %mul3A_1118 = arith.muli %scan3A_845, %mul3A_1117 : i32
        %add3A_1119 = arith.constant 4 : i32
        %add3A_1120 = arith.addi %mul3A_1118, %add3A_1119 : i32
        %get3A_1121 = arith.index_cast %add3A_1120 : i32 to index
        %get3A_1122 = arith.constant 32 : index
        %get3A_1123 = tpu.vector_load %arg20[%get3A_1121, %get3A_1122] {strides = array<i32>} : memref<320x128xf32, #tpu.memory_space<vmem>>, vector<16xf32>,
        %mul3A_1124 = arith.mulf %get3A_853, %get3A_1123 : vector<16xf32>
        %add3A_1125 = arith.addf %add3A_1035, %mul3A_1124 : vector<16xf32>
        %mul3A_1126 = arith.constant 20 : i32
        %mul3A_1127 = arith.muli %scan3A_845, %mul3A_1126 : i32
        %add3A_1128 = arith.constant 5 : i32
        %add3A_1129 = arith.addi %mul3A_1127, %add3A_1128 : i32
        %get3A_1130 = arith.index_cast %add3A_1129 : i32 to index
        %get3A_1131 = arith.constant 32 : index
        %get3A_1132 = tpu.vector_load %arg20[%get3A_1130, %get3A_1131] {strides = array<i32>} : memref<320x128xf32, #tpu.memory_space<vmem>>, vector<16xf32>,
        %mul3A_1133 = arith.mulf %get3A_853, %get3A_1132 : vector<16xf32>
        %add3A_1134 = arith.addf %add3A_1044, %mul3A_1133 : vector<16xf32>
        %mul3A_1135 = arith.constant 20 : i32
        %mul3A_1136 = arith.muli %scan3A_845, %mul3A_1135 : i32
        %add3A_1137 = arith.constant 6 : i32
        %add3A_1138 = arith.addi %mul3A_1136, %add3A_1137 : i32
        %get3A_1139 = arith.index_cast %add3A_1138 : i32 to index
        %get3A_1140 = arith.constant 32 : index
        %get3A_1141 = tpu.vector_load %arg20[%get3A_1139, %get3A_1140] {strides = array<i32>} : memref<320x128xf32, #tpu.memory_space<vmem>>, vector<16xf32>,
        %mul3A_1142 = arith.mulf %get3A_853, %get3A_1141 : vector<16xf32>
        %add3A_1143 = arith.addf %add3A_1053, %mul3A_1142 : vector<16xf32>
        %mul3A_1144 = arith.constant 20 : i32
        %mul3A_1145 = arith.muli %scan3A_845, %mul3A_1144 : i32
        %add3A_1146 = arith.constant 7 : i32
        %add3A_1147 = arith.addi %mul3A_1145, %add3A_1146 : i32
        %get3A_1148 = arith.index_cast %add3A_1147 : i32 to index
        %get3A_1149 = arith.constant 32 : index
        %get3A_1150 = tpu.vector_load %arg20[%get3A_1148, %get3A_1149] {strides = array<i32>} : memref<320x128xf32, #tpu.memory_space<vmem>>, vector<16xf32>,
        %mul3A_1151 = arith.mulf %get3A_853, %get3A_1150 : vector<16xf32>
        %add3A_1152 = arith.addf %add3A_1062, %mul3A_1151 : vector<16xf32>
        %mul3A_1153 = arith.constant 20 : i32
        %mul3A_1154 = arith.muli %scan3A_845, %mul3A_1153 : i32
        %add3A_1155 = arith.constant 8 : i32
        %add3A_1156 = arith.addi %mul3A_1154, %add3A_1155 : i32
        %get3A_1157 = arith.index_cast %add3A_1156 : i32 to index
        %get3A_1158 = arith.constant 32 : index
        %get3A_1159 = tpu.vector_load %arg20[%get3A_1157, %get3A_1158] {strides = array<i32>} : memref<320x128xf32, #tpu.memory_space<vmem>>, vector<16xf32>,
        %mul3A_1160 = arith.mulf %get3A_853, %get3A_1159 : vector<16xf32>
        %add3A_1161 = arith.addf %add3A_1071, %mul3A_1160 : vector<16xf32>
        %mul3A_1162 = arith.constant 20 : i32
        %mul3A_1163 = arith.muli %scan3A_845, %mul3A_1162 : i32
        %add3A_1164 = arith.constant 9 : i32
        %add3A_1165 = arith.addi %mul3A_1163, %add3A_1164 : i32
        %get3A_1166 = arith.index_cast %add3A_1165 : i32 to index
        %get3A_1167 = arith.constant 32 : index
        %get3A_1168 = tpu.vector_load %arg20[%get3A_1166, %get3A_1167] {strides = array<i32>} : memref<320x128xf32, #tpu.memory_space<vmem>>, vector<16xf32>,
        %mul3A_1169 = arith.mulf %get3A_853, %get3A_1168 : vector<16xf32>
        %add3A_1170 = arith.addf %add3A_1080, %mul3A_1169 : vector<16xf32>
        %mul3A_1171 = arith.constant 20 : i32
        %mul3A_1172 = arith.muli %scan3A_845, %mul3A_1171 : i32
        %add3A_1173 = arith.constant 0 : i32
        %add3A_1174 = arith.addi %mul3A_1172, %add3A_1173 : i32
        %get3A_1175 = arith.index_cast %add3A_1174 : i32 to index
        %get3A_1176 = arith.constant 48 : index
        %get3A_1177 = tpu.vector_load %arg20[%get3A_1175, %get3A_1176] {strides = array<i32>} : memref<320x128xf32, #tpu.memory_space<vmem>>, vector<16xf32>,
        %mul3A_1178 = arith.mulf %get3A_856, %get3A_1177 : vector<16xf32>
        %add3A_1179 = arith.addf %add3A_1089, %mul3A_1178 : vector<16xf32>
        %mul3A_1180 = arith.constant 20 : i32
        %mul3A_1181 = arith.muli %scan3A_845, %mul3A_1180 : i32
        %add3A_1182 = arith.constant 1 : i32
        %add3A_1183 = arith.addi %mul3A_1181, %add3A_1182 : i32
        %get3A_1184 = arith.index_cast %add3A_1183 : i32 to index
        %get3A_1185 = arith.constant 48 : index
        %get3A_1186 = tpu.vector_load %arg20[%get3A_1184, %get3A_1185] {strides = array<i32>} : memref<320x128xf32, #tpu.memory_space<vmem>>, vector<16xf32>,
        %mul3A_1187 = arith.mulf %get3A_856, %get3A_1186 : vector<16xf32>
        %add3A_1188 = arith.addf %add3A_1098, %mul3A_1187 : vector<16xf32>
        %mul3A_1189 = arith.constant 20 : i32
        %mul3A_1190 = arith.muli %scan3A_845, %mul3A_1189 : i32
        %add3A_1191 = arith.constant 2 : i32
        %add3A_1192 = arith.addi %mul3A_1190, %add3A_1191 : i32
        %get3A_1193 = arith.index_cast %add3A_1192 : i32 to index
        %get3A_1194 = arith.constant 48 : index
        %get3A_1195 = tpu.vector_load %arg20[%get3A_1193, %get3A_1194] {strides = array<i32>} : memref<320x128xf32, #tpu.memory_space<vmem>>, vector<16xf32>,
        %mul3A_1196 = arith.mulf %get3A_856, %get3A_1195 : vector<16xf32>
        %add3A_1197 = arith.addf %add3A_1107, %mul3A_1196 : vector<16xf32>
        %mul3A_1198 = arith.constant 20 : i32
        %mul3A_1199 = arith.muli %scan3A_845, %mul3A_1198 : i32
        %add3A_1200 = arith.constant 3 : i32
        %add3A_1201 = arith.addi %mul3A_1199, %add3A_1200 : i32
        %get3A_1202 = arith.index_cast %add3A_1201 : i32 to index
        %get3A_1203 = arith.constant 48 : index
        %get3A_1204 = tpu.vector_load %arg20[%get3A_1202, %get3A_1203] {strides = array<i32>} : memref<320x128xf32, #tpu.memory_space<vmem>>, vector<16xf32>,
        %mul3A_1205 = arith.mulf %get3A_856, %get3A_1204 : vector<16xf32>
        %add3A_1206 = arith.addf %add3A_1116, %mul3A_1205 : vector<16xf32>
        %mul3A_1207 = arith.constant 20 : i32
        %mul3A_1208 = arith.muli %scan3A_845, %mul3A_1207 : i32
        %add3A_1209 = arith.constant 4 : i32
        %add3A_1210 = arith.addi %mul3A_1208, %add3A_1209 : i32
        %get3A_1211 = arith.index_cast %add3A_1210 : i32 to index
        %get3A_1212 = arith.constant 48 : index
        %get3A_1213 = tpu.vector_load %arg20[%get3A_1211, %get3A_1212] {strides = array<i32>} : memref<320x128xf32, #tpu.memory_space<vmem>>, vector<16xf32>,
        %mul3A_1214 = arith.mulf %get3A_856, %get3A_1213 : vector<16xf32>
        %add3A_1215 = arith.addf %add3A_1125, %mul3A_1214 : vector<16xf32>
        %mul3A_1216 = arith.constant 20 : i32
        %mul3A_1217 = arith.muli %scan3A_845, %mul3A_1216 : i32
        %add3A_1218 = arith.constant 5 : i32
        %add3A_1219 = arith.addi %mul3A_1217, %add3A_1218 : i32
        %get3A_1220 = arith.index_cast %add3A_1219 : i32 to index
        %get3A_1221 = arith.constant 48 : index
        %get3A_1222 = tpu.vector_load %arg20[%get3A_1220, %get3A_1221] {strides = array<i32>} : memref<320x128xf32, #tpu.memory_space<vmem>>, vector<16xf32>,
        %mul3A_1223 = arith.mulf %get3A_856, %get3A_1222 : vector<16xf32>
        %add3A_1224 = arith.addf %add3A_1134, %mul3A_1223 : vector<16xf32>
        %mul3A_1225 = arith.constant 20 : i32
        %mul3A_1226 = arith.muli %scan3A_845, %mul3A_1225 : i32
        %add3A_1227 = arith.constant 6 : i32
        %add3A_1228 = arith.addi %mul3A_1226, %add3A_1227 : i32
        %get3A_1229 = arith.index_cast %add3A_1228 : i32 to index
        %get3A_1230 = arith.constant 48 : index
        %get3A_1231 = tpu.vector_load %arg20[%get3A_1229, %get3A_1230] {strides = array<i32>} : memref<320x128xf32, #tpu.memory_space<vmem>>, vector<16xf32>,
        %mul3A_1232 = arith.mulf %get3A_856, %get3A_1231 : vector<16xf32>
        %add3A_1233 = arith.addf %add3A_1143, %mul3A_1232 : vector<16xf32>
        %mul3A_1234 = arith.constant 20 : i32
        %mul3A_1235 = arith.muli %scan3A_845, %mul3A_1234 : i32
        %add3A_1236 = arith.constant 7 : i32
        %add3A_1237 = arith.addi %mul3A_1235, %add3A_1236 : i32
        %get3A_1238 = arith.index_cast %add3A_1237 : i32 to index
        %get3A_1239 = arith.constant 48 : index
        %get3A_1240 = tpu.vector_load %arg20[%get3A_1238, %get3A_1239] {strides = array<i32>} : memref<320x128xf32, #tpu.memory_space<vmem>>, vector<16xf32>,
        %mul3A_1241 = arith.mulf %get3A_856, %get3A_1240 : vector<16xf32>
        %add3A_1242 = arith.addf %add3A_1152, %mul3A_1241 : vector<16xf32>
        %mul3A_1243 = arith.constant 20 : i32
        %mul3A_1244 = arith.muli %scan3A_845, %mul3A_1243 : i32
        %add3A_1245 = arith.constant 8 : i32
        %add3A_1246 = arith.addi %mul3A_1244, %add3A_1245 : i32
        %get3A_1247 = arith.index_cast %add3A_1246 : i32 to index
        %get3A_1248 = arith.constant 48 : index
        %get3A_1249 = tpu.vector_load %arg20[%get3A_1247, %get3A_1248] {strides = array<i32>} : memref<320x128xf32, #tpu.memory_space<vmem>>, vector<16xf32>,
        %mul3A_1250 = arith.mulf %get3A_856, %get3A_1249 : vector<16xf32>
        %add3A_1251 = arith.addf %add3A_1161, %mul3A_1250 : vector<16xf32>
        %mul3A_1252 = arith.constant 20 : i32
        %mul3A_1253 = arith.muli %scan3A_845, %mul3A_1252 : i32
        %add3A_1254 = arith.constant 9 : i32
        %add3A_1255 = arith.addi %mul3A_1253, %add3A_1254 : i32
        %get3A_1256 = arith.index_cast %add3A_1255 : i32 to index
        %get3A_1257 = arith.constant 48 : index
        %get3A_1258 = tpu.vector_load %arg20[%get3A_1256, %get3A_1257] {strides = array<i32>} : memref<320x128xf32, #tpu.memory_space<vmem>>, vector<16xf32>,
        %mul3A_1259 = arith.mulf %get3A_856, %get3A_1258 : vector<16xf32>
        %add3A_1260 = arith.addf %add3A_1170, %mul3A_1259 : vector<16xf32>
        %mul3A_1261 = arith.constant 20 : i32
        %mul3A_1262 = arith.muli %scan3A_845, %mul3A_1261 : i32
        %add3A_1263 = arith.constant 0 : i32
        %add3A_1264 = arith.addi %mul3A_1262, %add3A_1263 : i32
        %get3A_1265 = arith.index_cast %add3A_1264 : i32 to index
        %get3A_1266 = arith.constant 64 : index
        %get3A_1267 = tpu.vector_load %arg20[%get3A_1265, %get3A_1266] {strides = array<i32>} : memref<320x128xf32, #tpu.memory_space<vmem>>, vector<16xf32>,
        %mul3A_1268 = arith.mulf %get3A_859, %get3A_1267 : vector<16xf32>
        %add3A_1269 = arith.addf %add3A_1179, %mul3A_1268 : vector<16xf32>
        %mul3A_1270 = arith.constant 20 : i32
        %mul3A_1271 = arith.muli %scan3A_845, %mul3A_1270 : i32
        %add3A_1272 = arith.constant 1 : i32
        %add3A_1273 = arith.addi %mul3A_1271, %add3A_1272 : i32
        %get3A_1274 = arith.index_cast %add3A_1273 : i32 to index
        %get3A_1275 = arith.constant 64 : index
        %get3A_1276 = tpu.vector_load %arg20[%get3A_1274, %get3A_1275] {strides = array<i32>} : memref<320x128xf32, #tpu.memory_space<vmem>>, vector<16xf32>,
        %mul3A_1277 = arith.mulf %get3A_859, %get3A_1276 : vector<16xf32>
        %add3A_1278 = arith.addf %add3A_1188, %mul3A_1277 : vector<16xf32>
        %mul3A_1279 = arith.constant 20 : i32
        %mul3A_1280 = arith.muli %scan3A_845, %mul3A_1279 : i32
        %add3A_1281 = arith.constant 2 : i32
        %add3A_1282 = arith.addi %mul3A_1280, %add3A_1281 : i32
        %get3A_1283 = arith.index_cast %add3A_1282 : i32 to index
        %get3A_1284 = arith.constant 64 : index
        %get3A_1285 = tpu.vector_load %arg20[%get3A_1283, %get3A_1284] {strides = array<i32>} : memref<320x128xf32, #tpu.memory_space<vmem>>, vector<16xf32>,
        %mul3A_1286 = arith.mulf %get3A_859, %get3A_1285 : vector<16xf32>
        %add3A_1287 = arith.addf %add3A_1197, %mul3A_1286 : vector<16xf32>
        %mul3A_1288 = arith.constant 20 : i32
        %mul3A_1289 = arith.muli %scan3A_845, %mul3A_1288 : i32
        %add3A_1290 = arith.constant 3 : i32
        %add3A_1291 = arith.addi %mul3A_1289, %add3A_1290 : i32
        %get3A_1292 = arith.index_cast %add3A_1291 : i32 to index
        %get3A_1293 = arith.constant 64 : index
        %get3A_1294 = tpu.vector_load %arg20[%get3A_1292, %get3A_1293] {strides = array<i32>} : memref<320x128xf32, #tpu.memory_space<vmem>>, vector<16xf32>,
        %mul3A_1295 = arith.mulf %get3A_859, %get3A_1294 : vector<16xf32>
        %add3A_1296 = arith.addf %add3A_1206, %mul3A_1295 : vector<16xf32>
        %mul3A_1297 = arith.constant 20 : i32
        %mul3A_1298 = arith.muli %scan3A_845, %mul3A_1297 : i32
        %add3A_1299 = arith.constant 4 : i32
        %add3A_1300 = arith.addi %mul3A_1298, %add3A_1299 : i32
        %get3A_1301 = arith.index_cast %add3A_1300 : i32 to index
        %get3A_1302 = arith.constant 64 : index
        %get3A_1303 = tpu.vector_load %arg20[%get3A_1301, %get3A_1302] {strides = array<i32>} : memref<320x128xf32, #tpu.memory_space<vmem>>, vector<16xf32>,
        %mul3A_1304 = arith.mulf %get3A_859, %get3A_1303 : vector<16xf32>
        %add3A_1305 = arith.addf %add3A_1215, %mul3A_1304 : vector<16xf32>
        %mul3A_1306 = arith.constant 20 : i32
        %mul3A_1307 = arith.muli %scan3A_845, %mul3A_1306 : i32
        %add3A_1308 = arith.constant 5 : i32
        %add3A_1309 = arith.addi %mul3A_1307, %add3A_1308 : i32
        %get3A_1310 = arith.index_cast %add3A_1309 : i32 to index
        %get3A_1311 = arith.constant 64 : index
        %get3A_1312 = tpu.vector_load %arg20[%get3A_1310, %get3A_1311] {strides = array<i32>} : memref<320x128xf32, #tpu.memory_space<vmem>>, vector<16xf32>,
        %mul3A_1313 = arith.mulf %get3A_859, %get3A_1312 : vector<16xf32>
        %add3A_1314 = arith.addf %add3A_1224, %mul3A_1313 : vector<16xf32>
        %mul3A_1315 = arith.constant 20 : i32
        %mul3A_1316 = arith.muli %scan3A_845, %mul3A_1315 : i32
        %add3A_1317 = arith.constant 6 : i32
        %add3A_1318 = arith.addi %mul3A_1316, %add3A_1317 : i32
        %get3A_1319 = arith.index_cast %add3A_1318 : i32 to index
        %get3A_1320 = arith.constant 64 : index
        %get3A_1321 = tpu.vector_load %arg20[%get3A_1319, %get3A_1320] {strides = array<i32>} : memref<320x128xf32, #tpu.memory_space<vmem>>, vector<16xf32>,
        %mul3A_1322 = arith.mulf %get3A_859, %get3A_1321 : vector<16xf32>
        %add3A_1323 = arith.addf %add3A_1233, %mul3A_1322 : vector<16xf32>
        %mul3A_1324 = arith.constant 20 : i32
        %mul3A_1325 = arith.muli %scan3A_845, %mul3A_1324 : i32
        %add3A_1326 = arith.constant 7 : i32
        %add3A_1327 = arith.addi %mul3A_1325, %add3A_1326 : i32
        %get3A_1328 = arith.index_cast %add3A_1327 : i32 to index
        %get3A_1329 = arith.constant 64 : index
        %get3A_1330 = tpu.vector_load %arg20[%get3A_1328, %get3A_1329] {strides = array<i32>} : memref<320x128xf32, #tpu.memory_space<vmem>>, vector<16xf32>,
        %mul3A_1331 = arith.mulf %get3A_859, %get3A_1330 : vector<16xf32>
        %add3A_1332 = arith.addf %add3A_1242, %mul3A_1331 : vector<16xf32>
        %mul3A_1333 = arith.constant 20 : i32
        %mul3A_1334 = arith.muli %scan3A_845, %mul3A_1333 : i32
        %add3A_1335 = arith.constant 8 : i32
        %add3A_1336 = arith.addi %mul3A_1334, %add3A_1335 : i32
        %get3A_1337 = arith.index_cast %add3A_1336 : i32 to index
        %get3A_1338 = arith.constant 64 : index
        %get3A_1339 = tpu.vector_load %arg20[%get3A_1337, %get3A_1338] {strides = array<i32>} : memref<320x128xf32, #tpu.memory_space<vmem>>, vector<16xf32>,
        %mul3A_1340 = arith.mulf %get3A_859, %get3A_1339 : vector<16xf32>
        %add3A_1341 = arith.addf %add3A_1251, %mul3A_1340 : vector<16xf32>
        %mul3A_1342 = arith.constant 20 : i32
        %mul3A_1343 = arith.muli %scan3A_845, %mul3A_1342 : i32
        %add3A_1344 = arith.constant 9 : i32
        %add3A_1345 = arith.addi %mul3A_1343, %add3A_1344 : i32
        %get3A_1346 = arith.index_cast %add3A_1345 : i32 to index
        %get3A_1347 = arith.constant 64 : index
        %get3A_1348 = tpu.vector_load %arg20[%get3A_1346, %get3A_1347] {strides = array<i32>} : memref<320x128xf32, #tpu.memory_space<vmem>>, vector<16xf32>,
        %mul3A_1349 = arith.mulf %get3A_859, %get3A_1348 : vector<16xf32>
        %add3A_1350 = arith.addf %add3A_1260, %mul3A_1349 : vector<16xf32>
        %mul3A_1351 = arith.constant 20 : i32
        %mul3A_1352 = arith.muli %scan3A_845, %mul3A_1351 : i32
        %add3A_1353 = arith.constant 0 : i32
        %add3A_1354 = arith.addi %mul3A_1352, %add3A_1353 : i32
        %get3A_1355 = arith.index_cast %add3A_1354 : i32 to index
        %get3A_1356 = arith.constant 80 : index
        %get3A_1357 = tpu.vector_load %arg20[%get3A_1355, %get3A_1356] {strides = array<i32>} : memref<320x128xf32, #tpu.memory_space<vmem>>, vector<16xf32>,
        %mul3A_1358 = arith.mulf %get3A_862, %get3A_1357 : vector<16xf32>
        %add3A_1359 = arith.addf %add3A_1269, %mul3A_1358 : vector<16xf32>
        %mul3A_1360 = arith.constant 20 : i32
        %mul3A_1361 = arith.muli %scan3A_845, %mul3A_1360 : i32
        %add3A_1362 = arith.constant 1 : i32
        %add3A_1363 = arith.addi %mul3A_1361, %add3A_1362 : i32
        %get3A_1364 = arith.index_cast %add3A_1363 : i32 to index
        %get3A_1365 = arith.constant 80 : index
        %get3A_1366 = tpu.vector_load %arg20[%get3A_1364, %get3A_1365] {strides = array<i32>} : memref<320x128xf32, #tpu.memory_space<vmem>>, vector<16xf32>,
        %mul3A_1367 = arith.mulf %get3A_862, %get3A_1366 : vector<16xf32>
        %add3A_1368 = arith.addf %add3A_1278, %mul3A_1367 : vector<16xf32>
        %mul3A_1369 = arith.constant 20 : i32
        %mul3A_1370 = arith.muli %scan3A_845, %mul3A_1369 : i32
        %add3A_1371 = arith.constant 2 : i32
        %add3A_1372 = arith.addi %mul3A_1370, %add3A_1371 : i32
        %get3A_1373 = arith.index_cast %add3A_1372 : i32 to index
        %get3A_1374 = arith.constant 80 : index
        %get3A_1375 = tpu.vector_load %arg20[%get3A_1373, %get3A_1374] {strides = array<i32>} : memref<320x128xf32, #tpu.memory_space<vmem>>, vector<16xf32>,
        %mul3A_1376 = arith.mulf %get3A_862, %get3A_1375 : vector<16xf32>
        %add3A_1377 = arith.addf %add3A_1287, %mul3A_1376 : vector<16xf32>
        %mul3A_1378 = arith.constant 20 : i32
        %mul3A_1379 = arith.muli %scan3A_845, %mul3A_1378 : i32
        %add3A_1380 = arith.constant 3 : i32
        %add3A_1381 = arith.addi %mul3A_1379, %add3A_1380 : i32
        %get3A_1382 = arith.index_cast %add3A_1381 : i32 to index
        %get3A_1383 = arith.constant 80 : index
        %get3A_1384 = tpu.vector_load %arg20[%get3A_1382, %get3A_1383] {strides = array<i32>} : memref<320x128xf32, #tpu.memory_space<vmem>>, vector<16xf32>,
        %mul3A_1385 = arith.mulf %get3A_862, %get3A_1384 : vector<16xf32>
        %add3A_1386 = arith.addf %add3A_1296, %mul3A_1385 : vector<16xf32>
        %mul3A_1387 = arith.constant 20 : i32
        %mul3A_1388 = arith.muli %scan3A_845, %mul3A_1387 : i32
        %add3A_1389 = arith.constant 4 : i32
        %add3A_1390 = arith.addi %mul3A_1388, %add3A_1389 : i32
        %get3A_1391 = arith.index_cast %add3A_1390 : i32 to index
        %get3A_1392 = arith.constant 80 : index
        %get3A_1393 = tpu.vector_load %arg20[%get3A_1391, %get3A_1392] {strides = array<i32>} : memref<320x128xf32, #tpu.memory_space<vmem>>, vector<16xf32>,
        %mul3A_1394 = arith.mulf %get3A_862, %get3A_1393 : vector<16xf32>
        %add3A_1395 = arith.addf %add3A_1305, %mul3A_1394 : vector<16xf32>
        %mul3A_1396 = arith.constant 20 : i32
        %mul3A_1397 = arith.muli %scan3A_845, %mul3A_1396 : i32
        %add3A_1398 = arith.constant 5 : i32
        %add3A_1399 = arith.addi %mul3A_1397, %add3A_1398 : i32
        %get3A_1400 = arith.index_cast %add3A_1399 : i32 to index
        %get3A_1401 = arith.constant 80 : index
        %get3A_1402 = tpu.vector_load %arg20[%get3A_1400, %get3A_1401] {strides = array<i32>} : memref<320x128xf32, #tpu.memory_space<vmem>>, vector<16xf32>,
        %mul3A_1403 = arith.mulf %get3A_862, %get3A_1402 : vector<16xf32>
        %add3A_1404 = arith.addf %add3A_1314, %mul3A_1403 : vector<16xf32>
        %mul3A_1405 = arith.constant 20 : i32
        %mul3A_1406 = arith.muli %scan3A_845, %mul3A_1405 : i32
        %add3A_1407 = arith.constant 6 : i32
        %add3A_1408 = arith.addi %mul3A_1406, %add3A_1407 : i32
        %get3A_1409 = arith.index_cast %add3A_1408 : i32 to index
        %get3A_1410 = arith.constant 80 : index
        %get3A_1411 = tpu.vector_load %arg20[%get3A_1409, %get3A_1410] {strides = array<i32>} : memref<320x128xf32, #tpu.memory_space<vmem>>, vector<16xf32>,
        %mul3A_1412 = arith.mulf %get3A_862, %get3A_1411 : vector<16xf32>
        %add3A_1413 = arith.addf %add3A_1323, %mul3A_1412 : vector<16xf32>
        %mul3A_1414 = arith.constant 20 : i32
        %mul3A_1415 = arith.muli %scan3A_845, %mul3A_1414 : i32
        %add3A_1416 = arith.constant 7 : i32
        %add3A_1417 = arith.addi %mul3A_1415, %add3A_1416 : i32
        %get3A_1418 = arith.index_cast %add3A_1417 : i32 to index
        %get3A_1419 = arith.constant 80 : index
        %get3A_1420 = tpu.vector_load %arg20[%get3A_1418, %get3A_1419] {strides = array<i32>} : memref<320x128xf32, #tpu.memory_space<vmem>>, vector<16xf32>,
        %mul3A_1421 = arith.mulf %get3A_862, %get3A_1420 : vector<16xf32>
        %add3A_1422 = arith.addf %add3A_1332, %mul3A_1421 : vector<16xf32>
        %mul3A_1423 = arith.constant 20 : i32
        %mul3A_1424 = arith.muli %scan3A_845, %mul3A_1423 : i32
        %add3A_1425 = arith.constant 8 : i32
        %add3A_1426 = arith.addi %mul3A_1424, %add3A_1425 : i32
        %get3A_1427 = arith.index_cast %add3A_1426 : i32 to index
        %get3A_1428 = arith.constant 80 : index
        %get3A_1429 = tpu.vector_load %arg20[%get3A_1427, %get3A_1428] {strides = array<i32>} : memref<320x128xf32, #tpu.memory_space<vmem>>, vector<16xf32>,
        %mul3A_1430 = arith.mulf %get3A_862, %get3A_1429 : vector<16xf32>
        %add3A_1431 = arith.addf %add3A_1341, %mul3A_1430 : vector<16xf32>
        %mul3A_1432 = arith.constant 20 : i32
        %mul3A_1433 = arith.muli %scan3A_845, %mul3A_1432 : i32
        %add3A_1434 = arith.constant 9 : i32
        %add3A_1435 = arith.addi %mul3A_1433, %add3A_1434 : i32
        %get3A_1436 = arith.index_cast %add3A_1435 : i32 to index
        %get3A_1437 = arith.constant 80 : index
        %get3A_1438 = tpu.vector_load %arg20[%get3A_1436, %get3A_1437] {strides = array<i32>} : memref<320x128xf32, #tpu.memory_space<vmem>>, vector<16xf32>,
        %mul3A_1439 = arith.mulf %get3A_862, %get3A_1438 : vector<16xf32>
        %add3A_1440 = arith.addf %add3A_1350, %mul3A_1439 : vector<16xf32>
        %mul3A_1441 = arith.constant 20 : i32
        %mul3A_1442 = arith.muli %scan3A_845, %mul3A_1441 : i32
        %add3A_1443 = arith.constant 0 : i32
        %add3A_1444 = arith.addi %mul3A_1442, %add3A_1443 : i32
        %get3A_1445 = arith.index_cast %add3A_1444 : i32 to index
        %get3A_1446 = arith.constant 96 : index
        %get3A_1447 = tpu.vector_load %arg20[%get3A_1445, %get3A_1446] {strides = array<i32>} : memref<320x128xf32, #tpu.memory_space<vmem>>, vector<16xf32>,
        %mul3A_1448 = arith.mulf %get3A_865, %get3A_1447 : vector<16xf32>
        %add3A_1449 = arith.addf %add3A_1359, %mul3A_1448 : vector<16xf32>
        %mul3A_1450 = arith.constant 20 : i32
        %mul3A_1451 = arith.muli %scan3A_845, %mul3A_1450 : i32
        %add3A_1452 = arith.constant 1 : i32
        %add3A_1453 = arith.addi %mul3A_1451, %add3A_1452 : i32
        %get3A_1454 = arith.index_cast %add3A_1453 : i32 to index
        %get3A_1455 = arith.constant 96 : index
        %get3A_1456 = tpu.vector_load %arg20[%get3A_1454, %get3A_1455] {strides = array<i32>} : memref<320x128xf32, #tpu.memory_space<vmem>>, vector<16xf32>,
        %mul3A_1457 = arith.mulf %get3A_865, %get3A_1456 : vector<16xf32>
        %add3A_1458 = arith.addf %add3A_1368, %mul3A_1457 : vector<16xf32>
        %mul3A_1459 = arith.constant 20 : i32
        %mul3A_1460 = arith.muli %scan3A_845, %mul3A_1459 : i32
        %add3A_1461 = arith.constant 2 : i32
        %add3A_1462 = arith.addi %mul3A_1460, %add3A_1461 : i32
        %get3A_1463 = arith.index_cast %add3A_1462 : i32 to index
        %get3A_1464 = arith.constant 96 : index
        %get3A_1465 = tpu.vector_load %arg20[%get3A_1463, %get3A_1464] {strides = array<i32>} : memref<320x128xf32, #tpu.memory_space<vmem>>, vector<16xf32>,
        %mul3A_1466 = arith.mulf %get3A_865, %get3A_1465 : vector<16xf32>
        %add3A_1467 = arith.addf %add3A_1377, %mul3A_1466 : vector<16xf32>
        %mul3A_1468 = arith.constant 20 : i32
        %mul3A_1469 = arith.muli %scan3A_845, %mul3A_1468 : i32
        %add3A_1470 = arith.constant 3 : i32
        %add3A_1471 = arith.addi %mul3A_1469, %add3A_1470 : i32
        %get3A_1472 = arith.index_cast %add3A_1471 : i32 to index
        %get3A_1473 = arith.constant 96 : index
        %get3A_1474 = tpu.vector_load %arg20[%get3A_1472, %get3A_1473] {strides = array<i32>} : memref<320x128xf32, #tpu.memory_space<vmem>>, vector<16xf32>,
        %mul3A_1475 = arith.mulf %get3A_865, %get3A_1474 : vector<16xf32>
        %add3A_1476 = arith.addf %add3A_1386, %mul3A_1475 : vector<16xf32>
        %mul3A_1477 = arith.constant 20 : i32
        %mul3A_1478 = arith.muli %scan3A_845, %mul3A_1477 : i32
        %add3A_1479 = arith.constant 4 : i32
        %add3A_1480 = arith.addi %mul3A_1478, %add3A_1479 : i32
        %get3A_1481 = arith.index_cast %add3A_1480 : i32 to index
        %get3A_1482 = arith.constant 96 : index
        %get3A_1483 = tpu.vector_load %arg20[%get3A_1481, %get3A_1482] {strides = array<i32>} : memref<320x128xf32, #tpu.memory_space<vmem>>, vector<16xf32>,
        %mul3A_1484 = arith.mulf %get3A_865, %get3A_1483 : vector<16xf32>
        %add3A_1485 = arith.addf %add3A_1395, %mul3A_1484 : vector<16xf32>
        %mul3A_1486 = arith.constant 20 : i32
        %mul3A_1487 = arith.muli %scan3A_845, %mul3A_1486 : i32
        %add3A_1488 = arith.constant 5 : i32
        %add3A_1489 = arith.addi %mul3A_1487, %add3A_1488 : i32
        %get3A_1490 = arith.index_cast %add3A_1489 : i32 to index
        %get3A_1491 = arith.constant 96 : index
        %get3A_1492 = tpu.vector_load %arg20[%get3A_1490, %get3A_1491] {strides = array<i32>} : memref<320x128xf32, #tpu.memory_space<vmem>>, vector<16xf32>,
        %mul3A_1493 = arith.mulf %get3A_865, %get3A_1492 : vector<16xf32>
        %add3A_1494 = arith.addf %add3A_1404, %mul3A_1493 : vector<16xf32>
        %mul3A_1495 = arith.constant 20 : i32
        %mul3A_1496 = arith.muli %scan3A_845, %mul3A_1495 : i32
        %add3A_1497 = arith.constant 6 : i32
        %add3A_1498 = arith.addi %mul3A_1496, %add3A_1497 : i32
        %get3A_1499 = arith.index_cast %add3A_1498 : i32 to index
        %get3A_1500 = arith.constant 96 : index
        %get3A_1501 = tpu.vector_load %arg20[%get3A_1499, %get3A_1500] {strides = array<i32>} : memref<320x128xf32, #tpu.memory_space<vmem>>, vector<16xf32>,
        %mul3A_1502 = arith.mulf %get3A_865, %get3A_1501 : vector<16xf32>
        %add3A_1503 = arith.addf %add3A_1413, %mul3A_1502 : vector<16xf32>
        %mul3A_1504 = arith.constant 20 : i32
        %mul3A_1505 = arith.muli %scan3A_845, %mul3A_1504 : i32
        %add3A_1506 = arith.constant 7 : i32
        %add3A_1507 = arith.addi %mul3A_1505, %add3A_1506 : i32
        %get3A_1508 = arith.index_cast %add3A_1507 : i32 to index
        %get3A_1509 = arith.constant 96 : index
        %get3A_1510 = tpu.vector_load %arg20[%get3A_1508, %get3A_1509] {strides = array<i32>} : memref<320x128xf32, #tpu.memory_space<vmem>>, vector<16xf32>,
        %mul3A_1511 = arith.mulf %get3A_865, %get3A_1510 : vector<16xf32>
        %add3A_1512 = arith.addf %add3A_1422, %mul3A_1511 : vector<16xf32>
        %mul3A_1513 = arith.constant 20 : i32
        %mul3A_1514 = arith.muli %scan3A_845, %mul3A_1513 : i32
        %add3A_1515 = arith.constant 8 : i32
        %add3A_1516 = arith.addi %mul3A_1514, %add3A_1515 : i32
        %get3A_1517 = arith.index_cast %add3A_1516 : i32 to index
        %get3A_1518 = arith.constant 96 : index
        %get3A_1519 = tpu.vector_load %arg20[%get3A_1517, %get3A_1518] {strides = array<i32>} : memref<320x128xf32, #tpu.memory_space<vmem>>, vector<16xf32>,
        %mul3A_1520 = arith.mulf %get3A_865, %get3A_1519 : vector<16xf32>
        %add3A_1521 = arith.addf %add3A_1431, %mul3A_1520 : vector<16xf32>
        %mul3A_1522 = arith.constant 20 : i32
        %mul3A_1523 = arith.muli %scan3A_845, %mul3A_1522 : i32
        %add3A_1524 = arith.constant 9 : i32
        %add3A_1525 = arith.addi %mul3A_1523, %add3A_1524 : i32
        %get3A_1526 = arith.index_cast %add3A_1525 : i32 to index
        %get3A_1527 = arith.constant 96 : index
        %get3A_1528 = tpu.vector_load %arg20[%get3A_1526, %get3A_1527] {strides = array<i32>} : memref<320x128xf32, #tpu.memory_space<vmem>>, vector<16xf32>,
        %mul3A_1529 = arith.mulf %get3A_865, %get3A_1528 : vector<16xf32>
        %add3A_1530 = arith.addf %add3A_1440, %mul3A_1529 : vector<16xf32>
        %mul3A_1531 = arith.constant 20 : i32
        %mul3A_1532 = arith.muli %scan3A_845, %mul3A_1531 : i32
        %add3A_1533 = arith.constant 0 : i32
        %add3A_1534 = arith.addi %mul3A_1532, %add3A_1533 : i32
        %get3A_1535 = arith.index_cast %add3A_1534 : i32 to index
        %get3A_1536 = arith.constant 112 : index
        %get3A_1537 = tpu.vector_load %arg20[%get3A_1535, %get3A_1536] {strides = array<i32>} : memref<320x128xf32, #tpu.memory_space<vmem>>, vector<16xf32>,
        %mul3A_1538 = arith.mulf %get3A_868, %get3A_1537 : vector<16xf32>
        %add3A_1539 = arith.addf %add3A_1449, %mul3A_1538 : vector<16xf32>
        %mul3A_1540 = arith.constant 20 : i32
        %mul3A_1541 = arith.muli %scan3A_845, %mul3A_1540 : i32
        %add3A_1542 = arith.constant 1 : i32
        %add3A_1543 = arith.addi %mul3A_1541, %add3A_1542 : i32
        %get3A_1544 = arith.index_cast %add3A_1543 : i32 to index
        %get3A_1545 = arith.constant 112 : index
        %get3A_1546 = tpu.vector_load %arg20[%get3A_1544, %get3A_1545] {strides = array<i32>} : memref<320x128xf32, #tpu.memory_space<vmem>>, vector<16xf32>,
        %mul3A_1547 = arith.mulf %get3A_868, %get3A_1546 : vector<16xf32>
        %add3A_1548 = arith.addf %add3A_1458, %mul3A_1547 : vector<16xf32>
        %mul3A_1549 = arith.constant 20 : i32
        %mul3A_1550 = arith.muli %scan3A_845, %mul3A_1549 : i32
        %add3A_1551 = arith.constant 2 : i32
        %add3A_1552 = arith.addi %mul3A_1550, %add3A_1551 : i32
        %get3A_1553 = arith.index_cast %add3A_1552 : i32 to index
        %get3A_1554 = arith.constant 112 : index
        %get3A_1555 = tpu.vector_load %arg20[%get3A_1553, %get3A_1554] {strides = array<i32>} : memref<320x128xf32, #tpu.memory_space<vmem>>, vector<16xf32>,
        %mul3A_1556 = arith.mulf %get3A_868, %get3A_1555 : vector<16xf32>
        %add3A_1557 = arith.addf %add3A_1467, %mul3A_1556 : vector<16xf32>
        %mul3A_1558 = arith.constant 20 : i32
        %mul3A_1559 = arith.muli %scan3A_845, %mul3A_1558 : i32
        %add3A_1560 = arith.constant 3 : i32
        %add3A_1561 = arith.addi %mul3A_1559, %add3A_1560 : i32
        %get3A_1562 = arith.index_cast %add3A_1561 : i32 to index
        %get3A_1563 = arith.constant 112 : index
        %get3A_1564 = tpu.vector_load %arg20[%get3A_1562, %get3A_1563] {strides = array<i32>} : memref<320x128xf32, #tpu.memory_space<vmem>>, vector<16xf32>,
        %mul3A_1565 = arith.mulf %get3A_868, %get3A_1564 : vector<16xf32>
        %add3A_1566 = arith.addf %add3A_1476, %mul3A_1565 : vector<16xf32>
        %mul3A_1567 = arith.constant 20 : i32
        %mul3A_1568 = arith.muli %scan3A_845, %mul3A_1567 : i32
        %add3A_1569 = arith.constant 4 : i32
        %add3A_1570 = arith.addi %mul3A_1568, %add3A_1569 : i32
        %get3A_1571 = arith.index_cast %add3A_1570 : i32 to index
        %get3A_1572 = arith.constant 112 : index
        %get3A_1573 = tpu.vector_load %arg20[%get3A_1571, %get3A_1572] {strides = array<i32>} : memref<320x128xf32, #tpu.memory_space<vmem>>, vector<16xf32>,
        %mul3A_1574 = arith.mulf %get3A_868, %get3A_1573 : vector<16xf32>
        %add3A_1575 = arith.addf %add3A_1485, %mul3A_1574 : vector<16xf32>
        %mul3A_1576 = arith.constant 20 : i32
        %mul3A_1577 = arith.muli %scan3A_845, %mul3A_1576 : i32
        %add3A_1578 = arith.constant 5 : i32
        %add3A_1579 = arith.addi %mul3A_1577, %add3A_1578 : i32
        %get3A_1580 = arith.index_cast %add3A_1579 : i32 to index
        %get3A_1581 = arith.constant 112 : index
        %get3A_1582 = tpu.vector_load %arg20[%get3A_1580, %get3A_1581] {strides = array<i32>} : memref<320x128xf32, #tpu.memory_space<vmem>>, vector<16xf32>,
        %mul3A_1583 = arith.mulf %get3A_868, %get3A_1582 : vector<16xf32>
        %add3A_1584 = arith.addf %add3A_1494, %mul3A_1583 : vector<16xf32>
        %mul3A_1585 = arith.constant 20 : i32
        %mul3A_1586 = arith.muli %scan3A_845, %mul3A_1585 : i32
        %add3A_1587 = arith.constant 6 : i32
        %add3A_1588 = arith.addi %mul3A_1586, %add3A_1587 : i32
        %get3A_1589 = arith.index_cast %add3A_1588 : i32 to index
        %get3A_1590 = arith.constant 112 : index
        %get3A_1591 = tpu.vector_load %arg20[%get3A_1589, %get3A_1590] {strides = array<i32>} : memref<320x128xf32, #tpu.memory_space<vmem>>, vector<16xf32>,
        %mul3A_1592 = arith.mulf %get3A_868, %get3A_1591 : vector<16xf32>
        %add3A_1593 = arith.addf %add3A_1503, %mul3A_1592 : vector<16xf32>
        %mul3A_1594 = arith.constant 20 : i32
        %mul3A_1595 = arith.muli %scan3A_845, %mul3A_1594 : i32
        %add3A_1596 = arith.constant 7 : i32
        %add3A_1597 = arith.addi %mul3A_1595, %add3A_1596 : i32
        %get3A_1598 = arith.index_cast %add3A_1597 : i32 to index
        %get3A_1599 = arith.constant 112 : index
        %get3A_1600 = tpu.vector_load %arg20[%get3A_1598, %get3A_1599] {strides = array<i32>} : memref<320x128xf32, #tpu.memory_space<vmem>>, vector<16xf32>,
        %mul3A_1601 = arith.mulf %get3A_868, %get3A_1600 : vector<16xf32>
        %add3A_1602 = arith.addf %add3A_1512, %mul3A_1601 : vector<16xf32>
        %mul3A_1603 = arith.constant 20 : i32
        %mul3A_1604 = arith.muli %scan3A_845, %mul3A_1603 : i32
        %add3A_1605 = arith.constant 8 : i32
        %add3A_1606 = arith.addi %mul3A_1604, %add3A_1605 : i32
        %get3A_1607 = arith.index_cast %add3A_1606 : i32 to index
        %get3A_1608 = arith.constant 112 : index
        %get3A_1609 = tpu.vector_load %arg20[%get3A_1607, %get3A_1608] {strides = array<i32>} : memref<320x128xf32, #tpu.memory_space<vmem>>, vector<16xf32>,
        %mul3A_1610 = arith.mulf %get3A_868, %get3A_1609 : vector<16xf32>
        %add3A_1611 = arith.addf %add3A_1521, %mul3A_1610 : vector<16xf32>
        %mul3A_1612 = arith.constant 20 : i32
        %mul3A_1613 = arith.muli %scan3A_845, %mul3A_1612 : i32
        %add3A_1614 = arith.constant 9 : i32
        %add3A_1615 = arith.addi %mul3A_1613, %add3A_1614 : i32
        %get3A_1616 = arith.index_cast %add3A_1615 : i32 to index
        %get3A_1617 = arith.constant 112 : index
        %get3A_1618 = tpu.vector_load %arg20[%get3A_1616, %get3A_1617] {strides = array<i32>} : memref<320x128xf32, #tpu.memory_space<vmem>>, vector<16xf32>,
        %mul3A_1619 = arith.mulf %get3A_868, %get3A_1618 : vector<16xf32>
        %add3A_1620 = arith.addf %add3A_1530, %mul3A_1619 : vector<16xf32>
        %broadcast_in_dim3A_1621 = vector.broadcast %scan3A_845 : i32 to vector<16xi32>
        %broadcast_in_dim3A_1622 = arith.constant 0 : i32
        %broadcast_in_dim3A_1623 = vector.broadcast %broadcast_in_dim3A_1622 : i32 to vector<16xi32>
        %broadcast_in_dim3A_1624 = arith.constant true
        %broadcast_in_dim3A_1625 = vector.broadcast %broadcast_in_dim3A_1624 : i1 to vector<16xi1>
        %masked_cumsum3A_1626 = tpu.scan <sum>, %add3A_1539 masked %broadcast_in_dim3A_1625 : vector<16xf32>, vector<16xi1> -> vector<16xf32>
        tpu.vector_store_idx %arg24[%broadcast_in_dim3A_1621, %broadcast_in_dim3A_1623], %masked_cumsum3A_1626 masked %eq3A_5 : memref<16x20xf32, #tpu.memory_space<vmem>>[vector<16xi32>, vector<16xi32>], vector<16xf32>, vector<16xi1>
        %broadcast_in_dim3A_1627 = vector.broadcast %scan3A_845 : i32 to vector<16xi32>
        %broadcast_in_dim3A_1628 = arith.constant 1 : i32
        %broadcast_in_dim3A_1629 = vector.broadcast %broadcast_in_dim3A_1628 : i32 to vector<16xi32>
        %broadcast_in_dim3A_1630 = arith.constant true
        %broadcast_in_dim3A_1631 = vector.broadcast %broadcast_in_dim3A_1630 : i1 to vector<16xi1>
        %masked_cumsum3A_1632 = tpu.scan <sum>, %add3A_1548 masked %broadcast_in_dim3A_1631 : vector<16xf32>, vector<16xi1> -> vector<16xf32>
        tpu.vector_store_idx %arg24[%broadcast_in_dim3A_1627, %broadcast_in_dim3A_1629], %masked_cumsum3A_1632 masked %eq3A_5 : memref<16x20xf32, #tpu.memory_space<vmem>>[vector<16xi32>, vector<16xi32>], vector<16xf32>, vector<16xi1>
        %broadcast_in_dim3A_1633 = vector.broadcast %scan3A_845 : i32 to vector<16xi32>
        %broadcast_in_dim3A_1634 = arith.constant 2 : i32
        %broadcast_in_dim3A_1635 = vector.broadcast %broadcast_in_dim3A_1634 : i32 to vector<16xi32>
        %broadcast_in_dim3A_1636 = arith.constant true
        %broadcast_in_dim3A_1637 = vector.broadcast %broadcast_in_dim3A_1636 : i1 to vector<16xi1>
        %masked_cumsum3A_1638 = tpu.scan <sum>, %add3A_1557 masked %broadcast_in_dim3A_1637 : vector<16xf32>, vector<16xi1> -> vector<16xf32>
        tpu.vector_store_idx %arg24[%broadcast_in_dim3A_1633, %broadcast_in_dim3A_1635], %masked_cumsum3A_1638 masked %eq3A_5 : memref<16x20xf32, #tpu.memory_space<vmem>>[vector<16xi32>, vector<16xi32>], vector<16xf32>, vector<16xi1>
        %broadcast_in_dim3A_1639 = vector.broadcast %scan3A_845 : i32 to vector<16xi32>
        %broadcast_in_dim3A_1640 = arith.constant 3 : i32
        %broadcast_in_dim3A_1641 = vector.broadcast %broadcast_in_dim3A_1640 : i32 to vector<16xi32>
        %broadcast_in_dim3A_1642 = arith.constant true
        %broadcast_in_dim3A_1643 = vector.broadcast %broadcast_in_dim3A_1642 : i1 to vector<16xi1>
        %masked_cumsum3A_1644 = tpu.scan <sum>, %add3A_1566 masked %broadcast_in_dim3A_1643 : vector<16xf32>, vector<16xi1> -> vector<16xf32>
        tpu.vector_store_idx %arg24[%broadcast_in_dim3A_1639, %broadcast_in_dim3A_1641], %masked_cumsum3A_1644 masked %eq3A_5 : memref<16x20xf32, #tpu.memory_space<vmem>>[vector<16xi32>, vector<16xi32>], vector<16xf32>, vector<16xi1>
        %broadcast_in_dim3A_1645 = vector.broadcast %scan3A_845 : i32 to vector<16xi32>
        %broadcast_in_dim3A_1646 = arith.constant 4 : i32
        %broadcast_in_dim3A_1647 = vector.broadcast %broadcast_in_dim3A_1646 : i32 to vector<16xi32>
        %broadcast_in_dim3A_1648 = arith.constant true
        %broadcast_in_dim3A_1649 = vector.broadcast %broadcast_in_dim3A_1648 : i1 to vector<16xi1>
        %masked_cumsum3A_1650 = tpu.scan <sum>, %add3A_1575 masked %broadcast_in_dim3A_1649 : vector<16xf32>, vector<16xi1> -> vector<16xf32>
        tpu.vector_store_idx %arg24[%broadcast_in_dim3A_1645, %broadcast_in_dim3A_1647], %masked_cumsum3A_1650 masked %eq3A_5 : memref<16x20xf32, #tpu.memory_space<vmem>>[vector<16xi32>, vector<16xi32>], vector<16xf32>, vector<16xi1>
        %broadcast_in_dim3A_1651 = vector.broadcast %scan3A_845 : i32 to vector<16xi32>
        %broadcast_in_dim3A_1652 = arith.constant 5 : i32
        %broadcast_in_dim3A_1653 = vector.broadcast %broadcast_in_dim3A_1652 : i32 to vector<16xi32>
        %broadcast_in_dim3A_1654 = arith.constant true
        %broadcast_in_dim3A_1655 = vector.broadcast %broadcast_in_dim3A_1654 : i1 to vector<16xi1>
        %masked_cumsum3A_1656 = tpu.scan <sum>, %add3A_1584 masked %broadcast_in_dim3A_1655 : vector<16xf32>, vector<16xi1> -> vector<16xf32>
        tpu.vector_store_idx %arg24[%broadcast_in_dim3A_1651, %broadcast_in_dim3A_1653], %masked_cumsum3A_1656 masked %eq3A_5 : memref<16x20xf32, #tpu.memory_space<vmem>>[vector<16xi32>, vector<16xi32>], vector<16xf32>, vector<16xi1>
        %broadcast_in_dim3A_1657 = vector.broadcast %scan3A_845 : i32 to vector<16xi32>
        %broadcast_in_dim3A_1658 = arith.constant 6 : i32
        %broadcast_in_dim3A_1659 = vector.broadcast %broadcast_in_dim3A_1658 : i32 to vector<16xi32>
        %broadcast_in_dim3A_1660 = arith.constant true
        %broadcast_in_dim3A_1661 = vector.broadcast %broadcast_in_dim3A_1660 : i1 to vector<16xi1>
        %masked_cumsum3A_1662 = tpu.scan <sum>, %add3A_1593 masked %broadcast_in_dim3A_1661 : vector<16xf32>, vector<16xi1> -> vector<16xf32>
        tpu.vector_store_idx %arg24[%broadcast_in_dim3A_1657, %broadcast_in_dim3A_1659], %masked_cumsum3A_1662 masked %eq3A_5 : memref<16x20xf32, #tpu.memory_space<vmem>>[vector<16xi32>, vector<16xi32>], vector<16xf32>, vector<16xi1>
        %broadcast_in_dim3A_1663 = vector.broadcast %scan3A_845 : i32 to vector<16xi32>
        %broadcast_in_dim3A_1664 = arith.constant 7 : i32
        %broadcast_in_dim3A_1665 = vector.broadcast %broadcast_in_dim3A_1664 : i32 to vector<16xi32>
        %broadcast_in_dim3A_1666 = arith.constant true
        %broadcast_in_dim3A_1667 = vector.broadcast %broadcast_in_dim3A_1666 : i1 to vector<16xi1>
        %masked_cumsum3A_1668 = tpu.scan <sum>, %add3A_1602 masked %broadcast_in_dim3A_1667 : vector<16xf32>, vector<16xi1> -> vector<16xf32>
        tpu.vector_store_idx %arg24[%broadcast_in_dim3A_1663, %broadcast_in_dim3A_1665], %masked_cumsum3A_1668 masked %eq3A_5 : memref<16x20xf32, #tpu.memory_space<vmem>>[vector<16xi32>, vector<16xi32>], vector<16xf32>, vector<16xi1>
        %broadcast_in_dim3A_1669 = vector.broadcast %scan3A_845 : i32 to vector<16xi32>
        %broadcast_in_dim3A_1670 = arith.constant 8 : i32
        %broadcast_in_dim3A_1671 = vector.broadcast %broadcast_in_dim3A_1670 : i32 to vector<16xi32>
        %broadcast_in_dim3A_1672 = arith.constant true
        %broadcast_in_dim3A_1673 = vector.broadcast %broadcast_in_dim3A_1672 : i1 to vector<16xi1>
        %masked_cumsum3A_1674 = tpu.scan <sum>, %add3A_1611 masked %broadcast_in_dim3A_1673 : vector<16xf32>, vector<16xi1> -> vector<16xf32>
        tpu.vector_store_idx %arg24[%broadcast_in_dim3A_1669, %broadcast_in_dim3A_1671], %masked_cumsum3A_1674 masked %eq3A_5 : memref<16x20xf32, #tpu.memory_space<vmem>>[vector<16xi32>, vector<16xi32>], vector<16xf32>, vector<16xi1>
        %broadcast_in_dim3A_1675 = vector.broadcast %scan3A_845 : i32 to vector<16xi32>
        %broadcast_in_dim3A_1676 = arith.constant 9 : i32
        %broadcast_in_dim3A_1677 = vector.broadcast %broadcast_in_dim3A_1676 : i32 to vector<16xi32>
        %broadcast_in_dim3A_1678 = arith.constant true
        %broadcast_in_dim3A_1679 = vector.broadcast %broadcast_in_dim3A_1678 : i1 to vector<16xi1>
        %masked_cumsum3A_1680 = tpu.scan <sum>, %add3A_1620 masked %broadcast_in_dim3A_1679 : vector<16xf32>, vector<16xi1> -> vector<16xf32>
        tpu.vector_store_idx %arg24[%broadcast_in_dim3A_1675, %broadcast_in_dim3A_1677], %masked_cumsum3A_1680 masked %eq3A_5 : memref<16x20xf32, #tpu.memory_space<vmem>>[vector<16xi32>, vector<16xi32>], vector<16xf32>, vector<16xi1>
        %mul3A_1681 = arith.constant 20 : i32
        %mul3A_1682 = arith.muli %scan3A_845, %mul3A_1681 : i32
        %add3A_1683 = arith.constant 10 : i32
        %add3A_1684 = arith.addi %mul3A_1682, %add3A_1683 : i32
        %get3A_1685 = arith.index_cast %add3A_1684 : i32 to index
        %get3A_1686 = arith.constant 0 : index
        %get3A_1687 = tpu.vector_load %arg20[%get3A_1685, %get3A_1686] {strides = array<i32>} : memref<320x128xf32, #tpu.memory_space<vmem>>, vector<16xf32>,
        %mul3A_1688 = arith.mulf %get3A_847, %get3A_1687 : vector<16xf32>
        %mul3A_1689 = arith.constant 20 : i32
        %mul3A_1690 = arith.muli %scan3A_845, %mul3A_1689 : i32
        %add3A_1691 = arith.constant 11 : i32
        %add3A_1692 = arith.addi %mul3A_1690, %add3A_1691 : i32
        %get3A_1693 = arith.index_cast %add3A_1692 : i32 to index
        %get3A_1694 = arith.constant 0 : index
        %get3A_1695 = tpu.vector_load %arg20[%get3A_1693, %get3A_1694] {strides = array<i32>} : memref<320x128xf32, #tpu.memory_space<vmem>>, vector<16xf32>,
        %mul3A_1696 = arith.mulf %get3A_847, %get3A_1695 : vector<16xf32>
        %mul3A_1697 = arith.constant 20 : i32
        %mul3A_1698 = arith.muli %scan3A_845, %mul3A_1697 : i32
        %add3A_1699 = arith.constant 12 : i32
        %add3A_1700 = arith.addi %mul3A_1698, %add3A_1699 : i32
        %get3A_1701 = arith.index_cast %add3A_1700 : i32 to index
        %get3A_1702 = arith.constant 0 : index
        %get3A_1703 = tpu.vector_load %arg20[%get3A_1701, %get3A_1702] {strides = array<i32>} : memref<320x128xf32, #tpu.memory_space<vmem>>, vector<16xf32>,
        %mul3A_1704 = arith.mulf %get3A_847, %get3A_1703 : vector<16xf32>
        %mul3A_1705 = arith.constant 20 : i32
        %mul3A_1706 = arith.muli %scan3A_845, %mul3A_1705 : i32
        %add3A_1707 = arith.constant 13 : i32
        %add3A_1708 = arith.addi %mul3A_1706, %add3A_1707 : i32
        %get3A_1709 = arith.index_cast %add3A_1708 : i32 to index
        %get3A_1710 = arith.constant 0 : index
        %get3A_1711 = tpu.vector_load %arg20[%get3A_1709, %get3A_1710] {strides = array<i32>} : memref<320x128xf32, #tpu.memory_space<vmem>>, vector<16xf32>,
        %mul3A_1712 = arith.mulf %get3A_847, %get3A_1711 : vector<16xf32>
        %mul3A_1713 = arith.constant 20 : i32
        %mul3A_1714 = arith.muli %scan3A_845, %mul3A_1713 : i32
        %add3A_1715 = arith.constant 14 : i32
        %add3A_1716 = arith.addi %mul3A_1714, %add3A_1715 : i32
        %get3A_1717 = arith.index_cast %add3A_1716 : i32 to index
        %get3A_1718 = arith.constant 0 : index
        %get3A_1719 = tpu.vector_load %arg20[%get3A_1717, %get3A_1718] {strides = array<i32>} : memref<320x128xf32, #tpu.memory_space<vmem>>, vector<16xf32>,
        %mul3A_1720 = arith.mulf %get3A_847, %get3A_1719 : vector<16xf32>
        %mul3A_1721 = arith.constant 20 : i32
        %mul3A_1722 = arith.muli %scan3A_845, %mul3A_1721 : i32
        %add3A_1723 = arith.constant 15 : i32
        %add3A_1724 = arith.addi %mul3A_1722, %add3A_1723 : i32
        %get3A_1725 = arith.index_cast %add3A_1724 : i32 to index
        %get3A_1726 = arith.constant 0 : index
        %get3A_1727 = tpu.vector_load %arg20[%get3A_1725, %get3A_1726] {strides = array<i32>} : memref<320x128xf32, #tpu.memory_space<vmem>>, vector<16xf32>,
        %mul3A_1728 = arith.mulf %get3A_847, %get3A_1727 : vector<16xf32>
        %mul3A_1729 = arith.constant 20 : i32
        %mul3A_1730 = arith.muli %scan3A_845, %mul3A_1729 : i32
        %add3A_1731 = arith.constant 16 : i32
        %add3A_1732 = arith.addi %mul3A_1730, %add3A_1731 : i32
        %get3A_1733 = arith.index_cast %add3A_1732 : i32 to index
        %get3A_1734 = arith.constant 0 : index
        %get3A_1735 = tpu.vector_load %arg20[%get3A_1733, %get3A_1734] {strides = array<i32>} : memref<320x128xf32, #tpu.memory_space<vmem>>, vector<16xf32>,
        %mul3A_1736 = arith.mulf %get3A_847, %get3A_1735 : vector<16xf32>
        %mul3A_1737 = arith.constant 20 : i32
        %mul3A_1738 = arith.muli %scan3A_845, %mul3A_1737 : i32
        %add3A_1739 = arith.constant 17 : i32
        %add3A_1740 = arith.addi %mul3A_1738, %add3A_1739 : i32
        %get3A_1741 = arith.index_cast %add3A_1740 : i32 to index
        %get3A_1742 = arith.constant 0 : index
        %get3A_1743 = tpu.vector_load %arg20[%get3A_1741, %get3A_1742] {strides = array<i32>} : memref<320x128xf32, #tpu.memory_space<vmem>>, vector<16xf32>,
        %mul3A_1744 = arith.mulf %get3A_847, %get3A_1743 : vector<16xf32>
        %mul3A_1745 = arith.constant 20 : i32
        %mul3A_1746 = arith.muli %scan3A_845, %mul3A_1745 : i32
        %add3A_1747 = arith.constant 18 : i32
        %add3A_1748 = arith.addi %mul3A_1746, %add3A_1747 : i32
        %get3A_1749 = arith.index_cast %add3A_1748 : i32 to index
        %get3A_1750 = arith.constant 0 : index
        %get3A_1751 = tpu.vector_load %arg20[%get3A_1749, %get3A_1750] {strides = array<i32>} : memref<320x128xf32, #tpu.memory_space<vmem>>, vector<16xf32>,
        %mul3A_1752 = arith.mulf %get3A_847, %get3A_1751 : vector<16xf32>
        %mul3A_1753 = arith.constant 20 : i32
        %mul3A_1754 = arith.muli %scan3A_845, %mul3A_1753 : i32
        %add3A_1755 = arith.constant 19 : i32
        %add3A_1756 = arith.addi %mul3A_1754, %add3A_1755 : i32
        %get3A_1757 = arith.index_cast %add3A_1756 : i32 to index
        %get3A_1758 = arith.constant 0 : index
        %get3A_1759 = tpu.vector_load %arg20[%get3A_1757, %get3A_1758] {strides = array<i32>} : memref<320x128xf32, #tpu.memory_space<vmem>>, vector<16xf32>,
        %mul3A_1760 = arith.mulf %get3A_847, %get3A_1759 : vector<16xf32>
        %mul3A_1761 = arith.constant 20 : i32
        %mul3A_1762 = arith.muli %scan3A_845, %mul3A_1761 : i32
        %add3A_1763 = arith.constant 10 : i32
        %add3A_1764 = arith.addi %mul3A_1762, %add3A_1763 : i32
        %get3A_1765 = arith.index_cast %add3A_1764 : i32 to index
        %get3A_1766 = arith.constant 16 : index
        %get3A_1767 = tpu.vector_load %arg20[%get3A_1765, %get3A_1766] {strides = array<i32>} : memref<320x128xf32, #tpu.memory_space<vmem>>, vector<16xf32>,
        %mul3A_1768 = arith.mulf %get3A_850, %get3A_1767 : vector<16xf32>
        %add3A_1769 = arith.addf %mul3A_1688, %mul3A_1768 : vector<16xf32>
        %mul3A_1770 = arith.constant 20 : i32
        %mul3A_1771 = arith.muli %scan3A_845, %mul3A_1770 : i32
        %add3A_1772 = arith.constant 11 : i32
        %add3A_1773 = arith.addi %mul3A_1771, %add3A_1772 : i32
        %get3A_1774 = arith.index_cast %add3A_1773 : i32 to index
        %get3A_1775 = arith.constant 16 : index
        %get3A_1776 = tpu.vector_load %arg20[%get3A_1774, %get3A_1775] {strides = array<i32>} : memref<320x128xf32, #tpu.memory_space<vmem>>, vector<16xf32>,
        %mul3A_1777 = arith.mulf %get3A_850, %get3A_1776 : vector<16xf32>
        %add3A_1778 = arith.addf %mul3A_1696, %mul3A_1777 : vector<16xf32>
        %mul3A_1779 = arith.constant 20 : i32
        %mul3A_1780 = arith.muli %scan3A_845, %mul3A_1779 : i32
        %add3A_1781 = arith.constant 12 : i32
        %add3A_1782 = arith.addi %mul3A_1780, %add3A_1781 : i32
        %get3A_1783 = arith.index_cast %add3A_1782 : i32 to index
        %get3A_1784 = arith.constant 16 : index
        %get3A_1785 = tpu.vector_load %arg20[%get3A_1783, %get3A_1784] {strides = array<i32>} : memref<320x128xf32, #tpu.memory_space<vmem>>, vector<16xf32>,
        %mul3A_1786 = arith.mulf %get3A_850, %get3A_1785 : vector<16xf32>
        %add3A_1787 = arith.addf %mul3A_1704, %mul3A_1786 : vector<16xf32>
        %mul3A_1788 = arith.constant 20 : i32
        %mul3A_1789 = arith.muli %scan3A_845, %mul3A_1788 : i32
        %add3A_1790 = arith.constant 13 : i32
        %add3A_1791 = arith.addi %mul3A_1789, %add3A_1790 : i32
        %get3A_1792 = arith.index_cast %add3A_1791 : i32 to index
        %get3A_1793 = arith.constant 16 : index
        %get3A_1794 = tpu.vector_load %arg20[%get3A_1792, %get3A_1793] {strides = array<i32>} : memref<320x128xf32, #tpu.memory_space<vmem>>, vector<16xf32>,
        %mul3A_1795 = arith.mulf %get3A_850, %get3A_1794 : vector<16xf32>
        %add3A_1796 = arith.addf %mul3A_1712, %mul3A_1795 : vector<16xf32>
        %mul3A_1797 = arith.constant 20 : i32
        %mul3A_1798 = arith.muli %scan3A_845, %mul3A_1797 : i32
        %add3A_1799 = arith.constant 14 : i32
        %add3A_1800 = arith.addi %mul3A_1798, %add3A_1799 : i32
        %get3A_1801 = arith.index_cast %add3A_1800 : i32 to index
        %get3A_1802 = arith.constant 16 : index
        %get3A_1803 = tpu.vector_load %arg20[%get3A_1801, %get3A_1802] {strides = array<i32>} : memref<320x128xf32, #tpu.memory_space<vmem>>, vector<16xf32>,
        %mul3A_1804 = arith.mulf %get3A_850, %get3A_1803 : vector<16xf32>
        %add3A_1805 = arith.addf %mul3A_1720, %mul3A_1804 : vector<16xf32>
        %mul3A_1806 = arith.constant 20 : i32
        %mul3A_1807 = arith.muli %scan3A_845, %mul3A_1806 : i32
        %add3A_1808 = arith.constant 15 : i32
        %add3A_1809 = arith.addi %mul3A_1807, %add3A_1808 : i32
        %get3A_1810 = arith.index_cast %add3A_1809 : i32 to index
        %get3A_1811 = arith.constant 16 : index
        %get3A_1812 = tpu.vector_load %arg20[%get3A_1810, %get3A_1811] {strides = array<i32>} : memref<320x128xf32, #tpu.memory_space<vmem>>, vector<16xf32>,
        %mul3A_1813 = arith.mulf %get3A_850, %get3A_1812 : vector<16xf32>
        %add3A_1814 = arith.addf %mul3A_1728, %mul3A_1813 : vector<16xf32>
        %mul3A_1815 = arith.constant 20 : i32
        %mul3A_1816 = arith.muli %scan3A_845, %mul3A_1815 : i32
        %add3A_1817 = arith.constant 16 : i32
        %add3A_1818 = arith.addi %mul3A_1816, %add3A_1817 : i32
        %get3A_1819 = arith.index_cast %add3A_1818 : i32 to index
        %get3A_1820 = arith.constant 16 : index
        %get3A_1821 = tpu.vector_load %arg20[%get3A_1819, %get3A_1820] {strides = array<i32>} : memref<320x128xf32, #tpu.memory_space<vmem>>, vector<16xf32>,
        %mul3A_1822 = arith.mulf %get3A_850, %get3A_1821 : vector<16xf32>
        %add3A_1823 = arith.addf %mul3A_1736, %mul3A_1822 : vector<16xf32>
        %mul3A_1824 = arith.constant 20 : i32
        %mul3A_1825 = arith.muli %scan3A_845, %mul3A_1824 : i32
        %add3A_1826 = arith.constant 17 : i32
        %add3A_1827 = arith.addi %mul3A_1825, %add3A_1826 : i32
        %get3A_1828 = arith.index_cast %add3A_1827 : i32 to index
        %get3A_1829 = arith.constant 16 : index
        %get3A_1830 = tpu.vector_load %arg20[%get3A_1828, %get3A_1829] {strides = array<i32>} : memref<320x128xf32, #tpu.memory_space<vmem>>, vector<16xf32>,
        %mul3A_1831 = arith.mulf %get3A_850, %get3A_1830 : vector<16xf32>
        %add3A_1832 = arith.addf %mul3A_1744, %mul3A_1831 : vector<16xf32>
        %mul3A_1833 = arith.constant 20 : i32
        %mul3A_1834 = arith.muli %scan3A_845, %mul3A_1833 : i32
        %add3A_1835 = arith.constant 18 : i32
        %add3A_1836 = arith.addi %mul3A_1834, %add3A_1835 : i32
        %get3A_1837 = arith.index_cast %add3A_1836 : i32 to index
        %get3A_1838 = arith.constant 16 : index
        %get3A_1839 = tpu.vector_load %arg20[%get3A_1837, %get3A_1838] {strides = array<i32>} : memref<320x128xf32, #tpu.memory_space<vmem>>, vector<16xf32>,
        %mul3A_1840 = arith.mulf %get3A_850, %get3A_1839 : vector<16xf32>
        %add3A_1841 = arith.addf %mul3A_1752, %mul3A_1840 : vector<16xf32>
        %mul3A_1842 = arith.constant 20 : i32
        %mul3A_1843 = arith.muli %scan3A_845, %mul3A_1842 : i32
        %add3A_1844 = arith.constant 19 : i32
        %add3A_1845 = arith.addi %mul3A_1843, %add3A_1844 : i32
        %get3A_1846 = arith.index_cast %add3A_1845 : i32 to index
        %get3A_1847 = arith.constant 16 : index
        %get3A_1848 = tpu.vector_load %arg20[%get3A_1846, %get3A_1847] {strides = array<i32>} : memref<320x128xf32, #tpu.memory_space<vmem>>, vector<16xf32>,
        %mul3A_1849 = arith.mulf %get3A_850, %get3A_1848 : vector<16xf32>
        %add3A_1850 = arith.addf %mul3A_1760, %mul3A_1849 : vector<16xf32>
        %mul3A_1851 = arith.constant 20 : i32
        %mul3A_1852 = arith.muli %scan3A_845, %mul3A_1851 : i32
        %add3A_1853 = arith.constant 10 : i32
        %add3A_1854 = arith.addi %mul3A_1852, %add3A_1853 : i32
        %get3A_1855 = arith.index_cast %add3A_1854 : i32 to index
        %get3A_1856 = arith.constant 32 : index
        %get3A_1857 = tpu.vector_load %arg20[%get3A_1855, %get3A_1856] {strides = array<i32>} : memref<320x128xf32, #tpu.memory_space<vmem>>, vector<16xf32>,
        %mul3A_1858 = arith.mulf %get3A_853, %get3A_1857 : vector<16xf32>
        %add3A_1859 = arith.addf %add3A_1769, %mul3A_1858 : vector<16xf32>
        %mul3A_1860 = arith.constant 20 : i32
        %mul3A_1861 = arith.muli %scan3A_845, %mul3A_1860 : i32
        %add3A_1862 = arith.constant 11 : i32
        %add3A_1863 = arith.addi %mul3A_1861, %add3A_1862 : i32
        %get3A_1864 = arith.index_cast %add3A_1863 : i32 to index
        %get3A_1865 = arith.constant 32 : index
        %get3A_1866 = tpu.vector_load %arg20[%get3A_1864, %get3A_1865] {strides = array<i32>} : memref<320x128xf32, #tpu.memory_space<vmem>>, vector<16xf32>,
        %mul3A_1867 = arith.mulf %get3A_853, %get3A_1866 : vector<16xf32>
        %add3A_1868 = arith.addf %add3A_1778, %mul3A_1867 : vector<16xf32>
        %mul3A_1869 = arith.constant 20 : i32
        %mul3A_1870 = arith.muli %scan3A_845, %mul3A_1869 : i32
        %add3A_1871 = arith.constant 12 : i32
        %add3A_1872 = arith.addi %mul3A_1870, %add3A_1871 : i32
        %get3A_1873 = arith.index_cast %add3A_1872 : i32 to index
        %get3A_1874 = arith.constant 32 : index
        %get3A_1875 = tpu.vector_load %arg20[%get3A_1873, %get3A_1874] {strides = array<i32>} : memref<320x128xf32, #tpu.memory_space<vmem>>, vector<16xf32>,
        %mul3A_1876 = arith.mulf %get3A_853, %get3A_1875 : vector<16xf32>
        %add3A_1877 = arith.addf %add3A_1787, %mul3A_1876 : vector<16xf32>
        %mul3A_1878 = arith.constant 20 : i32
        %mul3A_1879 = arith.muli %scan3A_845, %mul3A_1878 : i32
        %add3A_1880 = arith.constant 13 : i32
        %add3A_1881 = arith.addi %mul3A_1879, %add3A_1880 : i32
        %get3A_1882 = arith.index_cast %add3A_1881 : i32 to index
        %get3A_1883 = arith.constant 32 : index
        %get3A_1884 = tpu.vector_load %arg20[%get3A_1882, %get3A_1883] {strides = array<i32>} : memref<320x128xf32, #tpu.memory_space<vmem>>, vector<16xf32>,
        %mul3A_1885 = arith.mulf %get3A_853, %get3A_1884 : vector<16xf32>
        %add3A_1886 = arith.addf %add3A_1796, %mul3A_1885 : vector<16xf32>
        %mul3A_1887 = arith.constant 20 : i32
        %mul3A_1888 = arith.muli %scan3A_845, %mul3A_1887 : i32
        %add3A_1889 = arith.constant 14 : i32
        %add3A_1890 = arith.addi %mul3A_1888, %add3A_1889 : i32
        %get3A_1891 = arith.index_cast %add3A_1890 : i32 to index
        %get3A_1892 = arith.constant 32 : index
        %get3A_1893 = tpu.vector_load %arg20[%get3A_1891, %get3A_1892] {strides = array<i32>} : memref<320x128xf32, #tpu.memory_space<vmem>>, vector<16xf32>,
        %mul3A_1894 = arith.mulf %get3A_853, %get3A_1893 : vector<16xf32>
        %add3A_1895 = arith.addf %add3A_1805, %mul3A_1894 : vector<16xf32>
        %mul3A_1896 = arith.constant 20 : i32
        %mul3A_1897 = arith.muli %scan3A_845, %mul3A_1896 : i32
        %add3A_1898 = arith.constant 15 : i32
        %add3A_1899 = arith.addi %mul3A_1897, %add3A_1898 : i32
        %get3A_1900 = arith.index_cast %add3A_1899 : i32 to index
        %get3A_1901 = arith.constant 32 : index
        %get3A_1902 = tpu.vector_load %arg20[%get3A_1900, %get3A_1901] {strides = array<i32>} : memref<320x128xf32, #tpu.memory_space<vmem>>, vector<16xf32>,
        %mul3A_1903 = arith.mulf %get3A_853, %get3A_1902 : vector<16xf32>
        %add3A_1904 = arith.addf %add3A_1814, %mul3A_1903 : vector<16xf32>
        %mul3A_1905 = arith.constant 20 : i32
        %mul3A_1906 = arith.muli %scan3A_845, %mul3A_1905 : i32
        %add3A_1907 = arith.constant 16 : i32
        %add3A_1908 = arith.addi %mul3A_1906, %add3A_1907 : i32
        %get3A_1909 = arith.index_cast %add3A_1908 : i32 to index
        %get3A_1910 = arith.constant 32 : index
        %get3A_1911 = tpu.vector_load %arg20[%get3A_1909, %get3A_1910] {strides = array<i32>} : memref<320x128xf32, #tpu.memory_space<vmem>>, vector<16xf32>,
        %mul3A_1912 = arith.mulf %get3A_853, %get3A_1911 : vector<16xf32>
        %add3A_1913 = arith.addf %add3A_1823, %mul3A_1912 : vector<16xf32>
        %mul3A_1914 = arith.constant 20 : i32
        %mul3A_1915 = arith.muli %scan3A_845, %mul3A_1914 : i32
        %add3A_1916 = arith.constant 17 : i32
        %add3A_1917 = arith.addi %mul3A_1915, %add3A_1916 : i32
        %get3A_1918 = arith.index_cast %add3A_1917 : i32 to index
        %get3A_1919 = arith.constant 32 : index
        %get3A_1920 = tpu.vector_load %arg20[%get3A_1918, %get3A_1919] {strides = array<i32>} : memref<320x128xf32, #tpu.memory_space<vmem>>, vector<16xf32>,
        %mul3A_1921 = arith.mulf %get3A_853, %get3A_1920 : vector<16xf32>
        %add3A_1922 = arith.addf %add3A_1832, %mul3A_1921 : vector<16xf32>
        %mul3A_1923 = arith.constant 20 : i32
        %mul3A_1924 = arith.muli %scan3A_845, %mul3A_1923 : i32
        %add3A_1925 = arith.constant 18 : i32
        %add3A_1926 = arith.addi %mul3A_1924, %add3A_1925 : i32
        %get3A_1927 = arith.index_cast %add3A_1926 : i32 to index
        %get3A_1928 = arith.constant 32 : index
        %get3A_1929 = tpu.vector_load %arg20[%get3A_1927, %get3A_1928] {strides = array<i32>} : memref<320x128xf32, #tpu.memory_space<vmem>>, vector<16xf32>,
        %mul3A_1930 = arith.mulf %get3A_853, %get3A_1929 : vector<16xf32>
        %add3A_1931 = arith.addf %add3A_1841, %mul3A_1930 : vector<16xf32>
        %mul3A_1932 = arith.constant 20 : i32
        %mul3A_1933 = arith.muli %scan3A_845, %mul3A_1932 : i32
        %add3A_1934 = arith.constant 19 : i32
        %add3A_1935 = arith.addi %mul3A_1933, %add3A_1934 : i32
        %get3A_1936 = arith.index_cast %add3A_1935 : i32 to index
        %get3A_1937 = arith.constant 32 : index
        %get3A_1938 = tpu.vector_load %arg20[%get3A_1936, %get3A_1937] {strides = array<i32>} : memref<320x128xf32, #tpu.memory_space<vmem>>, vector<16xf32>,
        %mul3A_1939 = arith.mulf %get3A_853, %get3A_1938 : vector<16xf32>
        %add3A_1940 = arith.addf %add3A_1850, %mul3A_1939 : vector<16xf32>
        %mul3A_1941 = arith.constant 20 : i32
        %mul3A_1942 = arith.muli %scan3A_845, %mul3A_1941 : i32
        %add3A_1943 = arith.constant 10 : i32
        %add3A_1944 = arith.addi %mul3A_1942, %add3A_1943 : i32
        %get3A_1945 = arith.index_cast %add3A_1944 : i32 to index
        %get3A_1946 = arith.constant 48 : index
        %get3A_1947 = tpu.vector_load %arg20[%get3A_1945, %get3A_1946] {strides = array<i32>} : memref<320x128xf32, #tpu.memory_space<vmem>>, vector<16xf32>,
        %mul3A_1948 = arith.mulf %get3A_856, %get3A_1947 : vector<16xf32>
        %add3A_1949 = arith.addf %add3A_1859, %mul3A_1948 : vector<16xf32>
        %mul3A_1950 = arith.constant 20 : i32
        %mul3A_1951 = arith.muli %scan3A_845, %mul3A_1950 : i32
        %add3A_1952 = arith.constant 11 : i32
        %add3A_1953 = arith.addi %mul3A_1951, %add3A_1952 : i32
        %get3A_1954 = arith.index_cast %add3A_1953 : i32 to index
        %get3A_1955 = arith.constant 48 : index
        %get3A_1956 = tpu.vector_load %arg20[%get3A_1954, %get3A_1955] {strides = array<i32>} : memref<320x128xf32, #tpu.memory_space<vmem>>, vector<16xf32>,
        %mul3A_1957 = arith.mulf %get3A_856, %get3A_1956 : vector<16xf32>
        %add3A_1958 = arith.addf %add3A_1868, %mul3A_1957 : vector<16xf32>
        %mul3A_1959 = arith.constant 20 : i32
        %mul3A_1960 = arith.muli %scan3A_845, %mul3A_1959 : i32
        %add3A_1961 = arith.constant 12 : i32
        %add3A_1962 = arith.addi %mul3A_1960, %add3A_1961 : i32
        %get3A_1963 = arith.index_cast %add3A_1962 : i32 to index
        %get3A_1964 = arith.constant 48 : index
        %get3A_1965 = tpu.vector_load %arg20[%get3A_1963, %get3A_1964] {strides = array<i32>} : memref<320x128xf32, #tpu.memory_space<vmem>>, vector<16xf32>,
        %mul3A_1966 = arith.mulf %get3A_856, %get3A_1965 : vector<16xf32>
        %add3A_1967 = arith.addf %add3A_1877, %mul3A_1966 : vector<16xf32>
        %mul3A_1968 = arith.constant 20 : i32
        %mul3A_1969 = arith.muli %scan3A_845, %mul3A_1968 : i32
        %add3A_1970 = arith.constant 13 : i32
        %add3A_1971 = arith.addi %mul3A_1969, %add3A_1970 : i32
        %get3A_1972 = arith.index_cast %add3A_1971 : i32 to index
        %get3A_1973 = arith.constant 48 : index
        %get3A_1974 = tpu.vector_load %arg20[%get3A_1972, %get3A_1973] {strides = array<i32>} : memref<320x128xf32, #tpu.memory_space<vmem>>, vector<16xf32>,
        %mul3A_1975 = arith.mulf %get3A_856, %get3A_1974 : vector<16xf32>
        %add3A_1976 = arith.addf %add3A_1886, %mul3A_1975 : vector<16xf32>
        %mul3A_1977 = arith.constant 20 : i32
        %mul3A_1978 = arith.muli %scan3A_845, %mul3A_1977 : i32
        %add3A_1979 = arith.constant 14 : i32
        %add3A_1980 = arith.addi %mul3A_1978, %add3A_1979 : i32
        %get3A_1981 = arith.index_cast %add3A_1980 : i32 to index
        %get3A_1982 = arith.constant 48 : index
        %get3A_1983 = tpu.vector_load %arg20[%get3A_1981, %get3A_1982] {strides = array<i32>} : memref<320x128xf32, #tpu.memory_space<vmem>>, vector<16xf32>,
        %mul3A_1984 = arith.mulf %get3A_856, %get3A_1983 : vector<16xf32>
        %add3A_1985 = arith.addf %add3A_1895, %mul3A_1984 : vector<16xf32>
        %mul3A_1986 = arith.constant 20 : i32
        %mul3A_1987 = arith.muli %scan3A_845, %mul3A_1986 : i32
        %add3A_1988 = arith.constant 15 : i32
        %add3A_1989 = arith.addi %mul3A_1987, %add3A_1988 : i32
        %get3A_1990 = arith.index_cast %add3A_1989 : i32 to index
        %get3A_1991 = arith.constant 48 : index
        %get3A_1992 = tpu.vector_load %arg20[%get3A_1990, %get3A_1991] {strides = array<i32>} : memref<320x128xf32, #tpu.memory_space<vmem>>, vector<16xf32>,
        %mul3A_1993 = arith.mulf %get3A_856, %get3A_1992 : vector<16xf32>
        %add3A_1994 = arith.addf %add3A_1904, %mul3A_1993 : vector<16xf32>
        %mul3A_1995 = arith.constant 20 : i32
        %mul3A_1996 = arith.muli %scan3A_845, %mul3A_1995 : i32
        %add3A_1997 = arith.constant 16 : i32
        %add3A_1998 = arith.addi %mul3A_1996, %add3A_1997 : i32
        %get3A_1999 = arith.index_cast %add3A_1998 : i32 to index
        %get3A_2000 = arith.constant 48 : index
        %get3A_2001 = tpu.vector_load %arg20[%get3A_1999, %get3A_2000] {strides = array<i32>} : memref<320x128xf32, #tpu.memory_space<vmem>>, vector<16xf32>,
        %mul3A_2002 = arith.mulf %get3A_856, %get3A_2001 : vector<16xf32>
        %add3A_2003 = arith.addf %add3A_1913, %mul3A_2002 : vector<16xf32>
        %mul3A_2004 = arith.constant 20 : i32
        %mul3A_2005 = arith.muli %scan3A_845, %mul3A_2004 : i32
        %add3A_2006 = arith.constant 17 : i32
        %add3A_2007 = arith.addi %mul3A_2005, %add3A_2006 : i32
        %get3A_2008 = arith.index_cast %add3A_2007 : i32 to index
        %get3A_2009 = arith.constant 48 : index
        %get3A_2010 = tpu.vector_load %arg20[%get3A_2008, %get3A_2009] {strides = array<i32>} : memref<320x128xf32, #tpu.memory_space<vmem>>, vector<16xf32>,
        %mul3A_2011 = arith.mulf %get3A_856, %get3A_2010 : vector<16xf32>
        %add3A_2012 = arith.addf %add3A_1922, %mul3A_2011 : vector<16xf32>
        %mul3A_2013 = arith.constant 20 : i32
        %mul3A_2014 = arith.muli %scan3A_845, %mul3A_2013 : i32
        %add3A_2015 = arith.constant 18 : i32
        %add3A_2016 = arith.addi %mul3A_2014, %add3A_2015 : i32
        %get3A_2017 = arith.index_cast %add3A_2016 : i32 to index
        %get3A_2018 = arith.constant 48 : index
        %get3A_2019 = tpu.vector_load %arg20[%get3A_2017, %get3A_2018] {strides = array<i32>} : memref<320x128xf32, #tpu.memory_space<vmem>>, vector<16xf32>,
        %mul3A_2020 = arith.mulf %get3A_856, %get3A_2019 : vector<16xf32>
        %add3A_2021 = arith.addf %add3A_1931, %mul3A_2020 : vector<16xf32>
        %mul3A_2022 = arith.constant 20 : i32
        %mul3A_2023 = arith.muli %scan3A_845, %mul3A_2022 : i32
        %add3A_2024 = arith.constant 19 : i32
        %add3A_2025 = arith.addi %mul3A_2023, %add3A_2024 : i32
        %get3A_2026 = arith.index_cast %add3A_2025 : i32 to index
        %get3A_2027 = arith.constant 48 : index
        %get3A_2028 = tpu.vector_load %arg20[%get3A_2026, %get3A_2027] {strides = array<i32>} : memref<320x128xf32, #tpu.memory_space<vmem>>, vector<16xf32>,
        %mul3A_2029 = arith.mulf %get3A_856, %get3A_2028 : vector<16xf32>
        %add3A_2030 = arith.addf %add3A_1940, %mul3A_2029 : vector<16xf32>
        %mul3A_2031 = arith.constant 20 : i32
        %mul3A_2032 = arith.muli %scan3A_845, %mul3A_2031 : i32
        %add3A_2033 = arith.constant 10 : i32
        %add3A_2034 = arith.addi %mul3A_2032, %add3A_2033 : i32
        %get3A_2035 = arith.index_cast %add3A_2034 : i32 to index
        %get3A_2036 = arith.constant 64 : index
        %get3A_2037 = tpu.vector_load %arg20[%get3A_2035, %get3A_2036] {strides = array<i32>} : memref<320x128xf32, #tpu.memory_space<vmem>>, vector<16xf32>,
        %mul3A_2038 = arith.mulf %get3A_859, %get3A_2037 : vector<16xf32>
        %add3A_2039 = arith.addf %add3A_1949, %mul3A_2038 : vector<16xf32>
        %mul3A_2040 = arith.constant 20 : i32
        %mul3A_2041 = arith.muli %scan3A_845, %mul3A_2040 : i32
        %add3A_2042 = arith.constant 11 : i32
        %add3A_2043 = arith.addi %mul3A_2041, %add3A_2042 : i32
        %get3A_2044 = arith.index_cast %add3A_2043 : i32 to index
        %get3A_2045 = arith.constant 64 : index
        %get3A_2046 = tpu.vector_load %arg20[%get3A_2044, %get3A_2045] {strides = array<i32>} : memref<320x128xf32, #tpu.memory_space<vmem>>, vector<16xf32>,
        %mul3A_2047 = arith.mulf %get3A_859, %get3A_2046 : vector<16xf32>
        %add3A_2048 = arith.addf %add3A_1958, %mul3A_2047 : vector<16xf32>
        %mul3A_2049 = arith.constant 20 : i32
        %mul3A_2050 = arith.muli %scan3A_845, %mul3A_2049 : i32
        %add3A_2051 = arith.constant 12 : i32
        %add3A_2052 = arith.addi %mul3A_2050, %add3A_2051 : i32
        %get3A_2053 = arith.index_cast %add3A_2052 : i32 to index
        %get3A_2054 = arith.constant 64 : index
        %get3A_2055 = tpu.vector_load %arg20[%get3A_2053, %get3A_2054] {strides = array<i32>} : memref<320x128xf32, #tpu.memory_space<vmem>>, vector<16xf32>,
        %mul3A_2056 = arith.mulf %get3A_859, %get3A_2055 : vector<16xf32>
        %add3A_2057 = arith.addf %add3A_1967, %mul3A_2056 : vector<16xf32>
        %mul3A_2058 = arith.constant 20 : i32
        %mul3A_2059 = arith.muli %scan3A_845, %mul3A_2058 : i32
        %add3A_2060 = arith.constant 13 : i32
        %add3A_2061 = arith.addi %mul3A_2059, %add3A_2060 : i32
        %get3A_2062 = arith.index_cast %add3A_2061 : i32 to index
        %get3A_2063 = arith.constant 64 : index
        %get3A_2064 = tpu.vector_load %arg20[%get3A_2062, %get3A_2063] {strides = array<i32>} : memref<320x128xf32, #tpu.memory_space<vmem>>, vector<16xf32>,
        %mul3A_2065 = arith.mulf %get3A_859, %get3A_2064 : vector<16xf32>
        %add3A_2066 = arith.addf %add3A_1976, %mul3A_2065 : vector<16xf32>
        %mul3A_2067 = arith.constant 20 : i32
        %mul3A_2068 = arith.muli %scan3A_845, %mul3A_2067 : i32
        %add3A_2069 = arith.constant 14 : i32
        %add3A_2070 = arith.addi %mul3A_2068, %add3A_2069 : i32
        %get3A_2071 = arith.index_cast %add3A_2070 : i32 to index
        %get3A_2072 = arith.constant 64 : index
        %get3A_2073 = tpu.vector_load %arg20[%get3A_2071, %get3A_2072] {strides = array<i32>} : memref<320x128xf32, #tpu.memory_space<vmem>>, vector<16xf32>,
        %mul3A_2074 = arith.mulf %get3A_859, %get3A_2073 : vector<16xf32>
        %add3A_2075 = arith.addf %add3A_1985, %mul3A_2074 : vector<16xf32>
        %mul3A_2076 = arith.constant 20 : i32
        %mul3A_2077 = arith.muli %scan3A_845, %mul3A_2076 : i32
        %add3A_2078 = arith.constant 15 : i32
        %add3A_2079 = arith.addi %mul3A_2077, %add3A_2078 : i32
        %get3A_2080 = arith.index_cast %add3A_2079 : i32 to index
        %get3A_2081 = arith.constant 64 : index
        %get3A_2082 = tpu.vector_load %arg20[%get3A_2080, %get3A_2081] {strides = array<i32>} : memref<320x128xf32, #tpu.memory_space<vmem>>, vector<16xf32>,
        %mul3A_2083 = arith.mulf %get3A_859, %get3A_2082 : vector<16xf32>
        %add3A_2084 = arith.addf %add3A_1994, %mul3A_2083 : vector<16xf32>
        %mul3A_2085 = arith.constant 20 : i32
        %mul3A_2086 = arith.muli %scan3A_845, %mul3A_2085 : i32
        %add3A_2087 = arith.constant 16 : i32
        %add3A_2088 = arith.addi %mul3A_2086, %add3A_2087 : i32
        %get3A_2089 = arith.index_cast %add3A_2088 : i32 to index
        %get3A_2090 = arith.constant 64 : index
        %get3A_2091 = tpu.vector_load %arg20[%get3A_2089, %get3A_2090] {strides = array<i32>} : memref<320x128xf32, #tpu.memory_space<vmem>>, vector<16xf32>,
        %mul3A_2092 = arith.mulf %get3A_859, %get3A_2091 : vector<16xf32>
        %add3A_2093 = arith.addf %add3A_2003, %mul3A_2092 : vector<16xf32>
        %mul3A_2094 = arith.constant 20 : i32
        %mul3A_2095 = arith.muli %scan3A_845, %mul3A_2094 : i32
        %add3A_2096 = arith.constant 17 : i32
        %add3A_2097 = arith.addi %mul3A_2095, %add3A_2096 : i32
        %get3A_2098 = arith.index_cast %add3A_2097 : i32 to index
        %get3A_2099 = arith.constant 64 : index
        %get3A_2100 = tpu.vector_load %arg20[%get3A_2098, %get3A_2099] {strides = array<i32>} : memref<320x128xf32, #tpu.memory_space<vmem>>, vector<16xf32>,
        %mul3A_2101 = arith.mulf %get3A_859, %get3A_2100 : vector<16xf32>
        %add3A_2102 = arith.addf %add3A_2012, %mul3A_2101 : vector<16xf32>
        %mul3A_2103 = arith.constant 20 : i32
        %mul3A_2104 = arith.muli %scan3A_845, %mul3A_2103 : i32
        %add3A_2105 = arith.constant 18 : i32
        %add3A_2106 = arith.addi %mul3A_2104, %add3A_2105 : i32
        %get3A_2107 = arith.index_cast %add3A_2106 : i32 to index
        %get3A_2108 = arith.constant 64 : index
        %get3A_2109 = tpu.vector_load %arg20[%get3A_2107, %get3A_2108] {strides = array<i32>} : memref<320x128xf32, #tpu.memory_space<vmem>>, vector<16xf32>,
        %mul3A_2110 = arith.mulf %get3A_859, %get3A_2109 : vector<16xf32>
        %add3A_2111 = arith.addf %add3A_2021, %mul3A_2110 : vector<16xf32>
        %mul3A_2112 = arith.constant 20 : i32
        %mul3A_2113 = arith.muli %scan3A_845, %mul3A_2112 : i32
        %add3A_2114 = arith.constant 19 : i32
        %add3A_2115 = arith.addi %mul3A_2113, %add3A_2114 : i32
        %get3A_2116 = arith.index_cast %add3A_2115 : i32 to index
        %get3A_2117 = arith.constant 64 : index
        %get3A_2118 = tpu.vector_load %arg20[%get3A_2116, %get3A_2117] {strides = array<i32>} : memref<320x128xf32, #tpu.memory_space<vmem>>, vector<16xf32>,
        %mul3A_2119 = arith.mulf %get3A_859, %get3A_2118 : vector<16xf32>
        %add3A_2120 = arith.addf %add3A_2030, %mul3A_2119 : vector<16xf32>
        %mul3A_2121 = arith.constant 20 : i32
        %mul3A_2122 = arith.muli %scan3A_845, %mul3A_2121 : i32
        %add3A_2123 = arith.constant 10 : i32
        %add3A_2124 = arith.addi %mul3A_2122, %add3A_2123 : i32
        %get3A_2125 = arith.index_cast %add3A_2124 : i32 to index
        %get3A_2126 = arith.constant 80 : index
        %get3A_2127 = tpu.vector_load %arg20[%get3A_2125, %get3A_2126] {strides = array<i32>} : memref<320x128xf32, #tpu.memory_space<vmem>>, vector<16xf32>,
        %mul3A_2128 = arith.mulf %get3A_862, %get3A_2127 : vector<16xf32>
        %add3A_2129 = arith.addf %add3A_2039, %mul3A_2128 : vector<16xf32>
        %mul3A_2130 = arith.constant 20 : i32
        %mul3A_2131 = arith.muli %scan3A_845, %mul3A_2130 : i32
        %add3A_2132 = arith.constant 11 : i32
        %add3A_2133 = arith.addi %mul3A_2131, %add3A_2132 : i32
        %get3A_2134 = arith.index_cast %add3A_2133 : i32 to index
        %get3A_2135 = arith.constant 80 : index
        %get3A_2136 = tpu.vector_load %arg20[%get3A_2134, %get3A_2135] {strides = array<i32>} : memref<320x128xf32, #tpu.memory_space<vmem>>, vector<16xf32>,
        %mul3A_2137 = arith.mulf %get3A_862, %get3A_2136 : vector<16xf32>
        %add3A_2138 = arith.addf %add3A_2048, %mul3A_2137 : vector<16xf32>
        %mul3A_2139 = arith.constant 20 : i32
        %mul3A_2140 = arith.muli %scan3A_845, %mul3A_2139 : i32
        %add3A_2141 = arith.constant 12 : i32
        %add3A_2142 = arith.addi %mul3A_2140, %add3A_2141 : i32
        %get3A_2143 = arith.index_cast %add3A_2142 : i32 to index
        %get3A_2144 = arith.constant 80 : index
        %get3A_2145 = tpu.vector_load %arg20[%get3A_2143, %get3A_2144] {strides = array<i32>} : memref<320x128xf32, #tpu.memory_space<vmem>>, vector<16xf32>,
        %mul3A_2146 = arith.mulf %get3A_862, %get3A_2145 : vector<16xf32>
        %add3A_2147 = arith.addf %add3A_2057, %mul3A_2146 : vector<16xf32>
        %mul3A_2148 = arith.constant 20 : i32
        %mul3A_2149 = arith.muli %scan3A_845, %mul3A_2148 : i32
        %add3A_2150 = arith.constant 13 : i32
        %add3A_2151 = arith.addi %mul3A_2149, %add3A_2150 : i32
        %get3A_2152 = arith.index_cast %add3A_2151 : i32 to index
        %get3A_2153 = arith.constant 80 : index
        %get3A_2154 = tpu.vector_load %arg20[%get3A_2152, %get3A_2153] {strides = array<i32>} : memref<320x128xf32, #tpu.memory_space<vmem>>, vector<16xf32>,
        %mul3A_2155 = arith.mulf %get3A_862, %get3A_2154 : vector<16xf32>
        %add3A_2156 = arith.addf %add3A_2066, %mul3A_2155 : vector<16xf32>
        %mul3A_2157 = arith.constant 20 : i32
        %mul3A_2158 = arith.muli %scan3A_845, %mul3A_2157 : i32
        %add3A_2159 = arith.constant 14 : i32
        %add3A_2160 = arith.addi %mul3A_2158, %add3A_2159 : i32
        %get3A_2161 = arith.index_cast %add3A_2160 : i32 to index
        %get3A_2162 = arith.constant 80 : index
        %get3A_2163 = tpu.vector_load %arg20[%get3A_2161, %get3A_2162] {strides = array<i32>} : memref<320x128xf32, #tpu.memory_space<vmem>>, vector<16xf32>,
        %mul3A_2164 = arith.mulf %get3A_862, %get3A_2163 : vector<16xf32>
        %add3A_2165 = arith.addf %add3A_2075, %mul3A_2164 : vector<16xf32>
        %mul3A_2166 = arith.constant 20 : i32
        %mul3A_2167 = arith.muli %scan3A_845, %mul3A_2166 : i32
        %add3A_2168 = arith.constant 15 : i32
        %add3A_2169 = arith.addi %mul3A_2167, %add3A_2168 : i32
        %get3A_2170 = arith.index_cast %add3A_2169 : i32 to index
        %get3A_2171 = arith.constant 80 : index
        %get3A_2172 = tpu.vector_load %arg20[%get3A_2170, %get3A_2171] {strides = array<i32>} : memref<320x128xf32, #tpu.memory_space<vmem>>, vector<16xf32>,
        %mul3A_2173 = arith.mulf %get3A_862, %get3A_2172 : vector<16xf32>
        %add3A_2174 = arith.addf %add3A_2084, %mul3A_2173 : vector<16xf32>
        %mul3A_2175 = arith.constant 20 : i32
        %mul3A_2176 = arith.muli %scan3A_845, %mul3A_2175 : i32
        %add3A_2177 = arith.constant 16 : i32
        %add3A_2178 = arith.addi %mul3A_2176, %add3A_2177 : i32
        %get3A_2179 = arith.index_cast %add3A_2178 : i32 to index
        %get3A_2180 = arith.constant 80 : index
        %get3A_2181 = tpu.vector_load %arg20[%get3A_2179, %get3A_2180] {strides = array<i32>} : memref<320x128xf32, #tpu.memory_space<vmem>>, vector<16xf32>,
        %mul3A_2182 = arith.mulf %get3A_862, %get3A_2181 : vector<16xf32>
        %add3A_2183 = arith.addf %add3A_2093, %mul3A_2182 : vector<16xf32>
        %mul3A_2184 = arith.constant 20 : i32
        %mul3A_2185 = arith.muli %scan3A_845, %mul3A_2184 : i32
        %add3A_2186 = arith.constant 17 : i32
        %add3A_2187 = arith.addi %mul3A_2185, %add3A_2186 : i32
        %get3A_2188 = arith.index_cast %add3A_2187 : i32 to index
        %get3A_2189 = arith.constant 80 : index
        %get3A_2190 = tpu.vector_load %arg20[%get3A_2188, %get3A_2189] {strides = array<i32>} : memref<320x128xf32, #tpu.memory_space<vmem>>, vector<16xf32>,
        %mul3A_2191 = arith.mulf %get3A_862, %get3A_2190 : vector<16xf32>
        %add3A_2192 = arith.addf %add3A_2102, %mul3A_2191 : vector<16xf32>
        %mul3A_2193 = arith.constant 20 : i32
        %mul3A_2194 = arith.muli %scan3A_845, %mul3A_2193 : i32
        %add3A_2195 = arith.constant 18 : i32
        %add3A_2196 = arith.addi %mul3A_2194, %add3A_2195 : i32
        %get3A_2197 = arith.index_cast %add3A_2196 : i32 to index
        %get3A_2198 = arith.constant 80 : index
        %get3A_2199 = tpu.vector_load %arg20[%get3A_2197, %get3A_2198] {strides = array<i32>} : memref<320x128xf32, #tpu.memory_space<vmem>>, vector<16xf32>,
        %mul3A_2200 = arith.mulf %get3A_862, %get3A_2199 : vector<16xf32>
        %add3A_2201 = arith.addf %add3A_2111, %mul3A_2200 : vector<16xf32>
        %mul3A_2202 = arith.constant 20 : i32
        %mul3A_2203 = arith.muli %scan3A_845, %mul3A_2202 : i32
        %add3A_2204 = arith.constant 19 : i32
        %add3A_2205 = arith.addi %mul3A_2203, %add3A_2204 : i32
        %get3A_2206 = arith.index_cast %add3A_2205 : i32 to index
        %get3A_2207 = arith.constant 80 : index
        %get3A_2208 = tpu.vector_load %arg20[%get3A_2206, %get3A_2207] {strides = array<i32>} : memref<320x128xf32, #tpu.memory_space<vmem>>, vector<16xf32>,
        %mul3A_2209 = arith.mulf %get3A_862, %get3A_2208 : vector<16xf32>
        %add3A_2210 = arith.addf %add3A_2120, %mul3A_2209 : vector<16xf32>
        %mul3A_2211 = arith.constant 20 : i32
        %mul3A_2212 = arith.muli %scan3A_845, %mul3A_2211 : i32
        %add3A_2213 = arith.constant 10 : i32
        %add3A_2214 = arith.addi %mul3A_2212, %add3A_2213 : i32
        %get3A_2215 = arith.index_cast %add3A_2214 : i32 to index
        %get3A_2216 = arith.constant 96 : index
        %get3A_2217 = tpu.vector_load %arg20[%get3A_2215, %get3A_2216] {strides = array<i32>} : memref<320x128xf32, #tpu.memory_space<vmem>>, vector<16xf32>,
        %mul3A_2218 = arith.mulf %get3A_865, %get3A_2217 : vector<16xf32>
        %add3A_2219 = arith.addf %add3A_2129, %mul3A_2218 : vector<16xf32>
        %mul3A_2220 = arith.constant 20 : i32
        %mul3A_2221 = arith.muli %scan3A_845, %mul3A_2220 : i32
        %add3A_2222 = arith.constant 11 : i32
        %add3A_2223 = arith.addi %mul3A_2221, %add3A_2222 : i32
        %get3A_2224 = arith.index_cast %add3A_2223 : i32 to index
        %get3A_2225 = arith.constant 96 : index
        %get3A_2226 = tpu.vector_load %arg20[%get3A_2224, %get3A_2225] {strides = array<i32>} : memref<320x128xf32, #tpu.memory_space<vmem>>, vector<16xf32>,
        %mul3A_2227 = arith.mulf %get3A_865, %get3A_2226 : vector<16xf32>
        %add3A_2228 = arith.addf %add3A_2138, %mul3A_2227 : vector<16xf32>
        %mul3A_2229 = arith.constant 20 : i32
        %mul3A_2230 = arith.muli %scan3A_845, %mul3A_2229 : i32
        %add3A_2231 = arith.constant 12 : i32
        %add3A_2232 = arith.addi %mul3A_2230, %add3A_2231 : i32
        %get3A_2233 = arith.index_cast %add3A_2232 : i32 to index
        %get3A_2234 = arith.constant 96 : index
        %get3A_2235 = tpu.vector_load %arg20[%get3A_2233, %get3A_2234] {strides = array<i32>} : memref<320x128xf32, #tpu.memory_space<vmem>>, vector<16xf32>,
        %mul3A_2236 = arith.mulf %get3A_865, %get3A_2235 : vector<16xf32>
        %add3A_2237 = arith.addf %add3A_2147, %mul3A_2236 : vector<16xf32>
        %mul3A_2238 = arith.constant 20 : i32
        %mul3A_2239 = arith.muli %scan3A_845, %mul3A_2238 : i32
        %add3A_2240 = arith.constant 13 : i32
        %add3A_2241 = arith.addi %mul3A_2239, %add3A_2240 : i32
        %get3A_2242 = arith.index_cast %add3A_2241 : i32 to index
        %get3A_2243 = arith.constant 96 : index
        %get3A_2244 = tpu.vector_load %arg20[%get3A_2242, %get3A_2243] {strides = array<i32>} : memref<320x128xf32, #tpu.memory_space<vmem>>, vector<16xf32>,
        %mul3A_2245 = arith.mulf %get3A_865, %get3A_2244 : vector<16xf32>
        %add3A_2246 = arith.addf %add3A_2156, %mul3A_2245 : vector<16xf32>
        %mul3A_2247 = arith.constant 20 : i32
        %mul3A_2248 = arith.muli %scan3A_845, %mul3A_2247 : i32
        %add3A_2249 = arith.constant 14 : i32
        %add3A_2250 = arith.addi %mul3A_2248, %add3A_2249 : i32
        %get3A_2251 = arith.index_cast %add3A_2250 : i32 to index
        %get3A_2252 = arith.constant 96 : index
        %get3A_2253 = tpu.vector_load %arg20[%get3A_2251, %get3A_2252] {strides = array<i32>} : memref<320x128xf32, #tpu.memory_space<vmem>>, vector<16xf32>,
        %mul3A_2254 = arith.mulf %get3A_865, %get3A_2253 : vector<16xf32>
        %add3A_2255 = arith.addf %add3A_2165, %mul3A_2254 : vector<16xf32>
        %mul3A_2256 = arith.constant 20 : i32
        %mul3A_2257 = arith.muli %scan3A_845, %mul3A_2256 : i32
        %add3A_2258 = arith.constant 15 : i32
        %add3A_2259 = arith.addi %mul3A_2257, %add3A_2258 : i32
        %get3A_2260 = arith.index_cast %add3A_2259 : i32 to index
        %get3A_2261 = arith.constant 96 : index
        %get3A_2262 = tpu.vector_load %arg20[%get3A_2260, %get3A_2261] {strides = array<i32>} : memref<320x128xf32, #tpu.memory_space<vmem>>, vector<16xf32>,
        %mul3A_2263 = arith.mulf %get3A_865, %get3A_2262 : vector<16xf32>
        %add3A_2264 = arith.addf %add3A_2174, %mul3A_2263 : vector<16xf32>
        %mul3A_2265 = arith.constant 20 : i32
        %mul3A_2266 = arith.muli %scan3A_845, %mul3A_2265 : i32
        %add3A_2267 = arith.constant 16 : i32
        %add3A_2268 = arith.addi %mul3A_2266, %add3A_2267 : i32
        %get3A_2269 = arith.index_cast %add3A_2268 : i32 to index
        %get3A_2270 = arith.constant 96 : index
        %get3A_2271 = tpu.vector_load %arg20[%get3A_2269, %get3A_2270] {strides = array<i32>} : memref<320x128xf32, #tpu.memory_space<vmem>>, vector<16xf32>,
        %mul3A_2272 = arith.mulf %get3A_865, %get3A_2271 : vector<16xf32>
        %add3A_2273 = arith.addf %add3A_2183, %mul3A_2272 : vector<16xf32>
        %mul3A_2274 = arith.constant 20 : i32
        %mul3A_2275 = arith.muli %scan3A_845, %mul3A_2274 : i32
        %add3A_2276 = arith.constant 17 : i32
        %add3A_2277 = arith.addi %mul3A_2275, %add3A_2276 : i32
        %get3A_2278 = arith.index_cast %add3A_2277 : i32 to index
        %get3A_2279 = arith.constant 96 : index
        %get3A_2280 = tpu.vector_load %arg20[%get3A_2278, %get3A_2279] {strides = array<i32>} : memref<320x128xf32, #tpu.memory_space<vmem>>, vector<16xf32>,
        %mul3A_2281 = arith.mulf %get3A_865, %get3A_2280 : vector<16xf32>
        %add3A_2282 = arith.addf %add3A_2192, %mul3A_2281 : vector<16xf32>
        %mul3A_2283 = arith.constant 20 : i32
        %mul3A_2284 = arith.muli %scan3A_845, %mul3A_2283 : i32
        %add3A_2285 = arith.constant 18 : i32
        %add3A_2286 = arith.addi %mul3A_2284, %add3A_2285 : i32
        %get3A_2287 = arith.index_cast %add3A_2286 : i32 to index
        %get3A_2288 = arith.constant 96 : index
        %get3A_2289 = tpu.vector_load %arg20[%get3A_2287, %get3A_2288] {strides = array<i32>} : memref<320x128xf32, #tpu.memory_space<vmem>>, vector<16xf32>,
        %mul3A_2290 = arith.mulf %get3A_865, %get3A_2289 : vector<16xf32>
        %add3A_2291 = arith.addf %add3A_2201, %mul3A_2290 : vector<16xf32>
        %mul3A_2292 = arith.constant 20 : i32
        %mul3A_2293 = arith.muli %scan3A_845, %mul3A_2292 : i32
        %add3A_2294 = arith.constant 19 : i32
        %add3A_2295 = arith.addi %mul3A_2293, %add3A_2294 : i32
        %get3A_2296 = arith.index_cast %add3A_2295 : i32 to index
        %get3A_2297 = arith.constant 96 : index
        %get3A_2298 = tpu.vector_load %arg20[%get3A_2296, %get3A_2297] {strides = array<i32>} : memref<320x128xf32, #tpu.memory_space<vmem>>, vector<16xf32>,
        %mul3A_2299 = arith.mulf %get3A_865, %get3A_2298 : vector<16xf32>
        %add3A_2300 = arith.addf %add3A_2210, %mul3A_2299 : vector<16xf32>
        %mul3A_2301 = arith.constant 20 : i32
        %mul3A_2302 = arith.muli %scan3A_845, %mul3A_2301 : i32
        %add3A_2303 = arith.constant 10 : i32
        %add3A_2304 = arith.addi %mul3A_2302, %add3A_2303 : i32
        %get3A_2305 = arith.index_cast %add3A_2304 : i32 to index
        %get3A_2306 = arith.constant 112 : index
        %get3A_2307 = tpu.vector_load %arg20[%get3A_2305, %get3A_2306] {strides = array<i32>} : memref<320x128xf32, #tpu.memory_space<vmem>>, vector<16xf32>,
        %mul3A_2308 = arith.mulf %get3A_868, %get3A_2307 : vector<16xf32>
        %add3A_2309 = arith.addf %add3A_2219, %mul3A_2308 : vector<16xf32>
        %mul3A_2310 = arith.constant 20 : i32
        %mul3A_2311 = arith.muli %scan3A_845, %mul3A_2310 : i32
        %add3A_2312 = arith.constant 11 : i32
        %add3A_2313 = arith.addi %mul3A_2311, %add3A_2312 : i32
        %get3A_2314 = arith.index_cast %add3A_2313 : i32 to index
        %get3A_2315 = arith.constant 112 : index
        %get3A_2316 = tpu.vector_load %arg20[%get3A_2314, %get3A_2315] {strides = array<i32>} : memref<320x128xf32, #tpu.memory_space<vmem>>, vector<16xf32>,
        %mul3A_2317 = arith.mulf %get3A_868, %get3A_2316 : vector<16xf32>
        %add3A_2318 = arith.addf %add3A_2228, %mul3A_2317 : vector<16xf32>
        %mul3A_2319 = arith.constant 20 : i32
        %mul3A_2320 = arith.muli %scan3A_845, %mul3A_2319 : i32
        %add3A_2321 = arith.constant 12 : i32
        %add3A_2322 = arith.addi %mul3A_2320, %add3A_2321 : i32
        %get3A_2323 = arith.index_cast %add3A_2322 : i32 to index
        %get3A_2324 = arith.constant 112 : index
        %get3A_2325 = tpu.vector_load %arg20[%get3A_2323, %get3A_2324] {strides = array<i32>} : memref<320x128xf32, #tpu.memory_space<vmem>>, vector<16xf32>,
        %mul3A_2326 = arith.mulf %get3A_868, %get3A_2325 : vector<16xf32>
        %add3A_2327 = arith.addf %add3A_2237, %mul3A_2326 : vector<16xf32>
        %mul3A_2328 = arith.constant 20 : i32
        %mul3A_2329 = arith.muli %scan3A_845, %mul3A_2328 : i32
        %add3A_2330 = arith.constant 13 : i32
        %add3A_2331 = arith.addi %mul3A_2329, %add3A_2330 : i32
        %get3A_2332 = arith.index_cast %add3A_2331 : i32 to index
        %get3A_2333 = arith.constant 112 : index
        %get3A_2334 = tpu.vector_load %arg20[%get3A_2332, %get3A_2333] {strides = array<i32>} : memref<320x128xf32, #tpu.memory_space<vmem>>, vector<16xf32>,
        %mul3A_2335 = arith.mulf %get3A_868, %get3A_2334 : vector<16xf32>
        %add3A_2336 = arith.addf %add3A_2246, %mul3A_2335 : vector<16xf32>
        %mul3A_2337 = arith.constant 20 : i32
        %mul3A_2338 = arith.muli %scan3A_845, %mul3A_2337 : i32
        %add3A_2339 = arith.constant 14 : i32
        %add3A_2340 = arith.addi %mul3A_2338, %add3A_2339 : i32
        %get3A_2341 = arith.index_cast %add3A_2340 : i32 to index
        %get3A_2342 = arith.constant 112 : index
        %get3A_2343 = tpu.vector_load %arg20[%get3A_2341, %get3A_2342] {strides = array<i32>} : memref<320x128xf32, #tpu.memory_space<vmem>>, vector<16xf32>,
        %mul3A_2344 = arith.mulf %get3A_868, %get3A_2343 : vector<16xf32>
        %add3A_2345 = arith.addf %add3A_2255, %mul3A_2344 : vector<16xf32>
        %mul3A_2346 = arith.constant 20 : i32
        %mul3A_2347 = arith.muli %scan3A_845, %mul3A_2346 : i32
        %add3A_2348 = arith.constant 15 : i32
        %add3A_2349 = arith.addi %mul3A_2347, %add3A_2348 : i32
        %get3A_2350 = arith.index_cast %add3A_2349 : i32 to index
        %get3A_2351 = arith.constant 112 : index
        %get3A_2352 = tpu.vector_load %arg20[%get3A_2350, %get3A_2351] {strides = array<i32>} : memref<320x128xf32, #tpu.memory_space<vmem>>, vector<16xf32>,
        %mul3A_2353 = arith.mulf %get3A_868, %get3A_2352 : vector<16xf32>
        %add3A_2354 = arith.addf %add3A_2264, %mul3A_2353 : vector<16xf32>
        %mul3A_2355 = arith.constant 20 : i32
        %mul3A_2356 = arith.muli %scan3A_845, %mul3A_2355 : i32
        %add3A_2357 = arith.constant 16 : i32
        %add3A_2358 = arith.addi %mul3A_2356, %add3A_2357 : i32
        %get3A_2359 = arith.index_cast %add3A_2358 : i32 to index
        %get3A_2360 = arith.constant 112 : index
        %get3A_2361 = tpu.vector_load %arg20[%get3A_2359, %get3A_2360] {strides = array<i32>} : memref<320x128xf32, #tpu.memory_space<vmem>>, vector<16xf32>,
        %mul3A_2362 = arith.mulf %get3A_868, %get3A_2361 : vector<16xf32>
        %add3A_2363 = arith.addf %add3A_2273, %mul3A_2362 : vector<16xf32>
        %mul3A_2364 = arith.constant 20 : i32
        %mul3A_2365 = arith.muli %scan3A_845, %mul3A_2364 : i32
        %add3A_2366 = arith.constant 17 : i32
        %add3A_2367 = arith.addi %mul3A_2365, %add3A_2366 : i32
        %get3A_2368 = arith.index_cast %add3A_2367 : i32 to index
        %get3A_2369 = arith.constant 112 : index
        %get3A_2370 = tpu.vector_load %arg20[%get3A_2368, %get3A_2369] {strides = array<i32>} : memref<320x128xf32, #tpu.memory_space<vmem>>, vector<16xf32>,
        %mul3A_2371 = arith.mulf %get3A_868, %get3A_2370 : vector<16xf32>
        %add3A_2372 = arith.addf %add3A_2282, %mul3A_2371 : vector<16xf32>
        %mul3A_2373 = arith.constant 20 : i32
        %mul3A_2374 = arith.muli %scan3A_845, %mul3A_2373 : i32
        %add3A_2375 = arith.constant 18 : i32
        %add3A_2376 = arith.addi %mul3A_2374, %add3A_2375 : i32
        %get3A_2377 = arith.index_cast %add3A_2376 : i32 to index
        %get3A_2378 = arith.constant 112 : index
        %get3A_2379 = tpu.vector_load %arg20[%get3A_2377, %get3A_2378] {strides = array<i32>} : memref<320x128xf32, #tpu.memory_space<vmem>>, vector<16xf32>,
        %mul3A_2380 = arith.mulf %get3A_868, %get3A_2379 : vector<16xf32>
        %add3A_2381 = arith.addf %add3A_2291, %mul3A_2380 : vector<16xf32>
        %mul3A_2382 = arith.constant 20 : i32
        %mul3A_2383 = arith.muli %scan3A_845, %mul3A_2382 : i32
        %add3A_2384 = arith.constant 19 : i32
        %add3A_2385 = arith.addi %mul3A_2383, %add3A_2384 : i32
        %get3A_2386 = arith.index_cast %add3A_2385 : i32 to index
        %get3A_2387 = arith.constant 112 : index
        %get3A_2388 = tpu.vector_load %arg20[%get3A_2386, %get3A_2387] {strides = array<i32>} : memref<320x128xf32, #tpu.memory_space<vmem>>, vector<16xf32>,
        %mul3A_2389 = arith.mulf %get3A_868, %get3A_2388 : vector<16xf32>
        %add3A_2390 = arith.addf %add3A_2300, %mul3A_2389 : vector<16xf32>
        %broadcast_in_dim3A_2391 = vector.broadcast %scan3A_845 : i32 to vector<16xi32>
        %broadcast_in_dim3A_2392 = arith.constant 10 : i32
        %broadcast_in_dim3A_2393 = vector.broadcast %broadcast_in_dim3A_2392 : i32 to vector<16xi32>
        %broadcast_in_dim3A_2394 = arith.constant true
        %broadcast_in_dim3A_2395 = vector.broadcast %broadcast_in_dim3A_2394 : i1 to vector<16xi1>
        %masked_cumsum3A_2396 = tpu.scan <sum>, %add3A_2309 masked %broadcast_in_dim3A_2395 : vector<16xf32>, vector<16xi1> -> vector<16xf32>
        tpu.vector_store_idx %arg24[%broadcast_in_dim3A_2391, %broadcast_in_dim3A_2393], %masked_cumsum3A_2396 masked %eq3A_5 : memref<16x20xf32, #tpu.memory_space<vmem>>[vector<16xi32>, vector<16xi32>], vector<16xf32>, vector<16xi1>
        %broadcast_in_dim3A_2397 = vector.broadcast %scan3A_845 : i32 to vector<16xi32>
        %broadcast_in_dim3A_2398 = arith.constant 11 : i32
        %broadcast_in_dim3A_2399 = vector.broadcast %broadcast_in_dim3A_2398 : i32 to vector<16xi32>
        %broadcast_in_dim3A_2400 = arith.constant true
        %broadcast_in_dim3A_2401 = vector.broadcast %broadcast_in_dim3A_2400 : i1 to vector<16xi1>
        %masked_cumsum3A_2402 = tpu.scan <sum>, %add3A_2318 masked %broadcast_in_dim3A_2401 : vector<16xf32>, vector<16xi1> -> vector<16xf32>
        tpu.vector_store_idx %arg24[%broadcast_in_dim3A_2397, %broadcast_in_dim3A_2399], %masked_cumsum3A_2402 masked %eq3A_5 : memref<16x20xf32, #tpu.memory_space<vmem>>[vector<16xi32>, vector<16xi32>], vector<16xf32>, vector<16xi1>
        %broadcast_in_dim3A_2403 = vector.broadcast %scan3A_845 : i32 to vector<16xi32>
        %broadcast_in_dim3A_2404 = arith.constant 12 : i32
        %broadcast_in_dim3A_2405 = vector.broadcast %broadcast_in_dim3A_2404 : i32 to vector<16xi32>
        %broadcast_in_dim3A_2406 = arith.constant true
        %broadcast_in_dim3A_2407 = vector.broadcast %broadcast_in_dim3A_2406 : i1 to vector<16xi1>
        %masked_cumsum3A_2408 = tpu.scan <sum>, %add3A_2327 masked %broadcast_in_dim3A_2407 : vector<16xf32>, vector<16xi1> -> vector<16xf32>
        tpu.vector_store_idx %arg24[%broadcast_in_dim3A_2403, %broadcast_in_dim3A_2405], %masked_cumsum3A_2408 masked %eq3A_5 : memref<16x20xf32, #tpu.memory_space<vmem>>[vector<16xi32>, vector<16xi32>], vector<16xf32>, vector<16xi1>
        %broadcast_in_dim3A_2409 = vector.broadcast %scan3A_845 : i32 to vector<16xi32>
        %broadcast_in_dim3A_2410 = arith.constant 13 : i32
        %broadcast_in_dim3A_2411 = vector.broadcast %broadcast_in_dim3A_2410 : i32 to vector<16xi32>
        %broadcast_in_dim3A_2412 = arith.constant true
        %broadcast_in_dim3A_2413 = vector.broadcast %broadcast_in_dim3A_2412 : i1 to vector<16xi1>
        %masked_cumsum3A_2414 = tpu.scan <sum>, %add3A_2336 masked %broadcast_in_dim3A_2413 : vector<16xf32>, vector<16xi1> -> vector<16xf32>
        tpu.vector_store_idx %arg24[%broadcast_in_dim3A_2409, %broadcast_in_dim3A_2411], %masked_cumsum3A_2414 masked %eq3A_5 : memref<16x20xf32, #tpu.memory_space<vmem>>[vector<16xi32>, vector<16xi32>], vector<16xf32>, vector<16xi1>
        %broadcast_in_dim3A_2415 = vector.broadcast %scan3A_845 : i32 to vector<16xi32>
        %broadcast_in_dim3A_2416 = arith.constant 14 : i32
        %broadcast_in_dim3A_2417 = vector.broadcast %broadcast_in_dim3A_2416 : i32 to vector<16xi32>
        %broadcast_in_dim3A_2418 = arith.constant true
        %broadcast_in_dim3A_2419 = vector.broadcast %broadcast_in_dim3A_2418 : i1 to vector<16xi1>
        %masked_cumsum3A_2420 = tpu.scan <sum>, %add3A_2345 masked %broadcast_in_dim3A_2419 : vector<16xf32>, vector<16xi1> -> vector<16xf32>
        tpu.vector_store_idx %arg24[%broadcast_in_dim3A_2415, %broadcast_in_dim3A_2417], %masked_cumsum3A_2420 masked %eq3A_5 : memref<16x20xf32, #tpu.memory_space<vmem>>[vector<16xi32>, vector<16xi32>], vector<16xf32>, vector<16xi1>
        %broadcast_in_dim3A_2421 = vector.broadcast %scan3A_845 : i32 to vector<16xi32>
        %broadcast_in_dim3A_2422 = arith.constant 15 : i32
        %broadcast_in_dim3A_2423 = vector.broadcast %broadcast_in_dim3A_2422 : i32 to vector<16xi32>
        %broadcast_in_dim3A_2424 = arith.constant true
        %broadcast_in_dim3A_2425 = vector.broadcast %broadcast_in_dim3A_2424 : i1 to vector<16xi1>
        %masked_cumsum3A_2426 = tpu.scan <sum>, %add3A_2354 masked %broadcast_in_dim3A_2425 : vector<16xf32>, vector<16xi1> -> vector<16xf32>
        tpu.vector_store_idx %arg24[%broadcast_in_dim3A_2421, %broadcast_in_dim3A_2423], %masked_cumsum3A_2426 masked %eq3A_5 : memref<16x20xf32, #tpu.memory_space<vmem>>[vector<16xi32>, vector<16xi32>], vector<16xf32>, vector<16xi1>
        %broadcast_in_dim3A_2427 = vector.broadcast %scan3A_845 : i32 to vector<16xi32>
        %broadcast_in_dim3A_2428 = arith.constant 16 : i32
        %broadcast_in_dim3A_2429 = vector.broadcast %broadcast_in_dim3A_2428 : i32 to vector<16xi32>
        %broadcast_in_dim3A_2430 = arith.constant true
        %broadcast_in_dim3A_2431 = vector.broadcast %broadcast_in_dim3A_2430 : i1 to vector<16xi1>
        %masked_cumsum3A_2432 = tpu.scan <sum>, %add3A_2363 masked %broadcast_in_dim3A_2431 : vector<16xf32>, vector<16xi1> -> vector<16xf32>
        tpu.vector_store_idx %arg24[%broadcast_in_dim3A_2427, %broadcast_in_dim3A_2429], %masked_cumsum3A_2432 masked %eq3A_5 : memref<16x20xf32, #tpu.memory_space<vmem>>[vector<16xi32>, vector<16xi32>], vector<16xf32>, vector<16xi1>
        %broadcast_in_dim3A_2433 = vector.broadcast %scan3A_845 : i32 to vector<16xi32>
        %broadcast_in_dim3A_2434 = arith.constant 17 : i32
        %broadcast_in_dim3A_2435 = vector.broadcast %broadcast_in_dim3A_2434 : i32 to vector<16xi32>
        %broadcast_in_dim3A_2436 = arith.constant true
        %broadcast_in_dim3A_2437 = vector.broadcast %broadcast_in_dim3A_2436 : i1 to vector<16xi1>
        %masked_cumsum3A_2438 = tpu.scan <sum>, %add3A_2372 masked %broadcast_in_dim3A_2437 : vector<16xf32>, vector<16xi1> -> vector<16xf32>
        tpu.vector_store_idx %arg24[%broadcast_in_dim3A_2433, %broadcast_in_dim3A_2435], %masked_cumsum3A_2438 masked %eq3A_5 : memref<16x20xf32, #tpu.memory_space<vmem>>[vector<16xi32>, vector<16xi32>], vector<16xf32>, vector<16xi1>
        %broadcast_in_dim3A_2439 = vector.broadcast %scan3A_845 : i32 to vector<16xi32>
        %broadcast_in_dim3A_2440 = arith.constant 18 : i32
        %broadcast_in_dim3A_2441 = vector.broadcast %broadcast_in_dim3A_2440 : i32 to vector<16xi32>
        %broadcast_in_dim3A_2442 = arith.constant true
        %broadcast_in_dim3A_2443 = vector.broadcast %broadcast_in_dim3A_2442 : i1 to vector<16xi1>
        %masked_cumsum3A_2444 = tpu.scan <sum>, %add3A_2381 masked %broadcast_in_dim3A_2443 : vector<16xf32>, vector<16xi1> -> vector<16xf32>
        tpu.vector_store_idx %arg24[%broadcast_in_dim3A_2439, %broadcast_in_dim3A_2441], %masked_cumsum3A_2444 masked %eq3A_5 : memref<16x20xf32, #tpu.memory_space<vmem>>[vector<16xi32>, vector<16xi32>], vector<16xf32>, vector<16xi1>
        %broadcast_in_dim3A_2445 = vector.broadcast %scan3A_845 : i32 to vector<16xi32>
        %broadcast_in_dim3A_2446 = arith.constant 19 : i32
        %broadcast_in_dim3A_2447 = vector.broadcast %broadcast_in_dim3A_2446 : i32 to vector<16xi32>
        %broadcast_in_dim3A_2448 = arith.constant true
        %broadcast_in_dim3A_2449 = vector.broadcast %broadcast_in_dim3A_2448 : i1 to vector<16xi1>
        %masked_cumsum3A_2450 = tpu.scan <sum>, %add3A_2390 masked %broadcast_in_dim3A_2449 : vector<16xf32>, vector<16xi1> -> vector<16xf32>
        tpu.vector_store_idx %arg24[%broadcast_in_dim3A_2445, %broadcast_in_dim3A_2447], %masked_cumsum3A_2450 masked %eq3A_5 : memref<16x20xf32, #tpu.memory_space<vmem>>[vector<16xi32>, vector<16xi32>], vector<16xf32>, vector<16xi1>
      }
      %scan3A_835 = arith.constant 16 : i32
      %mul3A_836 = arith.constant 16 : i32
      %mul3A_837 = arith.muli %add3A_824, %mul3A_836 : i32
      %add3A_838 = arith.addi %mul3A_2, %mul3A_837 : i32
      %dma_start3A_839 = tpu.memref_slice %arg7[%add3A_838] : memref<16384xf32, #tpu.memory_space<hbm>> -> memref<16xf32, #tpu.memory_space<hbm>>
      %dma_start3A_840 = tpu.memref_slice %arg7[%add3A_838] : memref<16384xf32, #tpu.memory_space<hbm>> -> memref<16xf32, #tpu.memory_space<hbm>>
      tpu.enqueue_dma source(%arg22 : memref<16xf32, #tpu.memory_space<vmem>>) target(%dma_start3A_840 : memref<16xf32, #tpu.memory_space<hbm>>) target_semaphore(%arg28 : memref<!tpu.dma_semaphore, #tpu.memory_space<semaphore_mem>>)
      %dma_start3A_841 = arith.constant 0 : i32
      %dma_start3A_842 = tpu.memref_slice %arg8[%add3A_838, %dma_start3A_841] : memref<16384x20xf32, #tpu.memory_space<hbm>> -> memref<16x20xf32, #tpu.memory_space<hbm>>
      %dma_start3A_843 = arith.constant 0 : i32
      %dma_start3A_844 = tpu.memref_slice %arg8[%add3A_838, %dma_start3A_843] : memref<16384x20xf32, #tpu.memory_space<hbm>> -> memref<16x20xf32, #tpu.memory_space<hbm>>
      tpu.enqueue_dma source(%arg24 : memref<16x20xf32, #tpu.memory_space<vmem>>) target(%dma_start3A_844 : memref<16x20xf32, #tpu.memory_space<hbm>>) target_semaphore(%arg28 : memref<!tpu.dma_semaphore, #tpu.memory_space<semaphore_mem>>)
    }
    %scan3A_370 = arith.constant 16 : i32
    %dma_wait3A_371 = arith.constant 0 : i32
    %dma_wait3A_372 = tpu.memref_slice %arg7[%dma_wait3A_371] : memref<16384xf32, #tpu.memory_space<hbm>> -> memref<16xf32, #tpu.memory_space<hbm>>
    %dma_wait3A_373 = arith.constant 0 : i32
    %dma_wait3A_374 = tpu.memref_slice %arg7[%dma_wait3A_373] : memref<16384xf32, #tpu.memory_space<hbm>> -> memref<16xf32, #tpu.memory_space<hbm>>
    tpu.wait_dma2 semaphore(%arg27 : memref<!tpu.dma_semaphore, #tpu.memory_space<semaphore_mem>>) src(%arg21 : memref<16xf32, #tpu.memory_space<vmem>>) dst(%dma_wait3A_374 : memref<16xf32, #tpu.memory_space<hbm>>)
    %dma_wait3A_375 = arith.constant 0 : i32
    %dma_wait3A_376 = arith.constant 0 : i32
    %dma_wait3A_377 = tpu.memref_slice %arg8[%dma_wait3A_375, %dma_wait3A_376] : memref<16384x20xf32, #tpu.memory_space<hbm>> -> memref<16x20xf32, #tpu.memory_space<hbm>>
    %dma_wait3A_378 = arith.constant 0 : i32
    %dma_wait3A_379 = arith.constant 0 : i32
    %dma_wait3A_380 = tpu.memref_slice %arg8[%dma_wait3A_378, %dma_wait3A_379] : memref<16384x20xf32, #tpu.memory_space<hbm>> -> memref<16x20xf32, #tpu.memory_space<hbm>>
    tpu.wait_dma2 semaphore(%arg27 : memref<!tpu.dma_semaphore, #tpu.memory_space<semaphore_mem>>) src(%arg23 : memref<16x20xf32, #tpu.memory_space<vmem>>) dst(%dma_wait3A_380 : memref<16x20xf32, #tpu.memory_space<hbm>>)
    %dma_wait3A_381 = arith.constant 0 : i32
    %dma_wait3A_382 = tpu.memref_slice %arg7[%dma_wait3A_381] : memref<16384xf32, #tpu.memory_space<hbm>> -> memref<16xf32, #tpu.memory_space<hbm>>
    %dma_wait3A_383 = arith.constant 0 : i32
    %dma_wait3A_384 = tpu.memref_slice %arg7[%dma_wait3A_383] : memref<16384xf32, #tpu.memory_space<hbm>> -> memref<16xf32, #tpu.memory_space<hbm>>
    tpu.wait_dma2 semaphore(%arg28 : memref<!tpu.dma_semaphore, #tpu.memory_space<semaphore_mem>>) src(%arg22 : memref<16xf32, #tpu.memory_space<vmem>>) dst(%dma_wait3A_384 : memref<16xf32, #tpu.memory_space<hbm>>)
    %dma_wait3A_385 = arith.constant 0 : i32
    %dma_wait3A_386 = arith.constant 0 : i32
    %dma_wait3A_387 = tpu.memref_slice %arg8[%dma_wait3A_385, %dma_wait3A_386] : memref<16384x20xf32, #tpu.memory_space<hbm>> -> memref<16x20xf32, #tpu.memory_space<hbm>>
    %dma_wait3A_388 = arith.constant 0 : i32
    %dma_wait3A_389 = arith.constant 0 : i32
    %dma_wait3A_390 = tpu.memref_slice %arg8[%dma_wait3A_388, %dma_wait3A_389] : memref<16384x20xf32, #tpu.memory_space<hbm>> -> memref<16x20xf32, #tpu.memory_space<hbm>>
    tpu.wait_dma2 semaphore(%arg28 : memref<!tpu.dma_semaphore, #tpu.memory_space<semaphore_mem>>) src(%arg24 : memref<16x20xf32, #tpu.memory_space<vmem>>) dst(%dma_wait3A_390 : memref<16x20xf32, #tpu.memory_space<hbm>>)
    return
  }
}

</mosaic_0001>

<sc_bundles>
// kernel: _run.3.cloned.1.call-start
scs
__scs_entry_jumppad:
0x0: {  	(pc) =	sbr.rel $0x88, $3  }
0x1: {  	(tag) =	ssettag $0x0;
	lr =	simm.s32 $0x1  }
0x2: {  	[smem:$0x3F9C] =	sst lr;
	_ =	strace $0xD0000000  }
0x3: {  	_ = 	snop  }
0x4: {  	_ = 	snop  }
0x5: {  	_ = 	snop  }
0x6: {  	_ = 	snop  }
0x7: {  	_ = 	snop  }
__scs_overlays_trampoline_lowered:
0x8: {  	[smem:$0x3FAB] =	sst s0  }
0x9: {  	[smem:$0x3FAC] =	sst s1  }
0xa: {  	[smem:$0x3FAD] =	sst s2  }
0xb: {  	[smem:$0x3FAE] =	sst s3  }
0xc: {  	[smem:$0x3FAF] =	sst s4  }
0xd: {  	[smem:$0x3FB0] =	sst s5  }
0xe: {  	[smem:$0x3FB1] =	sst s6  }
0xf: {  	[smem:$0x3FB2] =	sst s7  }
0x10: {  	[smem:$0x3FB3] =	sst s8  }
0x11: {  	[smem:$0x3FB4] =	sst s9;
	s0 =	simm.s32 @!p0 $0x0  }
0x12: {  	s1 =	sld [smem:$0x3F9A];
	s0 =	simm.s32 @p0 $0x1  }
0x13: {  	[smem:$0x3FB5] =	sst s0;
	s0 =	simm.s32 @!p1 $0x0  }
0x14: {  	s2 =	sld [smem:$0x3F99];
	s0 =	simm.s32 @p1 $0x1  }
0x15: {  	[smem:$0x3FB6] =	sst s0;
	s0 =	simm.s32 @!p2 $0x0  }
0x16: {  	s3 =	sld [smem:$0x3FDB];
	s0 =	simm.s32 @p2 $0x1  }
0x17: {  	s4 =	simm.s32 $0x1BF5;
	[smem:$0x3FB8] =	sst s0  }
0x18: {  	s0 =	sld [smem:$0x3F9B];
	_ =	swait.ge [sflag:s4], $0x0  }
0x19: {  	s7 =	sld [smem:$0x3F9C]  }
0x1a: {  	s8 =	sadd.s32 $0xFFFFE003, lr  }
0x1b: {  	s9 =	sadd.s32 $0xFFFFFEF7, lr;
	s5 =	simm.s32 $0xFFFFFFFF;
	p2 =	slt.u32 s8, $0xFFFFF086  }
0x1c: {  	p1 =	slt.u32 s9, $0xF7A;
	s5 =	simm.s32 @!p2 $0x0  }
0x1d: {  	s5 =	simm.s32 @p1 $0x1;
	p0 =	seq.s32 s7, s2  }
0x1e: {  	s7 =	smul.u32 @!p0 $0xF7A, s2;
	p2 =	seq.s32 @!p0 s5, $0x0  }
0x1f: {  	s9 =	smul.u32 $0xF7A, s1;
	s8 =	simm.s32 @!p0 $0x1BF5;
	p2 =	por !p2, p0  }
0x20: {  	[sflag:s8] =	ssyncset.s32 @!p0 $0xFFFFF086;
	s6 =	sadd.s32 @!p0 s3, s7;
	s7 =	simm.s32 @!p0 $0x108  }
0x21: {  	s3 =	sadd.s32 s3, s9;
	s6 =	sadd.s32 @!p0 $0x88, s6;
	s7 =	simm.s32 @p2 $0x1082  }
0x22: {  	[simem:s7], [sflag:s8] =	dma.local @!p0 [hbm:s6], $0xF7A  }
0x23: {  	s9 =	sor.u32 $0xD0000000, s2;
	s6 =	simm.s32 $0x108;
	_ =	swait.ge @!p0 [sflag:s8], $0x0  }
0x24: {  	s3 =	sadd.s32 $0x88, s3;
	s6 =	simm.s32 @!p1 $0x1082;
	[sflag:s4] =	ssyncset.s32 $0xFFFFF086  }
0x25: {  	[simem:s6], [sflag:s4] =	dma.local [hbm:s3], $0xF7A  }
0x26: {  	[smem:$0x3F9C] =	sst s1;
	(tag) =	ssettag s2;
	_ =	strace s9  }
0x27: {  	s1 =	sld [smem:$0x3FAC]  }
0x28: {  	s2 =	sld [smem:$0x3FAD]  }
0x29: {  	s4 =	sld [smem:$0x3FAF]  }
0x2a: {  	p0 =	seq.s32 s5, $0x0;
	s5 =	sld [smem:$0x3FB0]  }
0x2b: {  	s6 =	sld [smem:$0x3FB1]  }
0x2c: {  	s7 =	sld [smem:$0x3FB2]  }
0x2d: {  	s3 =	simm.s32 $0x108;
	s8 =	sld [smem:$0x3FB3]  }
0x2e: {  	s3 =	simm.s32 @!p0 $0x1082;
	s9 =	sld [smem:$0x3FB4]  }
0x2f: {  	lr =	sadd.s32 s0, s3;
	s0 =	sld [smem:$0x3FAB]  }
0x30: {  	s3 =	sld [smem:$0x3FAE]  }
0x31: {  	[smem:$0x3FB7] =	sst s10  }
0x32: {  	s10 =	sld [smem:$0x3FB5];
	_ =	sdelay $0x3  }
0x33: {  	p0 =	seq.s32 s10, $0x1;
	s10 =	sld [smem:$0x3FB7];
	_ =	sdelay $0x3  }
0x34: {  	[smem:$0x3FB7] =	sst s10  }
0x35: {  	s10 =	sld [smem:$0x3FB6];
	_ =	sdelay $0x3  }
0x36: {  	p1 =	seq.s32 s10, $0x1;
	s10 =	sld [smem:$0x3FB7];
	_ =	sdelay $0x3  }
0x37: {  	[smem:$0x3FB7] =	sst s10  }
0x38: {  	s10 =	sld [smem:$0x3FB8]  }
0x39: {  	_ = 	snop;
	(pc) =	sbr.ind lr, $3  }
0x3a: {  	_ = 	snop  }
0x3b: {  	_ = 	snop  }
0x3c: {  	p2 =	seq.s32 s10, $0x1;
	s10 =	sld [smem:$0x3FB7]  }
0x3d: {  	_ =	shalt  }
0x3e: {  	_ =	shalt  }
0x3f: {  	_ =	shalt  }
0x40: {  	_ =	shalt  }
0x41: {  	_ =	shalt  }
0x42: {  	_ =	shalt  }
0x43: {  	_ =	shalt  }
0x44: {  	_ =	shalt  }
0x45: {  	_ =	shalt  }
0x46: {  	_ =	shalt  }
0x47: {  	_ =	shalt  }
0x48: {  	_ =	shalt  }
0x49: {  	_ =	shalt  }
0x4a: {  	_ =	shalt  }
0x4b: {  	_ =	shalt  }
0x4c: {  	_ =	shalt  }
0x4d: {  	_ =	shalt  }
0x4e: {  	_ =	shalt  }
0x4f: {  	_ =	shalt  }
0x50: {  	_ =	shalt  }
0x51: {  	_ =	shalt  }
0x52: {  	_ =	shalt  }
0x53: {  	_ =	shalt  }
0x54: {  	_ =	shalt  }
0x55: {  	_ =	shalt  }
0x56: {  	_ =	shalt  }
0x57: {  	_ =	shalt  }
0x58: {  	_ =	shalt  }
0x59: {  	_ =	shalt  }
0x5a: {  	_ =	shalt  }
0x5b: {  	_ =	shalt  }
0x5c: {  	_ =	shalt  }
0x5d: {  	_ =	shalt  }
0x5e: {  	_ =	shalt  }
0x5f: {  	_ =	shalt  }
0x60: {  	_ =	shalt  }
0x61: {  	_ =	shalt  }
0x62: {  	_ =	shalt  }
0x63: {  	_ =	shalt  }
0x64: {  	_ =	shalt  }
0x65: {  	_ =	shalt  }
0x66: {  	_ =	shalt  }
0x67: {  	_ =	shalt  }
0x68: {  	_ =	shalt  }
0x69: {  	_ =	shalt  }
0x6a: {  	_ =	shalt  }
0x6b: {  	_ =	shalt  }
0x6c: {  	_ =	shalt  }
0x6d: {  	_ =	shalt  }
0x6e: {  	_ =	shalt  }
0x6f: {  	_ =	shalt  }
0x70: {  	_ =	shalt  }
0x71: {  	_ =	shalt  }
0x72: {  	_ =	shalt  }
0x73: {  	_ =	shalt  }
0x74: {  	_ =	shalt  }
0x75: {  	_ =	shalt  }
0x76: {  	_ =	shalt  }
0x77: {  	_ =	shalt  }
0x78: {  	_ =	shalt  }
0x79: {  	_ =	shalt  }
0x7a: {  	_ =	shalt  }
0x7b: {  	_ =	shalt  }
0x7c: {  	_ =	shalt  }
0x7d: {  	_ =	shalt  }
0x7e: {  	_ =	shalt  }
0x7f: {  	_ =	shalt  }
0x80: {  	_ =	shalt  }
0x81: {  	_ =	shalt  }
0x82: {  	_ =	shalt  }
0x83: {  	_ =	shalt  }
0x84: {  	_ =	shalt  }
0x85: {  	_ =	shalt  }
0x86: {  	_ =	shalt  }
0x87: {  	_ =	shalt  }
.Lfunc_end0:
.L_simem_size_0:
called_computation_lowered:
.L_overlay_start_0:
0x88: {  	s2 =	sld [smem:$0x3FD9]  }
0x89: {  	s3 =	sld [smem:$0x3FFE];
	_ =	sdelay $0x1  }
0x8a: {  	s1 =	srdreg.scid  }
0x8b: {  	s0 =	sand.u32 $0x1, s1  }
0x8c: {  	s14 =	sshll.u32 s0, $0xA;
	s2 =	sadd.s32 s3, s2  }
0x8d: {  	s2 =	sadd.s32 s2, s14  }
0x8e: {  	[smem:$0x3FC3] =	sst s2  }
0x8f: {  	_ = 	snop  }
0x90: {  	s2 =	sld [smem:$0x3FC9]  }
0x91: {  	s15 =	sld [smem:$0x3FD0]  }
0x92: {  	s4 =	sld [smem:$0x3FC8]  }
0x93: {  	s5 =	sld [smem:$0x3FC6]  }
0x94: {  	s7 =	simm.s32 $0xA;
	s8 =	simm.s32 $0x10;
	s6 =	sld [smem:$0x3FC5]  }
0x95: {  	[smem:s8], [sflag:s7] =	dma.local [hbm:s15], $0x1  }
0x96: {  	_ =	swait.eq [sflag:s7], $0x1  }
0x97: {  	[sflag:s7] =	ssyncset.done $0x0  }
0x98: {  	[sflag:s7] =	ssyncadd.s32 $0xFFFFFFFF  }
0x99: {  	s16 =	sld [smem:$0x10];
	(tm) =	ssettm $0x1  }
0x9a: {  	s17 =	sld [smem:$0x3FFB];
	_ =	sdelay $0x3  }
0x9b: {  	_ =	strace s17  }
0x9c: {  	s7 =	sld [smem:$0x3FFC];
	_ =	sdelay $0x3  }
0x9d: {  	_ =	strace s7  }
0x9e: {  	s7 =	sld [smem:$0x3FFD];
	_ =	sdelay $0x3  }
0x9f: {  	_ =	strace s7  }
0xa0: {  	_ =	strace $0x8FFFFFFF  }
0xa1: {  	s18 =	sld [smem:$0x3FDB];
	_ =	sdelay $0x1  }
0xa2: {  	s19 =	simm.s32 $_scs_section_size  }
0xa3: {  	s9 =	simm.s32 $_size__tile_overlayer_lowered;
	s10 =	simm.s32 $_tile_overlayer_lowered  }
0xa4: {  	s22 =	simm.s32 $0x1BFF;
	s21 =	sshll.u32 s10, $0x1;
	s7 =	sadd.s32 s19, s18  }
0xa5: {  	s11 =	simm.s32 $0x0;
	s20 =	sshll.u32 s9, $0x1;
	s9 =	sadd.s32 s21, s7  }
0xa6: {  	[timem:s11], [sflag:s22] =	dma.local [hbm:s9], s20  }
0xa7: {  	_ =	swait.ge [sflag:s22], s20  }
0xa8: {  	s8 =	ssub.s32 $0x0, s20;
	[sflag:s22] =	ssyncset.done $0x0  }
0xa9: {  	[sflag:s22] =	ssyncadd.s32 s8;
	_ =	sdelay $0x1  }
0xaa: {  	s23 =	simm.s32 $0x1B8B  }
0xab: {  	_ =	swait.ge [sflag:s23], $0x1  }
0xac: {  	[sflag:s23] =	ssyncset.done $0x0  }
0xad: {  	s25 =	simm.s32 $0x1B8E;
	s24 =	sld [smem:$0x3FFE];
	[sflag:s23] =	ssyncadd.s32 $0xFFFFFFFF  }
0xae: {  	s26 =	simm.s32 $execute0_lowered;
	[smem:$0x3FD2] =	sst s25  }
0xaf: {  	s9 =	sshll.u32 s26, $0x1;
	_ =	strace $0x80000046;
	[dreg:$0x1] =	wrdreg $0xFFFFFFFF  }
0xb0: {  	s28 =	simm.s32 $_size_execute0_lowered;
	s7 =	sadd.s32 s7, s9;
	[dreg:$0x0] =	wrdreg $0x0  }
0xb1: {  	s9 =	sshll.u32 s28, $0x1;
	[dreg:$0x2] =	wrdreg s7  }
0xb2: {  	[dreg:$0x3] =	wrdreg s9  }
0xb3: {  	[dreg:$0x4] =	wrdreg $0xC0  }
0xb4: {  	_ =	task [dreg:s11], $0x5FFFF  }
0xb5: {  	[dreg:$0x1] =	wrdreg $0xFFFFFFFF  }
0xb6: {  	[dreg:$0x0] =	wrdreg $0x60  }
0xb7: {  	[dreg:$0x2] =	wrdreg s2  }
0xb8: {  	[dreg:$0x3] =	wrdreg s4  }
0xb9: {  	[dreg:$0x4] =	wrdreg s24  }
0xba: {  	[dreg:$0x5] =	wrdreg s5  }
0xbb: {  	[dreg:$0x6] =	wrdreg s6  }
0xbc: {  	[dreg:$0x7] =	wrdreg s16  }
0xbd: {  	[dreg:$0x8] =	wrdreg $0x9  }
0xbe: {  	_ =	task.clear_ibuf [dreg:s11], $0x9FFFF;
	_ =	strace $0x90000046  }
0xbf: {  	s29 =	simm.s32 $0x9;
	_ =	strace $0x80000048  }
0xc0: {  	_ =	swait.ge [sflag:s29], $0x1  }
0xc1: {  	[sflag:s29] =	ssyncadd.s32 $0xFFFFFFFF  }
0xc2: {  	_ =	strace $0x90000048  }
0xc3: {  	_ =	sfence  }
0xc4: {  	s30 =	sld [smem:$0x0];
	_ =	sdelay $0x2  }
0xc5: {  	s31 =	sshll.u32 s1, $0xD;
	s1 =	sshrl.u32 s1, $0x2  }
0xc6: {  	s3 =	sand.u32 $0x4000, s31;
	s1 =	sadd.s32 s1, s30  }
0xc7: {  	s0 =	sor.u32 s3, s0;
	s1 =	sshll.u32 s1, $0x11  }
0xc8: {  	s0 =	sor.u32 s1, s0  }
0xc9: {  	s0 =	sadd.s32 $0x8F2B, s0  }
0xca: {  	[sflag:s0] =	ssyncadd.remote.s32 $0x1  }
0xcb: {  	_ =	sfence.sel $0xFFFF  }
0xcc: {  	[dreg:$0x0] =	wrdreg $0xFFFFFFFF;
	(pc) =	sbr.abs _section_cstart, $3  }
0xcd: {  	[dreg:$0x1] =	wrdreg $0xFFFFFFFF  }
0xce: {  	_ =	task.clear_ibuf [dreg:s11], $0x2FFFF;
	_ =	strace $0x9FFFFFFF  }
0xcf: {  	(tm) =	ssettm $0x7FFFFFFF  }
tec
execute0_lowered:
.L_overlay_start_1:
0x0: {  	(tag) =	ssettag $0x1  }
0x1: {  	v0 =	vlaneseq.u32  }
0x2: {  	v3 =	vor.u32 $0x80, v0  }
0x3: {  	v2 =	vand.u32 $0x3, v0;
	[tilespmem:$0x1FD30] =	vst v3;
	v3 =	vadd.s32 $0x14, v0  }
0x4: {  	[tilespmem:$0x1FD40] =	vst v3;
	v3 =	vor.u32 $0x90, v2  }
0x5: {  	[tilespmem:$0x1FD50] =	vst v3;
	v3 =	vor.u32 $0x24, v2  }
0x6: {  	[tilespmem:$0x1FD60] =	vst v3;
	v3 =	vor.u32 $0x100, v0  }
0x7: {  	s1 =	rddreg [dreg:$0x0];
	[tilespmem:$0x1FD70] =	vst v3;
	v3 =	vadd.s32 $0x28, v0  }
0x8: {  	s4 =	rddreg [dreg:$0x1];
	[tilespmem:$0x1FD80] =	vst v3;
	v3 =	vor.u32 $0x110, v2  }
0x9: {  	s7 =	rddreg [dreg:$0x2];
	[tilespmem:$0x1FD90] =	vst v3;
	v3 =	vor.u32 $0x38, v2  }
0xa: {  	s0 =	rddreg [dreg:$0x3];
	s5 =	srdreg.scid;
	[tilespmem:$0x1FDA0] =	vst v3;
	v3 =	vor.u32 $0x180, v0  }
0xb: {  	s2 =	rddreg [dreg:$0x4];
	s8 =	sand.u32 $0x1, s5;
	s5 =	simm.s32 $0x0;
	[tilespmem:$0x1FDB0] =	vst v3;
	v3 =	vadd.s32 $0x3C, v0  }
0xc: {  	[smem:$0x7FF] =	sst s5;
	[tilespmem:$0x1FDC0] =	vst v3;
	v3 =	vor.u32 $0x190, v2  }
0xd: {  	s3 =	rddreg [dreg:$0x5];
	_ =	strace $0x80000047;
	[tilespmem:$0x1FDD0] =	vst v3;
	v3 =	vor.u32 $0x4C, v2  }
0xe: {  	[tilespmem:$0x1FDE0] =	vst v3;
	v3 =	vor.u32 $0x200, v0  }
0xf: {  	[tilespmem:$0x1FDF0] =	vst v3;
	v3 =	vor.u32 $0x50, v0  }
0x10: {  	[tilespmem:$0x1FE00] =	vst v3;
	v3 =	vor.u32 $0x210, v2  }
0x11: {  	[tilespmem:$0x1FE10] =	vst v3;
	v3 =	vor.u32 $0x60, v2  }
0x12: {  	[tilespmem:$0x1FE20] =	vst v3;
	v3 =	vor.u32 $0x280, v0  }
0x13: {  	[tilespmem:$0x1FE30] =	vst v3;
	v3 =	vadd.s32 $0x64, v0  }
0x14: {  	[tilespmem:$0x1FE40] =	vst v3;
	v3 =	vor.u32 $0x290, v2  }
0x15: {  	[tilespmem:$0x1FE50] =	vst v3;
	v3 =	vor.u32 $0x74, v2  }
0x16: {  	[tilespmem:$0x1FE60] =	vst v3;
	v3 =	vor.u32 $0x300, v0  }
0x17: {  	[tilespmem:$0x1FE70] =	vst v3;
	v3 =	vadd.s32 $0x78, v0  }
0x18: {  	[tilespmem:$0x1FE80] =	vst v3;
	v3 =	vor.u32 $0x310, v2  }
0x19: {  	[tilespmem:$0x1FE90] =	vst v3;
	v3 =	vor.u32 $0x88, v2  }
0x1a: {  	[tilespmem:$0x1FEA0] =	vst v3;
	v3 =	vor.u32 $0x380, v0  }
0x1b: {  	[tilespmem:$0x1FEB0] =	vst v3;
	v3 =	vadd.s32 $0x8C, v0  }
0x1c: {  	[tilespmem:$0x1FEC0] =	vst v3;
	v3 =	vor.u32 $0x390, v2  }
0x1d: {  	[tilespmem:$0x1FED0] =	vst v3;
	v3 =	vor.u32 $0x9C, v2  }
0x1e: {  	[tilespmem:$0x1FEE0] =	vst v3;
	v3 =	vor.u32 $0x400, v0  }
0x1f: {  	[tilespmem:$0x1FEF0] =	vst v3;
	v3 =	vor.u32 $0xA0, v0  }
0x20: {  	[tilespmem:$0x1FF00] =	vst v3;
	v3 =	vor.u32 $0x410, v2  }
0x21: {  	[tilespmem:$0x1FF10] =	vst v3;
	v3 =	vor.u32 $0xB0, v2  }
0x22: {  	[tilespmem:$0x1FF20] =	vst v3;
	v3 =	vor.u32 $0x480, v0  }
0x23: {  	s6 =	stileid.u32;
	[tilespmem:$0x1FF30] =	vst v3;
	v3 =	vadd.s32 $0xB4, v0  }
0x24: {  	s18 =	simm.s32 $0x1400;
	s19 =	simm.s32 $0x10;
	s22 =	simm.s32 $0x50;
	[tilespmem:$0x1FF40] =	vst v3;
	v3 =	vor.u32 $0x490, v2  }
0x25: {  	s31 =	simm.s32 $0xC00;
	s20 =	simm.s32 $0x1580;
	s15 =	simm.s32 $0x14F00;
	[tilespmem:$0x1FF50] =	vst v3;
	v3 =	vor.u32 $0xC4, v2  }
0x26: {  	s13 =	simm.s32 $0x17780;
	s17 =	simm.s32 $0x18000;
	s14 =	simm.s32 $0x3;
	[tilespmem:$0x1FF60] =	vst v3;
	v3 =	vor.u32 $0x500, v0  }
0x27: {  	s21 =	simm.s32 $0x4;
	s6 =	sshll.u32 s6, $0xA;
	s9 =	sshll.u32 s8, $0x9;
	[tilespmem:$0x1FF70] =	vst v3;
	v3 =	vadd.s32 $0xC8, v0  }
0x28: {  	vm0 =	vcmask $0x3F3C;
	s23 =	simm.s32 $0x0;
	v47 =	vor.u32 $0xF0, v0;
	s8 =	ssub.s32 $0x2, s8;
	s6 =	sor.u32 s9, s6;
	[tilespmem:$0x1FF80] =	vst v3;
	v3 =	vor.u32 $0x510, v2  }
0x29: {  	v50 =	vor.u32 $0x680, v0;
	v51 =	vadd.s32 $0x104, v0;
	s10 =	sshrl.u32 s8, $0x1;
	s9 =	sshll.u32 s6, $0x4;
	s11 =	sshrl.u32 s6, $0x3;
	[tilespmem:$0x1FF90] =	vst v3;
	v3 =	vor.u32 $0xD8, v2  }
0x2a: {  	v54 =	vor.u32 $0x700, v0;
	v55 =	vadd.s32 $0x118, v0;
	s8 =	ssub.s32 s8, s10;
	s9 =	sadd.s32 s9, s7;
	s7 =	sadd.s32 $0x40800, s7;
	[tilespmem:$0x1FFA0] =	vst v3;
	v3 =	vor.u32 $0x580, v0  }
0x2b: {  	v58 =	vor.u32 $0x780, v0;
	v59 =	vadd.s32 $0x12C, v0;
	s1 =	sadd.s32 s1, s11;
	s28 =	sadd.s32 s4, s11;
	s30 =	smax.u32 s8, $0x1;
	[tilespmem:$0x1FFB0] =	vst v3;
	v3 =	vadd.s32 $0xDC, v0  }
0x2c: {  	v61 =	vor.u32 $0x13C, v0;
	v1 =	vor.u32 $0x10, v2;
	s4 =	simm.s32 $0x6;
	s8 =	simm.s32 $0x17700;
	[dreg:$0x7] =	wrdreg s1;
	[tilespmem:$0x1FFC0] =	vst v3;
	v3 =	vor.u32 $0x590, v2  }
0x2d: {  	v48 =	vor.u32 $0x610, v2;
	v49 =	vor.u32 $0x100, v2;
	s11 =	simm.s32 $0x2;
	s29 =	sadd.s32 $0x900, s9;
	[dreg:$0x8] =	wrdreg s28;
	[tilespmem:$0x1FFD0] =	vst v3;
	v3 =	vor.u32 $0xEC, v2  }
0x2e: {  	v52 =	vor.u32 $0x690, v2;
	v53 =	vor.u32 $0x114, v2;
	s10 =	sadd.s32 $0x800, s9;
	s12 =	sadd.s32 $0xB00, s9;
	[dreg:$0x9] =	wrdreg s29;
	[tilespmem:$0x1FFE0] =	vst v3;
	v3 =	vor.u32 $0x600, v0  }
0x2f: {  	v56 =	vor.u32 $0x710, v2;
	v57 =	vor.u32 $0x128, v2;
	v60 =	vor.u32 $0x790, v2;
	s9 =	simm.s32 $0x17800;
	[dreg:$0xa] =	wrdreg s30;
	s1 =	simm.s32 $0x1;
	[tilespmem:$0x1FFF0] =	vst v3  }
.LBB2_1:
0x30: {  	[dreg:$0xb] =	wrdreg s23  }
0x31: {  	s16 =	rddreg [dreg:$0x7];
	s29 =	simm.s32 $0x7  }
0x32: {  	[tilespmem:s5], [sflag:$0x7] =	stream.linear.gather [hbm4b:s16+s5], $0x200, $0x38;
	[tilespmem:$0x18800] =	vst v63  }
0x33: {  	_ =	swait.ge [sflag:s29], $0x200  }
0x34: {  	[sflag:s29] =	ssyncset.done $0x0  }
0x35: {  	s24 =	simm.s32 $0x200;
	s30 =	rddreg [dreg:$0x8];
	[sflag:s29] =	ssyncadd.s32 $0xFFFFFE00  }
0x36: {  	[tilespmem:s24], [sflag:$0x7] =	stream.linear.gather [hbm4b:s30+s5], $0x200, $0x38;
	[tilespmem:$0x18800] =	vst v63  }
0x37: {  	_ =	swait.ge [sflag:s29], $0x200  }
0x38: {  	[sflag:s29] =	ssyncset.done $0x0  }
0x39: {  	s25 =	simm.s32 $0x400;
	s26 =	simm.s32 $0x5;
	v0 =	vlaneseq.u32;
	[sflag:s29] =	ssyncadd.s32 $0xFFFFFE00  }
0x3a: {  	[tilespmem:s25], [sflag:$0x5] =	stream.linear.gather [hbm4b:s10+s5], $0x800, $0x38;
	[tilespmem:$0x18800] =	vst v63  }
0x3b: {  	_ =	swait.ge [sflag:s26], $0x800  }
0x3c: {  	[sflag:s26] =	ssyncset.done $0x0  }
0x3d: {  	[sflag:s26] =	ssyncadd.s32 $0xFFFFF800  }
0x3e: {  	v2 =	vld.idx.msk [tilespmem:v0+s25+$0x0], $0xffff;
	_ =	sdelay $0x4  }
0x3f: {  	[tilespmem:v0+s18+$0x0] =	vst.idx.msk $0xffff, v2;
	v0 =	vld [tilespmem:$0x1FD30];
	_ =	sdelay $0x1  }
0x40: {  	v2 =	vld.idx.msk [tilespmem:v1+s25+$0x0], $0xffff;
	_ =	sdelay $0x4  }
0x41: {  	[tilespmem:v1+s18+$0x0] =	vst.idx.msk $0xf, v2  }
0x42: {  	v2 =	vld.idx.msk [tilespmem:v0+s25+$0x0], $0xffff  }
0x43: {  	v0 =	vld [tilespmem:$0x1FD40];
	_ =	sdelay $0x7  }
0x44: {  	[tilespmem:v0+s18+$0x0] =	vst.idx.msk $0xffff, v2;
	v0 =	vld [tilespmem:$0x1FD50];
	_ =	sdelay $0x7  }
0x45: {  	v2 =	vld.idx.msk [tilespmem:v0+s25+$0x0], $0xffff  }
0x46: {  	v0 =	vld [tilespmem:$0x1FD60];
	_ =	sdelay $0x7  }
0x47: {  	[tilespmem:v0+s18+$0x0] =	vst.idx.msk $0xf, v2;
	v0 =	vld [tilespmem:$0x1FD70];
	_ =	sdelay $0x7  }
0x48: {  	v2 =	vld.idx.msk [tilespmem:v0+s25+$0x0], $0xffff  }
0x49: {  	v0 =	vld [tilespmem:$0x1FD80];
	_ =	sdelay $0x7  }
0x4a: {  	[tilespmem:v0+s18+$0x0] =	vst.idx.msk $0xffff, v2;
	v0 =	vld [tilespmem:$0x1FD90];
	_ =	sdelay $0x7  }
0x4b: {  	v2 =	vld.idx.msk [tilespmem:v0+s25+$0x0], $0xffff  }
0x4c: {  	v0 =	vld [tilespmem:$0x1FDA0];
	_ =	sdelay $0x7  }
0x4d: {  	[tilespmem:v0+s18+$0x0] =	vst.idx.msk $0xf, v2;
	v0 =	vld [tilespmem:$0x1FDB0];
	_ =	sdelay $0x7  }
0x4e: {  	v2 =	vld.idx.msk [tilespmem:v0+s25+$0x0], $0xffff  }
0x4f: {  	v0 =	vld [tilespmem:$0x1FDC0];
	_ =	sdelay $0x7  }
0x50: {  	[tilespmem:v0+s18+$0x0] =	vst.idx.msk $0xffff, v2;
	v0 =	vld [tilespmem:$0x1FDD0];
	_ =	sdelay $0x7  }
0x51: {  	v2 =	vld.idx.msk [tilespmem:v0+s25+$0x0], $0xffff  }
0x52: {  	v0 =	vld [tilespmem:$0x1FDE0];
	_ =	sdelay $0x7  }
0x53: {  	[tilespmem:v0+s18+$0x0] =	vst.idx.msk $0xf, v2;
	v0 =	vld [tilespmem:$0x1FDF0];
	_ =	sdelay $0x7  }
0x54: {  	v2 =	vld.idx.msk [tilespmem:v0+s25+$0x0], $0xffff  }
0x55: {  	v0 =	vld [tilespmem:$0x1FE00];
	_ =	sdelay $0x7  }
0x56: {  	[tilespmem:v0+s18+$0x0] =	vst.idx.msk $0xffff, v2;
	v0 =	vld [tilespmem:$0x1FE10];
	_ =	sdelay $0x7  }
0x57: {  	v2 =	vld.idx.msk [tilespmem:v0+s25+$0x0], $0xffff  }
0x58: {  	v0 =	vld [tilespmem:$0x1FE20];
	_ =	sdelay $0x7  }
0x59: {  	[tilespmem:v0+s18+$0x0] =	vst.idx.msk $0xf, v2;
	v0 =	vld [tilespmem:$0x1FE30];
	_ =	sdelay $0x7  }
0x5a: {  	v2 =	vld.idx.msk [tilespmem:v0+s25+$0x0], $0xffff  }
0x5b: {  	v0 =	vld [tilespmem:$0x1FE40];
	_ =	sdelay $0x7  }
0x5c: {  	[tilespmem:v0+s18+$0x0] =	vst.idx.msk $0xffff, v2;
	v0 =	vld [tilespmem:$0x1FE50];
	_ =	sdelay $0x7  }
0x5d: {  	v2 =	vld.idx.msk [tilespmem:v0+s25+$0x0], $0xffff  }
0x5e: {  	v0 =	vld [tilespmem:$0x1FE60];
	_ =	sdelay $0x7  }
0x5f: {  	[tilespmem:v0+s18+$0x0] =	vst.idx.msk $0xf, v2;
	v0 =	vld [tilespmem:$0x1FE70];
	_ =	sdelay $0x7  }
0x60: {  	v2 =	vld.idx.msk [tilespmem:v0+s25+$0x0], $0xffff  }
0x61: {  	v0 =	vld [tilespmem:$0x1FE80];
	_ =	sdelay $0x7  }
0x62: {  	[tilespmem:v0+s18+$0x0] =	vst.idx.msk $0xffff, v2;
	v0 =	vld [tilespmem:$0x1FE90];
	_ =	sdelay $0x7  }
0x63: {  	v2 =	vld.idx.msk [tilespmem:v0+s25+$0x0], $0xffff  }
0x64: {  	v0 =	vld [tilespmem:$0x1FEA0];
	_ =	sdelay $0x7  }
0x65: {  	[tilespmem:v0+s18+$0x0] =	vst.idx.msk $0xf, v2;
	v0 =	vld [tilespmem:$0x1FEB0];
	_ =	sdelay $0x7  }
0x66: {  	v2 =	vld.idx.msk [tilespmem:v0+s25+$0x0], $0xffff  }
0x67: {  	v0 =	vld [tilespmem:$0x1FEC0];
	_ =	sdelay $0x7  }
0x68: {  	[tilespmem:v0+s18+$0x0] =	vst.idx.msk $0xffff, v2;
	v0 =	vld [tilespmem:$0x1FED0];
	_ =	sdelay $0x7  }
0x69: {  	v2 =	vld.idx.msk [tilespmem:v0+s25+$0x0], $0xffff  }
0x6a: {  	v0 =	vld [tilespmem:$0x1FEE0];
	_ =	sdelay $0x7  }
0x6b: {  	[tilespmem:v0+s18+$0x0] =	vst.idx.msk $0xf, v2;
	v0 =	vld [tilespmem:$0x1FEF0];
	_ =	sdelay $0x7  }
0x6c: {  	v2 =	vld.idx.msk [tilespmem:v0+s25+$0x0], $0xffff  }
0x6d: {  	v0 =	vld [tilespmem:$0x1FF00];
	_ =	sdelay $0x7  }
0x6e: {  	[tilespmem:v0+s18+$0x0] =	vst.idx.msk $0xffff, v2;
	v0 =	vld [tilespmem:$0x1FF10];
	_ =	sdelay $0x7  }
0x6f: {  	v2 =	vld.idx.msk [tilespmem:v0+s25+$0x0], $0xffff  }
0x70: {  	v0 =	vld [tilespmem:$0x1FF20];
	_ =	sdelay $0x7  }
0x71: {  	[tilespmem:v0+s18+$0x0] =	vst.idx.msk $0xf, v2;
	v0 =	vld [tilespmem:$0x1FF30];
	_ =	sdelay $0x7  }
0x72: {  	v2 =	vld.idx.msk [tilespmem:v0+s25+$0x0], $0xffff  }
0x73: {  	v0 =	vld [tilespmem:$0x1FF40];
	_ =	sdelay $0x7  }
0x74: {  	[tilespmem:v0+s18+$0x0] =	vst.idx.msk $0xffff, v2;
	v0 =	vld [tilespmem:$0x1FF50];
	_ =	sdelay $0x7  }
0x75: {  	v2 =	vld.idx.msk [tilespmem:v0+s25+$0x0], $0xffff  }
0x76: {  	v0 =	vld [tilespmem:$0x1FF60];
	_ =	sdelay $0x7  }
0x77: {  	[tilespmem:v0+s18+$0x0] =	vst.idx.msk $0xf, v2;
	v0 =	vld [tilespmem:$0x1FF70];
	_ =	sdelay $0x7  }
0x78: {  	v2 =	vld.idx.msk [tilespmem:v0+s25+$0x0], $0xffff  }
0x79: {  	v0 =	vld [tilespmem:$0x1FF80];
	_ =	sdelay $0x7  }
0x7a: {  	[tilespmem:v0+s18+$0x0] =	vst.idx.msk $0xffff, v2;
	v0 =	vld [tilespmem:$0x1FF90];
	_ =	sdelay $0x7  }
0x7b: {  	v2 =	vld.idx.msk [tilespmem:v0+s25+$0x0], $0xffff  }
0x7c: {  	v0 =	vld [tilespmem:$0x1FFA0];
	_ =	sdelay $0x7  }
0x7d: {  	[tilespmem:v0+s18+$0x0] =	vst.idx.msk $0xf, v2;
	v0 =	vld [tilespmem:$0x1FFB0];
	_ =	sdelay $0x7  }
0x7e: {  	v2 =	vld.idx.msk [tilespmem:v0+s25+$0x0], $0xffff  }
0x7f: {  	v0 =	vld [tilespmem:$0x1FFC0];
	_ =	sdelay $0x7  }
0x80: {  	[tilespmem:v0+s18+$0x0] =	vst.idx.msk $0xffff, v2;
	v0 =	vld [tilespmem:$0x1FFD0];
	_ =	sdelay $0x7  }
0x81: {  	v2 =	vld.idx.msk [tilespmem:v0+s25+$0x0], $0xffff  }
0x82: {  	v0 =	vld [tilespmem:$0x1FFE0];
	_ =	sdelay $0x7  }
0x83: {  	[tilespmem:v0+s18+$0x0] =	vst.idx.msk $0xf, v2;
	v0 =	vld [tilespmem:$0x1FFF0];
	_ =	sdelay $0x7  }
0x84: {  	v2 =	vld.idx.msk [tilespmem:v0+s25+$0x0], $0xffff;
	_ =	sdelay $0x4  }
0x85: {  	[tilespmem:v47+s18+$0x0] =	vst.idx.msk $0xffff, v2  }
0x86: {  	v2 =	vld.idx.msk [tilespmem:v48+s25+$0x0], $0xffff;
	_ =	sdelay $0x4  }
0x87: {  	[tilespmem:v49+s18+$0x0] =	vst.idx.msk $0xf, v2  }
0x88: {  	v2 =	vld.idx.msk [tilespmem:v50+s25+$0x0], $0xffff;
	_ =	sdelay $0x4  }
0x89: {  	[tilespmem:v51+s18+$0x0] =	vst.idx.msk $0xffff, v2  }
0x8a: {  	v2 =	vld.idx.msk [tilespmem:v52+s25+$0x0], $0xffff;
	_ =	sdelay $0x4  }
0x8b: {  	[tilespmem:v53+s18+$0x0] =	vst.idx.msk $0xf, v2  }
0x8c: {  	v2 =	vld.idx.msk [tilespmem:v54+s25+$0x0], $0xffff;
	_ =	sdelay $0x4  }
0x8d: {  	[tilespmem:v55+s18+$0x0] =	vst.idx.msk $0xffff, v2  }
0x8e: {  	v2 =	vld.idx.msk [tilespmem:v56+s25+$0x0], $0xffff;
	_ =	sdelay $0x4  }
0x8f: {  	[tilespmem:v57+s18+$0x0] =	vst.idx.msk $0xf, v2  }
0x90: {  	v2 =	vld.idx.msk [tilespmem:v58+s25+$0x0], $0xffff;
	_ =	sdelay $0x4  }
0x91: {  	[tilespmem:v59+s18+$0x0] =	vst.idx.msk $0xffff, v2  }
0x92: {  	v2 =	vld.idx.msk [tilespmem:v60+s25+$0x0], $0xffff;
	_ =	sdelay $0x4  }
0x93: {  	s28 =	simm.s32 $0x1700;
	[tilespmem:v61+s18+$0x0] =	vst.idx.msk $0xf, v2  }
0x94: {  	[tilespmem:s28], [sflag:$0x1] =	stream.indirect.gather [hbm4b:s0+s19], $0x80, s5, s19, $0xb8;
	[tilespmem:$0x18800] =	vst v63  }
0x95: {  	s29 =	simm.s32 $0x2700  }
0x96: {  	[tilespmem:s29], [sflag:$0x1] =	stream.indirect.gather [hbm4b:s2+s19], $0x80, s24, s19, $0xb8;
	[tilespmem:$0x18800] =	vst v63  }
0x97: {  	s30 =	simm.s32 $0x3700  }
0x98: {  	[tilespmem:s30], [sflag:$0x1] =	stream.indirect.gather [hbm4b:s2+s22], $0x80, s18, s22, $0xb8;
	[tilespmem:$0x18800] =	vst v63  }
0x99: {  	s23 =	simm.s32 $0x1450;
	s24 =	simm.s32 $0x5F00  }
0x9a: {  	[tilespmem:s24], [sflag:$0x1] =	stream.indirect.gather [hbm4b:s2+s22], $0x80, s23, s22, $0xb8;
	[tilespmem:$0x18800] =	vst v63  }
0x9b: {  	s26 =	simm.s32 $0x8700;
	s25 =	simm.s32 $0x14A0  }
0x9c: {  	[tilespmem:s26], [sflag:$0x1] =	stream.indirect.gather [hbm4b:s2+s22], $0x80, s25, s22, $0xb8;
	[tilespmem:$0x18800] =	vst v63  }
0x9d: {  	s28 =	simm.s32 $0x14F0;
	s29 =	simm.s32 $0xAF00  }
0x9e: {  	[tilespmem:s29], [sflag:$0x1] =	stream.indirect.gather [hbm4b:s2+s22], $0x80, s28, s22, $0xb8;
	[tilespmem:$0x18800] =	vst v63  }
0x9f: {  	s30 =	rddreg [dreg:$0x9];
	s23 =	simm.s32 $0x0  }
0xa0: {  	[tilespmem:s31], [sflag:$0x6] =	stream.linear.gather [hbm4b:s30+s5], $0x800, $0x38;
	[tilespmem:$0x18800] =	vst v63  }
.LBB2_2:
0xa1: {  	_ =	swait.ge [sflag:s1], $0x800  }
0xa2: {  	[sflag:s1] =	ssyncset.done $0x0  }
0xa3: {  	[sflag:s1] =	ssyncadd.s32 $0xFFFFF800  }
0xa4: {  	_ =	swait.ge [sflag:s1], $0x800  }
0xa5: {  	[sflag:s1] =	ssyncset.done $0x0  }
0xa6: {  	[sflag:s1] =	ssyncadd.s32 $0xFFFFF800  }
0xa7: {  	_ =	swait.ge [sflag:s1], $0xA000  }
0xa8: {  	v0 =	vlaneseq.u32;
	[sflag:s1] =	ssyncset.done $0x0  }
0xa9: {  	[sflag:s1] =	ssyncadd.s32 $0xFFFF6000  }
0xaa: {  	_ =	swait.ge [sflag:s4], $0x800  }
0xab: {  	[sflag:s4] =	ssyncset.done $0x0  }
0xac: {  	[sflag:s4] =	ssyncadd.s32 $0xFFFFF800  }
0xad: {  	v2 =	vld.idx.msk [tilespmem:v0+s31+$0x0], $0xffff;
	_ =	sdelay $0x4  }
0xae: {  	[tilespmem:v0+s20+$0x0] =	vst.idx.msk $0xffff, v2;
	v0 =	vld [tilespmem:$0x1FD30];
	_ =	sdelay $0x1  }
0xaf: {  	v2 =	vld.idx.msk [tilespmem:v1+s31+$0x0], $0xffff;
	_ =	sdelay $0x4  }
0xb0: {  	[tilespmem:v1+s20+$0x0] =	vst.idx.msk $0xf, v2  }
0xb1: {  	v2 =	vld.idx.msk [tilespmem:v0+s31+$0x0], $0xffff  }
0xb2: {  	v0 =	vld [tilespmem:$0x1FD40];
	_ =	sdelay $0x7  }
0xb3: {  	[tilespmem:v0+s20+$0x0] =	vst.idx.msk $0xffff, v2;
	v0 =	vld [tilespmem:$0x1FD50];
	_ =	sdelay $0x7  }
0xb4: {  	v2 =	vld.idx.msk [tilespmem:v0+s31+$0x0], $0xffff  }
0xb5: {  	v0 =	vld [tilespmem:$0x1FD60];
	_ =	sdelay $0x7  }
0xb6: {  	[tilespmem:v0+s20+$0x0] =	vst.idx.msk $0xf, v2;
	v0 =	vld [tilespmem:$0x1FD70];
	_ =	sdelay $0x7  }
0xb7: {  	v2 =	vld.idx.msk [tilespmem:v0+s31+$0x0], $0xffff  }
0xb8: {  	v0 =	vld [tilespmem:$0x1FD80];
	_ =	sdelay $0x7  }
0xb9: {  	[tilespmem:v0+s20+$0x0] =	vst.idx.msk $0xffff, v2;
	v0 =	vld [tilespmem:$0x1FD90];
	_ =	sdelay $0x7  }
0xba: {  	v2 =	vld.idx.msk [tilespmem:v0+s31+$0x0], $0xffff  }
0xbb: {  	v0 =	vld [tilespmem:$0x1FDA0];
	_ =	sdelay $0x7  }
0xbc: {  	[tilespmem:v0+s20+$0x0] =	vst.idx.msk $0xf, v2;
	v0 =	vld [tilespmem:$0x1FDB0];
	_ =	sdelay $0x7  }
0xbd: {  	v2 =	vld.idx.msk [tilespmem:v0+s31+$0x0], $0xffff  }
0xbe: {  	v0 =	vld [tilespmem:$0x1FDC0];
	_ =	sdelay $0x7  }
0xbf: {  	[tilespmem:v0+s20+$0x0] =	vst.idx.msk $0xffff, v2;
	v0 =	vld [tilespmem:$0x1FDD0];
	_ =	sdelay $0x7  }
0xc0: {  	v2 =	vld.idx.msk [tilespmem:v0+s31+$0x0], $0xffff  }
0xc1: {  	v0 =	vld [tilespmem:$0x1FDE0];
	_ =	sdelay $0x7  }
0xc2: {  	[tilespmem:v0+s20+$0x0] =	vst.idx.msk $0xf, v2;
	v0 =	vld [tilespmem:$0x1FDF0];
	_ =	sdelay $0x7  }
0xc3: {  	v2 =	vld.idx.msk [tilespmem:v0+s31+$0x0], $0xffff  }
0xc4: {  	v0 =	vld [tilespmem:$0x1FE00];
	_ =	sdelay $0x7  }
0xc5: {  	[tilespmem:v0+s20+$0x0] =	vst.idx.msk $0xffff, v2;
	v0 =	vld [tilespmem:$0x1FE10];
	_ =	sdelay $0x7  }
0xc6: {  	v2 =	vld.idx.msk [tilespmem:v0+s31+$0x0], $0xffff  }
0xc7: {  	v0 =	vld [tilespmem:$0x1FE20];
	_ =	sdelay $0x7  }
0xc8: {  	[tilespmem:v0+s20+$0x0] =	vst.idx.msk $0xf, v2;
	v0 =	vld [tilespmem:$0x1FE30];
	_ =	sdelay $0x7  }
0xc9: {  	v2 =	vld.idx.msk [tilespmem:v0+s31+$0x0], $0xffff  }
0xca: {  	v0 =	vld [tilespmem:$0x1FE40];
	_ =	sdelay $0x7  }
0xcb: {  	[tilespmem:v0+s20+$0x0] =	vst.idx.msk $0xffff, v2;
	v0 =	vld [tilespmem:$0x1FE50];
	_ =	sdelay $0x7  }
0xcc: {  	v2 =	vld.idx.msk [tilespmem:v0+s31+$0x0], $0xffff  }
0xcd: {  	v0 =	vld [tilespmem:$0x1FE60];
	_ =	sdelay $0x7  }
0xce: {  	[tilespmem:v0+s20+$0x0] =	vst.idx.msk $0xf, v2;
	v0 =	vld [tilespmem:$0x1FE70];
	_ =	sdelay $0x7  }
0xcf: {  	v2 =	vld.idx.msk [tilespmem:v0+s31+$0x0], $0xffff  }
0xd0: {  	v0 =	vld [tilespmem:$0x1FE80];
	_ =	sdelay $0x7  }
0xd1: {  	[tilespmem:v0+s20+$0x0] =	vst.idx.msk $0xffff, v2;
	v0 =	vld [tilespmem:$0x1FE90];
	_ =	sdelay $0x7  }
0xd2: {  	v2 =	vld.idx.msk [tilespmem:v0+s31+$0x0], $0xffff  }
0xd3: {  	v0 =	vld [tilespmem:$0x1FEA0];
	_ =	sdelay $0x7  }
0xd4: {  	[tilespmem:v0+s20+$0x0] =	vst.idx.msk $0xf, v2;
	v0 =	vld [tilespmem:$0x1FEB0];
	_ =	sdelay $0x7  }
0xd5: {  	v2 =	vld.idx.msk [tilespmem:v0+s31+$0x0], $0xffff  }
0xd6: {  	v0 =	vld [tilespmem:$0x1FEC0];
	_ =	sdelay $0x7  }
0xd7: {  	[tilespmem:v0+s20+$0x0] =	vst.idx.msk $0xffff, v2;
	v0 =	vld [tilespmem:$0x1FED0];
	_ =	sdelay $0x7  }
0xd8: {  	v2 =	vld.idx.msk [tilespmem:v0+s31+$0x0], $0xffff  }
0xd9: {  	v0 =	vld [tilespmem:$0x1FEE0];
	_ =	sdelay $0x7  }
0xda: {  	[tilespmem:v0+s20+$0x0] =	vst.idx.msk $0xf, v2;
	v0 =	vld [tilespmem:$0x1FEF0];
	_ =	sdelay $0x7  }
0xdb: {  	v2 =	vld.idx.msk [tilespmem:v0+s31+$0x0], $0xffff  }
0xdc: {  	v0 =	vld [tilespmem:$0x1FF00];
	_ =	sdelay $0x7  }
0xdd: {  	[tilespmem:v0+s20+$0x0] =	vst.idx.msk $0xffff, v2;
	v0 =	vld [tilespmem:$0x1FF10];
	_ =	sdelay $0x7  }
0xde: {  	v2 =	vld.idx.msk [tilespmem:v0+s31+$0x0], $0xffff  }
0xdf: {  	v0 =	vld [tilespmem:$0x1FF20];
	_ =	sdelay $0x7  }
0xe0: {  	[tilespmem:v0+s20+$0x0] =	vst.idx.msk $0xf, v2;
	v0 =	vld [tilespmem:$0x1FF30];
	_ =	sdelay $0x7  }
0xe1: {  	v2 =	vld.idx.msk [tilespmem:v0+s31+$0x0], $0xffff  }
0xe2: {  	v0 =	vld [tilespmem:$0x1FF40];
	_ =	sdelay $0x7  }
0xe3: {  	[tilespmem:v0+s20+$0x0] =	vst.idx.msk $0xffff, v2;
	v0 =	vld [tilespmem:$0x1FF50];
	_ =	sdelay $0x7  }
0xe4: {  	v2 =	vld.idx.msk [tilespmem:v0+s31+$0x0], $0xffff  }
0xe5: {  	v0 =	vld [tilespmem:$0x1FF60];
	_ =	sdelay $0x7  }
0xe6: {  	[tilespmem:v0+s20+$0x0] =	vst.idx.msk $0xf, v2;
	v0 =	vld [tilespmem:$0x1FF70];
	_ =	sdelay $0x7  }
0xe7: {  	v2 =	vld.idx.msk [tilespmem:v0+s31+$0x0], $0xffff  }
0xe8: {  	v0 =	vld [tilespmem:$0x1FF80];
	_ =	sdelay $0x7  }
0xe9: {  	[tilespmem:v0+s20+$0x0] =	vst.idx.msk $0xffff, v2;
	v0 =	vld [tilespmem:$0x1FF90];
	_ =	sdelay $0x7  }
0xea: {  	v2 =	vld.idx.msk [tilespmem:v0+s31+$0x0], $0xffff  }
0xeb: {  	v0 =	vld [tilespmem:$0x1FFA0];
	_ =	sdelay $0x7  }
0xec: {  	[tilespmem:v0+s20+$0x0] =	vst.idx.msk $0xf, v2;
	v0 =	vld [tilespmem:$0x1FFB0];
	_ =	sdelay $0x7  }
0xed: {  	v2 =	vld.idx.msk [tilespmem:v0+s31+$0x0], $0xffff  }
0xee: {  	v0 =	vld [tilespmem:$0x1FFC0];
	_ =	sdelay $0x7  }
0xef: {  	[tilespmem:v0+s20+$0x0] =	vst.idx.msk $0xffff, v2;
	v0 =	vld [tilespmem:$0x1FFD0];
	_ =	sdelay $0x7  }
0xf0: {  	v2 =	vld.idx.msk [tilespmem:v0+s31+$0x0], $0xffff  }
0xf1: {  	v0 =	vld [tilespmem:$0x1FFE0];
	_ =	sdelay $0x7  }
0xf2: {  	[tilespmem:v0+s20+$0x0] =	vst.idx.msk $0xf, v2;
	v0 =	vld [tilespmem:$0x1FFF0];
	_ =	sdelay $0x7  }
0xf3: {  	v2 =	vld.idx.msk [tilespmem:v0+s31+$0x0], $0xffff;
	_ =	sdelay $0x4  }
0xf4: {  	[tilespmem:v47+s20+$0x0] =	vst.idx.msk $0xffff, v2  }
0xf5: {  	v2 =	vld.idx.msk [tilespmem:v48+s31+$0x0], $0xffff;
	_ =	sdelay $0x4  }
0xf6: {  	[tilespmem:v49+s20+$0x0] =	vst.idx.msk $0xf, v2  }
0xf7: {  	v2 =	vld.idx.msk [tilespmem:v50+s31+$0x0], $0xffff;
	_ =	sdelay $0x4  }
0xf8: {  	[tilespmem:v51+s20+$0x0] =	vst.idx.msk $0xffff, v2  }
0xf9: {  	v2 =	vld.idx.msk [tilespmem:v52+s31+$0x0], $0xffff;
	_ =	sdelay $0x4  }
0xfa: {  	[tilespmem:v53+s20+$0x0] =	vst.idx.msk $0xf, v2  }
0xfb: {  	v2 =	vld.idx.msk [tilespmem:v54+s31+$0x0], $0xffff;
	_ =	sdelay $0x4  }
0xfc: {  	[tilespmem:v55+s20+$0x0] =	vst.idx.msk $0xffff, v2  }
0xfd: {  	v2 =	vld.idx.msk [tilespmem:v56+s31+$0x0], $0xffff;
	_ =	sdelay $0x4  }
0xfe: {  	[tilespmem:v57+s20+$0x0] =	vst.idx.msk $0xf, v2  }
0xff: {  	v2 =	vld.idx.msk [tilespmem:v58+s31+$0x0], $0xffff;
	_ =	sdelay $0x4  }
0x100: {  	[tilespmem:v59+s20+$0x0] =	vst.idx.msk $0xffff, v2  }
0x101: {  	v2 =	vld.idx.msk [tilespmem:v60+s31+$0x0], $0xffff;
	_ =	sdelay $0x3  }
0x102: {  	s26 =	sshll.u32 s23, $0x5  }
0x103: {  	s16 =	simm.s32 $0x1F00;
	s24 =	sor.u32 $0x10, s26;
	[tilespmem:v61+s20+$0x0] =	vst.idx.msk $0xf, v2  }
0x104: {  	[tilespmem:s16], [sflag:$0x2] =	stream.indirect.gather [hbm4b:s0+s19], $0x80, s24, s19, $0xb8;
	[tilespmem:$0x18800] =	vst v63  }
0x105: {  	s25 =	simm.s32 $0x2F00;
	p0 =	seq.s32 s23, $0xF;
	s30 =	sadd.s32 $0x210, s26  }
0x106: {  	[tilespmem:s25], [sflag:$0x2] =	stream.indirect.gather [hbm4b:s2+s19], $0x80, s30, s19, $0xb8;
	[tilespmem:$0x18800] =	vst v63  }
0x107: {  	s28 =	simm.s32 $0xD700;
	p1 =	seq.s32 @!p0 s23, $0x0  }
0x108: {  	[tilespmem:s28], [sflag:$0x2] =	stream.indirect.gather [hbm4b:s2+s22], $0x80, s20, s22, $0xb8;
	[tilespmem:$0x18800] =	vst v63  }
0x109: {  	s29 =	simm.s32 $0x15D0;
	p1 =	por p0, !p1;
	s30 =	simm.s32 $0xFF00  }
0x10a: {  	[tilespmem:s30], [sflag:$0x2] =	stream.indirect.gather [hbm4b:s2+s22], $0x80, s29, s22, $0xb8;
	[tilespmem:$0x18800] =	vst v63  }
0x10b: {  	s25 =	simm.s32 $0x1620;
	s28 =	simm.s32 $0x12700;
	s29 =	sshll.u32 s23, $0x1  }
0x10c: {  	[tilespmem:s28], [sflag:$0x2] =	stream.indirect.gather [hbm4b:s2+s22], $0x80, s25, s22, $0xb8;
	[tilespmem:$0x18800] =	vst v63  }
.Ltmp0:
0x10d: {  	s25 =	sadd.s32 $0x2, s29;
	(pc) =	sbr.rel @!p1 .LBB2_3-.Ltmp0, $4  }
0x10e: {  	s30 =	simm.s32 $0x1670;
	s16 =	sshll.u32 @!p0 s25, $0x8  }
0x10f: {  	[tilespmem:s15], [sflag:$0x2] =	stream.indirect.gather [hbm4b:s2+s22], $0x80, s30, s22, $0xb8;
	[tilespmem:$0x18800] =	vst v63  }
0x110: {  	s28 =	simm.s32 @!p0 $0x0;
	s29 =	simm.s32 @!p0 $0x400;
	s16 =	sadd.s32 @!p0 s16, s10  }
0x111: {  	[tilespmem:s29], [sflag:$0x5] =	stream.linear.gather @!p0 [hbm4b:s16+s28], $0x800, $0x38;
	[tilespmem:$0x18800] =	vst v63  }
0x112: {  	_ =	swait.ge [sflag:s14], $0x10  }
.Ltmp1:
0x113: {  	[sflag:s14] =	ssyncset.done $0x0;
	(pc) =	sbr.rel .LBB2_5-.Ltmp1, $4  }
0x114: {  	[sflag:s14] =	ssyncadd.s32 $0xFFFFFFF0  }
0x115: {  	_ =	swait.ge [sflag:s14], $0x800  }
0x116: {  	[sflag:s14] =	ssyncset.done $0x0  }
0x117: {  	p1 =	por $0x0, $0x0;
	[sflag:s14] =	ssyncadd.s32 $0xFFFFF800  }
.LBB2_3:
0x118: {  	p1 =	por @!p0 $0x1, $0x1  }
.LBB2_5:
0x119: {  	s28 =	simm.s32 $0x0  }
0x11a: {  	s16 =	simm.s32 $0x3C00;
	s29 =	simm.s32 $0x2740;
	s30 =	simm.s32 $0x1740  }
.LBB2_6:
0x11b: {  	v7 =	vld [tilespmem:s30+$0xFFFFFFC0]  }
0x11c: {  	v6 =	vld [tilespmem:s30+$0xFFFFFFD0]  }
0x11d: {  	v2 =	vld [tilespmem:s29+$0xFFFFFFC0]  }
0x11e: {  	v8 =	vld [tilespmem:s29+$0xFFFFFFD0]  }
0x11f: {  	v5 =	vld [tilespmem:s30+$0xFFFFFFE0]  }
0x120: {  	v62 =	vld [tilespmem:s29+$0xFFFFFFE0]  }
0x121: {  	v4 =	vld [tilespmem:s30+$0xFFFFFFF0]  }
0x122: {  	v9 =	vld [tilespmem:s29+$0xFFFFFFF0]  }
0x123: {  	v3 =	vld [tilespmem:s30+$0x0];
	v63 =	vmul.f32 v2, v7;
	v8 =	vmul.f32 v8, v6  }
0x124: {  	v10 =	vld [tilespmem:s29+$0x0]  }
0x125: {  	v11 =	vld [tilespmem:s29+$0x10];
	v62 =	vmul.f32 v62, v5;
	v8 =	vadd.f32 v8, v63  }
0x126: {  	v2 =	vld [tilespmem:s30+$0x10]  }
0x127: {  	v0 =	vld [tilespmem:s29+$0x20];
	v9 =	vmul.f32 v9, v4;
	v8 =	vadd.f32 v62, v8  }
0x128: {  	v63 =	vld [tilespmem:s30+$0x20]  }
0x129: {  	v41 =	vld [tilespmem:s29+$0x30];
	v40 =	vmul.f32 v10, v3;
	v8 =	vadd.f32 v9, v8  }
0x12a: {  	v62 =	vld [tilespmem:s30+$0x30]  }
0x12b: {  	v42 =	vmul.f32 v11, v2;
	v8 =	vadd.f32 v40, v8;
	_ =	sdelay $0x1  }
0x12c: {  	v0 =	vmul.f32 v0, v63;
	v8 =	vadd.f32 v42, v8;
	_ =	sdelay $0x1  }
0x12d: {  	v43 =	vmul.f32 v41, v62;
	v0 =	vadd.f32 v0, v8;
	_ =	sdelay $0x1  }
0x12e: {  	v0 =	vadd.f32 v43, v0;
	_ =	sdelay $0x1  }
0x12f: {  	(xrf2) =	vadd.scan.msk.f32 $0xffff, v0;
	_ =	sdelay $0x5  }
0x130: {  	v8 =	vmov s28;
	_ =	sdelay $0x3  }
0x131: {  	v0, _, _ =	vpop (xrf2)  }
0x132: {  	[tilespmem:v8+s8+$0x0] =	vst.idx.msk vm0, v0  }
0x133: {  	v0 =	vld [tilespmem:s16+$0xFFFFFB00]  }
0x134: {  	v44 =	vld [tilespmem:s16+$0xFFFFFB80]  }
0x135: {  	v45 =	vld [tilespmem:s16+$0xFFFFFC00]  }
0x136: {  	v46 =	vld [tilespmem:s16+$0xFFFFFC80]  }
0x137: {  	v12 =	vld [tilespmem:s16+$0xFFFFFD00]  }
0x138: {  	v13 =	vld [tilespmem:s16+$0xFFFFFD80]  }
0x139: {  	v14 =	vld [tilespmem:s16+$0xFFFFFE00]  }
0x13a: {  	v15 =	vld [tilespmem:s16+$0xFFFFFE80]  }
0x13b: {  	v16 =	vld [tilespmem:s16+$0xFFFFFF00]  }
0x13c: {  	v17 =	vld [tilespmem:s16+$0xFFFFFF80]  }
0x13d: {  	v18 =	vld [tilespmem:s16+$0xFFFFFB10]  }
0x13e: {  	v19 =	vld [tilespmem:s16+$0xFFFFFB90]  }
0x13f: {  	v20 =	vld [tilespmem:s16+$0xFFFFFC10]  }
0x140: {  	v21 =	vld [tilespmem:s16+$0xFFFFFC90]  }
0x141: {  	v22 =	vld [tilespmem:s16+$0xFFFFFD10]  }
0x142: {  	v23 =	vld [tilespmem:s16+$0xFFFFFD90]  }
0x143: {  	v24 =	vld [tilespmem:s16+$0xFFFFFE10]  }
0x144: {  	v25 =	vld [tilespmem:s16+$0xFFFFFE90]  }
0x145: {  	v26 =	vld [tilespmem:s16+$0xFFFFFF10]  }
0x146: {  	v27 =	vld [tilespmem:s16+$0xFFFFFF90]  }
0x147: {  	v28 =	vld [tilespmem:s16+$0xFFFFFB20]  }
0x148: {  	v29 =	vld [tilespmem:s16+$0xFFFFFBA0]  }
0x149: {  	v30 =	vld [tilespmem:s16+$0xFFFFFC20]  }
0x14a: {  	v31 =	vld [tilespmem:s16+$0xFFFFFCA0]  }
0x14b: {  	v32 =	vld [tilespmem:s16+$0xFFFFFD20]  }
0x14c: {  	v33 =	vld [tilespmem:s16+$0xFFFFFDA0]  }
0x14d: {  	v34 =	vld [tilespmem:s16+$0xFFFFFE20]  }
0x14e: {  	v35 =	vld [tilespmem:s16+$0xFFFFFEA0]  }
0x14f: {  	v36 =	vld [tilespmem:s16+$0xFFFFFF20]  }
0x150: {  	v37 =	vld [tilespmem:s16+$0xFFFFFFA0]  }
0x151: {  	v38 =	vld [tilespmem:s16+$0xFFFFFB30]  }
0x152: {  	v39 =	vld [tilespmem:s16+$0xFFFFFBB0]  }
0x153: {  	v40 =	vld [tilespmem:s16+$0xFFFFFC30]  }
0x154: {  	v41 =	vld [tilespmem:s16+$0xFFFFFCB0];
	v0 =	vmul.f32 v0, v7  }
0x155: {  	v42 =	vld [tilespmem:s16+$0xFFFFFD30];
	v9 =	vmul.f32 v44, v7;
	v10 =	vmul.f32 v45, v7  }
0x156: {  	v43 =	vld [tilespmem:s16+$0xFFFFFDB0];
	v11 =	vmul.f32 v46, v7;
	v12 =	vmul.f32 v12, v7  }
0x157: {  	v13 =	vmul.f32 v13, v7;
	v44 =	vld [tilespmem:s16+$0xFFFFFE30];
	v14 =	vmul.f32 v14, v7  }
0x158: {  	v18 =	vmul.f32 v18, v6;
	v45 =	vld [tilespmem:s16+$0xFFFFFEB0];
	v15 =	vmul.f32 v15, v7  }
0x159: {  	v19 =	vmul.f32 v19, v6;
	v46 =	vld [tilespmem:s16+$0xFFFFFF30];
	v16 =	vmul.f32 v16, v7  }
0x15a: {  	v17 =	vmul.f32 v17, v7;
	v0 =	vadd.f32 v18, v0;
	v18 =	vmul.f32 v20, v6;
	v20 =	vld [tilespmem:s16+$0xFFFFFFB0]  }
0x15b: {  	v32 =	vmul.f32 v32, v5;
	v9 =	vadd.f32 v19, v9;
	v19 =	vmul.f32 v21, v6;
	v21 =	vld [tilespmem:s16+$0xFFFFFB40]  }
0x15c: {  	v10 =	vadd.f32 v18, v10;
	v18 =	vmul.f32 v22, v6;
	v22 =	vmul.f32 v23, v6;
	v23 =	vld [tilespmem:s16+$0xFFFFFBC0]  }
0x15d: {  	v11 =	vadd.f32 v19, v11;
	v19 =	vmul.f32 v24, v6;
	v24 =	vmul.f32 v25, v6;
	v25 =	vld [tilespmem:s16+$0xFFFFFC40]  }
0x15e: {  	v33 =	vmul.f32 v33, v5;
	v36 =	vmul.f32 v36, v5;
	v13 =	vadd.f32 v22, v13;
	v22 =	vld [tilespmem:s16+$0xFFFFFCC0]  }
0x15f: {  	v12 =	vadd.f32 v18, v12;
	v18 =	vmul.f32 v26, v6;
	v15 =	vadd.f32 v24, v15;
	v24 =	vld [tilespmem:s16+$0xFFFFFD40]  }
0x160: {  	v14 =	vadd.f32 v19, v14;
	v19 =	vmul.f32 v27, v6;
	v26 =	vmul.f32 v29, v5;
	v27 =	vld [tilespmem:s16+$0xFFFFFDC0]  }
0x161: {  	v37 =	vmul.f32 v37, v5;
	v38 =	vmul.f32 v38, v4;
	v29 =	vld [tilespmem:s16+$0xFFFFFE40]  }
0x162: {  	v39 =	vmul.f32 v39, v4;
	v40 =	vmul.f32 v40, v4;
	v9 =	vadd.f32 v26, v9;
	v26 =	vld [tilespmem:s16+$0xFFFFFEC0]  }
0x163: {  	v16 =	vadd.f32 v18, v16;
	v18 =	vmul.f32 v28, v5;
	v28 =	vmul.f32 v31, v5;
	v31 =	vld [tilespmem:s16+$0xFFFFFFC0]  }
0x164: {  	v41 =	vmul.f32 v41, v4;
	v42 =	vmul.f32 v42, v4;
	v13 =	vadd.f32 v33, v13;
	v33 =	vld [tilespmem:s16+$0xFFFFFB50]  }
0x165: {  	v43 =	vmul.f32 v43, v4;
	v44 =	vmul.f32 v44, v4;
	v12 =	vadd.f32 v32, v12;
	v32 =	vld [tilespmem:s16+$0xFFFFFC50]  }
0x166: {  	v17 =	vadd.f32 v19, v17;
	v19 =	vmul.f32 v30, v5;
	v30 =	vmul.f32 v35, v5;
	v35 =	vld [tilespmem:s16+$0xFFFFFCD0]  }
0x167: {  	v45 =	vmul.f32 v45, v4;
	v0 =	vadd.f32 v18, v0;
	v11 =	vadd.f32 v28, v11;
	v28 =	vld [tilespmem:s16+$0xFFFFFF40]  }
0x168: {  	v46 =	vmul.f32 v46, v4;
	v10 =	vadd.f32 v19, v10;
	v15 =	vadd.f32 v30, v15;
	v30 =	vld [tilespmem:s16+$0xFFFFFBD0]  }
0x169: {  	v18 =	vmul.f32 v34, v5;
	v16 =	vadd.f32 v36, v16;
	v17 =	vadd.f32 v37, v17;
	v37 =	vld [tilespmem:s16+$0xFFFFFD50]  }
0x16a: {  	v20 =	vmul.f32 v20, v4;
	v9 =	vadd.f32 v39, v9;
	v34 =	vld [tilespmem:s16+$0xFFFFFDD0];
	v12 =	vadd.f32 v42, v12  }
0x16b: {  	v13 =	vadd.f32 v43, v13;
	v36 =	vld [tilespmem:s16+$0xFFFFFE50];
	v42 =	vmul.f32 v25, v3;
	v14 =	vadd.f32 v18, v14  }
0x16c: {  	v25 =	vld [tilespmem:s16+$0xFFFFFD60];
	v43 =	vmul.f32 v22, v3;
	v0 =	vadd.f32 v38, v0;
	v10 =	vadd.f32 v40, v10  }
0x16d: {  	v22 =	vld [tilespmem:s16+$0xFFFFFCE0];
	v11 =	vadd.f32 v41, v11;
	v15 =	vadd.f32 v45, v15;
	v40 =	vmul.f32 v21, v3  }
0x16e: {  	v38 =	vld [tilespmem:s16+$0xFFFFFED0];
	v41 =	vmul.f32 v23, v3;
	v16 =	vadd.f32 v46, v16;
	v17 =	vadd.f32 v20, v17  }
0x16f: {  	v23 =	vld [tilespmem:s16+$0xFFFFFF50];
	v45 =	vmul.f32 v27, v3;
	v46 =	vmul.f32 v29, v3;
	v14 =	vadd.f32 v44, v14  }
0x170: {  	v20 =	vld [tilespmem:s16+$0xFFFFFFD0];
	v29 =	vmul.f32 v26, v3;
	v0 =	vadd.f32 v40, v0;
	v9 =	vadd.f32 v41, v9  }
0x171: {  	v21 =	vld [tilespmem:s16+$0xFFFFFB60];
	v10 =	vadd.f32 v42, v10;
	v44 =	vmul.f32 v24, v3;
	v40 =	vmul.f32 v31, v3  }
0x172: {  	v27 =	vld [tilespmem:s16+$0xFFFFFEE0];
	v11 =	vadd.f32 v43, v11;
	v41 =	vmul.f32 v33, v2;
	v43 =	vmul.f32 v32, v2  }
0x173: {  	v26 =	vld [tilespmem:s16+$0xFFFFFC60];
	v13 =	vadd.f32 v45, v13;
	v39 =	vmul.f32 v28, v3;
	v42 =	vmul.f32 v30, v2  }
0x174: {  	v24 =	vld [tilespmem:s16+$0xFFFFFBE0];
	v15 =	vadd.f32 v29, v15;
	v45 =	vmul.f32 v37, v2;
	v37 =	vmul.f32 v36, v2  }
0x175: {  	v32 =	vld [tilespmem:s16+$0xFFFFFFE0];
	v33 =	vmul.f32 v25, v63;
	v12 =	vadd.f32 v44, v12;
	v14 =	vadd.f32 v46, v14  }
0x176: {  	v28 =	vld [tilespmem:s16+$0xFFFFFDE0];
	v17 =	vadd.f32 v40, v17;
	v44 =	vmul.f32 v35, v2;
	v0 =	vadd.f32 v41, v0  }
0x177: {  	v30 =	vld [tilespmem:s16+$0xFFFFFE60];
	v10 =	vadd.f32 v43, v10;
	v46 =	vmul.f32 v34, v2;
	v22 =	vmul.f32 v22, v63  }
0x178: {  	v29 =	vld [tilespmem:s16+$0xFFFFFF60];
	v16 =	vadd.f32 v39, v16;
	v9 =	vadd.f32 v42, v9;
	v39 =	vmul.f32 v38, v2  }
0x179: {  	v41 =	vld [tilespmem:s16+$0xFFFFFB70];
	v40 =	vmul.f32 v23, v2;
	v20 =	vmul.f32 v20, v2;
	v11 =	vadd.f32 v44, v11  }
0x17a: {  	v43 =	vld [tilespmem:s16+$0xFFFFFBF0];
	v42 =	vmul.f32 v21, v63;
	v12 =	vadd.f32 v45, v12;
	v13 =	vadd.f32 v46, v13  }
0x17b: {  	v14 =	vadd.f32 v37, v14;
	v45 =	vld [tilespmem:s16+$0xFFFFFC70];
	v46 =	vmul.f32 v26, v63;
	v15 =	vadd.f32 v39, v15  }
0x17c: {  	v31 =	vld [tilespmem:s16+$0xFFFFFCF0];
	v16 =	vadd.f32 v40, v16;
	v17 =	vadd.f32 v20, v17;
	v44 =	vmul.f32 v24, v63  }
0x17d: {  	v35 =	vld [tilespmem:s16+$0xFFFFFD70];
	v0 =	vadd.f32 v42, v0;
	v34 =	vmul.f32 v28, v63;
	v10 =	vadd.f32 v46, v10  }
0x17e: {  	v37 =	vld [tilespmem:s16+$0xFFFFFDF0];
	v11 =	vadd.f32 v22, v11;
	v12 =	vadd.f32 v33, v12;
	v36 =	vmul.f32 v41, v62  }
0x17f: {  	v39 =	vld [tilespmem:s16+$0xFFFFFE70];
	v40 =	vmul.f32 v30, v63;
	v9 =	vadd.f32 v44, v9;
	v38 =	vmul.f32 v43, v62  }
0x180: {  	v42 =	vld [tilespmem:s16+$0xFFFFFEF0];
	v28 =	vmul.f32 v29, v63;
	v0 =	vadd.f32 v36, v0;
	v41 =	vmul.f32 v45, v62  }
0x181: {  	v30 =	vmul.f32 v32, v63;
	v44 =	vmul.f32 v31, v62;
	v9 =	vadd.f32 v38, v9;
	v45 =	vld [tilespmem:s16+$0xFFFFFF70]  }
0x182: {  	v26 =	vld [tilespmem:s16+$0xFFFFFFF0];
	v43 =	vmul.f32 v27, v63;
	v46 =	vmul.f32 v35, v62;
	v10 =	vadd.f32 v41, v10;
	(xrf2) =	vadd.scan.msk.f32 $0xffff, v0  }
0x183: {  	v13 =	vadd.f32 v34, v13;
	v11 =	vadd.f32 v44, v11;
	v27 =	vmul.f32 v37, v62;
	(xrf2) =	vadd.scan.msk.f32 $0xffff, v9  }
0x184: {  	v14 =	vadd.f32 v40, v14;
	v12 =	vadd.f32 v46, v12;
	v29 =	vmul.f32 v39, v62;
	(xrf2) =	vadd.scan.msk.f32 $0xffff, v10  }
0x185: {  	v31 =	vmul.f32 v42, v62;
	v0 =	vadd.f32 v43, v15;
	v13 =	vadd.f32 v27, v13;
	(xrf2) =	vadd.scan.msk.f32 $0xffff, v11  }
0x186: {  	v9 =	vadd.f32 v28, v16;
	v32 =	vadd.f32 v29, v14;
	v33 =	vmul.f32 v45, v62;
	(xrf2) =	vadd.scan.msk.f32 $0xffff, v12  }
0x187: {  	v34 =	vmul.f32 v26, v62;
	v10 =	vadd.f32 v30, v17;
	v0 =	vadd.f32 v31, v0;
	(xrf2) =	vadd.scan.msk.f32 $0xffff, v13  }
0x188: {  	v8 =	vshll.u32 v8, $0x7;
	v9 =	vadd.f32 v33, v9;
	(xrf2) =	vadd.scan.msk.f32 $0xffff, v32  }
0x189: {  	v35 =	vor.u32 $0x1, v8;
	v10 =	vadd.f32 v34, v10;
	(xrf2) =	vadd.scan.msk.f32 $0xffff, v0  }
0x18a: {  	v0 =	vor.u32 $0x2, v8;
	(xrf2) =	vadd.scan.msk.f32 $0xffff, v9  }
0x18b: {  	v36 =	vor.u32 $0x3, v8;
	(xrf2) =	vadd.scan.msk.f32 $0xffff, v10  }
0x18c: {  	v38 =	vor.u32 $0x4, v8;
	v37, _, _ =	vpop (xrf2)  }
0x18d: {  	v40 =	vor.u32 $0x5, v8;
	[tilespmem:v8+s9+$0x0] =	vst.idx.msk vm0, v37;
	v39, _, _ =	vpop (xrf2)  }
0x18e: {  	v42 =	vor.u32 $0x6, v8;
	[tilespmem:v35+s9+$0x0] =	vst.idx.msk vm0, v39;
	v41, _, _ =	vpop (xrf2)  }
0x18f: {  	v43 =	vor.u32 $0x7, v8;
	[tilespmem:v0+s9+$0x0] =	vst.idx.msk vm0, v41;
	v0, _, _ =	vpop (xrf2)  }
0x190: {  	v44 =	vor.u32 $0x8, v8;
	[tilespmem:v36+s9+$0x0] =	vst.idx.msk vm0, v0;
	v0, _, _ =	vpop (xrf2)  }
0x191: {  	v45 =	vor.u32 $0x9, v8;
	[tilespmem:v38+s9+$0x0] =	vst.idx.msk vm0, v0;
	v0, _, _ =	vpop (xrf2)  }
0x192: {  	[tilespmem:v40+s9+$0x0] =	vst.idx.msk vm0, v0;
	v0, _, _ =	vpop (xrf2)  }
0x193: {  	[tilespmem:v42+s9+$0x0] =	vst.idx.msk vm0, v0;
	v0, _, _ =	vpop (xrf2)  }
0x194: {  	[tilespmem:v43+s9+$0x0] =	vst.idx.msk vm0, v0;
	v0, _, _ =	vpop (xrf2)  }
0x195: {  	[tilespmem:v44+s9+$0x0] =	vst.idx.msk vm0, v0;
	v0, _, _ =	vpop (xrf2)  }
0x196: {  	[tilespmem:v45+s9+$0x0] =	vst.idx.msk vm0, v0  }
0x197: {  	v0 =	vld [tilespmem:s16+$0x0]  }
0x198: {  	v9 =	vld [tilespmem:s16+$0x80]  }
0x199: {  	v10 =	vld [tilespmem:s16+$0x100]  }
0x19a: {  	v11 =	vld [tilespmem:s16+$0x180]  }
0x19b: {  	v12 =	vld [tilespmem:s16+$0x200]  }
0x19c: {  	v13 =	vld [tilespmem:s16+$0x280]  }
0x19d: {  	v46 =	vld [tilespmem:s16+$0x300]  }
0x19e: {  	v15 =	vld [tilespmem:s16+$0x380]  }
0x19f: {  	v16 =	vld [tilespmem:s16+$0x400]  }
0x1a0: {  	v17 =	vld [tilespmem:s16+$0x480]  }
0x1a1: {  	v18 =	vld [tilespmem:s16+$0x10]  }
0x1a2: {  	v19 =	vld [tilespmem:s16+$0x90]  }
0x1a3: {  	v20 =	vld [tilespmem:s16+$0x110]  }
0x1a4: {  	v21 =	vld [tilespmem:s16+$0x190]  }
0x1a5: {  	v22 =	vld [tilespmem:s16+$0x210]  }
0x1a6: {  	v23 =	vld [tilespmem:s16+$0x290]  }
0x1a7: {  	v24 =	vld [tilespmem:s16+$0x310]  }
0x1a8: {  	v25 =	vld [tilespmem:s16+$0x390]  }
0x1a9: {  	v26 =	vld [tilespmem:s16+$0x410]  }
0x1aa: {  	v27 =	vld [tilespmem:s16+$0x490]  }
0x1ab: {  	v28 =	vld [tilespmem:s16+$0x20]  }
0x1ac: {  	v29 =	vld [tilespmem:s16+$0xA0]  }
0x1ad: {  	v30 =	vld [tilespmem:s16+$0x120]  }
0x1ae: {  	v31 =	vld [tilespmem:s16+$0x1A0]  }
0x1af: {  	v32 =	vld [tilespmem:s16+$0x220]  }
0x1b0: {  	v33 =	vld [tilespmem:s16+$0x2A0]  }
0x1b1: {  	v34 =	vld [tilespmem:s16+$0x320]  }
0x1b2: {  	v35 =	vld [tilespmem:s16+$0x3A0]  }
0x1b3: {  	v36 =	vld [tilespmem:s16+$0x420]  }
0x1b4: {  	v37 =	vld [tilespmem:s16+$0x4A0]  }
0x1b5: {  	v38 =	vld [tilespmem:s16+$0x30]  }
0x1b6: {  	v39 =	vld [tilespmem:s16+$0xB0]  }
0x1b7: {  	v40 =	vld [tilespmem:s16+$0x130]  }
0x1b8: {  	v41 =	vld [tilespmem:s16+$0x1B0];
	v0 =	vmul.f32 v0, v7  }
0x1b9: {  	v42 =	vld [tilespmem:s16+$0x230];
	v9 =	vmul.f32 v9, v7;
	v10 =	vmul.f32 v10, v7  }
0x1ba: {  	v43 =	vld [tilespmem:s16+$0x2B0];
	v11 =	vmul.f32 v11, v7;
	v12 =	vmul.f32 v12, v7  }
0x1bb: {  	v44 =	vld [tilespmem:s16+$0x330];
	v13 =	vmul.f32 v13, v7;
	v14 =	vmul.f32 v46, v7  }
0x1bc: {  	v45 =	vld [tilespmem:s16+$0x3B0];
	v15 =	vmul.f32 v15, v7;
	v16 =	vmul.f32 v16, v7  }
0x1bd: {  	v18 =	vmul.f32 v18, v6;
	v19 =	vmul.f32 v19, v6;
	v46 =	vld [tilespmem:s16+$0x430]  }
0x1be: {  	v7 =	vmul.f32 v17, v7;
	v17 =	vmul.f32 v20, v6;
	v20 =	vld [tilespmem:s16+$0x4B0]  }
0x1bf: {  	v26 =	vmul.f32 v26, v6;
	v0 =	vadd.f32 v18, v0;
	v9 =	vadd.f32 v19, v9;
	v19 =	vld [tilespmem:s16+$0x40]  }
0x1c0: {  	v18 =	vmul.f32 v21, v6;
	v10 =	vadd.f32 v17, v10;
	v17 =	vmul.f32 v22, v6;
	v22 =	vld [tilespmem:s16+$0xC0]  }
0x1c1: {  	v21 =	vmul.f32 v23, v6;
	v23 =	vmul.f32 v25, v6;
	v25 =	vld [tilespmem:s16+$0x2C0]  }
0x1c2: {  	v30 =	vmul.f32 v30, v5;
	v31 =	vmul.f32 v31, v5;
	v16 =	vadd.f32 v26, v16;
	v26 =	vld [tilespmem:s16+$0x440]  }
0x1c3: {  	v32 =	vmul.f32 v32, v5;
	v11 =	vadd.f32 v18, v11;
	v18 =	vmul.f32 v24, v6;
	v24 =	vld [tilespmem:s16+$0x140]  }
0x1c4: {  	v33 =	vmul.f32 v33, v5;
	v34 =	vmul.f32 v34, v5;
	v13 =	vadd.f32 v21, v13;
	v21 =	vld [tilespmem:s16+$0x1C0]  }
0x1c5: {  	v35 =	vmul.f32 v35, v5;
	v12 =	vadd.f32 v17, v12;
	v6 =	vmul.f32 v27, v6;
	v27 =	vld [tilespmem:s16+$0x340]  }
0x1c6: {  	v15 =	vadd.f32 v23, v15;
	v17 =	vmul.f32 v28, v5;
	v23 =	vmul.f32 v29, v5;
	v29 =	vld [tilespmem:s16+$0x4C0]  }
0x1c7: {  	v36 =	vmul.f32 v36, v5;
	v38 =	vmul.f32 v38, v4;
	v28 =	vld [tilespmem:s16+$0xD0];
	v14 =	vadd.f32 v18, v14  }
0x1c8: {  	v39 =	vmul.f32 v39, v4;
	v18 =	vld [tilespmem:s16+$0x240];
	v6 =	vadd.f32 v6, v7;
	v0 =	vadd.f32 v17, v0  }
0x1c9: {  	v40 =	vmul.f32 v40, v4;
	v9 =	vadd.f32 v23, v9;
	v23 =	vld [tilespmem:s16+$0x3C0];
	v7 =	vadd.f32 v30, v10  }
0x1ca: {  	v41 =	vmul.f32 v41, v4;
	v10 =	vadd.f32 v31, v11;
	v12 =	vadd.f32 v32, v12;
	v30 =	vld [tilespmem:s16+$0x50]  }
0x1cb: {  	v5 =	vmul.f32 v37, v5;
	v11 =	vadd.f32 v33, v13;
	v13 =	vadd.f32 v36, v16;
	v16 =	vld [tilespmem:s16+$0x150]  }
0x1cc: {  	v37 =	vmul.f32 v43, v4;
	v15 =	vadd.f32 v35, v15;
	v32 =	vld [tilespmem:s16+$0x1D0];
	v14 =	vadd.f32 v34, v14  }
0x1cd: {  	v36 =	vmul.f32 v42, v4;
	v31 =	vld [tilespmem:s16+$0x2D0];
	v5 =	vadd.f32 v5, v6;
	v0 =	vadd.f32 v38, v0  }
0x1ce: {  	v33 =	vld [tilespmem:s16+$0x350];
	v42 =	vmul.f32 v22, v3;
	v6 =	vadd.f32 v39, v9;
	v7 =	vadd.f32 v40, v7  }
0x1cf: {  	v17 =	vld [tilespmem:s16+$0x4D0];
	v10 =	vadd.f32 v41, v10;
	v38 =	vmul.f32 v44, v4;
	v39 =	vmul.f32 v45, v4  }
0x1d0: {  	v22 =	vld [tilespmem:s16+$0x450];
	v9 =	vadd.f32 v36, v12;
	v40 =	vmul.f32 v46, v4;
	v4 =	vmul.f32 v20, v4  }
0x1d1: {  	v34 =	vld [tilespmem:s16+$0x250];
	v11 =	vadd.f32 v37, v11;
	v41 =	vmul.f32 v19, v3;
	v46 =	vmul.f32 v25, v3  }
0x1d2: {  	v20 =	vld [tilespmem:s16+$0x3D0];
	v37 =	vmul.f32 v26, v3;
	v43 =	vmul.f32 v24, v3;
	v14 =	vadd.f32 v38, v14  }
0x1d3: {  	v19 =	vld [tilespmem:s16+$0x60];
	v44 =	vmul.f32 v21, v3;
	v12 =	vadd.f32 v39, v15;
	v13 =	vadd.f32 v40, v13  }
0x1d4: {  	v26 =	vld [tilespmem:s16+$0x360];
	v35 =	vmul.f32 v27, v3;
	v4 =	vadd.f32 v4, v5;
	v0 =	vadd.f32 v41, v0  }
0x1d5: {  	v25 =	vld [tilespmem:s16+$0x3F0];
	v6 =	vadd.f32 v42, v6;
	v36 =	vadd.f32 v46, v11;
	v41 =	vmul.f32 v28, v2  }
0x1d6: {  	v21 =	vld [tilespmem:s16+$0xE0];
	v5 =	vadd.f32 v43, v7;
	v45 =	vmul.f32 v18, v3;
	v23 =	vmul.f32 v23, v3  }
0x1d7: {  	v24 =	vld [tilespmem:s16+$0x160];
	v10 =	vadd.f32 v44, v10;
	v3 =	vmul.f32 v29, v3;
	v40 =	vmul.f32 v30, v2  }
0x1d8: {  	v27 =	vld [tilespmem:s16+$0x4E0];
	v43 =	vmul.f32 v16, v2;
	v44 =	vmul.f32 v32, v2;
	v14 =	vadd.f32 v35, v14  }
0x1d9: {  	v38 =	vld [tilespmem:s16+$0x1E0];
	v30 =	vmul.f32 v31, v2;
	v11 =	vadd.f32 v37, v13;
	v6 =	vadd.f32 v41, v6  }
0x1da: {  	v39 =	vld [tilespmem:s16+$0x260];
	v31 =	vmul.f32 v33, v2;
	v7 =	vadd.f32 v45, v9;
	v12 =	vadd.f32 v23, v12  }
0x1db: {  	v42 =	vld [tilespmem:s16+$0x2E0];
	v32 =	vmul.f32 v22, v2;
	v3 =	vadd.f32 v3, v4;
	v0 =	vadd.f32 v40, v0  }
0x1dc: {  	v16 =	vld [tilespmem:s16+$0x460];
	v45 =	vmul.f32 v34, v2;
	v4 =	vadd.f32 v43, v5;
	v46 =	vadd.f32 v44, v10  }
0x1dd: {  	v33 =	vld [tilespmem:s16+$0x70];
	v20 =	vmul.f32 v20, v2;
	v9 =	vadd.f32 v30, v36;
	v2 =	vmul.f32 v17, v2  }
0x1de: {  	v35 =	vld [tilespmem:s16+$0xF0];
	v34 =	vmul.f32 v19, v63;
	v13 =	vadd.f32 v31, v14;
	v10 =	vadd.f32 v32, v11  }
0x1df: {  	v41 =	vld [tilespmem:s16+$0x270];
	v37 =	vmul.f32 v24, v63;
	v24 =	vmul.f32 v26, v63;
	v7 =	vadd.f32 v45, v7  }
0x1e0: {  	v36 =	vld [tilespmem:s16+$0x170];
	v12 =	vadd.f32 v20, v12;
	v2 =	vadd.f32 v2, v3;
	v3 =	vmul.f32 v21, v63  }
0x1e1: {  	v0 =	vadd.f32 v34, v0;
	v18 =	vmul.f32 v38, v63;
	v38 =	vld [tilespmem:s16+$0x1F0];
	v39 =	vmul.f32 v39, v63  }
0x1e2: {  	v23 =	vld [tilespmem:s16+$0x3E0];
	v40 =	vmul.f32 v42, v63;
	v4 =	vadd.f32 v37, v4;
	v42 =	vmul.f32 v33, v62  }
0x1e3: {  	v43 =	vld [tilespmem:s16+$0x2F0];
	v34 =	vmul.f32 v25, v62;
	v13 =	vadd.f32 v24, v13;
	v3 =	vadd.f32 v3, v6  }
0x1e4: {  	v5 =	vadd.f32 v18, v46;
	v45 =	vmul.f32 v35, v62;
	v46 =	vld [tilespmem:s16+$0x370];
	v0 =	vadd.f32 v42, v0  }
0x1e5: {  	v29 =	vld [tilespmem:s16+$0x470];
	v33 =	vmul.f32 v27, v63;
	v6 =	vadd.f32 v39, v7;
	v11 =	vmul.f32 v36, v62  }
0x1e6: {  	v44 =	vadd.f32 v40, v9;
	v3 =	vadd.f32 v45, v3;
	v28 =	vmul.f32 v38, v62;
	(xrf2) =	vadd.scan.msk.f32 $0xffff, v0;
	v0 =	vld [tilespmem:s16+$0x4F0]  }
0x1e7: {  	v30 =	vmul.f32 v41, v62;
	v26 =	vmul.f32 v23, v63;
	v4 =	vadd.f32 v11, v4  }
0x1e8: {  	v31 =	vmul.f32 v43, v62;
	v2 =	vadd.f32 v33, v2;
	(xrf2) =	vadd.scan.msk.f32 $0xffff, v3;
	v5 =	vadd.f32 v28, v5  }
0x1e9: {  	v6 =	vadd.f32 v30, v6;
	v3 =	vmul.f32 v16, v63;
	v32 =	vmul.f32 v46, v62;
	(xrf2) =	vadd.scan.msk.f32 $0xffff, v4  }
0x1ea: {  	v36 =	vmul.f32 v29, v62;
	v12 =	vadd.f32 v26, v12;
	v7 =	vadd.f32 v31, v44;
	(xrf2) =	vadd.scan.msk.f32 $0xffff, v5  }
0x1eb: {  	v3 =	vadd.f32 v3, v10;
	v35 =	vadd.f32 v32, v13;
	(xrf2) =	vadd.scan.msk.f32 $0xffff, v6;
	v0 =	vmul.f32 v0, v62  }
0x1ec: {  	v37 =	vadd.f32 v34, v12;
	(xrf2) =	vadd.scan.msk.f32 $0xffff, v7  }
0x1ed: {  	v38 =	vor.u32 $0xA, v8;
	v3 =	vadd.f32 v36, v3;
	(xrf2) =	vadd.scan.msk.f32 $0xffff, v35;
	v0 =	vadd.f32 v0, v2  }
0x1ee: {  	v2 =	vor.u32 $0xB, v8;
	(xrf2) =	vadd.scan.msk.f32 $0xffff, v37  }
0x1ef: {  	v39 =	vor.u32 $0xC, v8;
	(xrf2) =	vadd.scan.msk.f32 $0xffff, v3  }
0x1f0: {  	v3 =	vor.u32 $0xD, v8;
	(xrf2) =	vadd.scan.msk.f32 $0xffff, v0  }
0x1f1: {  	v40 =	vor.u32 $0xE, v8;
	v0, _, _ =	vpop (xrf2)  }
0x1f2: {  	v41, _, _ =	vpop (xrf2);
	[tilespmem:v38+s9+$0x0] =	vst.idx.msk vm0, v0;
	v0 =	vor.u32 $0xF, v8  }
0x1f3: {  	v42, _, _ =	vpop (xrf2);
	[tilespmem:v2+s9+$0x0] =	vst.idx.msk vm0, v41;
	v2 =	vor.u32 $0x10, v8  }
0x1f4: {  	v44 =	vor.u32 $0x11, v8;
	v43, _, _ =	vpop (xrf2);
	[tilespmem:v39+s9+$0x0] =	vst.idx.msk vm0, v42  }
0x1f5: {  	v45, _, _ =	vpop (xrf2);
	[tilespmem:v3+s9+$0x0] =	vst.idx.msk vm0, v43;
	v3 =	vor.u32 $0x12, v8  }
0x1f6: {  	p2 =	sne.s32 s28, $0xF;
	v62 =	vor.u32 $0x13, v8;
	v46, _, _ =	vpop (xrf2);
	[tilespmem:v40+s9+$0x0] =	vst.idx.msk vm0, v45  }
.Ltmp2:
0x1f7: {  	v63, _, _ =	vpop (xrf2);
	[tilespmem:v0+s9+$0x0] =	vst.idx.msk vm0, v46;
	(pc) =	sbr.rel @p2 .LBB2_6-.Ltmp2, $4  }
0x1f8: {  	v0, _, _ =	vpop (xrf2);
	[tilespmem:v2+s9+$0x0] =	vst.idx.msk vm0, v63  }
0x1f9: {  	v2, _, _ =	vpop (xrf2);
	[tilespmem:v44+s9+$0x0] =	vst.idx.msk vm0, v0  }
0x1fa: {  	s29 =	sadd.s32 $0x80, s29;
	[tilespmem:v3+s9+$0x0] =	vst.idx.msk vm0, v2;
	v0, _, _ =	vpop (xrf2)  }
0x1fb: {  	s30 =	sadd.s32 $0x80, s30;
	s28 =	sadd.s32 $0x1, s28;
	s16 =	sadd.s32 $0xA00, s16;
	[tilespmem:v62+s9+$0x0] =	vst.idx.msk vm0, v0  }
0x1fc: {  	s16 =	sor.u32 s6, s26  }
0x1fd: {  	s26 =	sshrl.u32 s16, $0x3  }
0x1fe: {  	s16 =	sshll.u32 s16, $0x4;
	s26 =	sadd.s32 s3, s26  }
0x1ff: {  	[hbm4b:s26+s5] =	stream.linear.scatter [tilespmem:s8], [sflag:$0x3], $0x10, $0x38;
	[tilespmem:$0x18800] =	vst v63  }
0x200: {  	s16 =	sadd.s32 s7, s16  }
0x201: {  	[hbm4b:s16+s5] =	stream.linear.scatter [tilespmem:s9], [sflag:$0x3], $0x800, $0x38;
	[tilespmem:$0x18800] =	vst v63  }
0x202: {  	_ =	swait.ge [sflag:s11], $0x800  }
0x203: {  	[sflag:s11] =	ssyncset.done $0x0  }
0x204: {  	[sflag:s11] =	ssyncadd.s32 $0xFFFFF800  }
0x205: {  	_ =	swait.ge [sflag:s11], $0x800  }
0x206: {  	[sflag:s11] =	ssyncset.done $0x0  }
0x207: {  	[sflag:s11] =	ssyncadd.s32 $0xFFFFF800  }
0x208: {  	_ =	swait.ge [sflag:s11], $0xA000  }
0x209: {  	v2 =	vlaneseq.u32 @!p0;
	[sflag:s11] =	ssyncset.done $0x0  }
0x20a: {  	s16 =	simm.s32 @!p0 $0x5;
	[sflag:s11] =	ssyncadd.s32 $0xFFFF6000  }
0x20b: {  	_ =	swait.ge @!p0 [sflag:s16], $0x800  }
0x20c: {  	[sflag:s16] =	ssyncset.done @!p0 $0x0  }
0x20d: {  	s26 =	simm.s32 @!p0 $0x400;
	[sflag:s16] =	ssyncadd.s32 @!p0 $0xFFFFF800  }
0x20e: {  	v3 =	vand.u32 @!p0 $0x3, v2;
	v0 =	vld.idx.msk @!p0 [tilespmem:v2+s26+$0x0], $0xffff  }
0x20f: {  	v4 =	vor.u32 @!p0 $0x10, v3;
	_ =	sdelay $0x2  }
0x210: {  	s16 =	simm.s32 @!p0 $0x1400  }
0x211: {  	[tilespmem:v2+s16+$0x0] =	vst.idx.msk @!p0 $0xffff, v0  }
0x212: {  	v0 =	vld.idx.msk @!p0 [tilespmem:v4+s26+$0x0], $0xffff  }
0x213: {  	v5 =	vor.u32 @!p0 $0x80, v2;
	_ =	sdelay $0x3  }
0x214: {  	[tilespmem:v4+s16+$0x0] =	vst.idx.msk @!p0 $0xf, v0  }
0x215: {  	v4 =	vadd.s32 @!p0 $0x14, v2;
	v0 =	vld.idx.msk @!p0 [tilespmem:v5+s26+$0x0], $0xffff  }
0x216: {  	v5 =	vor.u32 @!p0 $0x90, v3;
	_ =	sdelay $0x3  }
0x217: {  	[tilespmem:v4+s16+$0x0] =	vst.idx.msk @!p0 $0xffff, v0  }
0x218: {  	v4 =	vor.u32 @!p0 $0x24, v3;
	v0 =	vld.idx.msk @!p0 [tilespmem:v5+s26+$0x0], $0xffff  }
0x219: {  	v5 =	vor.u32 @!p0 $0x100, v2;
	_ =	sdelay $0x3  }
0x21a: {  	[tilespmem:v4+s16+$0x0] =	vst.idx.msk @!p0 $0xf, v0  }
0x21b: {  	v4 =	vadd.s32 @!p0 $0x28, v2;
	v0 =	vld.idx.msk @!p0 [tilespmem:v5+s26+$0x0], $0xffff  }
0x21c: {  	v5 =	vor.u32 @!p0 $0x110, v3;
	_ =	sdelay $0x3  }
0x21d: {  	[tilespmem:v4+s16+$0x0] =	vst.idx.msk @!p0 $0xffff, v0  }
0x21e: {  	v4 =	vor.u32 @!p0 $0x38, v3;
	v0 =	vld.idx.msk @!p0 [tilespmem:v5+s26+$0x0], $0xffff  }
0x21f: {  	v5 =	vor.u32 @!p0 $0x180, v2;
	_ =	sdelay $0x3  }
0x220: {  	[tilespmem:v4+s16+$0x0] =	vst.idx.msk @!p0 $0xf, v0  }
0x221: {  	v4 =	vadd.s32 @!p0 $0x3C, v2;
	v0 =	vld.idx.msk @!p0 [tilespmem:v5+s26+$0x0], $0xffff  }
0x222: {  	v5 =	vor.u32 @!p0 $0x190, v3;
	_ =	sdelay $0x3  }
0x223: {  	[tilespmem:v4+s16+$0x0] =	vst.idx.msk @!p0 $0xffff, v0  }
0x224: {  	v4 =	vor.u32 @!p0 $0x4C, v3;
	v0 =	vld.idx.msk @!p0 [tilespmem:v5+s26+$0x0], $0xffff  }
0x225: {  	v5 =	vor.u32 @!p0 $0x200, v2;
	_ =	sdelay $0x3  }
0x226: {  	[tilespmem:v4+s16+$0x0] =	vst.idx.msk @!p0 $0xf, v0  }
0x227: {  	v4 =	vor.u32 @!p0 $0x50, v2;
	v0 =	vld.idx.msk @!p0 [tilespmem:v5+s26+$0x0], $0xffff  }
0x228: {  	v5 =	vor.u32 @!p0 $0x210, v3;
	_ =	sdelay $0x3  }
0x229: {  	[tilespmem:v4+s16+$0x0] =	vst.idx.msk @!p0 $0xffff, v0  }
0x22a: {  	v4 =	vor.u32 @!p0 $0x60, v3;
	v0 =	vld.idx.msk @!p0 [tilespmem:v5+s26+$0x0], $0xffff  }
0x22b: {  	v5 =	vor.u32 @!p0 $0x280, v2;
	_ =	sdelay $0x3  }
0x22c: {  	[tilespmem:v4+s16+$0x0] =	vst.idx.msk @!p0 $0xf, v0  }
0x22d: {  	v4 =	vadd.s32 @!p0 $0x64, v2;
	v0 =	vld.idx.msk @!p0 [tilespmem:v5+s26+$0x0], $0xffff  }
0x22e: {  	v5 =	vor.u32 @!p0 $0x290, v3;
	_ =	sdelay $0x3  }
0x22f: {  	[tilespmem:v4+s16+$0x0] =	vst.idx.msk @!p0 $0xffff, v0  }
0x230: {  	v4 =	vor.u32 @!p0 $0x74, v3;
	v0 =	vld.idx.msk @!p0 [tilespmem:v5+s26+$0x0], $0xffff  }
0x231: {  	v5 =	vor.u32 @!p0 $0x300, v2;
	_ =	sdelay $0x3  }
0x232: {  	[tilespmem:v4+s16+$0x0] =	vst.idx.msk @!p0 $0xf, v0  }
0x233: {  	v4 =	vadd.s32 @!p0 $0x78, v2;
	v0 =	vld.idx.msk @!p0 [tilespmem:v5+s26+$0x0], $0xffff  }
0x234: {  	v5 =	vor.u32 @!p0 $0x310, v3;
	_ =	sdelay $0x3  }
0x235: {  	[tilespmem:v4+s16+$0x0] =	vst.idx.msk @!p0 $0xffff, v0  }
0x236: {  	v4 =	vor.u32 @!p0 $0x88, v3;
	v0 =	vld.idx.msk @!p0 [tilespmem:v5+s26+$0x0], $0xffff  }
0x237: {  	v5 =	vor.u32 @!p0 $0x380, v2;
	_ =	sdelay $0x3  }
0x238: {  	[tilespmem:v4+s16+$0x0] =	vst.idx.msk @!p0 $0xf, v0  }
0x239: {  	v4 =	vadd.s32 @!p0 $0x8C, v2;
	v0 =	vld.idx.msk @!p0 [tilespmem:v5+s26+$0x0], $0xffff  }
0x23a: {  	v5 =	vor.u32 @!p0 $0x390, v3;
	_ =	sdelay $0x3  }
0x23b: {  	[tilespmem:v4+s16+$0x0] =	vst.idx.msk @!p0 $0xffff, v0  }
0x23c: {  	v4 =	vor.u32 @!p0 $0x9C, v3;
	v0 =	vld.idx.msk @!p0 [tilespmem:v5+s26+$0x0], $0xffff  }
0x23d: {  	v5 =	vor.u32 @!p0 $0x400, v2;
	_ =	sdelay $0x3  }
0x23e: {  	[tilespmem:v4+s16+$0x0] =	vst.idx.msk @!p0 $0xf, v0  }
0x23f: {  	v4 =	vor.u32 @!p0 $0xA0, v2;
	v0 =	vld.idx.msk @!p0 [tilespmem:v5+s26+$0x0], $0xffff  }
0x240: {  	v5 =	vor.u32 @!p0 $0x410, v3;
	_ =	sdelay $0x3  }
0x241: {  	[tilespmem:v4+s16+$0x0] =	vst.idx.msk @!p0 $0xffff, v0  }
0x242: {  	v4 =	vor.u32 @!p0 $0xB0, v3;
	v0 =	vld.idx.msk @!p0 [tilespmem:v5+s26+$0x0], $0xffff  }
0x243: {  	v5 =	vor.u32 @!p0 $0x480, v2;
	_ =	sdelay $0x3  }
0x244: {  	[tilespmem:v4+s16+$0x0] =	vst.idx.msk @!p0 $0xf, v0  }
0x245: {  	v4 =	vadd.s32 @!p0 $0xB4, v2;
	v0 =	vld.idx.msk @!p0 [tilespmem:v5+s26+$0x0], $0xffff  }
0x246: {  	v5 =	vor.u32 @!p0 $0x490, v3;
	_ =	sdelay $0x3  }
0x247: {  	[tilespmem:v4+s16+$0x0] =	vst.idx.msk @!p0 $0xffff, v0  }
0x248: {  	v4 =	vor.u32 @!p0 $0xC4, v3;
	v0 =	vld.idx.msk @!p0 [tilespmem:v5+s26+$0x0], $0xffff  }
0x249: {  	v5 =	vor.u32 @!p0 $0x500, v2;
	_ =	sdelay $0x3  }
0x24a: {  	[tilespmem:v4+s16+$0x0] =	vst.idx.msk @!p0 $0xf, v0  }
0x24b: {  	v4 =	vadd.s32 @!p0 $0xC8, v2;
	v0 =	vld.idx.msk @!p0 [tilespmem:v5+s26+$0x0], $0xffff  }
0x24c: {  	v5 =	vor.u32 @!p0 $0x510, v3;
	_ =	sdelay $0x3  }
0x24d: {  	[tilespmem:v4+s16+$0x0] =	vst.idx.msk @!p0 $0xffff, v0  }
0x24e: {  	v4 =	vor.u32 @!p0 $0xD8, v3;
	v0 =	vld.idx.msk @!p0 [tilespmem:v5+s26+$0x0], $0xffff  }
0x24f: {  	v5 =	vor.u32 @!p0 $0x580, v2;
	_ =	sdelay $0x3  }
0x250: {  	[tilespmem:v4+s16+$0x0] =	vst.idx.msk @!p0 $0xf, v0  }
0x251: {  	v4 =	vadd.s32 @!p0 $0xDC, v2;
	v0 =	vld.idx.msk @!p0 [tilespmem:v5+s26+$0x0], $0xffff  }
0x252: {  	v5 =	vor.u32 @!p0 $0x590, v3;
	_ =	sdelay $0x3  }
0x253: {  	[tilespmem:v4+s16+$0x0] =	vst.idx.msk @!p0 $0xffff, v0  }
0x254: {  	v4 =	vor.u32 @!p0 $0xEC, v3;
	v0 =	vld.idx.msk @!p0 [tilespmem:v5+s26+$0x0], $0xffff  }
0x255: {  	v5 =	vor.u32 @!p0 $0x600, v2;
	_ =	sdelay $0x3  }
0x256: {  	[tilespmem:v4+s16+$0x0] =	vst.idx.msk @!p0 $0xf, v0  }
0x257: {  	v4 =	vor.u32 @!p0 $0xF0, v2;
	v0 =	vld.idx.msk @!p0 [tilespmem:v5+s26+$0x0], $0xffff  }
0x258: {  	v5 =	vor.u32 @!p0 $0x610, v3;
	_ =	sdelay $0x3  }
0x259: {  	[tilespmem:v4+s16+$0x0] =	vst.idx.msk @!p0 $0xffff, v0  }
0x25a: {  	v4 =	vor.u32 @!p0 $0x100, v3;
	v0 =	vld.idx.msk @!p0 [tilespmem:v5+s26+$0x0], $0xffff  }
0x25b: {  	v5 =	vor.u32 @!p0 $0x680, v2;
	_ =	sdelay $0x3  }
0x25c: {  	[tilespmem:v4+s16+$0x0] =	vst.idx.msk @!p0 $0xf, v0  }
0x25d: {  	v4 =	vadd.s32 @!p0 $0x104, v2;
	v0 =	vld.idx.msk @!p0 [tilespmem:v5+s26+$0x0], $0xffff  }
0x25e: {  	v5 =	vor.u32 @!p0 $0x690, v3;
	_ =	sdelay $0x3  }
0x25f: {  	[tilespmem:v4+s16+$0x0] =	vst.idx.msk @!p0 $0xffff, v0  }
0x260: {  	v4 =	vor.u32 @!p0 $0x114, v3;
	v0 =	vld.idx.msk @!p0 [tilespmem:v5+s26+$0x0], $0xffff  }
0x261: {  	v5 =	vor.u32 @!p0 $0x700, v2;
	_ =	sdelay $0x3  }
0x262: {  	[tilespmem:v4+s16+$0x0] =	vst.idx.msk @!p0 $0xf, v0  }
0x263: {  	v4 =	vadd.s32 @!p0 $0x118, v2;
	v0 =	vld.idx.msk @!p0 [tilespmem:v5+s26+$0x0], $0xffff  }
0x264: {  	v5 =	vor.u32 @!p0 $0x710, v3;
	_ =	sdelay $0x3  }
0x265: {  	[tilespmem:v4+s16+$0x0] =	vst.idx.msk @!p0 $0xffff, v0  }
0x266: {  	v4 =	vor.u32 @!p0 $0x128, v3;
	v0 =	vld.idx.msk @!p0 [tilespmem:v5+s26+$0x0], $0xffff  }
0x267: {  	v5 =	vor.u32 @!p0 $0x780, v2;
	_ =	sdelay $0x3  }
0x268: {  	[tilespmem:v4+s16+$0x0] =	vst.idx.msk @!p0 $0xf, v0  }
0x269: {  	v4 =	vadd.s32 @!p0 $0x12C, v2;
	v0 =	vld.idx.msk @!p0 [tilespmem:v5+s26+$0x0], $0xffff  }
0x26a: {  	v3 =	vor.u32 @!p0 $0x790, v3;
	_ =	sdelay $0x3  }
0x26b: {  	[tilespmem:v4+s16+$0x0] =	vst.idx.msk @!p0 $0xffff, v0  }
0x26c: {  	v2 =	vor.u32 @!p0 $0x13C, v2;
	v0 =	vld.idx.msk @!p0 [tilespmem:v3+s26+$0x0], $0xffff;
	_ =	sdelay $0x4  }
0x26d: {  	s25 =	sshll.u32 @!p0 s25, $0x4;
	s28 =	simm.s32 @!p0 $0x1700;
	s26 =	simm.s32 @!p0 $0x10;
	[tilespmem:v2+s16+$0x0] =	vst.idx.msk @!p0 $0xf, v0  }
0x26e: {  	[tilespmem:s28], [sflag:$0x1] =	stream.indirect.gather @!p0 [hbm4b:s0+s26], $0x80, s25, s26, $0xb8;
	[tilespmem:$0x18800] =	vst v63  }
0x26f: {  	s25 =	sadd.s32 @!p0 $0x200, s25;
	s28 =	simm.s32 @!p0 $0x2700  }
0x270: {  	[tilespmem:s28], [sflag:$0x1] =	stream.indirect.gather @!p0 [hbm4b:s2+s26], $0x80, s25, s26, $0xb8;
	[tilespmem:$0x18800] =	vst v63  }
0x271: {  	s25 =	simm.s32 @!p0 $0x50;
	s26 =	simm.s32 @!p0 $0x3700  }
0x272: {  	[tilespmem:s26], [sflag:$0x1] =	stream.indirect.gather @!p0 [hbm4b:s2+s25], $0x80, s16, s25, $0xb8;
	[tilespmem:$0x18800] =	vst v63  }
0x273: {  	s16 =	simm.s32 @!p0 $0x1450;
	s26 =	simm.s32 @!p0 $0x5F00  }
0x274: {  	[tilespmem:s26], [sflag:$0x1] =	stream.indirect.gather @!p0 [hbm4b:s2+s25], $0x80, s16, s25, $0xb8;
	[tilespmem:$0x18800] =	vst v63  }
0x275: {  	s16 =	simm.s32 @!p0 $0x14A0;
	s26 =	simm.s32 @!p0 $0x8700  }
0x276: {  	[tilespmem:s26], [sflag:$0x1] =	stream.indirect.gather @!p0 [hbm4b:s2+s25], $0x80, s16, s25, $0xb8;
	[tilespmem:$0x18800] =	vst v63  }
0x277: {  	s16 =	simm.s32 @!p0 $0x14F0;
	s26 =	simm.s32 @!p0 $0xAF00  }
0x278: {  	[tilespmem:s26], [sflag:$0x1] =	stream.indirect.gather @!p0 [hbm4b:s2+s25], $0x80, s16, s25, $0xb8;
	[tilespmem:$0x18800] =	vst v63  }
0x279: {  	s16 =	sshll.u32 @!p0 s23, $0x9  }
0x27a: {  	s25 =	simm.s32 @!p0 $0x0;
	s26 =	simm.s32 @!p0 $0xC00;
	s16 =	sadd.s32 @!p0 s16, s12  }
0x27b: {  	[tilespmem:s26], [sflag:$0x6] =	stream.linear.gather @!p0 [hbm4b:s16+s25], $0x800, $0x38;
	[tilespmem:$0x18800] =	vst v63  }
0x27c: {  	p0 =	por p0, !p1  }
0x27d: {  	_ =	swait.ge @p0 [sflag:s21], $0x10  }
0x27e: {  	[sflag:s21] =	ssyncset.done @p0 $0x0  }
0x27f: {  	[sflag:s21] =	ssyncadd.s32 @p0 $0xFFFFFFF0  }
0x280: {  	_ =	swait.ge @p0 [sflag:s21], $0x800  }
0x281: {  	s28 =	simm.s32 $0x1F40;
	s25 =	simm.s32 $0x0;
	[sflag:s21] =	ssyncset.done @p0 $0x0  }
0x282: {  	s16 =	simm.s32 $0xDC00;
	s26 =	simm.s32 $0x2F40;
	[sflag:s21] =	ssyncadd.s32 @p0 $0xFFFFF800  }
.LBB2_8:
0x283: {  	v7 =	vld [tilespmem:s28+$0xFFFFFFC0]  }
0x284: {  	v6 =	vld [tilespmem:s28+$0xFFFFFFD0]  }
0x285: {  	v0 =	vld [tilespmem:s26+$0xFFFFFFC0]  }
0x286: {  	v2 =	vld [tilespmem:s26+$0xFFFFFFD0]  }
0x287: {  	v5 =	vld [tilespmem:s28+$0xFFFFFFE0]  }
0x288: {  	v8 =	vld [tilespmem:s26+$0xFFFFFFE0]  }
0x289: {  	v4 =	vld [tilespmem:s28+$0xFFFFFFF0]  }
0x28a: {  	v9 =	vld [tilespmem:s26+$0xFFFFFFF0]  }
0x28b: {  	v3 =	vld [tilespmem:s28+$0x0];
	v0 =	vmul.f32 v0, v7;
	v10 =	vmul.f32 v2, v6  }
0x28c: {  	v11 =	vld [tilespmem:s26+$0x0]  }
0x28d: {  	v36 =	vld [tilespmem:s26+$0x10];
	v8 =	vmul.f32 v8, v5;
	v0 =	vadd.f32 v10, v0  }
0x28e: {  	v2 =	vld [tilespmem:s28+$0x10]  }
0x28f: {  	v63 =	vld [tilespmem:s28+$0x20];
	v37 =	vmul.f32 v9, v4;
	v0 =	vadd.f32 v8, v0  }
0x290: {  	v38 =	vld [tilespmem:s26+$0x20]  }
0x291: {  	v62 =	vld [tilespmem:s28+$0x30];
	v39 =	vmul.f32 v11, v3;
	v0 =	vadd.f32 v37, v0  }
0x292: {  	v40 =	vld [tilespmem:s26+$0x30]  }
0x293: {  	v41 =	vmul.f32 v36, v2;
	v0 =	vadd.f32 v39, v0;
	_ =	sdelay $0x1  }
0x294: {  	v42 =	vmul.f32 v38, v63;
	v0 =	vadd.f32 v41, v0;
	_ =	sdelay $0x1  }
0x295: {  	v43 =	vmul.f32 v40, v62;
	v0 =	vadd.f32 v42, v0;
	_ =	sdelay $0x1  }
0x296: {  	v0 =	vadd.f32 v43, v0;
	_ =	sdelay $0x1  }
0x297: {  	(xrf2) =	vadd.scan.msk.f32 $0xffff, v0;
	_ =	sdelay $0x5  }
0x298: {  	v8 =	vmov s25;
	_ =	sdelay $0x3  }
0x299: {  	v0, _, _ =	vpop (xrf2)  }
0x29a: {  	[tilespmem:v8+s13+$0x0] =	vst.idx.msk vm0, v0  }
0x29b: {  	v0 =	vld [tilespmem:s16+$0xFFFFFB00]  }
0x29c: {  	v44 =	vld [tilespmem:s16+$0xFFFFFB80]  }
0x29d: {  	v45 =	vld [tilespmem:s16+$0xFFFFFC00]  }
0x29e: {  	v46 =	vld [tilespmem:s16+$0xFFFFFC80]  }
0x29f: {  	v12 =	vld [tilespmem:s16+$0xFFFFFD00]  }
0x2a0: {  	v13 =	vld [tilespmem:s16+$0xFFFFFD80]  }
0x2a1: {  	v14 =	vld [tilespmem:s16+$0xFFFFFE00]  }
0x2a2: {  	v15 =	vld [tilespmem:s16+$0xFFFFFE80]  }
0x2a3: {  	v16 =	vld [tilespmem:s16+$0xFFFFFF00]  }
0x2a4: {  	v17 =	vld [tilespmem:s16+$0xFFFFFF80]  }
0x2a5: {  	v18 =	vld [tilespmem:s16+$0xFFFFFB10]  }
0x2a6: {  	v19 =	vld [tilespmem:s16+$0xFFFFFB90]  }
0x2a7: {  	v20 =	vld [tilespmem:s16+$0xFFFFFC10]  }
0x2a8: {  	v21 =	vld [tilespmem:s16+$0xFFFFFC90]  }
0x2a9: {  	v22 =	vld [tilespmem:s16+$0xFFFFFD10]  }
0x2aa: {  	v23 =	vld [tilespmem:s16+$0xFFFFFD90]  }
0x2ab: {  	v24 =	vld [tilespmem:s16+$0xFFFFFE10]  }
0x2ac: {  	v25 =	vld [tilespmem:s16+$0xFFFFFE90]  }
0x2ad: {  	v26 =	vld [tilespmem:s16+$0xFFFFFF10]  }
0x2ae: {  	v27 =	vld [tilespmem:s16+$0xFFFFFF90]  }
0x2af: {  	v28 =	vld [tilespmem:s16+$0xFFFFFB20]  }
0x2b0: {  	v29 =	vld [tilespmem:s16+$0xFFFFFBA0]  }
0x2b1: {  	v30 =	vld [tilespmem:s16+$0xFFFFFC20]  }
0x2b2: {  	v31 =	vld [tilespmem:s16+$0xFFFFFCA0]  }
0x2b3: {  	v32 =	vld [tilespmem:s16+$0xFFFFFD20]  }
0x2b4: {  	v33 =	vld [tilespmem:s16+$0xFFFFFDA0]  }
0x2b5: {  	v34 =	vld [tilespmem:s16+$0xFFFFFE20]  }
0x2b6: {  	v35 =	vld [tilespmem:s16+$0xFFFFFEA0]  }
0x2b7: {  	v36 =	vld [tilespmem:s16+$0xFFFFFF20]  }
0x2b8: {  	v37 =	vld [tilespmem:s16+$0xFFFFFFA0]  }
0x2b9: {  	v38 =	vld [tilespmem:s16+$0xFFFFFB30]  }
0x2ba: {  	v39 =	vld [tilespmem:s16+$0xFFFFFBB0]  }
0x2bb: {  	v40 =	vld [tilespmem:s16+$0xFFFFFC30]  }
0x2bc: {  	v41 =	vld [tilespmem:s16+$0xFFFFFCB0];
	v0 =	vmul.f32 v0, v7  }
0x2bd: {  	v42 =	vld [tilespmem:s16+$0xFFFFFD30];
	v9 =	vmul.f32 v44, v7;
	v10 =	vmul.f32 v45, v7  }
0x2be: {  	v43 =	vld [tilespmem:s16+$0xFFFFFDB0];
	v11 =	vmul.f32 v46, v7;
	v12 =	vmul.f32 v12, v7  }
0x2bf: {  	v13 =	vmul.f32 v13, v7;
	v44 =	vld [tilespmem:s16+$0xFFFFFE30];
	v14 =	vmul.f32 v14, v7  }
0x2c0: {  	v18 =	vmul.f32 v18, v6;
	v45 =	vld [tilespmem:s16+$0xFFFFFEB0];
	v15 =	vmul.f32 v15, v7  }
0x2c1: {  	v19 =	vmul.f32 v19, v6;
	v46 =	vld [tilespmem:s16+$0xFFFFFF30];
	v16 =	vmul.f32 v16, v7  }
0x2c2: {  	v17 =	vmul.f32 v17, v7;
	v0 =	vadd.f32 v18, v0;
	v18 =	vmul.f32 v20, v6;
	v20 =	vld [tilespmem:s16+$0xFFFFFFB0]  }
0x2c3: {  	v32 =	vmul.f32 v32, v5;
	v9 =	vadd.f32 v19, v9;
	v19 =	vmul.f32 v21, v6;
	v21 =	vld [tilespmem:s16+$0xFFFFFB40]  }
0x2c4: {  	v10 =	vadd.f32 v18, v10;
	v18 =	vmul.f32 v22, v6;
	v22 =	vmul.f32 v23, v6;
	v23 =	vld [tilespmem:s16+$0xFFFFFBC0]  }
0x2c5: {  	v11 =	vadd.f32 v19, v11;
	v19 =	vmul.f32 v24, v6;
	v24 =	vmul.f32 v25, v6;
	v25 =	vld [tilespmem:s16+$0xFFFFFC40]  }
0x2c6: {  	v33 =	vmul.f32 v33, v5;
	v36 =	vmul.f32 v36, v5;
	v13 =	vadd.f32 v22, v13;
	v22 =	vld [tilespmem:s16+$0xFFFFFCC0]  }
0x2c7: {  	v12 =	vadd.f32 v18, v12;
	v18 =	vmul.f32 v26, v6;
	v15 =	vadd.f32 v24, v15;
	v24 =	vld [tilespmem:s16+$0xFFFFFD40]  }
0x2c8: {  	v14 =	vadd.f32 v19, v14;
	v19 =	vmul.f32 v27, v6;
	v26 =	vmul.f32 v29, v5;
	v27 =	vld [tilespmem:s16+$0xFFFFFDC0]  }
0x2c9: {  	v37 =	vmul.f32 v37, v5;
	v38 =	vmul.f32 v38, v4;
	v29 =	vld [tilespmem:s16+$0xFFFFFE40]  }
0x2ca: {  	v39 =	vmul.f32 v39, v4;
	v40 =	vmul.f32 v40, v4;
	v9 =	vadd.f32 v26, v9;
	v26 =	vld [tilespmem:s16+$0xFFFFFEC0]  }
0x2cb: {  	v16 =	vadd.f32 v18, v16;
	v18 =	vmul.f32 v28, v5;
	v28 =	vmul.f32 v31, v5;
	v31 =	vld [tilespmem:s16+$0xFFFFFFC0]  }
0x2cc: {  	v41 =	vmul.f32 v41, v4;
	v42 =	vmul.f32 v42, v4;
	v13 =	vadd.f32 v33, v13;
	v33 =	vld [tilespmem:s16+$0xFFFFFB50]  }
0x2cd: {  	v43 =	vmul.f32 v43, v4;
	v44 =	vmul.f32 v44, v4;
	v12 =	vadd.f32 v32, v12;
	v32 =	vld [tilespmem:s16+$0xFFFFFC50]  }
0x2ce: {  	v17 =	vadd.f32 v19, v17;
	v19 =	vmul.f32 v30, v5;
	v30 =	vmul.f32 v35, v5;
	v35 =	vld [tilespmem:s16+$0xFFFFFCD0]  }
0x2cf: {  	v45 =	vmul.f32 v45, v4;
	v0 =	vadd.f32 v18, v0;
	v11 =	vadd.f32 v28, v11;
	v28 =	vld [tilespmem:s16+$0xFFFFFF40]  }
0x2d0: {  	v46 =	vmul.f32 v46, v4;
	v10 =	vadd.f32 v19, v10;
	v15 =	vadd.f32 v30, v15;
	v30 =	vld [tilespmem:s16+$0xFFFFFBD0]  }
0x2d1: {  	v18 =	vmul.f32 v34, v5;
	v16 =	vadd.f32 v36, v16;
	v17 =	vadd.f32 v37, v17;
	v37 =	vld [tilespmem:s16+$0xFFFFFD50]  }
0x2d2: {  	v20 =	vmul.f32 v20, v4;
	v9 =	vadd.f32 v39, v9;
	v34 =	vld [tilespmem:s16+$0xFFFFFDD0];
	v12 =	vadd.f32 v42, v12  }
0x2d3: {  	v13 =	vadd.f32 v43, v13;
	v36 =	vld [tilespmem:s16+$0xFFFFFE50];
	v42 =	vmul.f32 v25, v3;
	v14 =	vadd.f32 v18, v14  }
0x2d4: {  	v25 =	vld [tilespmem:s16+$0xFFFFFD60];
	v43 =	vmul.f32 v22, v3;
	v0 =	vadd.f32 v38, v0;
	v10 =	vadd.f32 v40, v10  }
0x2d5: {  	v22 =	vld [tilespmem:s16+$0xFFFFFCE0];
	v11 =	vadd.f32 v41, v11;
	v15 =	vadd.f32 v45, v15;
	v40 =	vmul.f32 v21, v3  }
0x2d6: {  	v38 =	vld [tilespmem:s16+$0xFFFFFED0];
	v41 =	vmul.f32 v23, v3;
	v16 =	vadd.f32 v46, v16;
	v17 =	vadd.f32 v20, v17  }
0x2d7: {  	v23 =	vld [tilespmem:s16+$0xFFFFFF50];
	v45 =	vmul.f32 v27, v3;
	v46 =	vmul.f32 v29, v3;
	v14 =	vadd.f32 v44, v14  }
0x2d8: {  	v20 =	vld [tilespmem:s16+$0xFFFFFFD0];
	v29 =	vmul.f32 v26, v3;
	v0 =	vadd.f32 v40, v0;
	v9 =	vadd.f32 v41, v9  }
0x2d9: {  	v21 =	vld [tilespmem:s16+$0xFFFFFB60];
	v10 =	vadd.f32 v42, v10;
	v44 =	vmul.f32 v24, v3;
	v40 =	vmul.f32 v31, v3  }
0x2da: {  	v27 =	vld [tilespmem:s16+$0xFFFFFEE0];
	v11 =	vadd.f32 v43, v11;
	v41 =	vmul.f32 v33, v2;
	v43 =	vmul.f32 v32, v2  }
0x2db: {  	v26 =	vld [tilespmem:s16+$0xFFFFFC60];
	v13 =	vadd.f32 v45, v13;
	v39 =	vmul.f32 v28, v3;
	v42 =	vmul.f32 v30, v2  }
0x2dc: {  	v24 =	vld [tilespmem:s16+$0xFFFFFBE0];
	v15 =	vadd.f32 v29, v15;
	v45 =	vmul.f32 v37, v2;
	v37 =	vmul.f32 v36, v2  }
0x2dd: {  	v32 =	vld [tilespmem:s16+$0xFFFFFFE0];
	v33 =	vmul.f32 v25, v63;
	v12 =	vadd.f32 v44, v12;
	v14 =	vadd.f32 v46, v14  }
0x2de: {  	v28 =	vld [tilespmem:s16+$0xFFFFFDE0];
	v17 =	vadd.f32 v40, v17;
	v44 =	vmul.f32 v35, v2;
	v0 =	vadd.f32 v41, v0  }
0x2df: {  	v30 =	vld [tilespmem:s16+$0xFFFFFE60];
	v10 =	vadd.f32 v43, v10;
	v46 =	vmul.f32 v34, v2;
	v22 =	vmul.f32 v22, v63  }
0x2e0: {  	v29 =	vld [tilespmem:s16+$0xFFFFFF60];
	v16 =	vadd.f32 v39, v16;
	v9 =	vadd.f32 v42, v9;
	v39 =	vmul.f32 v38, v2  }
0x2e1: {  	v41 =	vld [tilespmem:s16+$0xFFFFFB70];
	v40 =	vmul.f32 v23, v2;
	v20 =	vmul.f32 v20, v2;
	v11 =	vadd.f32 v44, v11  }
0x2e2: {  	v43 =	vld [tilespmem:s16+$0xFFFFFBF0];
	v42 =	vmul.f32 v21, v63;
	v12 =	vadd.f32 v45, v12;
	v13 =	vadd.f32 v46, v13  }
0x2e3: {  	v14 =	vadd.f32 v37, v14;
	v45 =	vld [tilespmem:s16+$0xFFFFFC70];
	v46 =	vmul.f32 v26, v63;
	v15 =	vadd.f32 v39, v15  }
0x2e4: {  	v31 =	vld [tilespmem:s16+$0xFFFFFCF0];
	v16 =	vadd.f32 v40, v16;
	v17 =	vadd.f32 v20, v17;
	v44 =	vmul.f32 v24, v63  }
0x2e5: {  	v35 =	vld [tilespmem:s16+$0xFFFFFD70];
	v0 =	vadd.f32 v42, v0;
	v34 =	vmul.f32 v28, v63;
	v10 =	vadd.f32 v46, v10  }
0x2e6: {  	v37 =	vld [tilespmem:s16+$0xFFFFFDF0];
	v11 =	vadd.f32 v22, v11;
	v12 =	vadd.f32 v33, v12;
	v36 =	vmul.f32 v41, v62  }
0x2e7: {  	v39 =	vld [tilespmem:s16+$0xFFFFFE70];
	v40 =	vmul.f32 v30, v63;
	v9 =	vadd.f32 v44, v9;
	v38 =	vmul.f32 v43, v62  }
0x2e8: {  	v42 =	vld [tilespmem:s16+$0xFFFFFEF0];
	v28 =	vmul.f32 v29, v63;
	v0 =	vadd.f32 v36, v0;
	v41 =	vmul.f32 v45, v62  }
0x2e9: {  	v30 =	vmul.f32 v32, v63;
	v44 =	vmul.f32 v31, v62;
	v9 =	vadd.f32 v38, v9;
	v45 =	vld [tilespmem:s16+$0xFFFFFF70]  }
0x2ea: {  	v26 =	vld [tilespmem:s16+$0xFFFFFFF0];
	v43 =	vmul.f32 v27, v63;
	v46 =	vmul.f32 v35, v62;
	v10 =	vadd.f32 v41, v10;
	(xrf2) =	vadd.scan.msk.f32 $0xffff, v0  }
0x2eb: {  	v13 =	vadd.f32 v34, v13;
	v11 =	vadd.f32 v44, v11;
	v27 =	vmul.f32 v37, v62;
	(xrf2) =	vadd.scan.msk.f32 $0xffff, v9  }
0x2ec: {  	v14 =	vadd.f32 v40, v14;
	v12 =	vadd.f32 v46, v12;
	v29 =	vmul.f32 v39, v62;
	(xrf2) =	vadd.scan.msk.f32 $0xffff, v10  }
0x2ed: {  	v31 =	vmul.f32 v42, v62;
	v0 =	vadd.f32 v43, v15;
	v13 =	vadd.f32 v27, v13;
	(xrf2) =	vadd.scan.msk.f32 $0xffff, v11  }
0x2ee: {  	v9 =	vadd.f32 v28, v16;
	v32 =	vadd.f32 v29, v14;
	v33 =	vmul.f32 v45, v62;
	(xrf2) =	vadd.scan.msk.f32 $0xffff, v12  }
0x2ef: {  	v34 =	vmul.f32 v26, v62;
	v10 =	vadd.f32 v30, v17;
	v0 =	vadd.f32 v31, v0;
	(xrf2) =	vadd.scan.msk.f32 $0xffff, v13  }
0x2f0: {  	v8 =	vshll.u32 v8, $0x7;
	v9 =	vadd.f32 v33, v9;
	(xrf2) =	vadd.scan.msk.f32 $0xffff, v32  }
0x2f1: {  	v35 =	vor.u32 $0x1, v8;
	v10 =	vadd.f32 v34, v10;
	(xrf2) =	vadd.scan.msk.f32 $0xffff, v0  }
0x2f2: {  	v0 =	vor.u32 $0x2, v8;
	(xrf2) =	vadd.scan.msk.f32 $0xffff, v9  }
0x2f3: {  	v36 =	vor.u32 $0x3, v8;
	(xrf2) =	vadd.scan.msk.f32 $0xffff, v10  }
0x2f4: {  	v38 =	vor.u32 $0x4, v8;
	v37, _, _ =	vpop (xrf2)  }
0x2f5: {  	v40 =	vor.u32 $0x5, v8;
	[tilespmem:v8+s17+$0x0] =	vst.idx.msk vm0, v37;
	v39, _, _ =	vpop (xrf2)  }
0x2f6: {  	v42 =	vor.u32 $0x6, v8;
	[tilespmem:v35+s17+$0x0] =	vst.idx.msk vm0, v39;
	v41, _, _ =	vpop (xrf2)  }
0x2f7: {  	v43 =	vor.u32 $0x7, v8;
	[tilespmem:v0+s17+$0x0] =	vst.idx.msk vm0, v41;
	v0, _, _ =	vpop (xrf2)  }
0x2f8: {  	v44 =	vor.u32 $0x8, v8;
	[tilespmem:v36+s17+$0x0] =	vst.idx.msk vm0, v0;
	v0, _, _ =	vpop (xrf2)  }
0x2f9: {  	v45 =	vor.u32 $0x9, v8;
	[tilespmem:v38+s17+$0x0] =	vst.idx.msk vm0, v0;
	v0, _, _ =	vpop (xrf2)  }
0x2fa: {  	[tilespmem:v40+s17+$0x0] =	vst.idx.msk vm0, v0;
	v0, _, _ =	vpop (xrf2)  }
0x2fb: {  	[tilespmem:v42+s17+$0x0] =	vst.idx.msk vm0, v0;
	v0, _, _ =	vpop (xrf2)  }
0x2fc: {  	[tilespmem:v43+s17+$0x0] =	vst.idx.msk vm0, v0;
	v0, _, _ =	vpop (xrf2)  }
0x2fd: {  	[tilespmem:v44+s17+$0x0] =	vst.idx.msk vm0, v0;
	v0, _, _ =	vpop (xrf2)  }
0x2fe: {  	[tilespmem:v45+s17+$0x0] =	vst.idx.msk vm0, v0  }
0x2ff: {  	v0 =	vld [tilespmem:s16+$0x0]  }
0x300: {  	v9 =	vld [tilespmem:s16+$0x80]  }
0x301: {  	v10 =	vld [tilespmem:s16+$0x100]  }
0x302: {  	v11 =	vld [tilespmem:s16+$0x180]  }
0x303: {  	v12 =	vld [tilespmem:s16+$0x200]  }
0x304: {  	v13 =	vld [tilespmem:s16+$0x280]  }
0x305: {  	v46 =	vld [tilespmem:s16+$0x300]  }
0x306: {  	v15 =	vld [tilespmem:s16+$0x380]  }
0x307: {  	v16 =	vld [tilespmem:s16+$0x400]  }
0x308: {  	v17 =	vld [tilespmem:s16+$0x480]  }
0x309: {  	v18 =	vld [tilespmem:s16+$0x10]  }
0x30a: {  	v19 =	vld [tilespmem:s16+$0x90]  }
0x30b: {  	v20 =	vld [tilespmem:s16+$0x110]  }
0x30c: {  	v21 =	vld [tilespmem:s16+$0x190]  }
0x30d: {  	v22 =	vld [tilespmem:s16+$0x210]  }
0x30e: {  	v23 =	vld [tilespmem:s16+$0x290]  }
0x30f: {  	v24 =	vld [tilespmem:s16+$0x310]  }
0x310: {  	v25 =	vld [tilespmem:s16+$0x390]  }
0x311: {  	v26 =	vld [tilespmem:s16+$0x410]  }
0x312: {  	v27 =	vld [tilespmem:s16+$0x490]  }
0x313: {  	v28 =	vld [tilespmem:s16+$0x20]  }
0x314: {  	v29 =	vld [tilespmem:s16+$0xA0]  }
0x315: {  	v30 =	vld [tilespmem:s16+$0x120]  }
0x316: {  	v31 =	vld [tilespmem:s16+$0x1A0]  }
0x317: {  	v32 =	vld [tilespmem:s16+$0x220]  }
0x318: {  	v33 =	vld [tilespmem:s16+$0x2A0]  }
0x319: {  	v34 =	vld [tilespmem:s16+$0x320]  }
0x31a: {  	v35 =	vld [tilespmem:s16+$0x3A0]  }
0x31b: {  	v36 =	vld [tilespmem:s16+$0x420]  }
0x31c: {  	v37 =	vld [tilespmem:s16+$0x4A0]  }
0x31d: {  	v38 =	vld [tilespmem:s16+$0x30]  }
0x31e: {  	v39 =	vld [tilespmem:s16+$0xB0]  }
0x31f: {  	v40 =	vld [tilespmem:s16+$0x130]  }
0x320: {  	v41 =	vld [tilespmem:s16+$0x1B0];
	v0 =	vmul.f32 v0, v7  }
0x321: {  	v42 =	vld [tilespmem:s16+$0x230];
	v9 =	vmul.f32 v9, v7;
	v10 =	vmul.f32 v10, v7  }
0x322: {  	v43 =	vld [tilespmem:s16+$0x2B0];
	v11 =	vmul.f32 v11, v7;
	v12 =	vmul.f32 v12, v7  }
0x323: {  	v44 =	vld [tilespmem:s16+$0x330];
	v13 =	vmul.f32 v13, v7;
	v14 =	vmul.f32 v46, v7  }
0x324: {  	v45 =	vld [tilespmem:s16+$0x3B0];
	v15 =	vmul.f32 v15, v7;
	v16 =	vmul.f32 v16, v7  }
0x325: {  	v18 =	vmul.f32 v18, v6;
	v19 =	vmul.f32 v19, v6;
	v46 =	vld [tilespmem:s16+$0x430]  }
0x326: {  	v7 =	vmul.f32 v17, v7;
	v17 =	vmul.f32 v20, v6;
	v20 =	vld [tilespmem:s16+$0x4B0]  }
0x327: {  	v26 =	vmul.f32 v26, v6;
	v0 =	vadd.f32 v18, v0;
	v9 =	vadd.f32 v19, v9;
	v19 =	vld [tilespmem:s16+$0x40]  }
0x328: {  	v18 =	vmul.f32 v21, v6;
	v10 =	vadd.f32 v17, v10;
	v17 =	vmul.f32 v22, v6;
	v22 =	vld [tilespmem:s16+$0xC0]  }
0x329: {  	v21 =	vmul.f32 v23, v6;
	v23 =	vmul.f32 v25, v6;
	v25 =	vld [tilespmem:s16+$0x2C0]  }
0x32a: {  	v30 =	vmul.f32 v30, v5;
	v31 =	vmul.f32 v31, v5;
	v16 =	vadd.f32 v26, v16;
	v26 =	vld [tilespmem:s16+$0x440]  }
0x32b: {  	v32 =	vmul.f32 v32, v5;
	v11 =	vadd.f32 v18, v11;
	v18 =	vmul.f32 v24, v6;
	v24 =	vld [tilespmem:s16+$0x140]  }
0x32c: {  	v33 =	vmul.f32 v33, v5;
	v34 =	vmul.f32 v34, v5;
	v13 =	vadd.f32 v21, v13;
	v21 =	vld [tilespmem:s16+$0x1C0]  }
0x32d: {  	v35 =	vmul.f32 v35, v5;
	v12 =	vadd.f32 v17, v12;
	v6 =	vmul.f32 v27, v6;
	v27 =	vld [tilespmem:s16+$0x340]  }
0x32e: {  	v15 =	vadd.f32 v23, v15;
	v17 =	vmul.f32 v28, v5;
	v23 =	vmul.f32 v29, v5;
	v29 =	vld [tilespmem:s16+$0x4C0]  }
0x32f: {  	v36 =	vmul.f32 v36, v5;
	v38 =	vmul.f32 v38, v4;
	v28 =	vld [tilespmem:s16+$0xD0];
	v14 =	vadd.f32 v18, v14  }
0x330: {  	v39 =	vmul.f32 v39, v4;
	v18 =	vld [tilespmem:s16+$0x240];
	v6 =	vadd.f32 v6, v7;
	v0 =	vadd.f32 v17, v0  }
0x331: {  	v40 =	vmul.f32 v40, v4;
	v9 =	vadd.f32 v23, v9;
	v23 =	vld [tilespmem:s16+$0x3C0];
	v7 =	vadd.f32 v30, v10  }
0x332: {  	v41 =	vmul.f32 v41, v4;
	v10 =	vadd.f32 v31, v11;
	v12 =	vadd.f32 v32, v12;
	v30 =	vld [tilespmem:s16+$0x50]  }
0x333: {  	v5 =	vmul.f32 v37, v5;
	v11 =	vadd.f32 v33, v13;
	v13 =	vadd.f32 v36, v16;
	v16 =	vld [tilespmem:s16+$0x150]  }
0x334: {  	v37 =	vmul.f32 v43, v4;
	v15 =	vadd.f32 v35, v15;
	v32 =	vld [tilespmem:s16+$0x1D0];
	v14 =	vadd.f32 v34, v14  }
0x335: {  	v36 =	vmul.f32 v42, v4;
	v31 =	vld [tilespmem:s16+$0x2D0];
	v5 =	vadd.f32 v5, v6;
	v0 =	vadd.f32 v38, v0  }
0x336: {  	v33 =	vld [tilespmem:s16+$0x350];
	v42 =	vmul.f32 v22, v3;
	v6 =	vadd.f32 v39, v9;
	v7 =	vadd.f32 v40, v7  }
0x337: {  	v17 =	vld [tilespmem:s16+$0x4D0];
	v10 =	vadd.f32 v41, v10;
	v38 =	vmul.f32 v44, v4;
	v39 =	vmul.f32 v45, v4  }
0x338: {  	v22 =	vld [tilespmem:s16+$0x450];
	v9 =	vadd.f32 v36, v12;
	v40 =	vmul.f32 v46, v4;
	v4 =	vmul.f32 v20, v4  }
0x339: {  	v34 =	vld [tilespmem:s16+$0x250];
	v11 =	vadd.f32 v37, v11;
	v41 =	vmul.f32 v19, v3;
	v46 =	vmul.f32 v25, v3  }
0x33a: {  	v20 =	vld [tilespmem:s16+$0x3D0];
	v37 =	vmul.f32 v26, v3;
	v43 =	vmul.f32 v24, v3;
	v14 =	vadd.f32 v38, v14  }
0x33b: {  	v19 =	vld [tilespmem:s16+$0x60];
	v44 =	vmul.f32 v21, v3;
	v12 =	vadd.f32 v39, v15;
	v13 =	vadd.f32 v40, v13  }
0x33c: {  	v26 =	vld [tilespmem:s16+$0x360];
	v35 =	vmul.f32 v27, v3;
	v4 =	vadd.f32 v4, v5;
	v0 =	vadd.f32 v41, v0  }
0x33d: {  	v25 =	vld [tilespmem:s16+$0x3F0];
	v6 =	vadd.f32 v42, v6;
	v36 =	vadd.f32 v46, v11;
	v41 =	vmul.f32 v28, v2  }
0x33e: {  	v21 =	vld [tilespmem:s16+$0xE0];
	v5 =	vadd.f32 v43, v7;
	v45 =	vmul.f32 v18, v3;
	v23 =	vmul.f32 v23, v3  }
0x33f: {  	v24 =	vld [tilespmem:s16+$0x160];
	v10 =	vadd.f32 v44, v10;
	v3 =	vmul.f32 v29, v3;
	v40 =	vmul.f32 v30, v2  }
0x340: {  	v27 =	vld [tilespmem:s16+$0x4E0];
	v43 =	vmul.f32 v16, v2;
	v44 =	vmul.f32 v32, v2;
	v14 =	vadd.f32 v35, v14  }
0x341: {  	v38 =	vld [tilespmem:s16+$0x1E0];
	v30 =	vmul.f32 v31, v2;
	v11 =	vadd.f32 v37, v13;
	v6 =	vadd.f32 v41, v6  }
0x342: {  	v39 =	vld [tilespmem:s16+$0x260];
	v31 =	vmul.f32 v33, v2;
	v7 =	vadd.f32 v45, v9;
	v12 =	vadd.f32 v23, v12  }
0x343: {  	v42 =	vld [tilespmem:s16+$0x2E0];
	v32 =	vmul.f32 v22, v2;
	v3 =	vadd.f32 v3, v4;
	v0 =	vadd.f32 v40, v0  }
0x344: {  	v16 =	vld [tilespmem:s16+$0x460];
	v45 =	vmul.f32 v34, v2;
	v4 =	vadd.f32 v43, v5;
	v46 =	vadd.f32 v44, v10  }
0x345: {  	v33 =	vld [tilespmem:s16+$0x70];
	v20 =	vmul.f32 v20, v2;
	v9 =	vadd.f32 v30, v36;
	v2 =	vmul.f32 v17, v2  }
0x346: {  	v35 =	vld [tilespmem:s16+$0xF0];
	v34 =	vmul.f32 v19, v63;
	v13 =	vadd.f32 v31, v14;
	v10 =	vadd.f32 v32, v11  }
0x347: {  	v41 =	vld [tilespmem:s16+$0x270];
	v37 =	vmul.f32 v24, v63;
	v24 =	vmul.f32 v26, v63;
	v7 =	vadd.f32 v45, v7  }
0x348: {  	v36 =	vld [tilespmem:s16+$0x170];
	v12 =	vadd.f32 v20, v12;
	v2 =	vadd.f32 v2, v3;
	v3 =	vmul.f32 v21, v63  }
0x349: {  	v0 =	vadd.f32 v34, v0;
	v18 =	vmul.f32 v38, v63;
	v38 =	vld [tilespmem:s16+$0x1F0];
	v39 =	vmul.f32 v39, v63  }
0x34a: {  	v23 =	vld [tilespmem:s16+$0x3E0];
	v40 =	vmul.f32 v42, v63;
	v4 =	vadd.f32 v37, v4;
	v42 =	vmul.f32 v33, v62  }
0x34b: {  	v43 =	vld [tilespmem:s16+$0x2F0];
	v34 =	vmul.f32 v25, v62;
	v13 =	vadd.f32 v24, v13;
	v3 =	vadd.f32 v3, v6  }
0x34c: {  	v5 =	vadd.f32 v18, v46;
	v45 =	vmul.f32 v35, v62;
	v46 =	vld [tilespmem:s16+$0x370];
	v0 =	vadd.f32 v42, v0  }
0x34d: {  	v29 =	vld [tilespmem:s16+$0x470];
	v33 =	vmul.f32 v27, v63;
	v6 =	vadd.f32 v39, v7;
	v11 =	vmul.f32 v36, v62  }
0x34e: {  	v44 =	vadd.f32 v40, v9;
	v3 =	vadd.f32 v45, v3;
	v28 =	vmul.f32 v38, v62;
	(xrf2) =	vadd.scan.msk.f32 $0xffff, v0;
	v0 =	vld [tilespmem:s16+$0x4F0]  }
0x34f: {  	v30 =	vmul.f32 v41, v62;
	v26 =	vmul.f32 v23, v63;
	v4 =	vadd.f32 v11, v4  }
0x350: {  	v31 =	vmul.f32 v43, v62;
	v2 =	vadd.f32 v33, v2;
	(xrf2) =	vadd.scan.msk.f32 $0xffff, v3;
	v5 =	vadd.f32 v28, v5  }
0x351: {  	v6 =	vadd.f32 v30, v6;
	v3 =	vmul.f32 v16, v63;
	v32 =	vmul.f32 v46, v62;
	(xrf2) =	vadd.scan.msk.f32 $0xffff, v4  }
0x352: {  	v36 =	vmul.f32 v29, v62;
	v12 =	vadd.f32 v26, v12;
	v7 =	vadd.f32 v31, v44;
	(xrf2) =	vadd.scan.msk.f32 $0xffff, v5  }
0x353: {  	v3 =	vadd.f32 v3, v10;
	v35 =	vadd.f32 v32, v13;
	(xrf2) =	vadd.scan.msk.f32 $0xffff, v6;
	v0 =	vmul.f32 v0, v62  }
0x354: {  	v37 =	vadd.f32 v34, v12;
	(xrf2) =	vadd.scan.msk.f32 $0xffff, v7  }
0x355: {  	v38 =	vor.u32 $0xA, v8;
	v3 =	vadd.f32 v36, v3;
	(xrf2) =	vadd.scan.msk.f32 $0xffff, v35;
	v0 =	vadd.f32 v0, v2  }
0x356: {  	v2 =	vor.u32 $0xB, v8;
	(xrf2) =	vadd.scan.msk.f32 $0xffff, v37  }
0x357: {  	v39 =	vor.u32 $0xC, v8;
	(xrf2) =	vadd.scan.msk.f32 $0xffff, v3  }
0x358: {  	v3 =	vor.u32 $0xD, v8;
	(xrf2) =	vadd.scan.msk.f32 $0xffff, v0  }
0x359: {  	v40 =	vor.u32 $0xE, v8;
	v0, _, _ =	vpop (xrf2)  }
0x35a: {  	v41, _, _ =	vpop (xrf2);
	[tilespmem:v38+s17+$0x0] =	vst.idx.msk vm0, v0;
	v0 =	vor.u32 $0xF, v8  }
0x35b: {  	v42, _, _ =	vpop (xrf2);
	[tilespmem:v2+s17+$0x0] =	vst.idx.msk vm0, v41;
	v2 =	vor.u32 $0x10, v8  }
0x35c: {  	v44 =	vor.u32 $0x11, v8;
	v43, _, _ =	vpop (xrf2);
	[tilespmem:v39+s17+$0x0] =	vst.idx.msk vm0, v42  }
0x35d: {  	v45, _, _ =	vpop (xrf2);
	[tilespmem:v3+s17+$0x0] =	vst.idx.msk vm0, v43;
	v3 =	vor.u32 $0x12, v8  }
0x35e: {  	p0 =	sne.s32 s25, $0xF;
	v62 =	vor.u32 $0x13, v8;
	v46, _, _ =	vpop (xrf2);
	[tilespmem:v40+s17+$0x0] =	vst.idx.msk vm0, v45  }
.Ltmp3:
0x35f: {  	v63, _, _ =	vpop (xrf2);
	[tilespmem:v0+s17+$0x0] =	vst.idx.msk vm0, v46;
	(pc) =	sbr.rel @p0 .LBB2_8-.Ltmp3, $4  }
0x360: {  	v0, _, _ =	vpop (xrf2);
	[tilespmem:v2+s17+$0x0] =	vst.idx.msk vm0, v63  }
0x361: {  	v2, _, _ =	vpop (xrf2);
	[tilespmem:v44+s17+$0x0] =	vst.idx.msk vm0, v0  }
0x362: {  	s26 =	sadd.s32 $0x80, s26;
	[tilespmem:v3+s17+$0x0] =	vst.idx.msk vm0, v2;
	v0, _, _ =	vpop (xrf2)  }
0x363: {  	s28 =	sadd.s32 $0x80, s28;
	s25 =	sadd.s32 $0x1, s25;
	s16 =	sadd.s32 $0xA00, s16;
	[tilespmem:v62+s17+$0x0] =	vst.idx.msk vm0, v0  }
0x364: {  	s23 =	sadd.s32 $0x1, s23  }
0x365: {  	s16 =	sor.u32 s6, s24;
	p0 =	sne.s32 s23, $0x10  }
.Ltmp4:
0x366: {  	s24 =	sshrl.u32 s16, $0x3;
	(pc) =	sbr.rel @p0 .LBB2_2-.Ltmp4, $4  }
0x367: {  	s16 =	sshll.u32 s16, $0x4;
	s24 =	sadd.s32 s3, s24  }
0x368: {  	[hbm4b:s24+s5] =	stream.linear.scatter [tilespmem:s13], [sflag:$0x4], $0x10, $0x38;
	[tilespmem:$0x18800] =	vst v63  }
0x369: {  	s16 =	sadd.s32 s7, s16  }
0x36a: {  	[hbm4b:s16+s5] =	stream.linear.scatter [tilespmem:s17], [sflag:$0x4], $0x800, $0x38;
	[tilespmem:$0x18800] =	vst v63  }
0x36b: {  	_ =	swait.ge [sflag:s14], $0x10  }
0x36c: {  	[sflag:s14] =	ssyncset.done $0x0  }
0x36d: {  	[sflag:s14] =	ssyncadd.s32 $0xFFFFFFF0  }
0x36e: {  	_ =	swait.ge [sflag:s14], $0x800  }
0x36f: {  	[sflag:s14] =	ssyncset.done $0x0  }
0x370: {  	[sflag:s14] =	ssyncadd.s32 $0xFFFFF800  }
0x371: {  	_ =	swait.ge [sflag:s21], $0x10  }
0x372: {  	[sflag:s21] =	ssyncset.done $0x0  }
0x373: {  	[sflag:s21] =	ssyncadd.s32 $0xFFFFFFF0  }
0x374: {  	_ =	swait.ge [sflag:s21], $0x800  }
0x375: {  	s23 =	rddreg [dreg:$0xb]  }
0x376: {  	s16 =	rddreg [dreg:$0xa];
	s23 =	sadd.s32 $0x1, s23  }
0x377: {  	p0 =	sne.s32 s23, s16  }
.Ltmp5:
0x378: {  	_ = 	snop;
	(pc) =	sbr.rel @p0 .LBB2_1-.Ltmp5, $3  }
0x379: {  	_ =	sdelay $0x1  }
0x37a: {  	[sflag:s21] =	ssyncset.done $0x0  }
0x37b: {  	[sflag:s21] =	ssyncadd.s32 $0xFFFFF800  }
0x37c: {  	_ =	sfence.sel $0x180000  }
0x37d: {  	[bflag:$0x0] =	sbarrier.arrive $0xFFFF  }
0x37e: {  	_ =	strace $0x90000047  }
0x37f: {  	s0 =	stileid.u32;
	[bflag:$0x2] =	sbarrier.arrive $0xFFFF  }
0x380: {  	p0 =	sne.s32 s0, $0x0;
	s0 =	rddreg [dreg:$0x6]  }
0x381: {  	s0 =	sadd.s32 @!p0 $0x100000, s0  }
0x382: {  	[sflag:s0] =	ssyncadd.tile.s32 @!p0 $0x1;
	_ =	shalt  }
.Lfunc_end2:
_tile_overlayer_lowered:
.L_overlay_start_2:
0x383: {  	(tag) =	ssettag $0x2  }
0x384: {  	s0 =	rddreg [dreg:$0x0];
	s2 =	stileid.u32  }
0x385: {  	s1 =	rddreg [dreg:$0x1];
	p0 =	sne.s32 s2, $0x0  }
0x386: {  	s3 =	rddreg [dreg:$0x2];
	[bflag:$0x3] =	sbarrier.arrive $0xFFFF;
	s2 =	simm.s32 @!p0 $0x1C07  }
0x387: {  	[timem:s3], [sflag:s2] =	dma.local @!p0 [hbm:s0], s1  }
0x388: {  	s0 =	simm.s32 @!p0 $0x7  }
0x389: {  	_ =	swait.ge @!p0 [sflag:s0], s1  }
0x38a: {  	s1 =	ssub.s32 @!p0 $0x0, s1;
	[sflag:s0] =	ssyncset.done @!p0 $0x0  }
0x38b: {  	[sflag:s0] =	ssyncadd.s32 @!p0 s1  }
0x38c: {  	[bflag:$0x3] =	sbarrier.arrive $0xFFFF  }
0x38d: {  	_ =	shalt  }

</sc_bundles>
